<compile_context>
chip_gen: v7x
topology: tpu7x:2x2x1
jax: 0.10.2.dev20260603
libtpu: 0.0.44.dev20260713+nightly
codegen_flags: <defaults>
</compile_context>

<pallas_src>
import functools

import jax
import jax.numpy as jnp
from jax import lax
from jax.experimental import pallas as pl
from jax.experimental.pallas import tpu as pltpu
from jax.experimental.pallas import tpu_sc as plsc

N_CLS = 1000
N_CTX_ROWS = 16
SEQ_LEN = 77
OUT_LEN = 69
N_EMB = 53
D = 512
NW = 32
PER_W = 32
PAIRS = PER_W // 2


def _compute_idx(adj_v, i, emb_idx_v, dst_emb_v, dst_ctx_v):
    ik = jnp.full((16,), i, jnp.int32)
    ls = [plsc.load_gather(adj_v, [jnp.full((16,), k, jnp.int32), ik])
          for k in range(4)]
    l0, l1, l2, l3 = ls
    E = jnp.int32(SEQ_LEN)
    carry = jnp.int32(0)
    for c in range(5):
        jv = lax.iota(jnp.int32, 16) + jnp.int32(16 * c)
        valid = jv < OUT_LEN
        idx = jnp.where(jv >= l3 - 4, jv + 8,
              jnp.where(jv >= l3 - 6, E + 14 + (jv - (l3 - 6)),
              jnp.where(jv >= l2 - 2, jv + 6,
              jnp.where(jv >= l2 - 4, E + 12 + (jv - (l2 - 4)),
              jnp.where(jv >= l1,     jv + 4,
              jnp.where(jv >= l1 - 2, E + 10 + (jv - (l1 - 2)),
              jnp.where(jv >= l0 + 2, jv + 2,
              jnp.where(jv >= l0,     E + 8 + (jv - l0),
              jnp.where(jv >= 9,      jv,
              jnp.where(jv >= 1,      E + (jv - 1),
                        jnp.int32(0)))))))))))
        is_emb = idx < E
        emb_valid = jnp.logical_and(is_emb, valid)
        ctx_valid = jnp.logical_and(jnp.logical_not(is_emb), valid)
        pos_emb = plsc.cumsum(emb_valid.astype(jnp.int32)) + carry - 1
        carry = carry + jnp.sum(emb_valid.astype(jnp.int32))
        out_row = jv * N_CLS + i
        plsc.store_scatter(emb_idx_v, [pos_emb], idx * N_CLS + i,
                           mask=emb_valid)
        plsc.store_scatter(dst_emb_v, [pos_emb], out_row, mask=emb_valid)
        plsc.store_scatter(dst_ctx_v, [idx - E], out_row, mask=ctx_valid)


def _splice_body(emb_hbm, ctx_hbm, adj_hbm, out_hbm,
                 adj_v,
                 emb_idx_a, dst_emb_a, dst_ctx_a, buf_emb_a, buf_ctx_a,
                 emb_idx_b, dst_emb_b, dst_ctx_b, buf_emb_b, buf_ctx_b,
                 sem_a, sem_b):
    cid = lax.axis_index("c")
    sid = lax.axis_index("s")
    wid = sid * 2 + cid
    base = wid * PER_W

    pltpu.sync_copy(adj_hbm, adj_v)

    sets = (
        (emb_idx_a, dst_emb_a, dst_ctx_a, buf_emb_a, buf_ctx_a, sem_a),
        (emb_idx_b, dst_emb_b, dst_ctx_b, buf_emb_b, buf_ctx_b, sem_b),
    )

    def cls_of(t):
        return jnp.minimum(base + t, N_CLS - 1)

    def issue_gather(t, s):
        emb_idx_v, _, _, buf_emb, buf_ctx, sem = s
        i = cls_of(t)
        _compute_idx(adj_v, i, emb_idx_v, s[1], s[2])
        pltpu.async_copy(emb_hbm.at[emb_idx_v], buf_emb, sem)
        pltpu.async_copy(
            ctx_hbm.at[pl.ds(i * N_CTX_ROWS, N_CTX_ROWS)], buf_ctx, sem)

    def wait_gather(t, s):
        emb_idx_v, _, _, buf_emb, buf_ctx, sem = s
        i = cls_of(t)
        pltpu.make_async_copy(emb_hbm.at[emb_idx_v], buf_emb, sem).wait()
        pltpu.make_async_copy(
            ctx_hbm.at[pl.ds(i * N_CTX_ROWS, N_CTX_ROWS)], buf_ctx, sem).wait()

    def issue_scatter(s):
        _, dst_emb_v, dst_ctx_v, buf_emb, buf_ctx, sem = s
        pltpu.async_copy(buf_emb, out_hbm.at[dst_emb_v], sem)
        pltpu.async_copy(buf_ctx, out_hbm.at[dst_ctx_v], sem)

    def wait_scatter(s):
        _, dst_emb_v, dst_ctx_v, buf_emb, buf_ctx, sem = s
        pltpu.make_async_copy(buf_emb, out_hbm.at[dst_emb_v], sem).wait()
        pltpu.make_async_copy(buf_ctx, out_hbm.at[dst_ctx_v], sem).wait()

    issue_gather(0, sets[0])
    issue_gather(1, sets[1])

    def pair_body(t2, carry_none):
        a = 2 * t2
        for h in range(2):
            s = sets[h]
            wait_gather(a + h, s)
            issue_scatter(s)
        for h in range(2):
            s = sets[h]
            wait_scatter(s)

            @pl.when(t2 < PAIRS - 1)
            def _():
                issue_gather(a + 2 + h, s)

        return carry_none

    lax.fori_loop(0, PAIRS, pair_body, None)


@jax.jit
def _splice(emb_t_flat, ctx_flat, adj_t):
    mesh = plsc.VectorSubcoreMesh(core_axis_name="c", subcore_axis_name="s")
    f = pl.kernel(
        _splice_body,
        out_type=jax.ShapeDtypeStruct((OUT_LEN * N_CLS, D), jnp.float32),
        mesh=mesh,
        compiler_params=pltpu.CompilerParams(needs_layout_passes=False),
        scratch_types=[
            pltpu.VMEM((4, N_CLS), jnp.int32),
            pltpu.VMEM((N_EMB,), jnp.int32),
            pltpu.VMEM((N_EMB,), jnp.int32),
            pltpu.VMEM((N_CTX_ROWS,), jnp.int32),
            pltpu.VMEM((N_EMB, D), jnp.float32),
            pltpu.VMEM((N_CTX_ROWS, D), jnp.float32),
            pltpu.VMEM((N_EMB,), jnp.int32),
            pltpu.VMEM((N_EMB,), jnp.int32),
            pltpu.VMEM((N_CTX_ROWS,), jnp.int32),
            pltpu.VMEM((N_EMB, D), jnp.float32),
            pltpu.VMEM((N_CTX_ROWS, D), jnp.float32),
            pltpu.SemaphoreType.DMA,
            pltpu.SemaphoreType.DMA,
        ],
    )
    return f(emb_t_flat, ctx_flat, adj_t)


def kernel(ctx, embedding, adj_locations):
    emb_t_flat = embedding.transpose(1, 0, 2).reshape(SEQ_LEN * N_CLS, D)
    ctx_flat = ctx.reshape(N_CLS * N_CTX_ROWS, D)
    adj_t = adj_locations.transpose(1, 0)
    out = _splice(emb_t_flat, ctx_flat, adj_t)
    return out.reshape(OUT_LEN, N_CLS, D).transpose(1, 0, 2)

# --- scband reference (transcript-rebuilt; emitter-appended) ---
"""Pipeline reference for scband-prompt-learner-57054345560844 (READ-ONLY COPY).

The authoritative reference and input builder live on the scoring server;
editing this copy changes nothing except your own understanding.
"""

import jax, jax.numpy as jnp
import numpy as np

N_CLS = 1000
N_CTX = 8
C_CTX = 8
CTX_DIM = 512
SEQ_LEN = 77
OUT_LEN = SEQ_LEN - 8  # telescoping segment lengths -> constant 69 per class


def setup_inputs(seed: int = 0) -> dict:
    key = jax.random.key(seed)
    k1, k2, k3, k4 = jax.random.split(key, 4)
    # learned class-specific context vectors (nn.Parameter, init std=0.02)
    ctx = jax.random.normal(k1, (N_CLS, N_CTX + C_CTX, CTX_DIM), dtype=jnp.float32) * 0.02
    # frozen CLIP token embeddings of the tokenized prompts
    embedding = jax.random.normal(k2, (N_CLS, SEQ_LEN, CTX_DIM), dtype=jnp.float32)
    # adj_locations[i] = indices of the first '@' of each '@ @' pair, per class.
    # Structural constraints from the prompt template:
    #   loc0 >= 1 + n_ctx + 1 (SOS + 8 ctx tokens + at least 1 classname token)
    #   loc_{k+1} >= loc_k + 4; loc3 + 4 <= 77
    start = jax.random.randint(k3, (N_CLS, 1), 10, 15)
    gaps = jax.random.randint(k4, (N_CLS, 3), 4, 12)
    locs = jnp.concatenate([start, start + jnp.cumsum(gaps, axis=1)], axis=1)
    adj_locations = locs.astype(jnp.int32)
    return {"ctx": ctx, "embedding": embedding, "adj_locations": adj_locations}


def _make_idx(l):
    # Build the gather map from output position j (0..68) into the virtual
    # concatenation cat = [embedding_i (77 rows) ; ctx_i (16 rows)] (93 rows).
    l0, l1, l2, l3 = l[0], l[1], l[2], l[3]
    j = jnp.arange(OUT_LEN)
    E = SEQ_LEN  # offset where ctx rows start in cat
    idx = jnp.where(j >= l3 - 4, j + 8,                          # t4: emb[l3+4:]
          jnp.where(j >= l3 - 6, E + 14 + (j - (l3 - 6)),        # l4: ctx[14:16]
          jnp.where(j >= l2 - 2, j + 6,                          # t3: emb[l2+4:l3]
          jnp.where(j >= l2 - 4, E + 12 + (j - (l2 - 4)),        # l3: ctx[12:14]
          jnp.where(j >= l1,     j + 4,                          # t2: emb[l1+4:l2]
          jnp.where(j >= l1 - 2, E + 10 + (j - (l1 - 2)),        # l2: ctx[10:12]
          jnp.where(j >= l0 + 2, j + 2,                          # t1: emb[l0+4:l1]
          jnp.where(j >= l0,     E + 8 + (j - l0),               # l1: ctx[8:10]
          jnp.where(j >= 1 + N_CTX, j,                           # t0: emb[9:l0]
          jnp.where(j >= 1,      E + (j - 1),                    # l0: ctx[0:8]
                    0))))))))))                                  # sos: emb[0]
    return idx


def reference(ctx, embedding, adj_locations):
    # Faithful translation of PromptLearner.forward (class_token_position == 'end'):
    # per class i, output = cat(sos, ctx[i,:8], t0, ctx[i,8:10], t1, ctx[i,10:12],
    #                           t2, ctx[i,12:14], t3, ctx[i,14:16], t4)
    # expressed as a single gather from [embedding_i ; ctx_i].
    cat = jnp.concatenate([embedding, ctx], axis=1)          # (n_cls, 93, d)
    idx = jax.vmap(_make_idx)(adj_locations)                 # (n_cls, 69)
    prompts = jnp.take_along_axis(cat, idx[..., None], axis=1)
    return prompts                                           # (n_cls, 69, d)


if False:  # reference __main__ guard neutralized (emitter)
    out = reference(**setup_inputs())
    print(out.shape, out.dtype)

if __name__ == "__main__":
    import jax
    _d = setup_inputs()
    print(jax.jit(kernel)(*tuple(_d.values())))

</pallas_src>

<mosaic_0001>
#map = affine_map<(d0, d1) -> (0, 0)>
module attributes {stable_mosaic.version = 14 : i64} {
  func.func @_splice_body(%arg0: i32, %arg1: i32, %arg2: memref<77000x512xf32, #tpu.memory_space<hbm>>, %arg3: memref<16000x512xf32, #tpu.memory_space<hbm>>, %arg4: memref<4x1000xi32, #tpu.memory_space<hbm>>, %arg5: memref<69000x512xf32, #tpu.memory_space<hbm>>, %arg6: memref<4x1000xi32, #tpu.memory_space<vmem>>, %arg7: memref<53xi32, #tpu.memory_space<vmem>>, %arg8: memref<53xi32, #tpu.memory_space<vmem>>, %arg9: memref<16xi32, #tpu.memory_space<vmem>>, %arg10: memref<53x512xf32, #tpu.memory_space<vmem>>, %arg11: memref<16x512xf32, #tpu.memory_space<vmem>>, %arg12: memref<53xi32, #tpu.memory_space<vmem>>, %arg13: memref<53xi32, #tpu.memory_space<vmem>>, %arg14: memref<16xi32, #tpu.memory_space<vmem>>, %arg15: memref<53x512xf32, #tpu.memory_space<vmem>>, %arg16: memref<16x512xf32, #tpu.memory_space<vmem>>, %arg17: memref<!tpu.dma_semaphore, #tpu.memory_space<semaphore_mem>>, %arg18: memref<!tpu.dma_semaphore, #tpu.memory_space<semaphore_mem>>) attributes {dimension_semantics = [#tpu.dimension_semantics<core_parallel>, #tpu.dimension_semantics<subcore_parallel>], iteration_bounds = array<i64: 2, 16>, scalar_prefetch = 0 : i64, scratch_operands = 13 : i64, tpu.core_type = #tpu.core_type<sc_vector_subcore>, window_params = [{transform_indices = #map}, {transform_indices = #map}, {transform_indices = #map}, {transform_indices = #map}]} {
    %mul3A = arith.constant 2 : i32
    %mul3A_0 = arith.muli %arg1, %mul3A : i32
    %add3A = arith.addi %mul3A_0, %arg0 : i32
    %mul3A_1 = arith.constant 32 : i32
    %mul3A_2 = arith.muli %add3A, %mul3A_1 : i32
    "tpu.region"() ({
      %run_scoped3A = tpu.sem_alloc : memref<!tpu.dma_semaphore, #tpu.memory_space<semaphore_mem>>
      tpu.enqueue_dma source(%arg4 : memref<4x1000xi32, #tpu.memory_space<hbm>>) target(%arg6 : memref<4x1000xi32, #tpu.memory_space<vmem>>) target_semaphore(%run_scoped3A : memref<!tpu.dma_semaphore, #tpu.memory_space<semaphore_mem>>)
      tpu.wait_dma2 semaphore(%run_scoped3A : memref<!tpu.dma_semaphore, #tpu.memory_space<semaphore_mem>>) src(%arg4 : memref<4x1000xi32, #tpu.memory_space<hbm>>) dst(%arg6 : memref<4x1000xi32, #tpu.memory_space<vmem>>)
      tpu.yield
    }) : () -> ()
    %add3A_3 = arith.constant 0 : i32
    %add3A_4 = arith.addi %mul3A_2, %add3A_3 : i32
    %min3A = arith.constant 999 : i32
    %min3A_5 = arith.minsi %add3A_4, %min3A : i32
    %broadcast_in_dim3A = vector.broadcast %min3A_5 : i32 to vector<16xi32>
    %broadcast_in_dim3A_6 = arith.constant 0 : i32
    %broadcast_in_dim3A_7 = vector.broadcast %broadcast_in_dim3A_6 : i32 to vector<16xi32>
    %gather3A = tpu.vector_load_idx %arg6[%broadcast_in_dim3A_7, %broadcast_in_dim3A] : memref<4x1000xi32, #tpu.memory_space<vmem>>[vector<16xi32>, vector<16xi32>], vector<16xi32>,
    %broadcast_in_dim3A_8 = arith.constant 1 : i32
    %broadcast_in_dim3A_9 = vector.broadcast %broadcast_in_dim3A_8 : i32 to vector<16xi32>
    %gather3A_10 = tpu.vector_load_idx %arg6[%broadcast_in_dim3A_9, %broadcast_in_dim3A] : memref<4x1000xi32, #tpu.memory_space<vmem>>[vector<16xi32>, vector<16xi32>], vector<16xi32>,
    %broadcast_in_dim3A_11 = arith.constant 2 : i32
    %broadcast_in_dim3A_12 = vector.broadcast %broadcast_in_dim3A_11 : i32 to vector<16xi32>
    %gather3A_13 = tpu.vector_load_idx %arg6[%broadcast_in_dim3A_12, %broadcast_in_dim3A] : memref<4x1000xi32, #tpu.memory_space<vmem>>[vector<16xi32>, vector<16xi32>], vector<16xi32>,
    %broadcast_in_dim3A_14 = arith.constant 3 : i32
    %broadcast_in_dim3A_15 = vector.broadcast %broadcast_in_dim3A_14 : i32 to vector<16xi32>
    %gather3A_16 = tpu.vector_load_idx %arg6[%broadcast_in_dim3A_15, %broadcast_in_dim3A] : memref<4x1000xi32, #tpu.memory_space<vmem>>[vector<16xi32>, vector<16xi32>], vector<16xi32>,
    %iota3A = tpu.iota {dimensions = array<i32: 0>} : vector<16xi32>
    %add3A_17 = arith.constant 0 : i32
    %add3A_18 = vector.broadcast %add3A_17 : i32 to vector<16xi32>
    %add3A_19 = arith.addi %iota3A, %add3A_18 : vector<16xi32>
    %lt3A = arith.constant 69 : i32
    %lt3A_20 = vector.broadcast %lt3A : i32 to vector<16xi32>
    %lt3A_21 = arith.cmpi slt, %add3A_19, %lt3A_20 : vector<16xi32>
    %sub3A = arith.constant 4 : i32
    %sub3A_22 = vector.broadcast %sub3A : i32 to vector<16xi32>
    %sub3A_23 = arith.subi %gather3A_16, %sub3A_22 : vector<16xi32>
    %ge3A = arith.cmpi sge, %add3A_19, %sub3A_23 : vector<16xi32>
    %add3A_24 = arith.constant 8 : i32
    %add3A_25 = vector.broadcast %add3A_24 : i32 to vector<16xi32>
    %add3A_26 = arith.addi %add3A_19, %add3A_25 : vector<16xi32>
    %sub3A_27 = arith.constant 6 : i32
    %sub3A_28 = vector.broadcast %sub3A_27 : i32 to vector<16xi32>
    %sub3A_29 = arith.subi %gather3A_16, %sub3A_28 : vector<16xi32>
    %ge3A_30 = arith.cmpi sge, %add3A_19, %sub3A_29 : vector<16xi32>
    %add3A_31 = arith.constant 77 : i32
    %add3A_32 = arith.constant 14 : i32
    %add3A_33 = arith.addi %add3A_31, %add3A_32 : i32
    %sub3A_34 = arith.constant 6 : i32
    %sub3A_35 = vector.broadcast %sub3A_34 : i32 to vector<16xi32>
    %sub3A_36 = arith.subi %gather3A_16, %sub3A_35 : vector<16xi32>
    %sub3A_37 = arith.subi %add3A_19, %sub3A_36 : vector<16xi32>
    %add3A_38 = vector.broadcast %add3A_33 : i32 to vector<16xi32>
    %add3A_39 = arith.addi %add3A_38, %sub3A_37 : vector<16xi32>
    %sub3A_40 = arith.constant 2 : i32
    %sub3A_41 = vector.broadcast %sub3A_40 : i32 to vector<16xi32>
    %sub3A_42 = arith.subi %gather3A_13, %sub3A_41 : vector<16xi32>
    %ge3A_43 = arith.cmpi sge, %add3A_19, %sub3A_42 : vector<16xi32>
    %add3A_44 = arith.constant 6 : i32
    %add3A_45 = vector.broadcast %add3A_44 : i32 to vector<16xi32>
    %add3A_46 = arith.addi %add3A_19, %add3A_45 : vector<16xi32>
    %sub3A_47 = arith.constant 4 : i32
    %sub3A_48 = vector.broadcast %sub3A_47 : i32 to vector<16xi32>
    %sub3A_49 = arith.subi %gather3A_13, %sub3A_48 : vector<16xi32>
    %ge3A_50 = arith.cmpi sge, %add3A_19, %sub3A_49 : vector<16xi32>
    %add3A_51 = arith.constant 77 : i32
    %add3A_52 = arith.constant 12 : i32
    %add3A_53 = arith.addi %add3A_51, %add3A_52 : i32
    %sub3A_54 = arith.constant 4 : i32
    %sub3A_55 = vector.broadcast %sub3A_54 : i32 to vector<16xi32>
    %sub3A_56 = arith.subi %gather3A_13, %sub3A_55 : vector<16xi32>
    %sub3A_57 = arith.subi %add3A_19, %sub3A_56 : vector<16xi32>
    %add3A_58 = vector.broadcast %add3A_53 : i32 to vector<16xi32>
    %add3A_59 = arith.addi %add3A_58, %sub3A_57 : vector<16xi32>
    %ge3A_60 = arith.cmpi sge, %add3A_19, %gather3A_10 : vector<16xi32>
    %add3A_61 = arith.constant 4 : i32
    %add3A_62 = vector.broadcast %add3A_61 : i32 to vector<16xi32>
    %add3A_63 = arith.addi %add3A_19, %add3A_62 : vector<16xi32>
    %sub3A_64 = arith.constant 2 : i32
    %sub3A_65 = vector.broadcast %sub3A_64 : i32 to vector<16xi32>
    %sub3A_66 = arith.subi %gather3A_10, %sub3A_65 : vector<16xi32>
    %ge3A_67 = arith.cmpi sge, %add3A_19, %sub3A_66 : vector<16xi32>
    %add3A_68 = arith.constant 77 : i32
    %add3A_69 = arith.constant 10 : i32
    %add3A_70 = arith.addi %add3A_68, %add3A_69 : i32
    %sub3A_71 = arith.constant 2 : i32
    %sub3A_72 = vector.broadcast %sub3A_71 : i32 to vector<16xi32>
    %sub3A_73 = arith.subi %gather3A_10, %sub3A_72 : vector<16xi32>
    %sub3A_74 = arith.subi %add3A_19, %sub3A_73 : vector<16xi32>
    %add3A_75 = vector.broadcast %add3A_70 : i32 to vector<16xi32>
    %add3A_76 = arith.addi %add3A_75, %sub3A_74 : vector<16xi32>
    %add3A_77 = arith.constant 2 : i32
    %add3A_78 = vector.broadcast %add3A_77 : i32 to vector<16xi32>
    %add3A_79 = arith.addi %gather3A, %add3A_78 : vector<16xi32>
    %ge3A_80 = arith.cmpi sge, %add3A_19, %add3A_79 : vector<16xi32>
    %add3A_81 = arith.constant 2 : i32
    %add3A_82 = vector.broadcast %add3A_81 : i32 to vector<16xi32>
    %add3A_83 = arith.addi %add3A_19, %add3A_82 : vector<16xi32>
    %ge3A_84 = arith.cmpi sge, %add3A_19, %gather3A : vector<16xi32>
    %add3A_85 = arith.constant 77 : i32
    %add3A_86 = arith.constant 8 : i32
    %add3A_87 = arith.addi %add3A_85, %add3A_86 : i32
    %sub3A_88 = arith.subi %add3A_19, %gather3A : vector<16xi32>
    %add3A_89 = vector.broadcast %add3A_87 : i32 to vector<16xi32>
    %add3A_90 = arith.addi %add3A_89, %sub3A_88 : vector<16xi32>
    %ge3A_91 = arith.constant 9 : i32
    %ge3A_92 = vector.broadcast %ge3A_91 : i32 to vector<16xi32>
    %ge3A_93 = arith.cmpi sge, %add3A_19, %ge3A_92 : vector<16xi32>
    %ge3A_94 = arith.constant 1 : i32
    %ge3A_95 = vector.broadcast %ge3A_94 : i32 to vector<16xi32>
    %ge3A_96 = arith.cmpi sge, %add3A_19, %ge3A_95 : vector<16xi32>
    %sub3A_97 = arith.constant 1 : i32
    %sub3A_98 = vector.broadcast %sub3A_97 : i32 to vector<16xi32>
    %sub3A_99 = arith.subi %add3A_19, %sub3A_98 : vector<16xi32>
    %add3A_100 = arith.constant 77 : i32
    %add3A_101 = vector.broadcast %add3A_100 : i32 to vector<16xi32>
    %add3A_102 = arith.addi %add3A_101, %sub3A_99 : vector<16xi32>
    %jit3A = arith.constant 0 : i32
    %broadcast_in_dim3A_103 = vector.broadcast %jit3A : i32 to vector<16xi32>
    %select_n3A = arith.select %ge3A_96, %add3A_102, %broadcast_in_dim3A_103 : vector<16xi1>, vector<16xi32>
    %select_n3A_104 = arith.select %ge3A_93, %add3A_19, %select_n3A : vector<16xi1>, vector<16xi32>
    %select_n3A_105 = arith.select %ge3A_84, %add3A_90, %select_n3A_104 : vector<16xi1>, vector<16xi32>
    %select_n3A_106 = arith.select %ge3A_80, %add3A_83, %select_n3A_105 : vector<16xi1>, vector<16xi32>
    %select_n3A_107 = arith.select %ge3A_67, %add3A_76, %select_n3A_106 : vector<16xi1>, vector<16xi32>
    %select_n3A_108 = arith.select %ge3A_60, %add3A_63, %select_n3A_107 : vector<16xi1>, vector<16xi32>
    %select_n3A_109 = arith.select %ge3A_50, %add3A_59, %select_n3A_108 : vector<16xi1>, vector<16xi32>
    %select_n3A_110 = arith.select %ge3A_43, %add3A_46, %select_n3A_109 : vector<16xi1>, vector<16xi32>
    %select_n3A_111 = arith.select %ge3A_30, %add3A_39, %select_n3A_110 : vector<16xi1>, vector<16xi32>
    %select_n3A_112 = arith.select %ge3A, %add3A_26, %select_n3A_111 : vector<16xi1>, vector<16xi32>
    %lt3A_113 = arith.constant 77 : i32
    %lt3A_114 = vector.broadcast %lt3A_113 : i32 to vector<16xi32>
    %lt3A_115 = arith.cmpi slt, %select_n3A_112, %lt3A_114 : vector<16xi32>
    %and3A = arith.andi %lt3A_115, %lt3A_21 : vector<16xi1>
    %not3A = arith.constant dense<true> : vector<16xi1>
    %not3A_116 = arith.xori %lt3A_115, %not3A : vector<16xi1>
    %and3A_117 = arith.andi %not3A_116, %lt3A_21 : vector<16xi1>
    %convert_element_type3A = arith.extui %and3A : vector<16xi1> to vector<16xi32>
    %broadcast_in_dim3A_118 = arith.constant true
    %broadcast_in_dim3A_119 = vector.broadcast %broadcast_in_dim3A_118 : i1 to vector<16xi1>
    %masked_cumsum3A = tpu.scan <sum>, %convert_element_type3A masked %broadcast_in_dim3A_119 : vector<16xi32>, vector<16xi1> -> vector<16xi32>
    %add3A_120 = arith.constant 0 : i32
    %add3A_121 = vector.broadcast %add3A_120 : i32 to vector<16xi32>
    %add3A_122 = arith.addi %masked_cumsum3A, %add3A_121 : vector<16xi32>
    %sub3A_123 = arith.constant 1 : i32
    %sub3A_124 = vector.broadcast %sub3A_123 : i32 to vector<16xi32>
    %sub3A_125 = arith.subi %add3A_122, %sub3A_124 : vector<16xi32>
    %convert_element_type3A_126 = arith.extui %and3A : vector<16xi1> to vector<16xi32>
    %reduce_sum3A = arith.constant true
    %reduce_sum3A_127 = vector.broadcast %reduce_sum3A : i1 to vector<16xi1>
    %reduce_sum3A_128 = tpu.scan <sum>, %convert_element_type3A_126 masked %reduce_sum3A_127 : vector<16xi32>, vector<16xi1> -> vector<16xi32>
    %reduce_sum3A_129 = vector.extract %reduce_sum3A_128[15] : i32 from vector<16xi32>
    %add3A_130 = arith.constant 0 : i32
    %add3A_131 = arith.addi %add3A_130, %reduce_sum3A_129 : i32
    %mul3A_132 = arith.constant 1000 : i32
    %mul3A_133 = vector.broadcast %mul3A_132 : i32 to vector<16xi32>
    %mul3A_134 = arith.muli %add3A_19, %mul3A_133 : vector<16xi32>
    %add3A_135 = vector.broadcast %min3A_5 : i32 to vector<16xi32>
    %add3A_136 = arith.addi %mul3A_134, %add3A_135 : vector<16xi32>
    %mul3A_137 = arith.constant 1000 : i32
    %mul3A_138 = vector.broadcast %mul3A_137 : i32 to vector<16xi32>
    %mul3A_139 = arith.muli %select_n3A_112, %mul3A_138 : vector<16xi32>
    %add3A_140 = vector.broadcast %min3A_5 : i32 to vector<16xi32>
    %add3A_141 = arith.addi %mul3A_139, %add3A_140 : vector<16xi32>
    tpu.vector_store_idx %arg7[%sub3A_125], %add3A_141 masked %and3A : memref<53xi32, #tpu.memory_space<vmem>>[vector<16xi32>], vector<16xi32>, vector<16xi1>
    tpu.vector_store_idx %arg8[%sub3A_125], %add3A_136 masked %and3A : memref<53xi32, #tpu.memory_space<vmem>>[vector<16xi32>], vector<16xi32>, vector<16xi1>
    %sub3A_142 = arith.constant 77 : i32
    %sub3A_143 = vector.broadcast %sub3A_142 : i32 to vector<16xi32>
    %sub3A_144 = arith.subi %select_n3A_112, %sub3A_143 : vector<16xi32>
    tpu.vector_store_idx %arg9[%sub3A_144], %add3A_136 masked %and3A_117 : memref<16xi32, #tpu.memory_space<vmem>>[vector<16xi32>], vector<16xi32>, vector<16xi1>
    %iota3A_145 = tpu.iota {dimensions = array<i32: 0>} : vector<16xi32>
    %add3A_146 = arith.constant 16 : i32
    %add3A_147 = vector.broadcast %add3A_146 : i32 to vector<16xi32>
    %add3A_148 = arith.addi %iota3A_145, %add3A_147 : vector<16xi32>
    %lt3A_149 = arith.constant 69 : i32
    %lt3A_150 = vector.broadcast %lt3A_149 : i32 to vector<16xi32>
    %lt3A_151 = arith.cmpi slt, %add3A_148, %lt3A_150 : vector<16xi32>
    %sub3A_152 = arith.constant 4 : i32
    %sub3A_153 = vector.broadcast %sub3A_152 : i32 to vector<16xi32>
    %sub3A_154 = arith.subi %gather3A_16, %sub3A_153 : vector<16xi32>
    %ge3A_155 = arith.cmpi sge, %add3A_148, %sub3A_154 : vector<16xi32>
    %add3A_156 = arith.constant 8 : i32
    %add3A_157 = vector.broadcast %add3A_156 : i32 to vector<16xi32>
    %add3A_158 = arith.addi %add3A_148, %add3A_157 : vector<16xi32>
    %sub3A_159 = arith.constant 6 : i32
    %sub3A_160 = vector.broadcast %sub3A_159 : i32 to vector<16xi32>
    %sub3A_161 = arith.subi %gather3A_16, %sub3A_160 : vector<16xi32>
    %ge3A_162 = arith.cmpi sge, %add3A_148, %sub3A_161 : vector<16xi32>
    %add3A_163 = arith.constant 77 : i32
    %add3A_164 = arith.constant 14 : i32
    %add3A_165 = arith.addi %add3A_163, %add3A_164 : i32
    %sub3A_166 = arith.constant 6 : i32
    %sub3A_167 = vector.broadcast %sub3A_166 : i32 to vector<16xi32>
    %sub3A_168 = arith.subi %gather3A_16, %sub3A_167 : vector<16xi32>
    %sub3A_169 = arith.subi %add3A_148, %sub3A_168 : vector<16xi32>
    %add3A_170 = vector.broadcast %add3A_165 : i32 to vector<16xi32>
    %add3A_171 = arith.addi %add3A_170, %sub3A_169 : vector<16xi32>
    %sub3A_172 = arith.constant 2 : i32
    %sub3A_173 = vector.broadcast %sub3A_172 : i32 to vector<16xi32>
    %sub3A_174 = arith.subi %gather3A_13, %sub3A_173 : vector<16xi32>
    %ge3A_175 = arith.cmpi sge, %add3A_148, %sub3A_174 : vector<16xi32>
    %add3A_176 = arith.constant 6 : i32
    %add3A_177 = vector.broadcast %add3A_176 : i32 to vector<16xi32>
    %add3A_178 = arith.addi %add3A_148, %add3A_177 : vector<16xi32>
    %sub3A_179 = arith.constant 4 : i32
    %sub3A_180 = vector.broadcast %sub3A_179 : i32 to vector<16xi32>
    %sub3A_181 = arith.subi %gather3A_13, %sub3A_180 : vector<16xi32>
    %ge3A_182 = arith.cmpi sge, %add3A_148, %sub3A_181 : vector<16xi32>
    %add3A_183 = arith.constant 77 : i32
    %add3A_184 = arith.constant 12 : i32
    %add3A_185 = arith.addi %add3A_183, %add3A_184 : i32
    %sub3A_186 = arith.constant 4 : i32
    %sub3A_187 = vector.broadcast %sub3A_186 : i32 to vector<16xi32>
    %sub3A_188 = arith.subi %gather3A_13, %sub3A_187 : vector<16xi32>
    %sub3A_189 = arith.subi %add3A_148, %sub3A_188 : vector<16xi32>
    %add3A_190 = vector.broadcast %add3A_185 : i32 to vector<16xi32>
    %add3A_191 = arith.addi %add3A_190, %sub3A_189 : vector<16xi32>
    %ge3A_192 = arith.cmpi sge, %add3A_148, %gather3A_10 : vector<16xi32>
    %add3A_193 = arith.constant 4 : i32
    %add3A_194 = vector.broadcast %add3A_193 : i32 to vector<16xi32>
    %add3A_195 = arith.addi %add3A_148, %add3A_194 : vector<16xi32>
    %sub3A_196 = arith.constant 2 : i32
    %sub3A_197 = vector.broadcast %sub3A_196 : i32 to vector<16xi32>
    %sub3A_198 = arith.subi %gather3A_10, %sub3A_197 : vector<16xi32>
    %ge3A_199 = arith.cmpi sge, %add3A_148, %sub3A_198 : vector<16xi32>
    %add3A_200 = arith.constant 77 : i32
    %add3A_201 = arith.constant 10 : i32
    %add3A_202 = arith.addi %add3A_200, %add3A_201 : i32
    %sub3A_203 = arith.constant 2 : i32
    %sub3A_204 = vector.broadcast %sub3A_203 : i32 to vector<16xi32>
    %sub3A_205 = arith.subi %gather3A_10, %sub3A_204 : vector<16xi32>
    %sub3A_206 = arith.subi %add3A_148, %sub3A_205 : vector<16xi32>
    %add3A_207 = vector.broadcast %add3A_202 : i32 to vector<16xi32>
    %add3A_208 = arith.addi %add3A_207, %sub3A_206 : vector<16xi32>
    %add3A_209 = arith.constant 2 : i32
    %add3A_210 = vector.broadcast %add3A_209 : i32 to vector<16xi32>
    %add3A_211 = arith.addi %gather3A, %add3A_210 : vector<16xi32>
    %ge3A_212 = arith.cmpi sge, %add3A_148, %add3A_211 : vector<16xi32>
    %add3A_213 = arith.constant 2 : i32
    %add3A_214 = vector.broadcast %add3A_213 : i32 to vector<16xi32>
    %add3A_215 = arith.addi %add3A_148, %add3A_214 : vector<16xi32>
    %ge3A_216 = arith.cmpi sge, %add3A_148, %gather3A : vector<16xi32>
    %add3A_217 = arith.constant 77 : i32
    %add3A_218 = arith.constant 8 : i32
    %add3A_219 = arith.addi %add3A_217, %add3A_218 : i32
    %sub3A_220 = arith.subi %add3A_148, %gather3A : vector<16xi32>
    %add3A_221 = vector.broadcast %add3A_219 : i32 to vector<16xi32>
    %add3A_222 = arith.addi %add3A_221, %sub3A_220 : vector<16xi32>
    %ge3A_223 = arith.constant 9 : i32
    %ge3A_224 = vector.broadcast %ge3A_223 : i32 to vector<16xi32>
    %ge3A_225 = arith.cmpi sge, %add3A_148, %ge3A_224 : vector<16xi32>
    %ge3A_226 = arith.constant 1 : i32
    %ge3A_227 = vector.broadcast %ge3A_226 : i32 to vector<16xi32>
    %ge3A_228 = arith.cmpi sge, %add3A_148, %ge3A_227 : vector<16xi32>
    %sub3A_229 = arith.constant 1 : i32
    %sub3A_230 = vector.broadcast %sub3A_229 : i32 to vector<16xi32>
    %sub3A_231 = arith.subi %add3A_148, %sub3A_230 : vector<16xi32>
    %add3A_232 = arith.constant 77 : i32
    %add3A_233 = vector.broadcast %add3A_232 : i32 to vector<16xi32>
    %add3A_234 = arith.addi %add3A_233, %sub3A_231 : vector<16xi32>
    %jit3A_235 = arith.constant 0 : i32
    %broadcast_in_dim3A_236 = vector.broadcast %jit3A_235 : i32 to vector<16xi32>
    %select_n3A_237 = arith.select %ge3A_228, %add3A_234, %broadcast_in_dim3A_236 : vector<16xi1>, vector<16xi32>
    %select_n3A_238 = arith.select %ge3A_225, %add3A_148, %select_n3A_237 : vector<16xi1>, vector<16xi32>
    %select_n3A_239 = arith.select %ge3A_216, %add3A_222, %select_n3A_238 : vector<16xi1>, vector<16xi32>
    %select_n3A_240 = arith.select %ge3A_212, %add3A_215, %select_n3A_239 : vector<16xi1>, vector<16xi32>
    %select_n3A_241 = arith.select %ge3A_199, %add3A_208, %select_n3A_240 : vector<16xi1>, vector<16xi32>
    %select_n3A_242 = arith.select %ge3A_192, %add3A_195, %select_n3A_241 : vector<16xi1>, vector<16xi32>
    %select_n3A_243 = arith.select %ge3A_182, %add3A_191, %select_n3A_242 : vector<16xi1>, vector<16xi32>
    %select_n3A_244 = arith.select %ge3A_175, %add3A_178, %select_n3A_243 : vector<16xi1>, vector<16xi32>
    %select_n3A_245 = arith.select %ge3A_162, %add3A_171, %select_n3A_244 : vector<16xi1>, vector<16xi32>
    %select_n3A_246 = arith.select %ge3A_155, %add3A_158, %select_n3A_245 : vector<16xi1>, vector<16xi32>
    %lt3A_247 = arith.constant 77 : i32
    %lt3A_248 = vector.broadcast %lt3A_247 : i32 to vector<16xi32>
    %lt3A_249 = arith.cmpi slt, %select_n3A_246, %lt3A_248 : vector<16xi32>
    %and3A_250 = arith.andi %lt3A_249, %lt3A_151 : vector<16xi1>
    %not3A_251 = arith.constant dense<true> : vector<16xi1>
    %not3A_252 = arith.xori %lt3A_249, %not3A_251 : vector<16xi1>
    %and3A_253 = arith.andi %not3A_252, %lt3A_151 : vector<16xi1>
    %convert_element_type3A_254 = arith.extui %and3A_250 : vector<16xi1> to vector<16xi32>
    %broadcast_in_dim3A_255 = arith.constant true
    %broadcast_in_dim3A_256 = vector.broadcast %broadcast_in_dim3A_255 : i1 to vector<16xi1>
    %masked_cumsum3A_257 = tpu.scan <sum>, %convert_element_type3A_254 masked %broadcast_in_dim3A_256 : vector<16xi32>, vector<16xi1> -> vector<16xi32>
    %add3A_258 = vector.broadcast %add3A_131 : i32 to vector<16xi32>
    %add3A_259 = arith.addi %masked_cumsum3A_257, %add3A_258 : vector<16xi32>
    %sub3A_260 = arith.constant 1 : i32
    %sub3A_261 = vector.broadcast %sub3A_260 : i32 to vector<16xi32>
    %sub3A_262 = arith.subi %add3A_259, %sub3A_261 : vector<16xi32>
    %convert_element_type3A_263 = arith.extui %and3A_250 : vector<16xi1> to vector<16xi32>
    %reduce_sum3A_264 = arith.constant true
    %reduce_sum3A_265 = vector.broadcast %reduce_sum3A_264 : i1 to vector<16xi1>
    %reduce_sum3A_266 = tpu.scan <sum>, %convert_element_type3A_263 masked %reduce_sum3A_265 : vector<16xi32>, vector<16xi1> -> vector<16xi32>
    %reduce_sum3A_267 = vector.extract %reduce_sum3A_266[15] : i32 from vector<16xi32>
    %add3A_268 = arith.addi %add3A_131, %reduce_sum3A_267 : i32
    %mul3A_269 = arith.constant 1000 : i32
    %mul3A_270 = vector.broadcast %mul3A_269 : i32 to vector<16xi32>
    %mul3A_271 = arith.muli %add3A_148, %mul3A_270 : vector<16xi32>
    %add3A_272 = vector.broadcast %min3A_5 : i32 to vector<16xi32>
    %add3A_273 = arith.addi %mul3A_271, %add3A_272 : vector<16xi32>
    %mul3A_274 = arith.constant 1000 : i32
    %mul3A_275 = vector.broadcast %mul3A_274 : i32 to vector<16xi32>
    %mul3A_276 = arith.muli %select_n3A_246, %mul3A_275 : vector<16xi32>
    %add3A_277 = vector.broadcast %min3A_5 : i32 to vector<16xi32>
    %add3A_278 = arith.addi %mul3A_276, %add3A_277 : vector<16xi32>
    tpu.vector_store_idx %arg7[%sub3A_262], %add3A_278 masked %and3A_250 : memref<53xi32, #tpu.memory_space<vmem>>[vector<16xi32>], vector<16xi32>, vector<16xi1>
    tpu.vector_store_idx %arg8[%sub3A_262], %add3A_273 masked %and3A_250 : memref<53xi32, #tpu.memory_space<vmem>>[vector<16xi32>], vector<16xi32>, vector<16xi1>
    %sub3A_279 = arith.constant 77 : i32
    %sub3A_280 = vector.broadcast %sub3A_279 : i32 to vector<16xi32>
    %sub3A_281 = arith.subi %select_n3A_246, %sub3A_280 : vector<16xi32>
    tpu.vector_store_idx %arg9[%sub3A_281], %add3A_273 masked %and3A_253 : memref<16xi32, #tpu.memory_space<vmem>>[vector<16xi32>], vector<16xi32>, vector<16xi1>
    %iota3A_282 = tpu.iota {dimensions = array<i32: 0>} : vector<16xi32>
    %add3A_283 = arith.constant 32 : i32
    %add3A_284 = vector.broadcast %add3A_283 : i32 to vector<16xi32>
    %add3A_285 = arith.addi %iota3A_282, %add3A_284 : vector<16xi32>
    %lt3A_286 = arith.constant 69 : i32
    %lt3A_287 = vector.broadcast %lt3A_286 : i32 to vector<16xi32>
    %lt3A_288 = arith.cmpi slt, %add3A_285, %lt3A_287 : vector<16xi32>
    %sub3A_289 = arith.constant 4 : i32
    %sub3A_290 = vector.broadcast %sub3A_289 : i32 to vector<16xi32>
    %sub3A_291 = arith.subi %gather3A_16, %sub3A_290 : vector<16xi32>
    %ge3A_292 = arith.cmpi sge, %add3A_285, %sub3A_291 : vector<16xi32>
    %add3A_293 = arith.constant 8 : i32
    %add3A_294 = vector.broadcast %add3A_293 : i32 to vector<16xi32>
    %add3A_295 = arith.addi %add3A_285, %add3A_294 : vector<16xi32>
    %sub3A_296 = arith.constant 6 : i32
    %sub3A_297 = vector.broadcast %sub3A_296 : i32 to vector<16xi32>
    %sub3A_298 = arith.subi %gather3A_16, %sub3A_297 : vector<16xi32>
    %ge3A_299 = arith.cmpi sge, %add3A_285, %sub3A_298 : vector<16xi32>
    %add3A_300 = arith.constant 77 : i32
    %add3A_301 = arith.constant 14 : i32
    %add3A_302 = arith.addi %add3A_300, %add3A_301 : i32
    %sub3A_303 = arith.constant 6 : i32
    %sub3A_304 = vector.broadcast %sub3A_303 : i32 to vector<16xi32>
    %sub3A_305 = arith.subi %gather3A_16, %sub3A_304 : vector<16xi32>
    %sub3A_306 = arith.subi %add3A_285, %sub3A_305 : vector<16xi32>
    %add3A_307 = vector.broadcast %add3A_302 : i32 to vector<16xi32>
    %add3A_308 = arith.addi %add3A_307, %sub3A_306 : vector<16xi32>
    %sub3A_309 = arith.constant 2 : i32
    %sub3A_310 = vector.broadcast %sub3A_309 : i32 to vector<16xi32>
    %sub3A_311 = arith.subi %gather3A_13, %sub3A_310 : vector<16xi32>
    %ge3A_312 = arith.cmpi sge, %add3A_285, %sub3A_311 : vector<16xi32>
    %add3A_313 = arith.constant 6 : i32
    %add3A_314 = vector.broadcast %add3A_313 : i32 to vector<16xi32>
    %add3A_315 = arith.addi %add3A_285, %add3A_314 : vector<16xi32>
    %sub3A_316 = arith.constant 4 : i32
    %sub3A_317 = vector.broadcast %sub3A_316 : i32 to vector<16xi32>
    %sub3A_318 = arith.subi %gather3A_13, %sub3A_317 : vector<16xi32>
    %ge3A_319 = arith.cmpi sge, %add3A_285, %sub3A_318 : vector<16xi32>
    %add3A_320 = arith.constant 77 : i32
    %add3A_321 = arith.constant 12 : i32
    %add3A_322 = arith.addi %add3A_320, %add3A_321 : i32
    %sub3A_323 = arith.constant 4 : i32
    %sub3A_324 = vector.broadcast %sub3A_323 : i32 to vector<16xi32>
    %sub3A_325 = arith.subi %gather3A_13, %sub3A_324 : vector<16xi32>
    %sub3A_326 = arith.subi %add3A_285, %sub3A_325 : vector<16xi32>
    %add3A_327 = vector.broadcast %add3A_322 : i32 to vector<16xi32>
    %add3A_328 = arith.addi %add3A_327, %sub3A_326 : vector<16xi32>
    %ge3A_329 = arith.cmpi sge, %add3A_285, %gather3A_10 : vector<16xi32>
    %add3A_330 = arith.constant 4 : i32
    %add3A_331 = vector.broadcast %add3A_330 : i32 to vector<16xi32>
    %add3A_332 = arith.addi %add3A_285, %add3A_331 : vector<16xi32>
    %sub3A_333 = arith.constant 2 : i32
    %sub3A_334 = vector.broadcast %sub3A_333 : i32 to vector<16xi32>
    %sub3A_335 = arith.subi %gather3A_10, %sub3A_334 : vector<16xi32>
    %ge3A_336 = arith.cmpi sge, %add3A_285, %sub3A_335 : vector<16xi32>
    %add3A_337 = arith.constant 77 : i32
    %add3A_338 = arith.constant 10 : i32
    %add3A_339 = arith.addi %add3A_337, %add3A_338 : i32
    %sub3A_340 = arith.constant 2 : i32
    %sub3A_341 = vector.broadcast %sub3A_340 : i32 to vector<16xi32>
    %sub3A_342 = arith.subi %gather3A_10, %sub3A_341 : vector<16xi32>
    %sub3A_343 = arith.subi %add3A_285, %sub3A_342 : vector<16xi32>
    %add3A_344 = vector.broadcast %add3A_339 : i32 to vector<16xi32>
    %add3A_345 = arith.addi %add3A_344, %sub3A_343 : vector<16xi32>
    %add3A_346 = arith.constant 2 : i32
    %add3A_347 = vector.broadcast %add3A_346 : i32 to vector<16xi32>
    %add3A_348 = arith.addi %gather3A, %add3A_347 : vector<16xi32>
    %ge3A_349 = arith.cmpi sge, %add3A_285, %add3A_348 : vector<16xi32>
    %add3A_350 = arith.constant 2 : i32
    %add3A_351 = vector.broadcast %add3A_350 : i32 to vector<16xi32>
    %add3A_352 = arith.addi %add3A_285, %add3A_351 : vector<16xi32>
    %ge3A_353 = arith.cmpi sge, %add3A_285, %gather3A : vector<16xi32>
    %add3A_354 = arith.constant 77 : i32
    %add3A_355 = arith.constant 8 : i32
    %add3A_356 = arith.addi %add3A_354, %add3A_355 : i32
    %sub3A_357 = arith.subi %add3A_285, %gather3A : vector<16xi32>
    %add3A_358 = vector.broadcast %add3A_356 : i32 to vector<16xi32>
    %add3A_359 = arith.addi %add3A_358, %sub3A_357 : vector<16xi32>
    %ge3A_360 = arith.constant 9 : i32
    %ge3A_361 = vector.broadcast %ge3A_360 : i32 to vector<16xi32>
    %ge3A_362 = arith.cmpi sge, %add3A_285, %ge3A_361 : vector<16xi32>
    %ge3A_363 = arith.constant 1 : i32
    %ge3A_364 = vector.broadcast %ge3A_363 : i32 to vector<16xi32>
    %ge3A_365 = arith.cmpi sge, %add3A_285, %ge3A_364 : vector<16xi32>
    %sub3A_366 = arith.constant 1 : i32
    %sub3A_367 = vector.broadcast %sub3A_366 : i32 to vector<16xi32>
    %sub3A_368 = arith.subi %add3A_285, %sub3A_367 : vector<16xi32>
    %add3A_369 = arith.constant 77 : i32
    %add3A_370 = vector.broadcast %add3A_369 : i32 to vector<16xi32>
    %add3A_371 = arith.addi %add3A_370, %sub3A_368 : vector<16xi32>
    %jit3A_372 = arith.constant 0 : i32
    %broadcast_in_dim3A_373 = vector.broadcast %jit3A_372 : i32 to vector<16xi32>
    %select_n3A_374 = arith.select %ge3A_365, %add3A_371, %broadcast_in_dim3A_373 : vector<16xi1>, vector<16xi32>
    %select_n3A_375 = arith.select %ge3A_362, %add3A_285, %select_n3A_374 : vector<16xi1>, vector<16xi32>
    %select_n3A_376 = arith.select %ge3A_353, %add3A_359, %select_n3A_375 : vector<16xi1>, vector<16xi32>
    %select_n3A_377 = arith.select %ge3A_349, %add3A_352, %select_n3A_376 : vector<16xi1>, vector<16xi32>
    %select_n3A_378 = arith.select %ge3A_336, %add3A_345, %select_n3A_377 : vector<16xi1>, vector<16xi32>
    %select_n3A_379 = arith.select %ge3A_329, %add3A_332, %select_n3A_378 : vector<16xi1>, vector<16xi32>
    %select_n3A_380 = arith.select %ge3A_319, %add3A_328, %select_n3A_379 : vector<16xi1>, vector<16xi32>
    %select_n3A_381 = arith.select %ge3A_312, %add3A_315, %select_n3A_380 : vector<16xi1>, vector<16xi32>
    %select_n3A_382 = arith.select %ge3A_299, %add3A_308, %select_n3A_381 : vector<16xi1>, vector<16xi32>
    %select_n3A_383 = arith.select %ge3A_292, %add3A_295, %select_n3A_382 : vector<16xi1>, vector<16xi32>
    %lt3A_384 = arith.constant 77 : i32
    %lt3A_385 = vector.broadcast %lt3A_384 : i32 to vector<16xi32>
    %lt3A_386 = arith.cmpi slt, %select_n3A_383, %lt3A_385 : vector<16xi32>
    %and3A_387 = arith.andi %lt3A_386, %lt3A_288 : vector<16xi1>
    %not3A_388 = arith.constant dense<true> : vector<16xi1>
    %not3A_389 = arith.xori %lt3A_386, %not3A_388 : vector<16xi1>
    %and3A_390 = arith.andi %not3A_389, %lt3A_288 : vector<16xi1>
    %convert_element_type3A_391 = arith.extui %and3A_387 : vector<16xi1> to vector<16xi32>
    %broadcast_in_dim3A_392 = arith.constant true
    %broadcast_in_dim3A_393 = vector.broadcast %broadcast_in_dim3A_392 : i1 to vector<16xi1>
    %masked_cumsum3A_394 = tpu.scan <sum>, %convert_element_type3A_391 masked %broadcast_in_dim3A_393 : vector<16xi32>, vector<16xi1> -> vector<16xi32>
    %add3A_395 = vector.broadcast %add3A_268 : i32 to vector<16xi32>
    %add3A_396 = arith.addi %masked_cumsum3A_394, %add3A_395 : vector<16xi32>
    %sub3A_397 = arith.constant 1 : i32
    %sub3A_398 = vector.broadcast %sub3A_397 : i32 to vector<16xi32>
    %sub3A_399 = arith.subi %add3A_396, %sub3A_398 : vector<16xi32>
    %convert_element_type3A_400 = arith.extui %and3A_387 : vector<16xi1> to vector<16xi32>
    %reduce_sum3A_401 = arith.constant true
    %reduce_sum3A_402 = vector.broadcast %reduce_sum3A_401 : i1 to vector<16xi1>
    %reduce_sum3A_403 = tpu.scan <sum>, %convert_element_type3A_400 masked %reduce_sum3A_402 : vector<16xi32>, vector<16xi1> -> vector<16xi32>
    %reduce_sum3A_404 = vector.extract %reduce_sum3A_403[15] : i32 from vector<16xi32>
    %add3A_405 = arith.addi %add3A_268, %reduce_sum3A_404 : i32
    %mul3A_406 = arith.constant 1000 : i32
    %mul3A_407 = vector.broadcast %mul3A_406 : i32 to vector<16xi32>
    %mul3A_408 = arith.muli %add3A_285, %mul3A_407 : vector<16xi32>
    %add3A_409 = vector.broadcast %min3A_5 : i32 to vector<16xi32>
    %add3A_410 = arith.addi %mul3A_408, %add3A_409 : vector<16xi32>
    %mul3A_411 = arith.constant 1000 : i32
    %mul3A_412 = vector.broadcast %mul3A_411 : i32 to vector<16xi32>
    %mul3A_413 = arith.muli %select_n3A_383, %mul3A_412 : vector<16xi32>
    %add3A_414 = vector.broadcast %min3A_5 : i32 to vector<16xi32>
    %add3A_415 = arith.addi %mul3A_413, %add3A_414 : vector<16xi32>
    tpu.vector_store_idx %arg7[%sub3A_399], %add3A_415 masked %and3A_387 : memref<53xi32, #tpu.memory_space<vmem>>[vector<16xi32>], vector<16xi32>, vector<16xi1>
    tpu.vector_store_idx %arg8[%sub3A_399], %add3A_410 masked %and3A_387 : memref<53xi32, #tpu.memory_space<vmem>>[vector<16xi32>], vector<16xi32>, vector<16xi1>
    %sub3A_416 = arith.constant 77 : i32
    %sub3A_417 = vector.broadcast %sub3A_416 : i32 to vector<16xi32>
    %sub3A_418 = arith.subi %select_n3A_383, %sub3A_417 : vector<16xi32>
    tpu.vector_store_idx %arg9[%sub3A_418], %add3A_410 masked %and3A_390 : memref<16xi32, #tpu.memory_space<vmem>>[vector<16xi32>], vector<16xi32>, vector<16xi1>
    %iota3A_419 = tpu.iota {dimensions = array<i32: 0>} : vector<16xi32>
    %add3A_420 = arith.constant 48 : i32
    %add3A_421 = vector.broadcast %add3A_420 : i32 to vector<16xi32>
    %add3A_422 = arith.addi %iota3A_419, %add3A_421 : vector<16xi32>
    %lt3A_423 = arith.constant 69 : i32
    %lt3A_424 = vector.broadcast %lt3A_423 : i32 to vector<16xi32>
    %lt3A_425 = arith.cmpi slt, %add3A_422, %lt3A_424 : vector<16xi32>
    %sub3A_426 = arith.constant 4 : i32
    %sub3A_427 = vector.broadcast %sub3A_426 : i32 to vector<16xi32>
    %sub3A_428 = arith.subi %gather3A_16, %sub3A_427 : vector<16xi32>
    %ge3A_429 = arith.cmpi sge, %add3A_422, %sub3A_428 : vector<16xi32>
    %add3A_430 = arith.constant 8 : i32
    %add3A_431 = vector.broadcast %add3A_430 : i32 to vector<16xi32>
    %add3A_432 = arith.addi %add3A_422, %add3A_431 : vector<16xi32>
    %sub3A_433 = arith.constant 6 : i32
    %sub3A_434 = vector.broadcast %sub3A_433 : i32 to vector<16xi32>
    %sub3A_435 = arith.subi %gather3A_16, %sub3A_434 : vector<16xi32>
    %ge3A_436 = arith.cmpi sge, %add3A_422, %sub3A_435 : vector<16xi32>
    %add3A_437 = arith.constant 77 : i32
    %add3A_438 = arith.constant 14 : i32
    %add3A_439 = arith.addi %add3A_437, %add3A_438 : i32
    %sub3A_440 = arith.constant 6 : i32
    %sub3A_441 = vector.broadcast %sub3A_440 : i32 to vector<16xi32>
    %sub3A_442 = arith.subi %gather3A_16, %sub3A_441 : vector<16xi32>
    %sub3A_443 = arith.subi %add3A_422, %sub3A_442 : vector<16xi32>
    %add3A_444 = vector.broadcast %add3A_439 : i32 to vector<16xi32>
    %add3A_445 = arith.addi %add3A_444, %sub3A_443 : vector<16xi32>
    %sub3A_446 = arith.constant 2 : i32
    %sub3A_447 = vector.broadcast %sub3A_446 : i32 to vector<16xi32>
    %sub3A_448 = arith.subi %gather3A_13, %sub3A_447 : vector<16xi32>
    %ge3A_449 = arith.cmpi sge, %add3A_422, %sub3A_448 : vector<16xi32>
    %add3A_450 = arith.constant 6 : i32
    %add3A_451 = vector.broadcast %add3A_450 : i32 to vector<16xi32>
    %add3A_452 = arith.addi %add3A_422, %add3A_451 : vector<16xi32>
    %sub3A_453 = arith.constant 4 : i32
    %sub3A_454 = vector.broadcast %sub3A_453 : i32 to vector<16xi32>
    %sub3A_455 = arith.subi %gather3A_13, %sub3A_454 : vector<16xi32>
    %ge3A_456 = arith.cmpi sge, %add3A_422, %sub3A_455 : vector<16xi32>
    %add3A_457 = arith.constant 77 : i32
    %add3A_458 = arith.constant 12 : i32
    %add3A_459 = arith.addi %add3A_457, %add3A_458 : i32
    %sub3A_460 = arith.constant 4 : i32
    %sub3A_461 = vector.broadcast %sub3A_460 : i32 to vector<16xi32>
    %sub3A_462 = arith.subi %gather3A_13, %sub3A_461 : vector<16xi32>
    %sub3A_463 = arith.subi %add3A_422, %sub3A_462 : vector<16xi32>
    %add3A_464 = vector.broadcast %add3A_459 : i32 to vector<16xi32>
    %add3A_465 = arith.addi %add3A_464, %sub3A_463 : vector<16xi32>
    %ge3A_466 = arith.cmpi sge, %add3A_422, %gather3A_10 : vector<16xi32>
    %add3A_467 = arith.constant 4 : i32
    %add3A_468 = vector.broadcast %add3A_467 : i32 to vector<16xi32>
    %add3A_469 = arith.addi %add3A_422, %add3A_468 : vector<16xi32>
    %sub3A_470 = arith.constant 2 : i32
    %sub3A_471 = vector.broadcast %sub3A_470 : i32 to vector<16xi32>
    %sub3A_472 = arith.subi %gather3A_10, %sub3A_471 : vector<16xi32>
    %ge3A_473 = arith.cmpi sge, %add3A_422, %sub3A_472 : vector<16xi32>
    %add3A_474 = arith.constant 77 : i32
    %add3A_475 = arith.constant 10 : i32
    %add3A_476 = arith.addi %add3A_474, %add3A_475 : i32
    %sub3A_477 = arith.constant 2 : i32
    %sub3A_478 = vector.broadcast %sub3A_477 : i32 to vector<16xi32>
    %sub3A_479 = arith.subi %gather3A_10, %sub3A_478 : vector<16xi32>
    %sub3A_480 = arith.subi %add3A_422, %sub3A_479 : vector<16xi32>
    %add3A_481 = vector.broadcast %add3A_476 : i32 to vector<16xi32>
    %add3A_482 = arith.addi %add3A_481, %sub3A_480 : vector<16xi32>
    %add3A_483 = arith.constant 2 : i32
    %add3A_484 = vector.broadcast %add3A_483 : i32 to vector<16xi32>
    %add3A_485 = arith.addi %gather3A, %add3A_484 : vector<16xi32>
    %ge3A_486 = arith.cmpi sge, %add3A_422, %add3A_485 : vector<16xi32>
    %add3A_487 = arith.constant 2 : i32
    %add3A_488 = vector.broadcast %add3A_487 : i32 to vector<16xi32>
    %add3A_489 = arith.addi %add3A_422, %add3A_488 : vector<16xi32>
    %ge3A_490 = arith.cmpi sge, %add3A_422, %gather3A : vector<16xi32>
    %add3A_491 = arith.constant 77 : i32
    %add3A_492 = arith.constant 8 : i32
    %add3A_493 = arith.addi %add3A_491, %add3A_492 : i32
    %sub3A_494 = arith.subi %add3A_422, %gather3A : vector<16xi32>
    %add3A_495 = vector.broadcast %add3A_493 : i32 to vector<16xi32>
    %add3A_496 = arith.addi %add3A_495, %sub3A_494 : vector<16xi32>
    %ge3A_497 = arith.constant 9 : i32
    %ge3A_498 = vector.broadcast %ge3A_497 : i32 to vector<16xi32>
    %ge3A_499 = arith.cmpi sge, %add3A_422, %ge3A_498 : vector<16xi32>
    %ge3A_500 = arith.constant 1 : i32
    %ge3A_501 = vector.broadcast %ge3A_500 : i32 to vector<16xi32>
    %ge3A_502 = arith.cmpi sge, %add3A_422, %ge3A_501 : vector<16xi32>
    %sub3A_503 = arith.constant 1 : i32
    %sub3A_504 = vector.broadcast %sub3A_503 : i32 to vector<16xi32>
    %sub3A_505 = arith.subi %add3A_422, %sub3A_504 : vector<16xi32>
    %add3A_506 = arith.constant 77 : i32
    %add3A_507 = vector.broadcast %add3A_506 : i32 to vector<16xi32>
    %add3A_508 = arith.addi %add3A_507, %sub3A_505 : vector<16xi32>
    %jit3A_509 = arith.constant 0 : i32
    %broadcast_in_dim3A_510 = vector.broadcast %jit3A_509 : i32 to vector<16xi32>
    %select_n3A_511 = arith.select %ge3A_502, %add3A_508, %broadcast_in_dim3A_510 : vector<16xi1>, vector<16xi32>
    %select_n3A_512 = arith.select %ge3A_499, %add3A_422, %select_n3A_511 : vector<16xi1>, vector<16xi32>
    %select_n3A_513 = arith.select %ge3A_490, %add3A_496, %select_n3A_512 : vector<16xi1>, vector<16xi32>
    %select_n3A_514 = arith.select %ge3A_486, %add3A_489, %select_n3A_513 : vector<16xi1>, vector<16xi32>
    %select_n3A_515 = arith.select %ge3A_473, %add3A_482, %select_n3A_514 : vector<16xi1>, vector<16xi32>
    %select_n3A_516 = arith.select %ge3A_466, %add3A_469, %select_n3A_515 : vector<16xi1>, vector<16xi32>
    %select_n3A_517 = arith.select %ge3A_456, %add3A_465, %select_n3A_516 : vector<16xi1>, vector<16xi32>
    %select_n3A_518 = arith.select %ge3A_449, %add3A_452, %select_n3A_517 : vector<16xi1>, vector<16xi32>
    %select_n3A_519 = arith.select %ge3A_436, %add3A_445, %select_n3A_518 : vector<16xi1>, vector<16xi32>
    %select_n3A_520 = arith.select %ge3A_429, %add3A_432, %select_n3A_519 : vector<16xi1>, vector<16xi32>
    %lt3A_521 = arith.constant 77 : i32
    %lt3A_522 = vector.broadcast %lt3A_521 : i32 to vector<16xi32>
    %lt3A_523 = arith.cmpi slt, %select_n3A_520, %lt3A_522 : vector<16xi32>
    %and3A_524 = arith.andi %lt3A_523, %lt3A_425 : vector<16xi1>
    %not3A_525 = arith.constant dense<true> : vector<16xi1>
    %not3A_526 = arith.xori %lt3A_523, %not3A_525 : vector<16xi1>
    %and3A_527 = arith.andi %not3A_526, %lt3A_425 : vector<16xi1>
    %convert_element_type3A_528 = arith.extui %and3A_524 : vector<16xi1> to vector<16xi32>
    %broadcast_in_dim3A_529 = arith.constant true
    %broadcast_in_dim3A_530 = vector.broadcast %broadcast_in_dim3A_529 : i1 to vector<16xi1>
    %masked_cumsum3A_531 = tpu.scan <sum>, %convert_element_type3A_528 masked %broadcast_in_dim3A_530 : vector<16xi32>, vector<16xi1> -> vector<16xi32>
    %add3A_532 = vector.broadcast %add3A_405 : i32 to vector<16xi32>
    %add3A_533 = arith.addi %masked_cumsum3A_531, %add3A_532 : vector<16xi32>
    %sub3A_534 = arith.constant 1 : i32
    %sub3A_535 = vector.broadcast %sub3A_534 : i32 to vector<16xi32>
    %sub3A_536 = arith.subi %add3A_533, %sub3A_535 : vector<16xi32>
    %convert_element_type3A_537 = arith.extui %and3A_524 : vector<16xi1> to vector<16xi32>
    %reduce_sum3A_538 = arith.constant true
    %reduce_sum3A_539 = vector.broadcast %reduce_sum3A_538 : i1 to vector<16xi1>
    %reduce_sum3A_540 = tpu.scan <sum>, %convert_element_type3A_537 masked %reduce_sum3A_539 : vector<16xi32>, vector<16xi1> -> vector<16xi32>
    %reduce_sum3A_541 = vector.extract %reduce_sum3A_540[15] : i32 from vector<16xi32>
    %add3A_542 = arith.addi %add3A_405, %reduce_sum3A_541 : i32
    %mul3A_543 = arith.constant 1000 : i32
    %mul3A_544 = vector.broadcast %mul3A_543 : i32 to vector<16xi32>
    %mul3A_545 = arith.muli %add3A_422, %mul3A_544 : vector<16xi32>
    %add3A_546 = vector.broadcast %min3A_5 : i32 to vector<16xi32>
    %add3A_547 = arith.addi %mul3A_545, %add3A_546 : vector<16xi32>
    %mul3A_548 = arith.constant 1000 : i32
    %mul3A_549 = vector.broadcast %mul3A_548 : i32 to vector<16xi32>
    %mul3A_550 = arith.muli %select_n3A_520, %mul3A_549 : vector<16xi32>
    %add3A_551 = vector.broadcast %min3A_5 : i32 to vector<16xi32>
    %add3A_552 = arith.addi %mul3A_550, %add3A_551 : vector<16xi32>
    tpu.vector_store_idx %arg7[%sub3A_536], %add3A_552 masked %and3A_524 : memref<53xi32, #tpu.memory_space<vmem>>[vector<16xi32>], vector<16xi32>, vector<16xi1>
    tpu.vector_store_idx %arg8[%sub3A_536], %add3A_547 masked %and3A_524 : memref<53xi32, #tpu.memory_space<vmem>>[vector<16xi32>], vector<16xi32>, vector<16xi1>
    %sub3A_553 = arith.constant 77 : i32
    %sub3A_554 = vector.broadcast %sub3A_553 : i32 to vector<16xi32>
    %sub3A_555 = arith.subi %select_n3A_520, %sub3A_554 : vector<16xi32>
    tpu.vector_store_idx %arg9[%sub3A_555], %add3A_547 masked %and3A_527 : memref<16xi32, #tpu.memory_space<vmem>>[vector<16xi32>], vector<16xi32>, vector<16xi1>
    %iota3A_556 = tpu.iota {dimensions = array<i32: 0>} : vector<16xi32>
    %add3A_557 = arith.constant 64 : i32
    %add3A_558 = vector.broadcast %add3A_557 : i32 to vector<16xi32>
    %add3A_559 = arith.addi %iota3A_556, %add3A_558 : vector<16xi32>
    %lt3A_560 = arith.constant 69 : i32
    %lt3A_561 = vector.broadcast %lt3A_560 : i32 to vector<16xi32>
    %lt3A_562 = arith.cmpi slt, %add3A_559, %lt3A_561 : vector<16xi32>
    %sub3A_563 = arith.constant 4 : i32
    %sub3A_564 = vector.broadcast %sub3A_563 : i32 to vector<16xi32>
    %sub3A_565 = arith.subi %gather3A_16, %sub3A_564 : vector<16xi32>
    %ge3A_566 = arith.cmpi sge, %add3A_559, %sub3A_565 : vector<16xi32>
    %add3A_567 = arith.constant 8 : i32
    %add3A_568 = vector.broadcast %add3A_567 : i32 to vector<16xi32>
    %add3A_569 = arith.addi %add3A_559, %add3A_568 : vector<16xi32>
    %sub3A_570 = arith.constant 6 : i32
    %sub3A_571 = vector.broadcast %sub3A_570 : i32 to vector<16xi32>
    %sub3A_572 = arith.subi %gather3A_16, %sub3A_571 : vector<16xi32>
    %ge3A_573 = arith.cmpi sge, %add3A_559, %sub3A_572 : vector<16xi32>
    %add3A_574 = arith.constant 77 : i32
    %add3A_575 = arith.constant 14 : i32
    %add3A_576 = arith.addi %add3A_574, %add3A_575 : i32
    %sub3A_577 = arith.constant 6 : i32
    %sub3A_578 = vector.broadcast %sub3A_577 : i32 to vector<16xi32>
    %sub3A_579 = arith.subi %gather3A_16, %sub3A_578 : vector<16xi32>
    %sub3A_580 = arith.subi %add3A_559, %sub3A_579 : vector<16xi32>
    %add3A_581 = vector.broadcast %add3A_576 : i32 to vector<16xi32>
    %add3A_582 = arith.addi %add3A_581, %sub3A_580 : vector<16xi32>
    %sub3A_583 = arith.constant 2 : i32
    %sub3A_584 = vector.broadcast %sub3A_583 : i32 to vector<16xi32>
    %sub3A_585 = arith.subi %gather3A_13, %sub3A_584 : vector<16xi32>
    %ge3A_586 = arith.cmpi sge, %add3A_559, %sub3A_585 : vector<16xi32>
    %add3A_587 = arith.constant 6 : i32
    %add3A_588 = vector.broadcast %add3A_587 : i32 to vector<16xi32>
    %add3A_589 = arith.addi %add3A_559, %add3A_588 : vector<16xi32>
    %sub3A_590 = arith.constant 4 : i32
    %sub3A_591 = vector.broadcast %sub3A_590 : i32 to vector<16xi32>
    %sub3A_592 = arith.subi %gather3A_13, %sub3A_591 : vector<16xi32>
    %ge3A_593 = arith.cmpi sge, %add3A_559, %sub3A_592 : vector<16xi32>
    %add3A_594 = arith.constant 77 : i32
    %add3A_595 = arith.constant 12 : i32
    %add3A_596 = arith.addi %add3A_594, %add3A_595 : i32
    %sub3A_597 = arith.constant 4 : i32
    %sub3A_598 = vector.broadcast %sub3A_597 : i32 to vector<16xi32>
    %sub3A_599 = arith.subi %gather3A_13, %sub3A_598 : vector<16xi32>
    %sub3A_600 = arith.subi %add3A_559, %sub3A_599 : vector<16xi32>
    %add3A_601 = vector.broadcast %add3A_596 : i32 to vector<16xi32>
    %add3A_602 = arith.addi %add3A_601, %sub3A_600 : vector<16xi32>
    %ge3A_603 = arith.cmpi sge, %add3A_559, %gather3A_10 : vector<16xi32>
    %add3A_604 = arith.constant 4 : i32
    %add3A_605 = vector.broadcast %add3A_604 : i32 to vector<16xi32>
    %add3A_606 = arith.addi %add3A_559, %add3A_605 : vector<16xi32>
    %sub3A_607 = arith.constant 2 : i32
    %sub3A_608 = vector.broadcast %sub3A_607 : i32 to vector<16xi32>
    %sub3A_609 = arith.subi %gather3A_10, %sub3A_608 : vector<16xi32>
    %ge3A_610 = arith.cmpi sge, %add3A_559, %sub3A_609 : vector<16xi32>
    %add3A_611 = arith.constant 77 : i32
    %add3A_612 = arith.constant 10 : i32
    %add3A_613 = arith.addi %add3A_611, %add3A_612 : i32
    %sub3A_614 = arith.constant 2 : i32
    %sub3A_615 = vector.broadcast %sub3A_614 : i32 to vector<16xi32>
    %sub3A_616 = arith.subi %gather3A_10, %sub3A_615 : vector<16xi32>
    %sub3A_617 = arith.subi %add3A_559, %sub3A_616 : vector<16xi32>
    %add3A_618 = vector.broadcast %add3A_613 : i32 to vector<16xi32>
    %add3A_619 = arith.addi %add3A_618, %sub3A_617 : vector<16xi32>
    %add3A_620 = arith.constant 2 : i32
    %add3A_621 = vector.broadcast %add3A_620 : i32 to vector<16xi32>
    %add3A_622 = arith.addi %gather3A, %add3A_621 : vector<16xi32>
    %ge3A_623 = arith.cmpi sge, %add3A_559, %add3A_622 : vector<16xi32>
    %add3A_624 = arith.constant 2 : i32
    %add3A_625 = vector.broadcast %add3A_624 : i32 to vector<16xi32>
    %add3A_626 = arith.addi %add3A_559, %add3A_625 : vector<16xi32>
    %ge3A_627 = arith.cmpi sge, %add3A_559, %gather3A : vector<16xi32>
    %add3A_628 = arith.constant 77 : i32
    %add3A_629 = arith.constant 8 : i32
    %add3A_630 = arith.addi %add3A_628, %add3A_629 : i32
    %sub3A_631 = arith.subi %add3A_559, %gather3A : vector<16xi32>
    %add3A_632 = vector.broadcast %add3A_630 : i32 to vector<16xi32>
    %add3A_633 = arith.addi %add3A_632, %sub3A_631 : vector<16xi32>
    %ge3A_634 = arith.constant 9 : i32
    %ge3A_635 = vector.broadcast %ge3A_634 : i32 to vector<16xi32>
    %ge3A_636 = arith.cmpi sge, %add3A_559, %ge3A_635 : vector<16xi32>
    %ge3A_637 = arith.constant 1 : i32
    %ge3A_638 = vector.broadcast %ge3A_637 : i32 to vector<16xi32>
    %ge3A_639 = arith.cmpi sge, %add3A_559, %ge3A_638 : vector<16xi32>
    %sub3A_640 = arith.constant 1 : i32
    %sub3A_641 = vector.broadcast %sub3A_640 : i32 to vector<16xi32>
    %sub3A_642 = arith.subi %add3A_559, %sub3A_641 : vector<16xi32>
    %add3A_643 = arith.constant 77 : i32
    %add3A_644 = vector.broadcast %add3A_643 : i32 to vector<16xi32>
    %add3A_645 = arith.addi %add3A_644, %sub3A_642 : vector<16xi32>
    %jit3A_646 = arith.constant 0 : i32
    %broadcast_in_dim3A_647 = vector.broadcast %jit3A_646 : i32 to vector<16xi32>
    %select_n3A_648 = arith.select %ge3A_639, %add3A_645, %broadcast_in_dim3A_647 : vector<16xi1>, vector<16xi32>
    %select_n3A_649 = arith.select %ge3A_636, %add3A_559, %select_n3A_648 : vector<16xi1>, vector<16xi32>
    %select_n3A_650 = arith.select %ge3A_627, %add3A_633, %select_n3A_649 : vector<16xi1>, vector<16xi32>
    %select_n3A_651 = arith.select %ge3A_623, %add3A_626, %select_n3A_650 : vector<16xi1>, vector<16xi32>
    %select_n3A_652 = arith.select %ge3A_610, %add3A_619, %select_n3A_651 : vector<16xi1>, vector<16xi32>
    %select_n3A_653 = arith.select %ge3A_603, %add3A_606, %select_n3A_652 : vector<16xi1>, vector<16xi32>
    %select_n3A_654 = arith.select %ge3A_593, %add3A_602, %select_n3A_653 : vector<16xi1>, vector<16xi32>
    %select_n3A_655 = arith.select %ge3A_586, %add3A_589, %select_n3A_654 : vector<16xi1>, vector<16xi32>
    %select_n3A_656 = arith.select %ge3A_573, %add3A_582, %select_n3A_655 : vector<16xi1>, vector<16xi32>
    %select_n3A_657 = arith.select %ge3A_566, %add3A_569, %select_n3A_656 : vector<16xi1>, vector<16xi32>
    %lt3A_658 = arith.constant 77 : i32
    %lt3A_659 = vector.broadcast %lt3A_658 : i32 to vector<16xi32>
    %lt3A_660 = arith.cmpi slt, %select_n3A_657, %lt3A_659 : vector<16xi32>
    %and3A_661 = arith.andi %lt3A_660, %lt3A_562 : vector<16xi1>
    %not3A_662 = arith.constant dense<true> : vector<16xi1>
    %not3A_663 = arith.xori %lt3A_660, %not3A_662 : vector<16xi1>
    %and3A_664 = arith.andi %not3A_663, %lt3A_562 : vector<16xi1>
    %convert_element_type3A_665 = arith.extui %and3A_661 : vector<16xi1> to vector<16xi32>
    %broadcast_in_dim3A_666 = arith.constant true
    %broadcast_in_dim3A_667 = vector.broadcast %broadcast_in_dim3A_666 : i1 to vector<16xi1>
    %masked_cumsum3A_668 = tpu.scan <sum>, %convert_element_type3A_665 masked %broadcast_in_dim3A_667 : vector<16xi32>, vector<16xi1> -> vector<16xi32>
    %add3A_669 = vector.broadcast %add3A_542 : i32 to vector<16xi32>
    %add3A_670 = arith.addi %masked_cumsum3A_668, %add3A_669 : vector<16xi32>
    %sub3A_671 = arith.constant 1 : i32
    %sub3A_672 = vector.broadcast %sub3A_671 : i32 to vector<16xi32>
    %sub3A_673 = arith.subi %add3A_670, %sub3A_672 : vector<16xi32>
    %convert_element_type3A_674 = arith.extui %and3A_661 : vector<16xi1> to vector<16xi32>
    %reduce_sum3A_675 = arith.constant true
    %reduce_sum3A_676 = vector.broadcast %reduce_sum3A_675 : i1 to vector<16xi1>
    %reduce_sum3A_677 = tpu.scan <sum>, %convert_element_type3A_674 masked %reduce_sum3A_676 : vector<16xi32>, vector<16xi1> -> vector<16xi32>
    %reduce_sum3A_678 = vector.extract %reduce_sum3A_677[15] : i32 from vector<16xi32>
    %add3A_679 = arith.addi %add3A_542, %reduce_sum3A_678 : i32
    %mul3A_680 = arith.constant 1000 : i32
    %mul3A_681 = vector.broadcast %mul3A_680 : i32 to vector<16xi32>
    %mul3A_682 = arith.muli %add3A_559, %mul3A_681 : vector<16xi32>
    %add3A_683 = vector.broadcast %min3A_5 : i32 to vector<16xi32>
    %add3A_684 = arith.addi %mul3A_682, %add3A_683 : vector<16xi32>
    %mul3A_685 = arith.constant 1000 : i32
    %mul3A_686 = vector.broadcast %mul3A_685 : i32 to vector<16xi32>
    %mul3A_687 = arith.muli %select_n3A_657, %mul3A_686 : vector<16xi32>
    %add3A_688 = vector.broadcast %min3A_5 : i32 to vector<16xi32>
    %add3A_689 = arith.addi %mul3A_687, %add3A_688 : vector<16xi32>
    tpu.vector_store_idx %arg7[%sub3A_673], %add3A_689 masked %and3A_661 : memref<53xi32, #tpu.memory_space<vmem>>[vector<16xi32>], vector<16xi32>, vector<16xi1>
    tpu.vector_store_idx %arg8[%sub3A_673], %add3A_684 masked %and3A_661 : memref<53xi32, #tpu.memory_space<vmem>>[vector<16xi32>], vector<16xi32>, vector<16xi1>
    %sub3A_690 = arith.constant 77 : i32
    %sub3A_691 = vector.broadcast %sub3A_690 : i32 to vector<16xi32>
    %sub3A_692 = arith.subi %select_n3A_657, %sub3A_691 : vector<16xi32>
    tpu.vector_store_idx %arg9[%sub3A_692], %add3A_684 masked %and3A_664 : memref<16xi32, #tpu.memory_space<vmem>>[vector<16xi32>], vector<16xi32>, vector<16xi1>
    %dma_start3A = arith.constant 0 : i32
    %dma_start3A_693 = arith.constant 0 : i32
    %dma_start3A_694 = tpu.memref_slice %arg2[%dma_start3A, %dma_start3A_693] : memref<77000x512xf32, #tpu.memory_space<hbm>> -> memref<77000x512xf32, #tpu.memory_space<hbm>>
    tpu.enqueue_indirect_dma source(%dma_start3A_694 : memref<77000x512xf32, #tpu.memory_space<hbm>>) target(%arg10 : memref<53x512xf32, #tpu.memory_space<vmem>>) offsets(%arg7 : memref<53xi32, #tpu.memory_space<vmem>>) semaphore(%arg17 : memref<!tpu.dma_semaphore, #tpu.memory_space<semaphore_mem>>)
    %mul3A_695 = arith.constant 16 : i32
    %mul3A_696 = arith.muli %min3A_5, %mul3A_695 : i32
    %dma_start3A_697 = arith.constant 0 : i32
    %dma_start3A_698 = tpu.memref_slice %arg3[%mul3A_696, %dma_start3A_697] : memref<16000x512xf32, #tpu.memory_space<hbm>> -> memref<16x512xf32, #tpu.memory_space<hbm>>
    %dma_start3A_699 = arith.constant 0 : i32
    %dma_start3A_700 = tpu.memref_slice %arg3[%mul3A_696, %dma_start3A_699] : memref<16000x512xf32, #tpu.memory_space<hbm>> -> memref<16x512xf32, #tpu.memory_space<hbm>>
    tpu.enqueue_dma source(%dma_start3A_700 : memref<16x512xf32, #tpu.memory_space<hbm>>) target(%arg11 : memref<16x512xf32, #tpu.memory_space<vmem>>) target_semaphore(%arg17 : memref<!tpu.dma_semaphore, #tpu.memory_space<semaphore_mem>>)
    %add3A_701 = arith.constant 1 : i32
    %add3A_702 = arith.addi %mul3A_2, %add3A_701 : i32
    %min3A_703 = arith.constant 999 : i32
    %min3A_704 = arith.minsi %add3A_702, %min3A_703 : i32
    %broadcast_in_dim3A_705 = vector.broadcast %min3A_704 : i32 to vector<16xi32>
    %broadcast_in_dim3A_706 = arith.constant 0 : i32
    %broadcast_in_dim3A_707 = vector.broadcast %broadcast_in_dim3A_706 : i32 to vector<16xi32>
    %gather3A_708 = tpu.vector_load_idx %arg6[%broadcast_in_dim3A_707, %broadcast_in_dim3A_705] : memref<4x1000xi32, #tpu.memory_space<vmem>>[vector<16xi32>, vector<16xi32>], vector<16xi32>,
    %broadcast_in_dim3A_709 = arith.constant 1 : i32
    %broadcast_in_dim3A_710 = vector.broadcast %broadcast_in_dim3A_709 : i32 to vector<16xi32>
    %gather3A_711 = tpu.vector_load_idx %arg6[%broadcast_in_dim3A_710, %broadcast_in_dim3A_705] : memref<4x1000xi32, #tpu.memory_space<vmem>>[vector<16xi32>, vector<16xi32>], vector<16xi32>,
    %broadcast_in_dim3A_712 = arith.constant 2 : i32
    %broadcast_in_dim3A_713 = vector.broadcast %broadcast_in_dim3A_712 : i32 to vector<16xi32>
    %gather3A_714 = tpu.vector_load_idx %arg6[%broadcast_in_dim3A_713, %broadcast_in_dim3A_705] : memref<4x1000xi32, #tpu.memory_space<vmem>>[vector<16xi32>, vector<16xi32>], vector<16xi32>,
    %broadcast_in_dim3A_715 = arith.constant 3 : i32
    %broadcast_in_dim3A_716 = vector.broadcast %broadcast_in_dim3A_715 : i32 to vector<16xi32>
    %gather3A_717 = tpu.vector_load_idx %arg6[%broadcast_in_dim3A_716, %broadcast_in_dim3A_705] : memref<4x1000xi32, #tpu.memory_space<vmem>>[vector<16xi32>, vector<16xi32>], vector<16xi32>,
    %iota3A_718 = tpu.iota {dimensions = array<i32: 0>} : vector<16xi32>
    %add3A_719 = arith.constant 0 : i32
    %add3A_720 = vector.broadcast %add3A_719 : i32 to vector<16xi32>
    %add3A_721 = arith.addi %iota3A_718, %add3A_720 : vector<16xi32>
    %lt3A_722 = arith.constant 69 : i32
    %lt3A_723 = vector.broadcast %lt3A_722 : i32 to vector<16xi32>
    %lt3A_724 = arith.cmpi slt, %add3A_721, %lt3A_723 : vector<16xi32>
    %sub3A_725 = arith.constant 4 : i32
    %sub3A_726 = vector.broadcast %sub3A_725 : i32 to vector<16xi32>
    %sub3A_727 = arith.subi %gather3A_717, %sub3A_726 : vector<16xi32>
    %ge3A_728 = arith.cmpi sge, %add3A_721, %sub3A_727 : vector<16xi32>
    %add3A_729 = arith.constant 8 : i32
    %add3A_730 = vector.broadcast %add3A_729 : i32 to vector<16xi32>
    %add3A_731 = arith.addi %add3A_721, %add3A_730 : vector<16xi32>
    %sub3A_732 = arith.constant 6 : i32
    %sub3A_733 = vector.broadcast %sub3A_732 : i32 to vector<16xi32>
    %sub3A_734 = arith.subi %gather3A_717, %sub3A_733 : vector<16xi32>
    %ge3A_735 = arith.cmpi sge, %add3A_721, %sub3A_734 : vector<16xi32>
    %add3A_736 = arith.constant 77 : i32
    %add3A_737 = arith.constant 14 : i32
    %add3A_738 = arith.addi %add3A_736, %add3A_737 : i32
    %sub3A_739 = arith.constant 6 : i32
    %sub3A_740 = vector.broadcast %sub3A_739 : i32 to vector<16xi32>
    %sub3A_741 = arith.subi %gather3A_717, %sub3A_740 : vector<16xi32>
    %sub3A_742 = arith.subi %add3A_721, %sub3A_741 : vector<16xi32>
    %add3A_743 = vector.broadcast %add3A_738 : i32 to vector<16xi32>
    %add3A_744 = arith.addi %add3A_743, %sub3A_742 : vector<16xi32>
    %sub3A_745 = arith.constant 2 : i32
    %sub3A_746 = vector.broadcast %sub3A_745 : i32 to vector<16xi32>
    %sub3A_747 = arith.subi %gather3A_714, %sub3A_746 : vector<16xi32>
    %ge3A_748 = arith.cmpi sge, %add3A_721, %sub3A_747 : vector<16xi32>
    %add3A_749 = arith.constant 6 : i32
    %add3A_750 = vector.broadcast %add3A_749 : i32 to vector<16xi32>
    %add3A_751 = arith.addi %add3A_721, %add3A_750 : vector<16xi32>
    %sub3A_752 = arith.constant 4 : i32
    %sub3A_753 = vector.broadcast %sub3A_752 : i32 to vector<16xi32>
    %sub3A_754 = arith.subi %gather3A_714, %sub3A_753 : vector<16xi32>
    %ge3A_755 = arith.cmpi sge, %add3A_721, %sub3A_754 : vector<16xi32>
    %add3A_756 = arith.constant 77 : i32
    %add3A_757 = arith.constant 12 : i32
    %add3A_758 = arith.addi %add3A_756, %add3A_757 : i32
    %sub3A_759 = arith.constant 4 : i32
    %sub3A_760 = vector.broadcast %sub3A_759 : i32 to vector<16xi32>
    %sub3A_761 = arith.subi %gather3A_714, %sub3A_760 : vector<16xi32>
    %sub3A_762 = arith.subi %add3A_721, %sub3A_761 : vector<16xi32>
    %add3A_763 = vector.broadcast %add3A_758 : i32 to vector<16xi32>
    %add3A_764 = arith.addi %add3A_763, %sub3A_762 : vector<16xi32>
    %ge3A_765 = arith.cmpi sge, %add3A_721, %gather3A_711 : vector<16xi32>
    %add3A_766 = arith.constant 4 : i32
    %add3A_767 = vector.broadcast %add3A_766 : i32 to vector<16xi32>
    %add3A_768 = arith.addi %add3A_721, %add3A_767 : vector<16xi32>
    %sub3A_769 = arith.constant 2 : i32
    %sub3A_770 = vector.broadcast %sub3A_769 : i32 to vector<16xi32>
    %sub3A_771 = arith.subi %gather3A_711, %sub3A_770 : vector<16xi32>
    %ge3A_772 = arith.cmpi sge, %add3A_721, %sub3A_771 : vector<16xi32>
    %add3A_773 = arith.constant 77 : i32
    %add3A_774 = arith.constant 10 : i32
    %add3A_775 = arith.addi %add3A_773, %add3A_774 : i32
    %sub3A_776 = arith.constant 2 : i32
    %sub3A_777 = vector.broadcast %sub3A_776 : i32 to vector<16xi32>
    %sub3A_778 = arith.subi %gather3A_711, %sub3A_777 : vector<16xi32>
    %sub3A_779 = arith.subi %add3A_721, %sub3A_778 : vector<16xi32>
    %add3A_780 = vector.broadcast %add3A_775 : i32 to vector<16xi32>
    %add3A_781 = arith.addi %add3A_780, %sub3A_779 : vector<16xi32>
    %add3A_782 = arith.constant 2 : i32
    %add3A_783 = vector.broadcast %add3A_782 : i32 to vector<16xi32>
    %add3A_784 = arith.addi %gather3A_708, %add3A_783 : vector<16xi32>
    %ge3A_785 = arith.cmpi sge, %add3A_721, %add3A_784 : vector<16xi32>
    %add3A_786 = arith.constant 2 : i32
    %add3A_787 = vector.broadcast %add3A_786 : i32 to vector<16xi32>
    %add3A_788 = arith.addi %add3A_721, %add3A_787 : vector<16xi32>
    %ge3A_789 = arith.cmpi sge, %add3A_721, %gather3A_708 : vector<16xi32>
    %add3A_790 = arith.constant 77 : i32
    %add3A_791 = arith.constant 8 : i32
    %add3A_792 = arith.addi %add3A_790, %add3A_791 : i32
    %sub3A_793 = arith.subi %add3A_721, %gather3A_708 : vector<16xi32>
    %add3A_794 = vector.broadcast %add3A_792 : i32 to vector<16xi32>
    %add3A_795 = arith.addi %add3A_794, %sub3A_793 : vector<16xi32>
    %ge3A_796 = arith.constant 9 : i32
    %ge3A_797 = vector.broadcast %ge3A_796 : i32 to vector<16xi32>
    %ge3A_798 = arith.cmpi sge, %add3A_721, %ge3A_797 : vector<16xi32>
    %ge3A_799 = arith.constant 1 : i32
    %ge3A_800 = vector.broadcast %ge3A_799 : i32 to vector<16xi32>
    %ge3A_801 = arith.cmpi sge, %add3A_721, %ge3A_800 : vector<16xi32>
    %sub3A_802 = arith.constant 1 : i32
    %sub3A_803 = vector.broadcast %sub3A_802 : i32 to vector<16xi32>
    %sub3A_804 = arith.subi %add3A_721, %sub3A_803 : vector<16xi32>
    %add3A_805 = arith.constant 77 : i32
    %add3A_806 = vector.broadcast %add3A_805 : i32 to vector<16xi32>
    %add3A_807 = arith.addi %add3A_806, %sub3A_804 : vector<16xi32>
    %jit3A_808 = arith.constant 0 : i32
    %broadcast_in_dim3A_809 = vector.broadcast %jit3A_808 : i32 to vector<16xi32>
    %select_n3A_810 = arith.select %ge3A_801, %add3A_807, %broadcast_in_dim3A_809 : vector<16xi1>, vector<16xi32>
    %select_n3A_811 = arith.select %ge3A_798, %add3A_721, %select_n3A_810 : vector<16xi1>, vector<16xi32>
    %select_n3A_812 = arith.select %ge3A_789, %add3A_795, %select_n3A_811 : vector<16xi1>, vector<16xi32>
    %select_n3A_813 = arith.select %ge3A_785, %add3A_788, %select_n3A_812 : vector<16xi1>, vector<16xi32>
    %select_n3A_814 = arith.select %ge3A_772, %add3A_781, %select_n3A_813 : vector<16xi1>, vector<16xi32>
    %select_n3A_815 = arith.select %ge3A_765, %add3A_768, %select_n3A_814 : vector<16xi1>, vector<16xi32>
    %select_n3A_816 = arith.select %ge3A_755, %add3A_764, %select_n3A_815 : vector<16xi1>, vector<16xi32>
    %select_n3A_817 = arith.select %ge3A_748, %add3A_751, %select_n3A_816 : vector<16xi1>, vector<16xi32>
    %select_n3A_818 = arith.select %ge3A_735, %add3A_744, %select_n3A_817 : vector<16xi1>, vector<16xi32>
    %select_n3A_819 = arith.select %ge3A_728, %add3A_731, %select_n3A_818 : vector<16xi1>, vector<16xi32>
    %lt3A_820 = arith.constant 77 : i32
    %lt3A_821 = vector.broadcast %lt3A_820 : i32 to vector<16xi32>
    %lt3A_822 = arith.cmpi slt, %select_n3A_819, %lt3A_821 : vector<16xi32>
    %and3A_823 = arith.andi %lt3A_822, %lt3A_724 : vector<16xi1>
    %not3A_824 = arith.constant dense<true> : vector<16xi1>
    %not3A_825 = arith.xori %lt3A_822, %not3A_824 : vector<16xi1>
    %and3A_826 = arith.andi %not3A_825, %lt3A_724 : vector<16xi1>
    %convert_element_type3A_827 = arith.extui %and3A_823 : vector<16xi1> to vector<16xi32>
    %broadcast_in_dim3A_828 = arith.constant true
    %broadcast_in_dim3A_829 = vector.broadcast %broadcast_in_dim3A_828 : i1 to vector<16xi1>
    %masked_cumsum3A_830 = tpu.scan <sum>, %convert_element_type3A_827 masked %broadcast_in_dim3A_829 : vector<16xi32>, vector<16xi1> -> vector<16xi32>
    %add3A_831 = arith.constant 0 : i32
    %add3A_832 = vector.broadcast %add3A_831 : i32 to vector<16xi32>
    %add3A_833 = arith.addi %masked_cumsum3A_830, %add3A_832 : vector<16xi32>
    %sub3A_834 = arith.constant 1 : i32
    %sub3A_835 = vector.broadcast %sub3A_834 : i32 to vector<16xi32>
    %sub3A_836 = arith.subi %add3A_833, %sub3A_835 : vector<16xi32>
    %convert_element_type3A_837 = arith.extui %and3A_823 : vector<16xi1> to vector<16xi32>
    %reduce_sum3A_838 = arith.constant true
    %reduce_sum3A_839 = vector.broadcast %reduce_sum3A_838 : i1 to vector<16xi1>
    %reduce_sum3A_840 = tpu.scan <sum>, %convert_element_type3A_837 masked %reduce_sum3A_839 : vector<16xi32>, vector<16xi1> -> vector<16xi32>
    %reduce_sum3A_841 = vector.extract %reduce_sum3A_840[15] : i32 from vector<16xi32>
    %add3A_842 = arith.constant 0 : i32
    %add3A_843 = arith.addi %add3A_842, %reduce_sum3A_841 : i32
    %mul3A_844 = arith.constant 1000 : i32
    %mul3A_845 = vector.broadcast %mul3A_844 : i32 to vector<16xi32>
    %mul3A_846 = arith.muli %add3A_721, %mul3A_845 : vector<16xi32>
    %add3A_847 = vector.broadcast %min3A_704 : i32 to vector<16xi32>
    %add3A_848 = arith.addi %mul3A_846, %add3A_847 : vector<16xi32>
    %mul3A_849 = arith.constant 1000 : i32
    %mul3A_850 = vector.broadcast %mul3A_849 : i32 to vector<16xi32>
    %mul3A_851 = arith.muli %select_n3A_819, %mul3A_850 : vector<16xi32>
    %add3A_852 = vector.broadcast %min3A_704 : i32 to vector<16xi32>
    %add3A_853 = arith.addi %mul3A_851, %add3A_852 : vector<16xi32>
    tpu.vector_store_idx %arg12[%sub3A_836], %add3A_853 masked %and3A_823 : memref<53xi32, #tpu.memory_space<vmem>>[vector<16xi32>], vector<16xi32>, vector<16xi1>
    tpu.vector_store_idx %arg13[%sub3A_836], %add3A_848 masked %and3A_823 : memref<53xi32, #tpu.memory_space<vmem>>[vector<16xi32>], vector<16xi32>, vector<16xi1>
    %sub3A_854 = arith.constant 77 : i32
    %sub3A_855 = vector.broadcast %sub3A_854 : i32 to vector<16xi32>
    %sub3A_856 = arith.subi %select_n3A_819, %sub3A_855 : vector<16xi32>
    tpu.vector_store_idx %arg14[%sub3A_856], %add3A_848 masked %and3A_826 : memref<16xi32, #tpu.memory_space<vmem>>[vector<16xi32>], vector<16xi32>, vector<16xi1>
    %iota3A_857 = tpu.iota {dimensions = array<i32: 0>} : vector<16xi32>
    %add3A_858 = arith.constant 16 : i32
    %add3A_859 = vector.broadcast %add3A_858 : i32 to vector<16xi32>
    %add3A_860 = arith.addi %iota3A_857, %add3A_859 : vector<16xi32>
    %lt3A_861 = arith.constant 69 : i32
    %lt3A_862 = vector.broadcast %lt3A_861 : i32 to vector<16xi32>
    %lt3A_863 = arith.cmpi slt, %add3A_860, %lt3A_862 : vector<16xi32>
    %sub3A_864 = arith.constant 4 : i32
    %sub3A_865 = vector.broadcast %sub3A_864 : i32 to vector<16xi32>
    %sub3A_866 = arith.subi %gather3A_717, %sub3A_865 : vector<16xi32>
    %ge3A_867 = arith.cmpi sge, %add3A_860, %sub3A_866 : vector<16xi32>
    %add3A_868 = arith.constant 8 : i32
    %add3A_869 = vector.broadcast %add3A_868 : i32 to vector<16xi32>
    %add3A_870 = arith.addi %add3A_860, %add3A_869 : vector<16xi32>
    %sub3A_871 = arith.constant 6 : i32
    %sub3A_872 = vector.broadcast %sub3A_871 : i32 to vector<16xi32>
    %sub3A_873 = arith.subi %gather3A_717, %sub3A_872 : vector<16xi32>
    %ge3A_874 = arith.cmpi sge, %add3A_860, %sub3A_873 : vector<16xi32>
    %add3A_875 = arith.constant 77 : i32
    %add3A_876 = arith.constant 14 : i32
    %add3A_877 = arith.addi %add3A_875, %add3A_876 : i32
    %sub3A_878 = arith.constant 6 : i32
    %sub3A_879 = vector.broadcast %sub3A_878 : i32 to vector<16xi32>
    %sub3A_880 = arith.subi %gather3A_717, %sub3A_879 : vector<16xi32>
    %sub3A_881 = arith.subi %add3A_860, %sub3A_880 : vector<16xi32>
    %add3A_882 = vector.broadcast %add3A_877 : i32 to vector<16xi32>
    %add3A_883 = arith.addi %add3A_882, %sub3A_881 : vector<16xi32>
    %sub3A_884 = arith.constant 2 : i32
    %sub3A_885 = vector.broadcast %sub3A_884 : i32 to vector<16xi32>
    %sub3A_886 = arith.subi %gather3A_714, %sub3A_885 : vector<16xi32>
    %ge3A_887 = arith.cmpi sge, %add3A_860, %sub3A_886 : vector<16xi32>
    %add3A_888 = arith.constant 6 : i32
    %add3A_889 = vector.broadcast %add3A_888 : i32 to vector<16xi32>
    %add3A_890 = arith.addi %add3A_860, %add3A_889 : vector<16xi32>
    %sub3A_891 = arith.constant 4 : i32
    %sub3A_892 = vector.broadcast %sub3A_891 : i32 to vector<16xi32>
    %sub3A_893 = arith.subi %gather3A_714, %sub3A_892 : vector<16xi32>
    %ge3A_894 = arith.cmpi sge, %add3A_860, %sub3A_893 : vector<16xi32>
    %add3A_895 = arith.constant 77 : i32
    %add3A_896 = arith.constant 12 : i32
    %add3A_897 = arith.addi %add3A_895, %add3A_896 : i32
    %sub3A_898 = arith.constant 4 : i32
    %sub3A_899 = vector.broadcast %sub3A_898 : i32 to vector<16xi32>
    %sub3A_900 = arith.subi %gather3A_714, %sub3A_899 : vector<16xi32>
    %sub3A_901 = arith.subi %add3A_860, %sub3A_900 : vector<16xi32>
    %add3A_902 = vector.broadcast %add3A_897 : i32 to vector<16xi32>
    %add3A_903 = arith.addi %add3A_902, %sub3A_901 : vector<16xi32>
    %ge3A_904 = arith.cmpi sge, %add3A_860, %gather3A_711 : vector<16xi32>
    %add3A_905 = arith.constant 4 : i32
    %add3A_906 = vector.broadcast %add3A_905 : i32 to vector<16xi32>
    %add3A_907 = arith.addi %add3A_860, %add3A_906 : vector<16xi32>
    %sub3A_908 = arith.constant 2 : i32
    %sub3A_909 = vector.broadcast %sub3A_908 : i32 to vector<16xi32>
    %sub3A_910 = arith.subi %gather3A_711, %sub3A_909 : vector<16xi32>
    %ge3A_911 = arith.cmpi sge, %add3A_860, %sub3A_910 : vector<16xi32>
    %add3A_912 = arith.constant 77 : i32
    %add3A_913 = arith.constant 10 : i32
    %add3A_914 = arith.addi %add3A_912, %add3A_913 : i32
    %sub3A_915 = arith.constant 2 : i32
    %sub3A_916 = vector.broadcast %sub3A_915 : i32 to vector<16xi32>
    %sub3A_917 = arith.subi %gather3A_711, %sub3A_916 : vector<16xi32>
    %sub3A_918 = arith.subi %add3A_860, %sub3A_917 : vector<16xi32>
    %add3A_919 = vector.broadcast %add3A_914 : i32 to vector<16xi32>
    %add3A_920 = arith.addi %add3A_919, %sub3A_918 : vector<16xi32>
    %add3A_921 = arith.constant 2 : i32
    %add3A_922 = vector.broadcast %add3A_921 : i32 to vector<16xi32>
    %add3A_923 = arith.addi %gather3A_708, %add3A_922 : vector<16xi32>
    %ge3A_924 = arith.cmpi sge, %add3A_860, %add3A_923 : vector<16xi32>
    %add3A_925 = arith.constant 2 : i32
    %add3A_926 = vector.broadcast %add3A_925 : i32 to vector<16xi32>
    %add3A_927 = arith.addi %add3A_860, %add3A_926 : vector<16xi32>
    %ge3A_928 = arith.cmpi sge, %add3A_860, %gather3A_708 : vector<16xi32>
    %add3A_929 = arith.constant 77 : i32
    %add3A_930 = arith.constant 8 : i32
    %add3A_931 = arith.addi %add3A_929, %add3A_930 : i32
    %sub3A_932 = arith.subi %add3A_860, %gather3A_708 : vector<16xi32>
    %add3A_933 = vector.broadcast %add3A_931 : i32 to vector<16xi32>
    %add3A_934 = arith.addi %add3A_933, %sub3A_932 : vector<16xi32>
    %ge3A_935 = arith.constant 9 : i32
    %ge3A_936 = vector.broadcast %ge3A_935 : i32 to vector<16xi32>
    %ge3A_937 = arith.cmpi sge, %add3A_860, %ge3A_936 : vector<16xi32>
    %ge3A_938 = arith.constant 1 : i32
    %ge3A_939 = vector.broadcast %ge3A_938 : i32 to vector<16xi32>
    %ge3A_940 = arith.cmpi sge, %add3A_860, %ge3A_939 : vector<16xi32>
    %sub3A_941 = arith.constant 1 : i32
    %sub3A_942 = vector.broadcast %sub3A_941 : i32 to vector<16xi32>
    %sub3A_943 = arith.subi %add3A_860, %sub3A_942 : vector<16xi32>
    %add3A_944 = arith.constant 77 : i32
    %add3A_945 = vector.broadcast %add3A_944 : i32 to vector<16xi32>
    %add3A_946 = arith.addi %add3A_945, %sub3A_943 : vector<16xi32>
    %jit3A_947 = arith.constant 0 : i32
    %broadcast_in_dim3A_948 = vector.broadcast %jit3A_947 : i32 to vector<16xi32>
    %select_n3A_949 = arith.select %ge3A_940, %add3A_946, %broadcast_in_dim3A_948 : vector<16xi1>, vector<16xi32>
    %select_n3A_950 = arith.select %ge3A_937, %add3A_860, %select_n3A_949 : vector<16xi1>, vector<16xi32>
    %select_n3A_951 = arith.select %ge3A_928, %add3A_934, %select_n3A_950 : vector<16xi1>, vector<16xi32>
    %select_n3A_952 = arith.select %ge3A_924, %add3A_927, %select_n3A_951 : vector<16xi1>, vector<16xi32>
    %select_n3A_953 = arith.select %ge3A_911, %add3A_920, %select_n3A_952 : vector<16xi1>, vector<16xi32>
    %select_n3A_954 = arith.select %ge3A_904, %add3A_907, %select_n3A_953 : vector<16xi1>, vector<16xi32>
    %select_n3A_955 = arith.select %ge3A_894, %add3A_903, %select_n3A_954 : vector<16xi1>, vector<16xi32>
    %select_n3A_956 = arith.select %ge3A_887, %add3A_890, %select_n3A_955 : vector<16xi1>, vector<16xi32>
    %select_n3A_957 = arith.select %ge3A_874, %add3A_883, %select_n3A_956 : vector<16xi1>, vector<16xi32>
    %select_n3A_958 = arith.select %ge3A_867, %add3A_870, %select_n3A_957 : vector<16xi1>, vector<16xi32>
    %lt3A_959 = arith.constant 77 : i32
    %lt3A_960 = vector.broadcast %lt3A_959 : i32 to vector<16xi32>
    %lt3A_961 = arith.cmpi slt, %select_n3A_958, %lt3A_960 : vector<16xi32>
    %and3A_962 = arith.andi %lt3A_961, %lt3A_863 : vector<16xi1>
    %not3A_963 = arith.constant dense<true> : vector<16xi1>
    %not3A_964 = arith.xori %lt3A_961, %not3A_963 : vector<16xi1>
    %and3A_965 = arith.andi %not3A_964, %lt3A_863 : vector<16xi1>
    %convert_element_type3A_966 = arith.extui %and3A_962 : vector<16xi1> to vector<16xi32>
    %broadcast_in_dim3A_967 = arith.constant true
    %broadcast_in_dim3A_968 = vector.broadcast %broadcast_in_dim3A_967 : i1 to vector<16xi1>
    %masked_cumsum3A_969 = tpu.scan <sum>, %convert_element_type3A_966 masked %broadcast_in_dim3A_968 : vector<16xi32>, vector<16xi1> -> vector<16xi32>
    %add3A_970 = vector.broadcast %add3A_843 : i32 to vector<16xi32>
    %add3A_971 = arith.addi %masked_cumsum3A_969, %add3A_970 : vector<16xi32>
    %sub3A_972 = arith.constant 1 : i32
    %sub3A_973 = vector.broadcast %sub3A_972 : i32 to vector<16xi32>
    %sub3A_974 = arith.subi %add3A_971, %sub3A_973 : vector<16xi32>
    %convert_element_type3A_975 = arith.extui %and3A_962 : vector<16xi1> to vector<16xi32>
    %reduce_sum3A_976 = arith.constant true
    %reduce_sum3A_977 = vector.broadcast %reduce_sum3A_976 : i1 to vector<16xi1>
    %reduce_sum3A_978 = tpu.scan <sum>, %convert_element_type3A_975 masked %reduce_sum3A_977 : vector<16xi32>, vector<16xi1> -> vector<16xi32>
    %reduce_sum3A_979 = vector.extract %reduce_sum3A_978[15] : i32 from vector<16xi32>
    %add3A_980 = arith.addi %add3A_843, %reduce_sum3A_979 : i32
    %mul3A_981 = arith.constant 1000 : i32
    %mul3A_982 = vector.broadcast %mul3A_981 : i32 to vector<16xi32>
    %mul3A_983 = arith.muli %add3A_860, %mul3A_982 : vector<16xi32>
    %add3A_984 = vector.broadcast %min3A_704 : i32 to vector<16xi32>
    %add3A_985 = arith.addi %mul3A_983, %add3A_984 : vector<16xi32>
    %mul3A_986 = arith.constant 1000 : i32
    %mul3A_987 = vector.broadcast %mul3A_986 : i32 to vector<16xi32>
    %mul3A_988 = arith.muli %select_n3A_958, %mul3A_987 : vector<16xi32>
    %add3A_989 = vector.broadcast %min3A_704 : i32 to vector<16xi32>
    %add3A_990 = arith.addi %mul3A_988, %add3A_989 : vector<16xi32>
    tpu.vector_store_idx %arg12[%sub3A_974], %add3A_990 masked %and3A_962 : memref<53xi32, #tpu.memory_space<vmem>>[vector<16xi32>], vector<16xi32>, vector<16xi1>
    tpu.vector_store_idx %arg13[%sub3A_974], %add3A_985 masked %and3A_962 : memref<53xi32, #tpu.memory_space<vmem>>[vector<16xi32>], vector<16xi32>, vector<16xi1>
    %sub3A_991 = arith.constant 77 : i32
    %sub3A_992 = vector.broadcast %sub3A_991 : i32 to vector<16xi32>
    %sub3A_993 = arith.subi %select_n3A_958, %sub3A_992 : vector<16xi32>
    tpu.vector_store_idx %arg14[%sub3A_993], %add3A_985 masked %and3A_965 : memref<16xi32, #tpu.memory_space<vmem>>[vector<16xi32>], vector<16xi32>, vector<16xi1>
    %iota3A_994 = tpu.iota {dimensions = array<i32: 0>} : vector<16xi32>
    %add3A_995 = arith.constant 32 : i32
    %add3A_996 = vector.broadcast %add3A_995 : i32 to vector<16xi32>
    %add3A_997 = arith.addi %iota3A_994, %add3A_996 : vector<16xi32>
    %lt3A_998 = arith.constant 69 : i32
    %lt3A_999 = vector.broadcast %lt3A_998 : i32 to vector<16xi32>
    %lt3A_1000 = arith.cmpi slt, %add3A_997, %lt3A_999 : vector<16xi32>
    %sub3A_1001 = arith.constant 4 : i32
    %sub3A_1002 = vector.broadcast %sub3A_1001 : i32 to vector<16xi32>
    %sub3A_1003 = arith.subi %gather3A_717, %sub3A_1002 : vector<16xi32>
    %ge3A_1004 = arith.cmpi sge, %add3A_997, %sub3A_1003 : vector<16xi32>
    %add3A_1005 = arith.constant 8 : i32
    %add3A_1006 = vector.broadcast %add3A_1005 : i32 to vector<16xi32>
    %add3A_1007 = arith.addi %add3A_997, %add3A_1006 : vector<16xi32>
    %sub3A_1008 = arith.constant 6 : i32
    %sub3A_1009 = vector.broadcast %sub3A_1008 : i32 to vector<16xi32>
    %sub3A_1010 = arith.subi %gather3A_717, %sub3A_1009 : vector<16xi32>
    %ge3A_1011 = arith.cmpi sge, %add3A_997, %sub3A_1010 : vector<16xi32>
    %add3A_1012 = arith.constant 77 : i32
    %add3A_1013 = arith.constant 14 : i32
    %add3A_1014 = arith.addi %add3A_1012, %add3A_1013 : i32
    %sub3A_1015 = arith.constant 6 : i32
    %sub3A_1016 = vector.broadcast %sub3A_1015 : i32 to vector<16xi32>
    %sub3A_1017 = arith.subi %gather3A_717, %sub3A_1016 : vector<16xi32>
    %sub3A_1018 = arith.subi %add3A_997, %sub3A_1017 : vector<16xi32>
    %add3A_1019 = vector.broadcast %add3A_1014 : i32 to vector<16xi32>
    %add3A_1020 = arith.addi %add3A_1019, %sub3A_1018 : vector<16xi32>
    %sub3A_1021 = arith.constant 2 : i32
    %sub3A_1022 = vector.broadcast %sub3A_1021 : i32 to vector<16xi32>
    %sub3A_1023 = arith.subi %gather3A_714, %sub3A_1022 : vector<16xi32>
    %ge3A_1024 = arith.cmpi sge, %add3A_997, %sub3A_1023 : vector<16xi32>
    %add3A_1025 = arith.constant 6 : i32
    %add3A_1026 = vector.broadcast %add3A_1025 : i32 to vector<16xi32>
    %add3A_1027 = arith.addi %add3A_997, %add3A_1026 : vector<16xi32>
    %sub3A_1028 = arith.constant 4 : i32
    %sub3A_1029 = vector.broadcast %sub3A_1028 : i32 to vector<16xi32>
    %sub3A_1030 = arith.subi %gather3A_714, %sub3A_1029 : vector<16xi32>
    %ge3A_1031 = arith.cmpi sge, %add3A_997, %sub3A_1030 : vector<16xi32>
    %add3A_1032 = arith.constant 77 : i32
    %add3A_1033 = arith.constant 12 : i32
    %add3A_1034 = arith.addi %add3A_1032, %add3A_1033 : i32
    %sub3A_1035 = arith.constant 4 : i32
    %sub3A_1036 = vector.broadcast %sub3A_1035 : i32 to vector<16xi32>
    %sub3A_1037 = arith.subi %gather3A_714, %sub3A_1036 : vector<16xi32>
    %sub3A_1038 = arith.subi %add3A_997, %sub3A_1037 : vector<16xi32>
    %add3A_1039 = vector.broadcast %add3A_1034 : i32 to vector<16xi32>
    %add3A_1040 = arith.addi %add3A_1039, %sub3A_1038 : vector<16xi32>
    %ge3A_1041 = arith.cmpi sge, %add3A_997, %gather3A_711 : vector<16xi32>
    %add3A_1042 = arith.constant 4 : i32
    %add3A_1043 = vector.broadcast %add3A_1042 : i32 to vector<16xi32>
    %add3A_1044 = arith.addi %add3A_997, %add3A_1043 : vector<16xi32>
    %sub3A_1045 = arith.constant 2 : i32
    %sub3A_1046 = vector.broadcast %sub3A_1045 : i32 to vector<16xi32>
    %sub3A_1047 = arith.subi %gather3A_711, %sub3A_1046 : vector<16xi32>
    %ge3A_1048 = arith.cmpi sge, %add3A_997, %sub3A_1047 : vector<16xi32>
    %add3A_1049 = arith.constant 77 : i32
    %add3A_1050 = arith.constant 10 : i32
    %add3A_1051 = arith.addi %add3A_1049, %add3A_1050 : i32
    %sub3A_1052 = arith.constant 2 : i32
    %sub3A_1053 = vector.broadcast %sub3A_1052 : i32 to vector<16xi32>
    %sub3A_1054 = arith.subi %gather3A_711, %sub3A_1053 : vector<16xi32>
    %sub3A_1055 = arith.subi %add3A_997, %sub3A_1054 : vector<16xi32>
    %add3A_1056 = vector.broadcast %add3A_1051 : i32 to vector<16xi32>
    %add3A_1057 = arith.addi %add3A_1056, %sub3A_1055 : vector<16xi32>
    %add3A_1058 = arith.constant 2 : i32
    %add3A_1059 = vector.broadcast %add3A_1058 : i32 to vector<16xi32>
    %add3A_1060 = arith.addi %gather3A_708, %add3A_1059 : vector<16xi32>
    %ge3A_1061 = arith.cmpi sge, %add3A_997, %add3A_1060 : vector<16xi32>
    %add3A_1062 = arith.constant 2 : i32
    %add3A_1063 = vector.broadcast %add3A_1062 : i32 to vector<16xi32>
    %add3A_1064 = arith.addi %add3A_997, %add3A_1063 : vector<16xi32>
    %ge3A_1065 = arith.cmpi sge, %add3A_997, %gather3A_708 : vector<16xi32>
    %add3A_1066 = arith.constant 77 : i32
    %add3A_1067 = arith.constant 8 : i32
    %add3A_1068 = arith.addi %add3A_1066, %add3A_1067 : i32
    %sub3A_1069 = arith.subi %add3A_997, %gather3A_708 : vector<16xi32>
    %add3A_1070 = vector.broadcast %add3A_1068 : i32 to vector<16xi32>
    %add3A_1071 = arith.addi %add3A_1070, %sub3A_1069 : vector<16xi32>
    %ge3A_1072 = arith.constant 9 : i32
    %ge3A_1073 = vector.broadcast %ge3A_1072 : i32 to vector<16xi32>
    %ge3A_1074 = arith.cmpi sge, %add3A_997, %ge3A_1073 : vector<16xi32>
    %ge3A_1075 = arith.constant 1 : i32
    %ge3A_1076 = vector.broadcast %ge3A_1075 : i32 to vector<16xi32>
    %ge3A_1077 = arith.cmpi sge, %add3A_997, %ge3A_1076 : vector<16xi32>
    %sub3A_1078 = arith.constant 1 : i32
    %sub3A_1079 = vector.broadcast %sub3A_1078 : i32 to vector<16xi32>
    %sub3A_1080 = arith.subi %add3A_997, %sub3A_1079 : vector<16xi32>
    %add3A_1081 = arith.constant 77 : i32
    %add3A_1082 = vector.broadcast %add3A_1081 : i32 to vector<16xi32>
    %add3A_1083 = arith.addi %add3A_1082, %sub3A_1080 : vector<16xi32>
    %jit3A_1084 = arith.constant 0 : i32
    %broadcast_in_dim3A_1085 = vector.broadcast %jit3A_1084 : i32 to vector<16xi32>
    %select_n3A_1086 = arith.select %ge3A_1077, %add3A_1083, %broadcast_in_dim3A_1085 : vector<16xi1>, vector<16xi32>
    %select_n3A_1087 = arith.select %ge3A_1074, %add3A_997, %select_n3A_1086 : vector<16xi1>, vector<16xi32>
    %select_n3A_1088 = arith.select %ge3A_1065, %add3A_1071, %select_n3A_1087 : vector<16xi1>, vector<16xi32>
    %select_n3A_1089 = arith.select %ge3A_1061, %add3A_1064, %select_n3A_1088 : vector<16xi1>, vector<16xi32>
    %select_n3A_1090 = arith.select %ge3A_1048, %add3A_1057, %select_n3A_1089 : vector<16xi1>, vector<16xi32>
    %select_n3A_1091 = arith.select %ge3A_1041, %add3A_1044, %select_n3A_1090 : vector<16xi1>, vector<16xi32>
    %select_n3A_1092 = arith.select %ge3A_1031, %add3A_1040, %select_n3A_1091 : vector<16xi1>, vector<16xi32>
    %select_n3A_1093 = arith.select %ge3A_1024, %add3A_1027, %select_n3A_1092 : vector<16xi1>, vector<16xi32>
    %select_n3A_1094 = arith.select %ge3A_1011, %add3A_1020, %select_n3A_1093 : vector<16xi1>, vector<16xi32>
    %select_n3A_1095 = arith.select %ge3A_1004, %add3A_1007, %select_n3A_1094 : vector<16xi1>, vector<16xi32>
    %lt3A_1096 = arith.constant 77 : i32
    %lt3A_1097 = vector.broadcast %lt3A_1096 : i32 to vector<16xi32>
    %lt3A_1098 = arith.cmpi slt, %select_n3A_1095, %lt3A_1097 : vector<16xi32>
    %and3A_1099 = arith.andi %lt3A_1098, %lt3A_1000 : vector<16xi1>
    %not3A_1100 = arith.constant dense<true> : vector<16xi1>
    %not3A_1101 = arith.xori %lt3A_1098, %not3A_1100 : vector<16xi1>
    %and3A_1102 = arith.andi %not3A_1101, %lt3A_1000 : vector<16xi1>
    %convert_element_type3A_1103 = arith.extui %and3A_1099 : vector<16xi1> to vector<16xi32>
    %broadcast_in_dim3A_1104 = arith.constant true
    %broadcast_in_dim3A_1105 = vector.broadcast %broadcast_in_dim3A_1104 : i1 to vector<16xi1>
    %masked_cumsum3A_1106 = tpu.scan <sum>, %convert_element_type3A_1103 masked %broadcast_in_dim3A_1105 : vector<16xi32>, vector<16xi1> -> vector<16xi32>
    %add3A_1107 = vector.broadcast %add3A_980 : i32 to vector<16xi32>
    %add3A_1108 = arith.addi %masked_cumsum3A_1106, %add3A_1107 : vector<16xi32>
    %sub3A_1109 = arith.constant 1 : i32
    %sub3A_1110 = vector.broadcast %sub3A_1109 : i32 to vector<16xi32>
    %sub3A_1111 = arith.subi %add3A_1108, %sub3A_1110 : vector<16xi32>
    %convert_element_type3A_1112 = arith.extui %and3A_1099 : vector<16xi1> to vector<16xi32>
    %reduce_sum3A_1113 = arith.constant true
    %reduce_sum3A_1114 = vector.broadcast %reduce_sum3A_1113 : i1 to vector<16xi1>
    %reduce_sum3A_1115 = tpu.scan <sum>, %convert_element_type3A_1112 masked %reduce_sum3A_1114 : vector<16xi32>, vector<16xi1> -> vector<16xi32>
    %reduce_sum3A_1116 = vector.extract %reduce_sum3A_1115[15] : i32 from vector<16xi32>
    %add3A_1117 = arith.addi %add3A_980, %reduce_sum3A_1116 : i32
    %mul3A_1118 = arith.constant 1000 : i32
    %mul3A_1119 = vector.broadcast %mul3A_1118 : i32 to vector<16xi32>
    %mul3A_1120 = arith.muli %add3A_997, %mul3A_1119 : vector<16xi32>
    %add3A_1121 = vector.broadcast %min3A_704 : i32 to vector<16xi32>
    %add3A_1122 = arith.addi %mul3A_1120, %add3A_1121 : vector<16xi32>
    %mul3A_1123 = arith.constant 1000 : i32
    %mul3A_1124 = vector.broadcast %mul3A_1123 : i32 to vector<16xi32>
    %mul3A_1125 = arith.muli %select_n3A_1095, %mul3A_1124 : vector<16xi32>
    %add3A_1126 = vector.broadcast %min3A_704 : i32 to vector<16xi32>
    %add3A_1127 = arith.addi %mul3A_1125, %add3A_1126 : vector<16xi32>
    tpu.vector_store_idx %arg12[%sub3A_1111], %add3A_1127 masked %and3A_1099 : memref<53xi32, #tpu.memory_space<vmem>>[vector<16xi32>], vector<16xi32>, vector<16xi1>
    tpu.vector_store_idx %arg13[%sub3A_1111], %add3A_1122 masked %and3A_1099 : memref<53xi32, #tpu.memory_space<vmem>>[vector<16xi32>], vector<16xi32>, vector<16xi1>
    %sub3A_1128 = arith.constant 77 : i32
    %sub3A_1129 = vector.broadcast %sub3A_1128 : i32 to vector<16xi32>
    %sub3A_1130 = arith.subi %select_n3A_1095, %sub3A_1129 : vector<16xi32>
    tpu.vector_store_idx %arg14[%sub3A_1130], %add3A_1122 masked %and3A_1102 : memref<16xi32, #tpu.memory_space<vmem>>[vector<16xi32>], vector<16xi32>, vector<16xi1>
    %iota3A_1131 = tpu.iota {dimensions = array<i32: 0>} : vector<16xi32>
    %add3A_1132 = arith.constant 48 : i32
    %add3A_1133 = vector.broadcast %add3A_1132 : i32 to vector<16xi32>
    %add3A_1134 = arith.addi %iota3A_1131, %add3A_1133 : vector<16xi32>
    %lt3A_1135 = arith.constant 69 : i32
    %lt3A_1136 = vector.broadcast %lt3A_1135 : i32 to vector<16xi32>
    %lt3A_1137 = arith.cmpi slt, %add3A_1134, %lt3A_1136 : vector<16xi32>
    %sub3A_1138 = arith.constant 4 : i32
    %sub3A_1139 = vector.broadcast %sub3A_1138 : i32 to vector<16xi32>
    %sub3A_1140 = arith.subi %gather3A_717, %sub3A_1139 : vector<16xi32>
    %ge3A_1141 = arith.cmpi sge, %add3A_1134, %sub3A_1140 : vector<16xi32>
    %add3A_1142 = arith.constant 8 : i32
    %add3A_1143 = vector.broadcast %add3A_1142 : i32 to vector<16xi32>
    %add3A_1144 = arith.addi %add3A_1134, %add3A_1143 : vector<16xi32>
    %sub3A_1145 = arith.constant 6 : i32
    %sub3A_1146 = vector.broadcast %sub3A_1145 : i32 to vector<16xi32>
    %sub3A_1147 = arith.subi %gather3A_717, %sub3A_1146 : vector<16xi32>
    %ge3A_1148 = arith.cmpi sge, %add3A_1134, %sub3A_1147 : vector<16xi32>
    %add3A_1149 = arith.constant 77 : i32
    %add3A_1150 = arith.constant 14 : i32
    %add3A_1151 = arith.addi %add3A_1149, %add3A_1150 : i32
    %sub3A_1152 = arith.constant 6 : i32
    %sub3A_1153 = vector.broadcast %sub3A_1152 : i32 to vector<16xi32>
    %sub3A_1154 = arith.subi %gather3A_717, %sub3A_1153 : vector<16xi32>
    %sub3A_1155 = arith.subi %add3A_1134, %sub3A_1154 : vector<16xi32>
    %add3A_1156 = vector.broadcast %add3A_1151 : i32 to vector<16xi32>
    %add3A_1157 = arith.addi %add3A_1156, %sub3A_1155 : vector<16xi32>
    %sub3A_1158 = arith.constant 2 : i32
    %sub3A_1159 = vector.broadcast %sub3A_1158 : i32 to vector<16xi32>
    %sub3A_1160 = arith.subi %gather3A_714, %sub3A_1159 : vector<16xi32>
    %ge3A_1161 = arith.cmpi sge, %add3A_1134, %sub3A_1160 : vector<16xi32>
    %add3A_1162 = arith.constant 6 : i32
    %add3A_1163 = vector.broadcast %add3A_1162 : i32 to vector<16xi32>
    %add3A_1164 = arith.addi %add3A_1134, %add3A_1163 : vector<16xi32>
    %sub3A_1165 = arith.constant 4 : i32
    %sub3A_1166 = vector.broadcast %sub3A_1165 : i32 to vector<16xi32>
    %sub3A_1167 = arith.subi %gather3A_714, %sub3A_1166 : vector<16xi32>
    %ge3A_1168 = arith.cmpi sge, %add3A_1134, %sub3A_1167 : vector<16xi32>
    %add3A_1169 = arith.constant 77 : i32
    %add3A_1170 = arith.constant 12 : i32
    %add3A_1171 = arith.addi %add3A_1169, %add3A_1170 : i32
    %sub3A_1172 = arith.constant 4 : i32
    %sub3A_1173 = vector.broadcast %sub3A_1172 : i32 to vector<16xi32>
    %sub3A_1174 = arith.subi %gather3A_714, %sub3A_1173 : vector<16xi32>
    %sub3A_1175 = arith.subi %add3A_1134, %sub3A_1174 : vector<16xi32>
    %add3A_1176 = vector.broadcast %add3A_1171 : i32 to vector<16xi32>
    %add3A_1177 = arith.addi %add3A_1176, %sub3A_1175 : vector<16xi32>
    %ge3A_1178 = arith.cmpi sge, %add3A_1134, %gather3A_711 : vector<16xi32>
    %add3A_1179 = arith.constant 4 : i32
    %add3A_1180 = vector.broadcast %add3A_1179 : i32 to vector<16xi32>
    %add3A_1181 = arith.addi %add3A_1134, %add3A_1180 : vector<16xi32>
    %sub3A_1182 = arith.constant 2 : i32
    %sub3A_1183 = vector.broadcast %sub3A_1182 : i32 to vector<16xi32>
    %sub3A_1184 = arith.subi %gather3A_711, %sub3A_1183 : vector<16xi32>
    %ge3A_1185 = arith.cmpi sge, %add3A_1134, %sub3A_1184 : vector<16xi32>
    %add3A_1186 = arith.constant 77 : i32
    %add3A_1187 = arith.constant 10 : i32
    %add3A_1188 = arith.addi %add3A_1186, %add3A_1187 : i32
    %sub3A_1189 = arith.constant 2 : i32
    %sub3A_1190 = vector.broadcast %sub3A_1189 : i32 to vector<16xi32>
    %sub3A_1191 = arith.subi %gather3A_711, %sub3A_1190 : vector<16xi32>
    %sub3A_1192 = arith.subi %add3A_1134, %sub3A_1191 : vector<16xi32>
    %add3A_1193 = vector.broadcast %add3A_1188 : i32 to vector<16xi32>
    %add3A_1194 = arith.addi %add3A_1193, %sub3A_1192 : vector<16xi32>
    %add3A_1195 = arith.constant 2 : i32
    %add3A_1196 = vector.broadcast %add3A_1195 : i32 to vector<16xi32>
    %add3A_1197 = arith.addi %gather3A_708, %add3A_1196 : vector<16xi32>
    %ge3A_1198 = arith.cmpi sge, %add3A_1134, %add3A_1197 : vector<16xi32>
    %add3A_1199 = arith.constant 2 : i32
    %add3A_1200 = vector.broadcast %add3A_1199 : i32 to vector<16xi32>
    %add3A_1201 = arith.addi %add3A_1134, %add3A_1200 : vector<16xi32>
    %ge3A_1202 = arith.cmpi sge, %add3A_1134, %gather3A_708 : vector<16xi32>
    %add3A_1203 = arith.constant 77 : i32
    %add3A_1204 = arith.constant 8 : i32
    %add3A_1205 = arith.addi %add3A_1203, %add3A_1204 : i32
    %sub3A_1206 = arith.subi %add3A_1134, %gather3A_708 : vector<16xi32>
    %add3A_1207 = vector.broadcast %add3A_1205 : i32 to vector<16xi32>
    %add3A_1208 = arith.addi %add3A_1207, %sub3A_1206 : vector<16xi32>
    %ge3A_1209 = arith.constant 9 : i32
    %ge3A_1210 = vector.broadcast %ge3A_1209 : i32 to vector<16xi32>
    %ge3A_1211 = arith.cmpi sge, %add3A_1134, %ge3A_1210 : vector<16xi32>
    %ge3A_1212 = arith.constant 1 : i32
    %ge3A_1213 = vector.broadcast %ge3A_1212 : i32 to vector<16xi32>
    %ge3A_1214 = arith.cmpi sge, %add3A_1134, %ge3A_1213 : vector<16xi32>
    %sub3A_1215 = arith.constant 1 : i32
    %sub3A_1216 = vector.broadcast %sub3A_1215 : i32 to vector<16xi32>
    %sub3A_1217 = arith.subi %add3A_1134, %sub3A_1216 : vector<16xi32>
    %add3A_1218 = arith.constant 77 : i32
    %add3A_1219 = vector.broadcast %add3A_1218 : i32 to vector<16xi32>
    %add3A_1220 = arith.addi %add3A_1219, %sub3A_1217 : vector<16xi32>
    %jit3A_1221 = arith.constant 0 : i32
    %broadcast_in_dim3A_1222 = vector.broadcast %jit3A_1221 : i32 to vector<16xi32>
    %select_n3A_1223 = arith.select %ge3A_1214, %add3A_1220, %broadcast_in_dim3A_1222 : vector<16xi1>, vector<16xi32>
    %select_n3A_1224 = arith.select %ge3A_1211, %add3A_1134, %select_n3A_1223 : vector<16xi1>, vector<16xi32>
    %select_n3A_1225 = arith.select %ge3A_1202, %add3A_1208, %select_n3A_1224 : vector<16xi1>, vector<16xi32>
    %select_n3A_1226 = arith.select %ge3A_1198, %add3A_1201, %select_n3A_1225 : vector<16xi1>, vector<16xi32>
    %select_n3A_1227 = arith.select %ge3A_1185, %add3A_1194, %select_n3A_1226 : vector<16xi1>, vector<16xi32>
    %select_n3A_1228 = arith.select %ge3A_1178, %add3A_1181, %select_n3A_1227 : vector<16xi1>, vector<16xi32>
    %select_n3A_1229 = arith.select %ge3A_1168, %add3A_1177, %select_n3A_1228 : vector<16xi1>, vector<16xi32>
    %select_n3A_1230 = arith.select %ge3A_1161, %add3A_1164, %select_n3A_1229 : vector<16xi1>, vector<16xi32>
    %select_n3A_1231 = arith.select %ge3A_1148, %add3A_1157, %select_n3A_1230 : vector<16xi1>, vector<16xi32>
    %select_n3A_1232 = arith.select %ge3A_1141, %add3A_1144, %select_n3A_1231 : vector<16xi1>, vector<16xi32>
    %lt3A_1233 = arith.constant 77 : i32
    %lt3A_1234 = vector.broadcast %lt3A_1233 : i32 to vector<16xi32>
    %lt3A_1235 = arith.cmpi slt, %select_n3A_1232, %lt3A_1234 : vector<16xi32>
    %and3A_1236 = arith.andi %lt3A_1235, %lt3A_1137 : vector<16xi1>
    %not3A_1237 = arith.constant dense<true> : vector<16xi1>
    %not3A_1238 = arith.xori %lt3A_1235, %not3A_1237 : vector<16xi1>
    %and3A_1239 = arith.andi %not3A_1238, %lt3A_1137 : vector<16xi1>
    %convert_element_type3A_1240 = arith.extui %and3A_1236 : vector<16xi1> to vector<16xi32>
    %broadcast_in_dim3A_1241 = arith.constant true
    %broadcast_in_dim3A_1242 = vector.broadcast %broadcast_in_dim3A_1241 : i1 to vector<16xi1>
    %masked_cumsum3A_1243 = tpu.scan <sum>, %convert_element_type3A_1240 masked %broadcast_in_dim3A_1242 : vector<16xi32>, vector<16xi1> -> vector<16xi32>
    %add3A_1244 = vector.broadcast %add3A_1117 : i32 to vector<16xi32>
    %add3A_1245 = arith.addi %masked_cumsum3A_1243, %add3A_1244 : vector<16xi32>
    %sub3A_1246 = arith.constant 1 : i32
    %sub3A_1247 = vector.broadcast %sub3A_1246 : i32 to vector<16xi32>
    %sub3A_1248 = arith.subi %add3A_1245, %sub3A_1247 : vector<16xi32>
    %convert_element_type3A_1249 = arith.extui %and3A_1236 : vector<16xi1> to vector<16xi32>
    %reduce_sum3A_1250 = arith.constant true
    %reduce_sum3A_1251 = vector.broadcast %reduce_sum3A_1250 : i1 to vector<16xi1>
    %reduce_sum3A_1252 = tpu.scan <sum>, %convert_element_type3A_1249 masked %reduce_sum3A_1251 : vector<16xi32>, vector<16xi1> -> vector<16xi32>
    %reduce_sum3A_1253 = vector.extract %reduce_sum3A_1252[15] : i32 from vector<16xi32>
    %add3A_1254 = arith.addi %add3A_1117, %reduce_sum3A_1253 : i32
    %mul3A_1255 = arith.constant 1000 : i32
    %mul3A_1256 = vector.broadcast %mul3A_1255 : i32 to vector<16xi32>
    %mul3A_1257 = arith.muli %add3A_1134, %mul3A_1256 : vector<16xi32>
    %add3A_1258 = vector.broadcast %min3A_704 : i32 to vector<16xi32>
    %add3A_1259 = arith.addi %mul3A_1257, %add3A_1258 : vector<16xi32>
    %mul3A_1260 = arith.constant 1000 : i32
    %mul3A_1261 = vector.broadcast %mul3A_1260 : i32 to vector<16xi32>
    %mul3A_1262 = arith.muli %select_n3A_1232, %mul3A_1261 : vector<16xi32>
    %add3A_1263 = vector.broadcast %min3A_704 : i32 to vector<16xi32>
    %add3A_1264 = arith.addi %mul3A_1262, %add3A_1263 : vector<16xi32>
    tpu.vector_store_idx %arg12[%sub3A_1248], %add3A_1264 masked %and3A_1236 : memref<53xi32, #tpu.memory_space<vmem>>[vector<16xi32>], vector<16xi32>, vector<16xi1>
    tpu.vector_store_idx %arg13[%sub3A_1248], %add3A_1259 masked %and3A_1236 : memref<53xi32, #tpu.memory_space<vmem>>[vector<16xi32>], vector<16xi32>, vector<16xi1>
    %sub3A_1265 = arith.constant 77 : i32
    %sub3A_1266 = vector.broadcast %sub3A_1265 : i32 to vector<16xi32>
    %sub3A_1267 = arith.subi %select_n3A_1232, %sub3A_1266 : vector<16xi32>
    tpu.vector_store_idx %arg14[%sub3A_1267], %add3A_1259 masked %and3A_1239 : memref<16xi32, #tpu.memory_space<vmem>>[vector<16xi32>], vector<16xi32>, vector<16xi1>
    %iota3A_1268 = tpu.iota {dimensions = array<i32: 0>} : vector<16xi32>
    %add3A_1269 = arith.constant 64 : i32
    %add3A_1270 = vector.broadcast %add3A_1269 : i32 to vector<16xi32>
    %add3A_1271 = arith.addi %iota3A_1268, %add3A_1270 : vector<16xi32>
    %lt3A_1272 = arith.constant 69 : i32
    %lt3A_1273 = vector.broadcast %lt3A_1272 : i32 to vector<16xi32>
    %lt3A_1274 = arith.cmpi slt, %add3A_1271, %lt3A_1273 : vector<16xi32>
    %sub3A_1275 = arith.constant 4 : i32
    %sub3A_1276 = vector.broadcast %sub3A_1275 : i32 to vector<16xi32>
    %sub3A_1277 = arith.subi %gather3A_717, %sub3A_1276 : vector<16xi32>
    %ge3A_1278 = arith.cmpi sge, %add3A_1271, %sub3A_1277 : vector<16xi32>
    %add3A_1279 = arith.constant 8 : i32
    %add3A_1280 = vector.broadcast %add3A_1279 : i32 to vector<16xi32>
    %add3A_1281 = arith.addi %add3A_1271, %add3A_1280 : vector<16xi32>
    %sub3A_1282 = arith.constant 6 : i32
    %sub3A_1283 = vector.broadcast %sub3A_1282 : i32 to vector<16xi32>
    %sub3A_1284 = arith.subi %gather3A_717, %sub3A_1283 : vector<16xi32>
    %ge3A_1285 = arith.cmpi sge, %add3A_1271, %sub3A_1284 : vector<16xi32>
    %add3A_1286 = arith.constant 77 : i32
    %add3A_1287 = arith.constant 14 : i32
    %add3A_1288 = arith.addi %add3A_1286, %add3A_1287 : i32
    %sub3A_1289 = arith.constant 6 : i32
    %sub3A_1290 = vector.broadcast %sub3A_1289 : i32 to vector<16xi32>
    %sub3A_1291 = arith.subi %gather3A_717, %sub3A_1290 : vector<16xi32>
    %sub3A_1292 = arith.subi %add3A_1271, %sub3A_1291 : vector<16xi32>
    %add3A_1293 = vector.broadcast %add3A_1288 : i32 to vector<16xi32>
    %add3A_1294 = arith.addi %add3A_1293, %sub3A_1292 : vector<16xi32>
    %sub3A_1295 = arith.constant 2 : i32
    %sub3A_1296 = vector.broadcast %sub3A_1295 : i32 to vector<16xi32>
    %sub3A_1297 = arith.subi %gather3A_714, %sub3A_1296 : vector<16xi32>
    %ge3A_1298 = arith.cmpi sge, %add3A_1271, %sub3A_1297 : vector<16xi32>
    %add3A_1299 = arith.constant 6 : i32
    %add3A_1300 = vector.broadcast %add3A_1299 : i32 to vector<16xi32>
    %add3A_1301 = arith.addi %add3A_1271, %add3A_1300 : vector<16xi32>
    %sub3A_1302 = arith.constant 4 : i32
    %sub3A_1303 = vector.broadcast %sub3A_1302 : i32 to vector<16xi32>
    %sub3A_1304 = arith.subi %gather3A_714, %sub3A_1303 : vector<16xi32>
    %ge3A_1305 = arith.cmpi sge, %add3A_1271, %sub3A_1304 : vector<16xi32>
    %add3A_1306 = arith.constant 77 : i32
    %add3A_1307 = arith.constant 12 : i32
    %add3A_1308 = arith.addi %add3A_1306, %add3A_1307 : i32
    %sub3A_1309 = arith.constant 4 : i32
    %sub3A_1310 = vector.broadcast %sub3A_1309 : i32 to vector<16xi32>
    %sub3A_1311 = arith.subi %gather3A_714, %sub3A_1310 : vector<16xi32>
    %sub3A_1312 = arith.subi %add3A_1271, %sub3A_1311 : vector<16xi32>
    %add3A_1313 = vector.broadcast %add3A_1308 : i32 to vector<16xi32>
    %add3A_1314 = arith.addi %add3A_1313, %sub3A_1312 : vector<16xi32>
    %ge3A_1315 = arith.cmpi sge, %add3A_1271, %gather3A_711 : vector<16xi32>
    %add3A_1316 = arith.constant 4 : i32
    %add3A_1317 = vector.broadcast %add3A_1316 : i32 to vector<16xi32>
    %add3A_1318 = arith.addi %add3A_1271, %add3A_1317 : vector<16xi32>
    %sub3A_1319 = arith.constant 2 : i32
    %sub3A_1320 = vector.broadcast %sub3A_1319 : i32 to vector<16xi32>
    %sub3A_1321 = arith.subi %gather3A_711, %sub3A_1320 : vector<16xi32>
    %ge3A_1322 = arith.cmpi sge, %add3A_1271, %sub3A_1321 : vector<16xi32>
    %add3A_1323 = arith.constant 77 : i32
    %add3A_1324 = arith.constant 10 : i32
    %add3A_1325 = arith.addi %add3A_1323, %add3A_1324 : i32
    %sub3A_1326 = arith.constant 2 : i32
    %sub3A_1327 = vector.broadcast %sub3A_1326 : i32 to vector<16xi32>
    %sub3A_1328 = arith.subi %gather3A_711, %sub3A_1327 : vector<16xi32>
    %sub3A_1329 = arith.subi %add3A_1271, %sub3A_1328 : vector<16xi32>
    %add3A_1330 = vector.broadcast %add3A_1325 : i32 to vector<16xi32>
    %add3A_1331 = arith.addi %add3A_1330, %sub3A_1329 : vector<16xi32>
    %add3A_1332 = arith.constant 2 : i32
    %add3A_1333 = vector.broadcast %add3A_1332 : i32 to vector<16xi32>
    %add3A_1334 = arith.addi %gather3A_708, %add3A_1333 : vector<16xi32>
    %ge3A_1335 = arith.cmpi sge, %add3A_1271, %add3A_1334 : vector<16xi32>
    %add3A_1336 = arith.constant 2 : i32
    %add3A_1337 = vector.broadcast %add3A_1336 : i32 to vector<16xi32>
    %add3A_1338 = arith.addi %add3A_1271, %add3A_1337 : vector<16xi32>
    %ge3A_1339 = arith.cmpi sge, %add3A_1271, %gather3A_708 : vector<16xi32>
    %add3A_1340 = arith.constant 77 : i32
    %add3A_1341 = arith.constant 8 : i32
    %add3A_1342 = arith.addi %add3A_1340, %add3A_1341 : i32
    %sub3A_1343 = arith.subi %add3A_1271, %gather3A_708 : vector<16xi32>
    %add3A_1344 = vector.broadcast %add3A_1342 : i32 to vector<16xi32>
    %add3A_1345 = arith.addi %add3A_1344, %sub3A_1343 : vector<16xi32>
    %ge3A_1346 = arith.constant 9 : i32
    %ge3A_1347 = vector.broadcast %ge3A_1346 : i32 to vector<16xi32>
    %ge3A_1348 = arith.cmpi sge, %add3A_1271, %ge3A_1347 : vector<16xi32>
    %ge3A_1349 = arith.constant 1 : i32
    %ge3A_1350 = vector.broadcast %ge3A_1349 : i32 to vector<16xi32>
    %ge3A_1351 = arith.cmpi sge, %add3A_1271, %ge3A_1350 : vector<16xi32>
    %sub3A_1352 = arith.constant 1 : i32
    %sub3A_1353 = vector.broadcast %sub3A_1352 : i32 to vector<16xi32>
    %sub3A_1354 = arith.subi %add3A_1271, %sub3A_1353 : vector<16xi32>
    %add3A_1355 = arith.constant 77 : i32
    %add3A_1356 = vector.broadcast %add3A_1355 : i32 to vector<16xi32>
    %add3A_1357 = arith.addi %add3A_1356, %sub3A_1354 : vector<16xi32>
    %jit3A_1358 = arith.constant 0 : i32
    %broadcast_in_dim3A_1359 = vector.broadcast %jit3A_1358 : i32 to vector<16xi32>
    %select_n3A_1360 = arith.select %ge3A_1351, %add3A_1357, %broadcast_in_dim3A_1359 : vector<16xi1>, vector<16xi32>
    %select_n3A_1361 = arith.select %ge3A_1348, %add3A_1271, %select_n3A_1360 : vector<16xi1>, vector<16xi32>
    %select_n3A_1362 = arith.select %ge3A_1339, %add3A_1345, %select_n3A_1361 : vector<16xi1>, vector<16xi32>
    %select_n3A_1363 = arith.select %ge3A_1335, %add3A_1338, %select_n3A_1362 : vector<16xi1>, vector<16xi32>
    %select_n3A_1364 = arith.select %ge3A_1322, %add3A_1331, %select_n3A_1363 : vector<16xi1>, vector<16xi32>
    %select_n3A_1365 = arith.select %ge3A_1315, %add3A_1318, %select_n3A_1364 : vector<16xi1>, vector<16xi32>
    %select_n3A_1366 = arith.select %ge3A_1305, %add3A_1314, %select_n3A_1365 : vector<16xi1>, vector<16xi32>
    %select_n3A_1367 = arith.select %ge3A_1298, %add3A_1301, %select_n3A_1366 : vector<16xi1>, vector<16xi32>
    %select_n3A_1368 = arith.select %ge3A_1285, %add3A_1294, %select_n3A_1367 : vector<16xi1>, vector<16xi32>
    %select_n3A_1369 = arith.select %ge3A_1278, %add3A_1281, %select_n3A_1368 : vector<16xi1>, vector<16xi32>
    %lt3A_1370 = arith.constant 77 : i32
    %lt3A_1371 = vector.broadcast %lt3A_1370 : i32 to vector<16xi32>
    %lt3A_1372 = arith.cmpi slt, %select_n3A_1369, %lt3A_1371 : vector<16xi32>
    %and3A_1373 = arith.andi %lt3A_1372, %lt3A_1274 : vector<16xi1>
    %not3A_1374 = arith.constant dense<true> : vector<16xi1>
    %not3A_1375 = arith.xori %lt3A_1372, %not3A_1374 : vector<16xi1>
    %and3A_1376 = arith.andi %not3A_1375, %lt3A_1274 : vector<16xi1>
    %convert_element_type3A_1377 = arith.extui %and3A_1373 : vector<16xi1> to vector<16xi32>
    %broadcast_in_dim3A_1378 = arith.constant true
    %broadcast_in_dim3A_1379 = vector.broadcast %broadcast_in_dim3A_1378 : i1 to vector<16xi1>
    %masked_cumsum3A_1380 = tpu.scan <sum>, %convert_element_type3A_1377 masked %broadcast_in_dim3A_1379 : vector<16xi32>, vector<16xi1> -> vector<16xi32>
    %add3A_1381 = vector.broadcast %add3A_1254 : i32 to vector<16xi32>
    %add3A_1382 = arith.addi %masked_cumsum3A_1380, %add3A_1381 : vector<16xi32>
    %sub3A_1383 = arith.constant 1 : i32
    %sub3A_1384 = vector.broadcast %sub3A_1383 : i32 to vector<16xi32>
    %sub3A_1385 = arith.subi %add3A_1382, %sub3A_1384 : vector<16xi32>
    %convert_element_type3A_1386 = arith.extui %and3A_1373 : vector<16xi1> to vector<16xi32>
    %reduce_sum3A_1387 = arith.constant true
    %reduce_sum3A_1388 = vector.broadcast %reduce_sum3A_1387 : i1 to vector<16xi1>
    %reduce_sum3A_1389 = tpu.scan <sum>, %convert_element_type3A_1386 masked %reduce_sum3A_1388 : vector<16xi32>, vector<16xi1> -> vector<16xi32>
    %reduce_sum3A_1390 = vector.extract %reduce_sum3A_1389[15] : i32 from vector<16xi32>
    %add3A_1391 = arith.addi %add3A_1254, %reduce_sum3A_1390 : i32
    %mul3A_1392 = arith.constant 1000 : i32
    %mul3A_1393 = vector.broadcast %mul3A_1392 : i32 to vector<16xi32>
    %mul3A_1394 = arith.muli %add3A_1271, %mul3A_1393 : vector<16xi32>
    %add3A_1395 = vector.broadcast %min3A_704 : i32 to vector<16xi32>
    %add3A_1396 = arith.addi %mul3A_1394, %add3A_1395 : vector<16xi32>
    %mul3A_1397 = arith.constant 1000 : i32
    %mul3A_1398 = vector.broadcast %mul3A_1397 : i32 to vector<16xi32>
    %mul3A_1399 = arith.muli %select_n3A_1369, %mul3A_1398 : vector<16xi32>
    %add3A_1400 = vector.broadcast %min3A_704 : i32 to vector<16xi32>
    %add3A_1401 = arith.addi %mul3A_1399, %add3A_1400 : vector<16xi32>
    tpu.vector_store_idx %arg12[%sub3A_1385], %add3A_1401 masked %and3A_1373 : memref<53xi32, #tpu.memory_space<vmem>>[vector<16xi32>], vector<16xi32>, vector<16xi1>
    tpu.vector_store_idx %arg13[%sub3A_1385], %add3A_1396 masked %and3A_1373 : memref<53xi32, #tpu.memory_space<vmem>>[vector<16xi32>], vector<16xi32>, vector<16xi1>
    %sub3A_1402 = arith.constant 77 : i32
    %sub3A_1403 = vector.broadcast %sub3A_1402 : i32 to vector<16xi32>
    %sub3A_1404 = arith.subi %select_n3A_1369, %sub3A_1403 : vector<16xi32>
    tpu.vector_store_idx %arg14[%sub3A_1404], %add3A_1396 masked %and3A_1376 : memref<16xi32, #tpu.memory_space<vmem>>[vector<16xi32>], vector<16xi32>, vector<16xi1>
    %dma_start3A_1405 = arith.constant 0 : i32
    %dma_start3A_1406 = arith.constant 0 : i32
    %dma_start3A_1407 = tpu.memref_slice %arg2[%dma_start3A_1405, %dma_start3A_1406] : memref<77000x512xf32, #tpu.memory_space<hbm>> -> memref<77000x512xf32, #tpu.memory_space<hbm>>
    tpu.enqueue_indirect_dma source(%dma_start3A_1407 : memref<77000x512xf32, #tpu.memory_space<hbm>>) target(%arg15 : memref<53x512xf32, #tpu.memory_space<vmem>>) offsets(%arg12 : memref<53xi32, #tpu.memory_space<vmem>>) semaphore(%arg18 : memref<!tpu.dma_semaphore, #tpu.memory_space<semaphore_mem>>)
    %mul3A_1408 = arith.constant 16 : i32
    %mul3A_1409 = arith.muli %min3A_704, %mul3A_1408 : i32
    %dma_start3A_1410 = arith.constant 0 : i32
    %dma_start3A_1411 = tpu.memref_slice %arg3[%mul3A_1409, %dma_start3A_1410] : memref<16000x512xf32, #tpu.memory_space<hbm>> -> memref<16x512xf32, #tpu.memory_space<hbm>>
    %dma_start3A_1412 = arith.constant 0 : i32
    %dma_start3A_1413 = tpu.memref_slice %arg3[%mul3A_1409, %dma_start3A_1412] : memref<16000x512xf32, #tpu.memory_space<hbm>> -> memref<16x512xf32, #tpu.memory_space<hbm>>
    tpu.enqueue_dma source(%dma_start3A_1413 : memref<16x512xf32, #tpu.memory_space<hbm>>) target(%arg16 : memref<16x512xf32, #tpu.memory_space<vmem>>) target_semaphore(%arg18 : memref<!tpu.dma_semaphore, #tpu.memory_space<semaphore_mem>>)
    %scan3A = arith.constant 0 : i32
    %scan3A_1414 = arith.constant 16 : i32
    %scan3A_1415 = arith.addi %scan3A, %scan3A_1414 : i32
    %scan3A_1416 = arith.constant 1 : i32
    scf.for %scan3A_1418 = %scan3A to %scan3A_1415 step %scan3A_1416  : i32 {
      %mul3A_1419 = arith.constant 2 : i32
      %mul3A_1420 = arith.muli %mul3A_1419, %scan3A_1418 : i32
      %add3A_1421 = arith.constant 0 : i32
      %add3A_1422 = arith.addi %mul3A_1420, %add3A_1421 : i32
      %add3A_1423 = arith.addi %mul3A_2, %add3A_1422 : i32
      %min3A_1424 = arith.constant 999 : i32
      %min3A_1425 = arith.minsi %add3A_1423, %min3A_1424 : i32
      %dma_wait3A = arith.constant 0 : i32
      %dma_wait3A_1426 = arith.constant 0 : i32
      %dma_wait3A_1427 = tpu.memref_slice %arg2[%dma_wait3A, %dma_wait3A_1426] : memref<77000x512xf32, #tpu.memory_space<hbm>> -> memref<77000x512xf32, #tpu.memory_space<hbm>>
      tpu.wait_indirect_dma semaphore(%arg17 : memref<!tpu.dma_semaphore, #tpu.memory_space<semaphore_mem>>) src(%dma_wait3A_1427 : memref<77000x512xf32, #tpu.memory_space<hbm>>) dst(%arg10 : memref<53x512xf32, #tpu.memory_space<vmem>>)
      %mul3A_1428 = arith.constant 16 : i32
      %mul3A_1429 = arith.muli %min3A_1425, %mul3A_1428 : i32
      %dma_wait3A_1430 = arith.constant 0 : i32
      %dma_wait3A_1431 = tpu.memref_slice %arg3[%mul3A_1429, %dma_wait3A_1430] : memref<16000x512xf32, #tpu.memory_space<hbm>> -> memref<16x512xf32, #tpu.memory_space<hbm>>
      %dma_wait3A_1432 = arith.constant 0 : i32
      %dma_wait3A_1433 = tpu.memref_slice %arg3[%mul3A_1429, %dma_wait3A_1432] : memref<16000x512xf32, #tpu.memory_space<hbm>> -> memref<16x512xf32, #tpu.memory_space<hbm>>
      tpu.wait_dma2 semaphore(%arg17 : memref<!tpu.dma_semaphore, #tpu.memory_space<semaphore_mem>>) src(%dma_wait3A_1433 : memref<16x512xf32, #tpu.memory_space<hbm>>) dst(%arg11 : memref<16x512xf32, #tpu.memory_space<vmem>>)
      %dma_start3A_1434 = arith.constant 0 : i32
      %dma_start3A_1435 = arith.constant 0 : i32
      %dma_start3A_1436 = tpu.memref_slice %arg5[%dma_start3A_1434, %dma_start3A_1435] : memref<69000x512xf32, #tpu.memory_space<hbm>> -> memref<69000x512xf32, #tpu.memory_space<hbm>>
      tpu.enqueue_indirect_dma source(%arg10 : memref<53x512xf32, #tpu.memory_space<vmem>>) target(%dma_start3A_1436 : memref<69000x512xf32, #tpu.memory_space<hbm>>) offsets(%arg8 : memref<53xi32, #tpu.memory_space<vmem>>) semaphore(%arg17 : memref<!tpu.dma_semaphore, #tpu.memory_space<semaphore_mem>>)
      %dma_start3A_1437 = arith.constant 0 : i32
      %dma_start3A_1438 = arith.constant 0 : i32
      %dma_start3A_1439 = tpu.memref_slice %arg5[%dma_start3A_1437, %dma_start3A_1438] : memref<69000x512xf32, #tpu.memory_space<hbm>> -> memref<69000x512xf32, #tpu.memory_space<hbm>>
      tpu.enqueue_indirect_dma source(%arg11 : memref<16x512xf32, #tpu.memory_space<vmem>>) target(%dma_start3A_1439 : memref<69000x512xf32, #tpu.memory_space<hbm>>) offsets(%arg9 : memref<16xi32, #tpu.memory_space<vmem>>) semaphore(%arg17 : memref<!tpu.dma_semaphore, #tpu.memory_space<semaphore_mem>>)
      %add3A_1440 = arith.constant 1 : i32
      %add3A_1441 = arith.addi %mul3A_1420, %add3A_1440 : i32
      %add3A_1442 = arith.addi %mul3A_2, %add3A_1441 : i32
      %min3A_1443 = arith.constant 999 : i32
      %min3A_1444 = arith.minsi %add3A_1442, %min3A_1443 : i32
      %dma_wait3A_1445 = arith.constant 0 : i32
      %dma_wait3A_1446 = arith.constant 0 : i32
      %dma_wait3A_1447 = tpu.memref_slice %arg2[%dma_wait3A_1445, %dma_wait3A_1446] : memref<77000x512xf32, #tpu.memory_space<hbm>> -> memref<77000x512xf32, #tpu.memory_space<hbm>>
      tpu.wait_indirect_dma semaphore(%arg18 : memref<!tpu.dma_semaphore, #tpu.memory_space<semaphore_mem>>) src(%dma_wait3A_1447 : memref<77000x512xf32, #tpu.memory_space<hbm>>) dst(%arg15 : memref<53x512xf32, #tpu.memory_space<vmem>>)
      %mul3A_1448 = arith.constant 16 : i32
      %mul3A_1449 = arith.muli %min3A_1444, %mul3A_1448 : i32
      %dma_wait3A_1450 = arith.constant 0 : i32
      %dma_wait3A_1451 = tpu.memref_slice %arg3[%mul3A_1449, %dma_wait3A_1450] : memref<16000x512xf32, #tpu.memory_space<hbm>> -> memref<16x512xf32, #tpu.memory_space<hbm>>
      %dma_wait3A_1452 = arith.constant 0 : i32
      %dma_wait3A_1453 = tpu.memref_slice %arg3[%mul3A_1449, %dma_wait3A_1452] : memref<16000x512xf32, #tpu.memory_space<hbm>> -> memref<16x512xf32, #tpu.memory_space<hbm>>
      tpu.wait_dma2 semaphore(%arg18 : memref<!tpu.dma_semaphore, #tpu.memory_space<semaphore_mem>>) src(%dma_wait3A_1453 : memref<16x512xf32, #tpu.memory_space<hbm>>) dst(%arg16 : memref<16x512xf32, #tpu.memory_space<vmem>>)
      %dma_start3A_1454 = arith.constant 0 : i32
      %dma_start3A_1455 = arith.constant 0 : i32
      %dma_start3A_1456 = tpu.memref_slice %arg5[%dma_start3A_1454, %dma_start3A_1455] : memref<69000x512xf32, #tpu.memory_space<hbm>> -> memref<69000x512xf32, #tpu.memory_space<hbm>>
      tpu.enqueue_indirect_dma source(%arg15 : memref<53x512xf32, #tpu.memory_space<vmem>>) target(%dma_start3A_1456 : memref<69000x512xf32, #tpu.memory_space<hbm>>) offsets(%arg13 : memref<53xi32, #tpu.memory_space<vmem>>) semaphore(%arg18 : memref<!tpu.dma_semaphore, #tpu.memory_space<semaphore_mem>>)
      %dma_start3A_1457 = arith.constant 0 : i32
      %dma_start3A_1458 = arith.constant 0 : i32
      %dma_start3A_1459 = tpu.memref_slice %arg5[%dma_start3A_1457, %dma_start3A_1458] : memref<69000x512xf32, #tpu.memory_space<hbm>> -> memref<69000x512xf32, #tpu.memory_space<hbm>>
      tpu.enqueue_indirect_dma source(%arg16 : memref<16x512xf32, #tpu.memory_space<vmem>>) target(%dma_start3A_1459 : memref<69000x512xf32, #tpu.memory_space<hbm>>) offsets(%arg14 : memref<16xi32, #tpu.memory_space<vmem>>) semaphore(%arg18 : memref<!tpu.dma_semaphore, #tpu.memory_space<semaphore_mem>>)
      %dma_wait3A_1460 = arith.constant 0 : i32
      %dma_wait3A_1461 = arith.constant 0 : i32
      %dma_wait3A_1462 = tpu.memref_slice %arg5[%dma_wait3A_1460, %dma_wait3A_1461] : memref<69000x512xf32, #tpu.memory_space<hbm>> -> memref<69000x512xf32, #tpu.memory_space<hbm>>
      tpu.wait_indirect_dma semaphore(%arg17 : memref<!tpu.dma_semaphore, #tpu.memory_space<semaphore_mem>>) src(%arg10 : memref<53x512xf32, #tpu.memory_space<vmem>>) dst(%dma_wait3A_1462 : memref<69000x512xf32, #tpu.memory_space<hbm>>)
      %dma_wait3A_1463 = arith.constant 0 : i32
      %dma_wait3A_1464 = arith.constant 0 : i32
      %dma_wait3A_1465 = tpu.memref_slice %arg5[%dma_wait3A_1463, %dma_wait3A_1464] : memref<69000x512xf32, #tpu.memory_space<hbm>> -> memref<69000x512xf32, #tpu.memory_space<hbm>>
      tpu.wait_indirect_dma semaphore(%arg17 : memref<!tpu.dma_semaphore, #tpu.memory_space<semaphore_mem>>) src(%arg11 : memref<16x512xf32, #tpu.memory_space<vmem>>) dst(%dma_wait3A_1465 : memref<69000x512xf32, #tpu.memory_space<hbm>>)
      %lt3A_1466 = arith.constant 15 : i32
      %lt3A_1467 = arith.cmpi slt, %scan3A_1418, %lt3A_1466 : i32
      %convert_element_type3A_1468 = arith.extui %lt3A_1467 : i1 to i32
      %cond3A = arith.constant 0 : i32
      %cond3A_1469 = arith.cmpi ne, %convert_element_type3A_1468, %cond3A : i32
      scf.if %cond3A_1469 {
        %add3A_1481 = arith.constant 2 : i32
        %add3A_1482 = arith.addi %mul3A_1420, %add3A_1481 : i32
        %add3A_1483 = arith.constant 0 : i32
        %add3A_1484 = arith.addi %add3A_1482, %add3A_1483 : i32
        %add3A_1485 = arith.addi %mul3A_2, %add3A_1484 : i32
        %min3A_1486 = arith.constant 999 : i32
        %min3A_1487 = arith.minsi %add3A_1485, %min3A_1486 : i32
        %broadcast_in_dim3A_1488 = vector.broadcast %min3A_1487 : i32 to vector<16xi32>
        %broadcast_in_dim3A_1489 = arith.constant 0 : i32
        %broadcast_in_dim3A_1490 = vector.broadcast %broadcast_in_dim3A_1489 : i32 to vector<16xi32>
        %gather3A_1491 = tpu.vector_load_idx %arg6[%broadcast_in_dim3A_1490, %broadcast_in_dim3A_1488] : memref<4x1000xi32, #tpu.memory_space<vmem>>[vector<16xi32>, vector<16xi32>], vector<16xi32>,
        %broadcast_in_dim3A_1492 = arith.constant 1 : i32
        %broadcast_in_dim3A_1493 = vector.broadcast %broadcast_in_dim3A_1492 : i32 to vector<16xi32>
        %gather3A_1494 = tpu.vector_load_idx %arg6[%broadcast_in_dim3A_1493, %broadcast_in_dim3A_1488] : memref<4x1000xi32, #tpu.memory_space<vmem>>[vector<16xi32>, vector<16xi32>], vector<16xi32>,
        %broadcast_in_dim3A_1495 = arith.constant 2 : i32
        %broadcast_in_dim3A_1496 = vector.broadcast %broadcast_in_dim3A_1495 : i32 to vector<16xi32>
        %gather3A_1497 = tpu.vector_load_idx %arg6[%broadcast_in_dim3A_1496, %broadcast_in_dim3A_1488] : memref<4x1000xi32, #tpu.memory_space<vmem>>[vector<16xi32>, vector<16xi32>], vector<16xi32>,
        %broadcast_in_dim3A_1498 = arith.constant 3 : i32
        %broadcast_in_dim3A_1499 = vector.broadcast %broadcast_in_dim3A_1498 : i32 to vector<16xi32>
        %gather3A_1500 = tpu.vector_load_idx %arg6[%broadcast_in_dim3A_1499, %broadcast_in_dim3A_1488] : memref<4x1000xi32, #tpu.memory_space<vmem>>[vector<16xi32>, vector<16xi32>], vector<16xi32>,
        %iota3A_1501 = tpu.iota {dimensions = array<i32: 0>} : vector<16xi32>
        %add3A_1502 = arith.constant 0 : i32
        %add3A_1503 = vector.broadcast %add3A_1502 : i32 to vector<16xi32>
        %add3A_1504 = arith.addi %iota3A_1501, %add3A_1503 : vector<16xi32>
        %lt3A_1505 = arith.constant 69 : i32
        %lt3A_1506 = vector.broadcast %lt3A_1505 : i32 to vector<16xi32>
        %lt3A_1507 = arith.cmpi slt, %add3A_1504, %lt3A_1506 : vector<16xi32>
        %sub3A_1508 = arith.constant 4 : i32
        %sub3A_1509 = vector.broadcast %sub3A_1508 : i32 to vector<16xi32>
        %sub3A_1510 = arith.subi %gather3A_1500, %sub3A_1509 : vector<16xi32>
        %ge3A_1511 = arith.cmpi sge, %add3A_1504, %sub3A_1510 : vector<16xi32>
        %add3A_1512 = arith.constant 8 : i32
        %add3A_1513 = vector.broadcast %add3A_1512 : i32 to vector<16xi32>
        %add3A_1514 = arith.addi %add3A_1504, %add3A_1513 : vector<16xi32>
        %sub3A_1515 = arith.constant 6 : i32
        %sub3A_1516 = vector.broadcast %sub3A_1515 : i32 to vector<16xi32>
        %sub3A_1517 = arith.subi %gather3A_1500, %sub3A_1516 : vector<16xi32>
        %ge3A_1518 = arith.cmpi sge, %add3A_1504, %sub3A_1517 : vector<16xi32>
        %add3A_1519 = arith.constant 77 : i32
        %add3A_1520 = arith.constant 14 : i32
        %add3A_1521 = arith.addi %add3A_1519, %add3A_1520 : i32
        %sub3A_1522 = arith.constant 6 : i32
        %sub3A_1523 = vector.broadcast %sub3A_1522 : i32 to vector<16xi32>
        %sub3A_1524 = arith.subi %gather3A_1500, %sub3A_1523 : vector<16xi32>
        %sub3A_1525 = arith.subi %add3A_1504, %sub3A_1524 : vector<16xi32>
        %add3A_1526 = vector.broadcast %add3A_1521 : i32 to vector<16xi32>
        %add3A_1527 = arith.addi %add3A_1526, %sub3A_1525 : vector<16xi32>
        %sub3A_1528 = arith.constant 2 : i32
        %sub3A_1529 = vector.broadcast %sub3A_1528 : i32 to vector<16xi32>
        %sub3A_1530 = arith.subi %gather3A_1497, %sub3A_1529 : vector<16xi32>
        %ge3A_1531 = arith.cmpi sge, %add3A_1504, %sub3A_1530 : vector<16xi32>
        %add3A_1532 = arith.constant 6 : i32
        %add3A_1533 = vector.broadcast %add3A_1532 : i32 to vector<16xi32>
        %add3A_1534 = arith.addi %add3A_1504, %add3A_1533 : vector<16xi32>
        %sub3A_1535 = arith.constant 4 : i32
        %sub3A_1536 = vector.broadcast %sub3A_1535 : i32 to vector<16xi32>
        %sub3A_1537 = arith.subi %gather3A_1497, %sub3A_1536 : vector<16xi32>
        %ge3A_1538 = arith.cmpi sge, %add3A_1504, %sub3A_1537 : vector<16xi32>
        %add3A_1539 = arith.constant 77 : i32
        %add3A_1540 = arith.constant 12 : i32
        %add3A_1541 = arith.addi %add3A_1539, %add3A_1540 : i32
        %sub3A_1542 = arith.constant 4 : i32
        %sub3A_1543 = vector.broadcast %sub3A_1542 : i32 to vector<16xi32>
        %sub3A_1544 = arith.subi %gather3A_1497, %sub3A_1543 : vector<16xi32>
        %sub3A_1545 = arith.subi %add3A_1504, %sub3A_1544 : vector<16xi32>
        %add3A_1546 = vector.broadcast %add3A_1541 : i32 to vector<16xi32>
        %add3A_1547 = arith.addi %add3A_1546, %sub3A_1545 : vector<16xi32>
        %ge3A_1548 = arith.cmpi sge, %add3A_1504, %gather3A_1494 : vector<16xi32>
        %add3A_1549 = arith.constant 4 : i32
        %add3A_1550 = vector.broadcast %add3A_1549 : i32 to vector<16xi32>
        %add3A_1551 = arith.addi %add3A_1504, %add3A_1550 : vector<16xi32>
        %sub3A_1552 = arith.constant 2 : i32
        %sub3A_1553 = vector.broadcast %sub3A_1552 : i32 to vector<16xi32>
        %sub3A_1554 = arith.subi %gather3A_1494, %sub3A_1553 : vector<16xi32>
        %ge3A_1555 = arith.cmpi sge, %add3A_1504, %sub3A_1554 : vector<16xi32>
        %add3A_1556 = arith.constant 77 : i32
        %add3A_1557 = arith.constant 10 : i32
        %add3A_1558 = arith.addi %add3A_1556, %add3A_1557 : i32
        %sub3A_1559 = arith.constant 2 : i32
        %sub3A_1560 = vector.broadcast %sub3A_1559 : i32 to vector<16xi32>
        %sub3A_1561 = arith.subi %gather3A_1494, %sub3A_1560 : vector<16xi32>
        %sub3A_1562 = arith.subi %add3A_1504, %sub3A_1561 : vector<16xi32>
        %add3A_1563 = vector.broadcast %add3A_1558 : i32 to vector<16xi32>
        %add3A_1564 = arith.addi %add3A_1563, %sub3A_1562 : vector<16xi32>
        %add3A_1565 = arith.constant 2 : i32
        %add3A_1566 = vector.broadcast %add3A_1565 : i32 to vector<16xi32>
        %add3A_1567 = arith.addi %gather3A_1491, %add3A_1566 : vector<16xi32>
        %ge3A_1568 = arith.cmpi sge, %add3A_1504, %add3A_1567 : vector<16xi32>
        %add3A_1569 = arith.constant 2 : i32
        %add3A_1570 = vector.broadcast %add3A_1569 : i32 to vector<16xi32>
        %add3A_1571 = arith.addi %add3A_1504, %add3A_1570 : vector<16xi32>
        %ge3A_1572 = arith.cmpi sge, %add3A_1504, %gather3A_1491 : vector<16xi32>
        %add3A_1573 = arith.constant 77 : i32
        %add3A_1574 = arith.constant 8 : i32
        %add3A_1575 = arith.addi %add3A_1573, %add3A_1574 : i32
        %sub3A_1576 = arith.subi %add3A_1504, %gather3A_1491 : vector<16xi32>
        %add3A_1577 = vector.broadcast %add3A_1575 : i32 to vector<16xi32>
        %add3A_1578 = arith.addi %add3A_1577, %sub3A_1576 : vector<16xi32>
        %ge3A_1579 = arith.constant 9 : i32
        %ge3A_1580 = vector.broadcast %ge3A_1579 : i32 to vector<16xi32>
        %ge3A_1581 = arith.cmpi sge, %add3A_1504, %ge3A_1580 : vector<16xi32>
        %ge3A_1582 = arith.constant 1 : i32
        %ge3A_1583 = vector.broadcast %ge3A_1582 : i32 to vector<16xi32>
        %ge3A_1584 = arith.cmpi sge, %add3A_1504, %ge3A_1583 : vector<16xi32>
        %sub3A_1585 = arith.constant 1 : i32
        %sub3A_1586 = vector.broadcast %sub3A_1585 : i32 to vector<16xi32>
        %sub3A_1587 = arith.subi %add3A_1504, %sub3A_1586 : vector<16xi32>
        %add3A_1588 = arith.constant 77 : i32
        %add3A_1589 = vector.broadcast %add3A_1588 : i32 to vector<16xi32>
        %add3A_1590 = arith.addi %add3A_1589, %sub3A_1587 : vector<16xi32>
        %jit3A_1591 = arith.constant 0 : i32
        %broadcast_in_dim3A_1592 = vector.broadcast %jit3A_1591 : i32 to vector<16xi32>
        %select_n3A_1593 = arith.select %ge3A_1584, %add3A_1590, %broadcast_in_dim3A_1592 : vector<16xi1>, vector<16xi32>
        %select_n3A_1594 = arith.select %ge3A_1581, %add3A_1504, %select_n3A_1593 : vector<16xi1>, vector<16xi32>
        %select_n3A_1595 = arith.select %ge3A_1572, %add3A_1578, %select_n3A_1594 : vector<16xi1>, vector<16xi32>
        %select_n3A_1596 = arith.select %ge3A_1568, %add3A_1571, %select_n3A_1595 : vector<16xi1>, vector<16xi32>
        %select_n3A_1597 = arith.select %ge3A_1555, %add3A_1564, %select_n3A_1596 : vector<16xi1>, vector<16xi32>
        %select_n3A_1598 = arith.select %ge3A_1548, %add3A_1551, %select_n3A_1597 : vector<16xi1>, vector<16xi32>
        %select_n3A_1599 = arith.select %ge3A_1538, %add3A_1547, %select_n3A_1598 : vector<16xi1>, vector<16xi32>
        %select_n3A_1600 = arith.select %ge3A_1531, %add3A_1534, %select_n3A_1599 : vector<16xi1>, vector<16xi32>
        %select_n3A_1601 = arith.select %ge3A_1518, %add3A_1527, %select_n3A_1600 : vector<16xi1>, vector<16xi32>
        %select_n3A_1602 = arith.select %ge3A_1511, %add3A_1514, %select_n3A_1601 : vector<16xi1>, vector<16xi32>
        %lt3A_1603 = arith.constant 77 : i32
        %lt3A_1604 = vector.broadcast %lt3A_1603 : i32 to vector<16xi32>
        %lt3A_1605 = arith.cmpi slt, %select_n3A_1602, %lt3A_1604 : vector<16xi32>
        %and3A_1606 = arith.andi %lt3A_1605, %lt3A_1507 : vector<16xi1>
        %not3A_1607 = arith.constant dense<true> : vector<16xi1>
        %not3A_1608 = arith.xori %lt3A_1605, %not3A_1607 : vector<16xi1>
        %and3A_1609 = arith.andi %not3A_1608, %lt3A_1507 : vector<16xi1>
        %convert_element_type3A_1610 = arith.extui %and3A_1606 : vector<16xi1> to vector<16xi32>
        %broadcast_in_dim3A_1611 = arith.constant true
        %broadcast_in_dim3A_1612 = vector.broadcast %broadcast_in_dim3A_1611 : i1 to vector<16xi1>
        %masked_cumsum3A_1613 = tpu.scan <sum>, %convert_element_type3A_1610 masked %broadcast_in_dim3A_1612 : vector<16xi32>, vector<16xi1> -> vector<16xi32>
        %add3A_1614 = arith.constant 0 : i32
        %add3A_1615 = vector.broadcast %add3A_1614 : i32 to vector<16xi32>
        %add3A_1616 = arith.addi %masked_cumsum3A_1613, %add3A_1615 : vector<16xi32>
        %sub3A_1617 = arith.constant 1 : i32
        %sub3A_1618 = vector.broadcast %sub3A_1617 : i32 to vector<16xi32>
        %sub3A_1619 = arith.subi %add3A_1616, %sub3A_1618 : vector<16xi32>
        %convert_element_type3A_1620 = arith.extui %and3A_1606 : vector<16xi1> to vector<16xi32>
        %reduce_sum3A_1621 = arith.constant true
        %reduce_sum3A_1622 = vector.broadcast %reduce_sum3A_1621 : i1 to vector<16xi1>
        %reduce_sum3A_1623 = tpu.scan <sum>, %convert_element_type3A_1620 masked %reduce_sum3A_1622 : vector<16xi32>, vector<16xi1> -> vector<16xi32>
        %reduce_sum3A_1624 = vector.extract %reduce_sum3A_1623[15] : i32 from vector<16xi32>
        %add3A_1625 = arith.constant 0 : i32
        %add3A_1626 = arith.addi %add3A_1625, %reduce_sum3A_1624 : i32
        %mul3A_1627 = arith.constant 1000 : i32
        %mul3A_1628 = vector.broadcast %mul3A_1627 : i32 to vector<16xi32>
        %mul3A_1629 = arith.muli %add3A_1504, %mul3A_1628 : vector<16xi32>
        %add3A_1630 = vector.broadcast %min3A_1487 : i32 to vector<16xi32>
        %add3A_1631 = arith.addi %mul3A_1629, %add3A_1630 : vector<16xi32>
        %mul3A_1632 = arith.constant 1000 : i32
        %mul3A_1633 = vector.broadcast %mul3A_1632 : i32 to vector<16xi32>
        %mul3A_1634 = arith.muli %select_n3A_1602, %mul3A_1633 : vector<16xi32>
        %add3A_1635 = vector.broadcast %min3A_1487 : i32 to vector<16xi32>
        %add3A_1636 = arith.addi %mul3A_1634, %add3A_1635 : vector<16xi32>
        tpu.vector_store_idx %arg7[%sub3A_1619], %add3A_1636 masked %and3A_1606 : memref<53xi32, #tpu.memory_space<vmem>>[vector<16xi32>], vector<16xi32>, vector<16xi1>
        tpu.vector_store_idx %arg8[%sub3A_1619], %add3A_1631 masked %and3A_1606 : memref<53xi32, #tpu.memory_space<vmem>>[vector<16xi32>], vector<16xi32>, vector<16xi1>
        %sub3A_1637 = arith.constant 77 : i32
        %sub3A_1638 = vector.broadcast %sub3A_1637 : i32 to vector<16xi32>
        %sub3A_1639 = arith.subi %select_n3A_1602, %sub3A_1638 : vector<16xi32>
        tpu.vector_store_idx %arg9[%sub3A_1639], %add3A_1631 masked %and3A_1609 : memref<16xi32, #tpu.memory_space<vmem>>[vector<16xi32>], vector<16xi32>, vector<16xi1>
        %iota3A_1640 = tpu.iota {dimensions = array<i32: 0>} : vector<16xi32>
        %add3A_1641 = arith.constant 16 : i32
        %add3A_1642 = vector.broadcast %add3A_1641 : i32 to vector<16xi32>
        %add3A_1643 = arith.addi %iota3A_1640, %add3A_1642 : vector<16xi32>
        %lt3A_1644 = arith.constant 69 : i32
        %lt3A_1645 = vector.broadcast %lt3A_1644 : i32 to vector<16xi32>
        %lt3A_1646 = arith.cmpi slt, %add3A_1643, %lt3A_1645 : vector<16xi32>
        %sub3A_1647 = arith.constant 4 : i32
        %sub3A_1648 = vector.broadcast %sub3A_1647 : i32 to vector<16xi32>
        %sub3A_1649 = arith.subi %gather3A_1500, %sub3A_1648 : vector<16xi32>
        %ge3A_1650 = arith.cmpi sge, %add3A_1643, %sub3A_1649 : vector<16xi32>
        %add3A_1651 = arith.constant 8 : i32
        %add3A_1652 = vector.broadcast %add3A_1651 : i32 to vector<16xi32>
        %add3A_1653 = arith.addi %add3A_1643, %add3A_1652 : vector<16xi32>
        %sub3A_1654 = arith.constant 6 : i32
        %sub3A_1655 = vector.broadcast %sub3A_1654 : i32 to vector<16xi32>
        %sub3A_1656 = arith.subi %gather3A_1500, %sub3A_1655 : vector<16xi32>
        %ge3A_1657 = arith.cmpi sge, %add3A_1643, %sub3A_1656 : vector<16xi32>
        %add3A_1658 = arith.constant 77 : i32
        %add3A_1659 = arith.constant 14 : i32
        %add3A_1660 = arith.addi %add3A_1658, %add3A_1659 : i32
        %sub3A_1661 = arith.constant 6 : i32
        %sub3A_1662 = vector.broadcast %sub3A_1661 : i32 to vector<16xi32>
        %sub3A_1663 = arith.subi %gather3A_1500, %sub3A_1662 : vector<16xi32>
        %sub3A_1664 = arith.subi %add3A_1643, %sub3A_1663 : vector<16xi32>
        %add3A_1665 = vector.broadcast %add3A_1660 : i32 to vector<16xi32>
        %add3A_1666 = arith.addi %add3A_1665, %sub3A_1664 : vector<16xi32>
        %sub3A_1667 = arith.constant 2 : i32
        %sub3A_1668 = vector.broadcast %sub3A_1667 : i32 to vector<16xi32>
        %sub3A_1669 = arith.subi %gather3A_1497, %sub3A_1668 : vector<16xi32>
        %ge3A_1670 = arith.cmpi sge, %add3A_1643, %sub3A_1669 : vector<16xi32>
        %add3A_1671 = arith.constant 6 : i32
        %add3A_1672 = vector.broadcast %add3A_1671 : i32 to vector<16xi32>
        %add3A_1673 = arith.addi %add3A_1643, %add3A_1672 : vector<16xi32>
        %sub3A_1674 = arith.constant 4 : i32
        %sub3A_1675 = vector.broadcast %sub3A_1674 : i32 to vector<16xi32>
        %sub3A_1676 = arith.subi %gather3A_1497, %sub3A_1675 : vector<16xi32>
        %ge3A_1677 = arith.cmpi sge, %add3A_1643, %sub3A_1676 : vector<16xi32>
        %add3A_1678 = arith.constant 77 : i32
        %add3A_1679 = arith.constant 12 : i32
        %add3A_1680 = arith.addi %add3A_1678, %add3A_1679 : i32
        %sub3A_1681 = arith.constant 4 : i32
        %sub3A_1682 = vector.broadcast %sub3A_1681 : i32 to vector<16xi32>
        %sub3A_1683 = arith.subi %gather3A_1497, %sub3A_1682 : vector<16xi32>
        %sub3A_1684 = arith.subi %add3A_1643, %sub3A_1683 : vector<16xi32>
        %add3A_1685 = vector.broadcast %add3A_1680 : i32 to vector<16xi32>
        %add3A_1686 = arith.addi %add3A_1685, %sub3A_1684 : vector<16xi32>
        %ge3A_1687 = arith.cmpi sge, %add3A_1643, %gather3A_1494 : vector<16xi32>
        %add3A_1688 = arith.constant 4 : i32
        %add3A_1689 = vector.broadcast %add3A_1688 : i32 to vector<16xi32>
        %add3A_1690 = arith.addi %add3A_1643, %add3A_1689 : vector<16xi32>
        %sub3A_1691 = arith.constant 2 : i32
        %sub3A_1692 = vector.broadcast %sub3A_1691 : i32 to vector<16xi32>
        %sub3A_1693 = arith.subi %gather3A_1494, %sub3A_1692 : vector<16xi32>
        %ge3A_1694 = arith.cmpi sge, %add3A_1643, %sub3A_1693 : vector<16xi32>
        %add3A_1695 = arith.constant 77 : i32
        %add3A_1696 = arith.constant 10 : i32
        %add3A_1697 = arith.addi %add3A_1695, %add3A_1696 : i32
        %sub3A_1698 = arith.constant 2 : i32
        %sub3A_1699 = vector.broadcast %sub3A_1698 : i32 to vector<16xi32>
        %sub3A_1700 = arith.subi %gather3A_1494, %sub3A_1699 : vector<16xi32>
        %sub3A_1701 = arith.subi %add3A_1643, %sub3A_1700 : vector<16xi32>
        %add3A_1702 = vector.broadcast %add3A_1697 : i32 to vector<16xi32>
        %add3A_1703 = arith.addi %add3A_1702, %sub3A_1701 : vector<16xi32>
        %add3A_1704 = arith.constant 2 : i32
        %add3A_1705 = vector.broadcast %add3A_1704 : i32 to vector<16xi32>
        %add3A_1706 = arith.addi %gather3A_1491, %add3A_1705 : vector<16xi32>
        %ge3A_1707 = arith.cmpi sge, %add3A_1643, %add3A_1706 : vector<16xi32>
        %add3A_1708 = arith.constant 2 : i32
        %add3A_1709 = vector.broadcast %add3A_1708 : i32 to vector<16xi32>
        %add3A_1710 = arith.addi %add3A_1643, %add3A_1709 : vector<16xi32>
        %ge3A_1711 = arith.cmpi sge, %add3A_1643, %gather3A_1491 : vector<16xi32>
        %add3A_1712 = arith.constant 77 : i32
        %add3A_1713 = arith.constant 8 : i32
        %add3A_1714 = arith.addi %add3A_1712, %add3A_1713 : i32
        %sub3A_1715 = arith.subi %add3A_1643, %gather3A_1491 : vector<16xi32>
        %add3A_1716 = vector.broadcast %add3A_1714 : i32 to vector<16xi32>
        %add3A_1717 = arith.addi %add3A_1716, %sub3A_1715 : vector<16xi32>
        %ge3A_1718 = arith.constant 9 : i32
        %ge3A_1719 = vector.broadcast %ge3A_1718 : i32 to vector<16xi32>
        %ge3A_1720 = arith.cmpi sge, %add3A_1643, %ge3A_1719 : vector<16xi32>
        %ge3A_1721 = arith.constant 1 : i32
        %ge3A_1722 = vector.broadcast %ge3A_1721 : i32 to vector<16xi32>
        %ge3A_1723 = arith.cmpi sge, %add3A_1643, %ge3A_1722 : vector<16xi32>
        %sub3A_1724 = arith.constant 1 : i32
        %sub3A_1725 = vector.broadcast %sub3A_1724 : i32 to vector<16xi32>
        %sub3A_1726 = arith.subi %add3A_1643, %sub3A_1725 : vector<16xi32>
        %add3A_1727 = arith.constant 77 : i32
        %add3A_1728 = vector.broadcast %add3A_1727 : i32 to vector<16xi32>
        %add3A_1729 = arith.addi %add3A_1728, %sub3A_1726 : vector<16xi32>
        %jit3A_1730 = arith.constant 0 : i32
        %broadcast_in_dim3A_1731 = vector.broadcast %jit3A_1730 : i32 to vector<16xi32>
        %select_n3A_1732 = arith.select %ge3A_1723, %add3A_1729, %broadcast_in_dim3A_1731 : vector<16xi1>, vector<16xi32>
        %select_n3A_1733 = arith.select %ge3A_1720, %add3A_1643, %select_n3A_1732 : vector<16xi1>, vector<16xi32>
        %select_n3A_1734 = arith.select %ge3A_1711, %add3A_1717, %select_n3A_1733 : vector<16xi1>, vector<16xi32>
        %select_n3A_1735 = arith.select %ge3A_1707, %add3A_1710, %select_n3A_1734 : vector<16xi1>, vector<16xi32>
        %select_n3A_1736 = arith.select %ge3A_1694, %add3A_1703, %select_n3A_1735 : vector<16xi1>, vector<16xi32>
        %select_n3A_1737 = arith.select %ge3A_1687, %add3A_1690, %select_n3A_1736 : vector<16xi1>, vector<16xi32>
        %select_n3A_1738 = arith.select %ge3A_1677, %add3A_1686, %select_n3A_1737 : vector<16xi1>, vector<16xi32>
        %select_n3A_1739 = arith.select %ge3A_1670, %add3A_1673, %select_n3A_1738 : vector<16xi1>, vector<16xi32>
        %select_n3A_1740 = arith.select %ge3A_1657, %add3A_1666, %select_n3A_1739 : vector<16xi1>, vector<16xi32>
        %select_n3A_1741 = arith.select %ge3A_1650, %add3A_1653, %select_n3A_1740 : vector<16xi1>, vector<16xi32>
        %lt3A_1742 = arith.constant 77 : i32
        %lt3A_1743 = vector.broadcast %lt3A_1742 : i32 to vector<16xi32>
        %lt3A_1744 = arith.cmpi slt, %select_n3A_1741, %lt3A_1743 : vector<16xi32>
        %and3A_1745 = arith.andi %lt3A_1744, %lt3A_1646 : vector<16xi1>
        %not3A_1746 = arith.constant dense<true> : vector<16xi1>
        %not3A_1747 = arith.xori %lt3A_1744, %not3A_1746 : vector<16xi1>
        %and3A_1748 = arith.andi %not3A_1747, %lt3A_1646 : vector<16xi1>
        %convert_element_type3A_1749 = arith.extui %and3A_1745 : vector<16xi1> to vector<16xi32>
        %broadcast_in_dim3A_1750 = arith.constant true
        %broadcast_in_dim3A_1751 = vector.broadcast %broadcast_in_dim3A_1750 : i1 to vector<16xi1>
        %masked_cumsum3A_1752 = tpu.scan <sum>, %convert_element_type3A_1749 masked %broadcast_in_dim3A_1751 : vector<16xi32>, vector<16xi1> -> vector<16xi32>
        %add3A_1753 = vector.broadcast %add3A_1626 : i32 to vector<16xi32>
        %add3A_1754 = arith.addi %masked_cumsum3A_1752, %add3A_1753 : vector<16xi32>
        %sub3A_1755 = arith.constant 1 : i32
        %sub3A_1756 = vector.broadcast %sub3A_1755 : i32 to vector<16xi32>
        %sub3A_1757 = arith.subi %add3A_1754, %sub3A_1756 : vector<16xi32>
        %convert_element_type3A_1758 = arith.extui %and3A_1745 : vector<16xi1> to vector<16xi32>
        %reduce_sum3A_1759 = arith.constant true
        %reduce_sum3A_1760 = vector.broadcast %reduce_sum3A_1759 : i1 to vector<16xi1>
        %reduce_sum3A_1761 = tpu.scan <sum>, %convert_element_type3A_1758 masked %reduce_sum3A_1760 : vector<16xi32>, vector<16xi1> -> vector<16xi32>
        %reduce_sum3A_1762 = vector.extract %reduce_sum3A_1761[15] : i32 from vector<16xi32>
        %add3A_1763 = arith.addi %add3A_1626, %reduce_sum3A_1762 : i32
        %mul3A_1764 = arith.constant 1000 : i32
        %mul3A_1765 = vector.broadcast %mul3A_1764 : i32 to vector<16xi32>
        %mul3A_1766 = arith.muli %add3A_1643, %mul3A_1765 : vector<16xi32>
        %add3A_1767 = vector.broadcast %min3A_1487 : i32 to vector<16xi32>
        %add3A_1768 = arith.addi %mul3A_1766, %add3A_1767 : vector<16xi32>
        %mul3A_1769 = arith.constant 1000 : i32
        %mul3A_1770 = vector.broadcast %mul3A_1769 : i32 to vector<16xi32>
        %mul3A_1771 = arith.muli %select_n3A_1741, %mul3A_1770 : vector<16xi32>
        %add3A_1772 = vector.broadcast %min3A_1487 : i32 to vector<16xi32>
        %add3A_1773 = arith.addi %mul3A_1771, %add3A_1772 : vector<16xi32>
        tpu.vector_store_idx %arg7[%sub3A_1757], %add3A_1773 masked %and3A_1745 : memref<53xi32, #tpu.memory_space<vmem>>[vector<16xi32>], vector<16xi32>, vector<16xi1>
        tpu.vector_store_idx %arg8[%sub3A_1757], %add3A_1768 masked %and3A_1745 : memref<53xi32, #tpu.memory_space<vmem>>[vector<16xi32>], vector<16xi32>, vector<16xi1>
        %sub3A_1774 = arith.constant 77 : i32
        %sub3A_1775 = vector.broadcast %sub3A_1774 : i32 to vector<16xi32>
        %sub3A_1776 = arith.subi %select_n3A_1741, %sub3A_1775 : vector<16xi32>
        tpu.vector_store_idx %arg9[%sub3A_1776], %add3A_1768 masked %and3A_1748 : memref<16xi32, #tpu.memory_space<vmem>>[vector<16xi32>], vector<16xi32>, vector<16xi1>
        %iota3A_1777 = tpu.iota {dimensions = array<i32: 0>} : vector<16xi32>
        %add3A_1778 = arith.constant 32 : i32
        %add3A_1779 = vector.broadcast %add3A_1778 : i32 to vector<16xi32>
        %add3A_1780 = arith.addi %iota3A_1777, %add3A_1779 : vector<16xi32>
        %lt3A_1781 = arith.constant 69 : i32
        %lt3A_1782 = vector.broadcast %lt3A_1781 : i32 to vector<16xi32>
        %lt3A_1783 = arith.cmpi slt, %add3A_1780, %lt3A_1782 : vector<16xi32>
        %sub3A_1784 = arith.constant 4 : i32
        %sub3A_1785 = vector.broadcast %sub3A_1784 : i32 to vector<16xi32>
        %sub3A_1786 = arith.subi %gather3A_1500, %sub3A_1785 : vector<16xi32>
        %ge3A_1787 = arith.cmpi sge, %add3A_1780, %sub3A_1786 : vector<16xi32>
        %add3A_1788 = arith.constant 8 : i32
        %add3A_1789 = vector.broadcast %add3A_1788 : i32 to vector<16xi32>
        %add3A_1790 = arith.addi %add3A_1780, %add3A_1789 : vector<16xi32>
        %sub3A_1791 = arith.constant 6 : i32
        %sub3A_1792 = vector.broadcast %sub3A_1791 : i32 to vector<16xi32>
        %sub3A_1793 = arith.subi %gather3A_1500, %sub3A_1792 : vector<16xi32>
        %ge3A_1794 = arith.cmpi sge, %add3A_1780, %sub3A_1793 : vector<16xi32>
        %add3A_1795 = arith.constant 77 : i32
        %add3A_1796 = arith.constant 14 : i32
        %add3A_1797 = arith.addi %add3A_1795, %add3A_1796 : i32
        %sub3A_1798 = arith.constant 6 : i32
        %sub3A_1799 = vector.broadcast %sub3A_1798 : i32 to vector<16xi32>
        %sub3A_1800 = arith.subi %gather3A_1500, %sub3A_1799 : vector<16xi32>
        %sub3A_1801 = arith.subi %add3A_1780, %sub3A_1800 : vector<16xi32>
        %add3A_1802 = vector.broadcast %add3A_1797 : i32 to vector<16xi32>
        %add3A_1803 = arith.addi %add3A_1802, %sub3A_1801 : vector<16xi32>
        %sub3A_1804 = arith.constant 2 : i32
        %sub3A_1805 = vector.broadcast %sub3A_1804 : i32 to vector<16xi32>
        %sub3A_1806 = arith.subi %gather3A_1497, %sub3A_1805 : vector<16xi32>
        %ge3A_1807 = arith.cmpi sge, %add3A_1780, %sub3A_1806 : vector<16xi32>
        %add3A_1808 = arith.constant 6 : i32
        %add3A_1809 = vector.broadcast %add3A_1808 : i32 to vector<16xi32>
        %add3A_1810 = arith.addi %add3A_1780, %add3A_1809 : vector<16xi32>
        %sub3A_1811 = arith.constant 4 : i32
        %sub3A_1812 = vector.broadcast %sub3A_1811 : i32 to vector<16xi32>
        %sub3A_1813 = arith.subi %gather3A_1497, %sub3A_1812 : vector<16xi32>
        %ge3A_1814 = arith.cmpi sge, %add3A_1780, %sub3A_1813 : vector<16xi32>
        %add3A_1815 = arith.constant 77 : i32
        %add3A_1816 = arith.constant 12 : i32
        %add3A_1817 = arith.addi %add3A_1815, %add3A_1816 : i32
        %sub3A_1818 = arith.constant 4 : i32
        %sub3A_1819 = vector.broadcast %sub3A_1818 : i32 to vector<16xi32>
        %sub3A_1820 = arith.subi %gather3A_1497, %sub3A_1819 : vector<16xi32>
        %sub3A_1821 = arith.subi %add3A_1780, %sub3A_1820 : vector<16xi32>
        %add3A_1822 = vector.broadcast %add3A_1817 : i32 to vector<16xi32>
        %add3A_1823 = arith.addi %add3A_1822, %sub3A_1821 : vector<16xi32>
        %ge3A_1824 = arith.cmpi sge, %add3A_1780, %gather3A_1494 : vector<16xi32>
        %add3A_1825 = arith.constant 4 : i32
        %add3A_1826 = vector.broadcast %add3A_1825 : i32 to vector<16xi32>
        %add3A_1827 = arith.addi %add3A_1780, %add3A_1826 : vector<16xi32>
        %sub3A_1828 = arith.constant 2 : i32
        %sub3A_1829 = vector.broadcast %sub3A_1828 : i32 to vector<16xi32>
        %sub3A_1830 = arith.subi %gather3A_1494, %sub3A_1829 : vector<16xi32>
        %ge3A_1831 = arith.cmpi sge, %add3A_1780, %sub3A_1830 : vector<16xi32>
        %add3A_1832 = arith.constant 77 : i32
        %add3A_1833 = arith.constant 10 : i32
        %add3A_1834 = arith.addi %add3A_1832, %add3A_1833 : i32
        %sub3A_1835 = arith.constant 2 : i32
        %sub3A_1836 = vector.broadcast %sub3A_1835 : i32 to vector<16xi32>
        %sub3A_1837 = arith.subi %gather3A_1494, %sub3A_1836 : vector<16xi32>
        %sub3A_1838 = arith.subi %add3A_1780, %sub3A_1837 : vector<16xi32>
        %add3A_1839 = vector.broadcast %add3A_1834 : i32 to vector<16xi32>
        %add3A_1840 = arith.addi %add3A_1839, %sub3A_1838 : vector<16xi32>
        %add3A_1841 = arith.constant 2 : i32
        %add3A_1842 = vector.broadcast %add3A_1841 : i32 to vector<16xi32>
        %add3A_1843 = arith.addi %gather3A_1491, %add3A_1842 : vector<16xi32>
        %ge3A_1844 = arith.cmpi sge, %add3A_1780, %add3A_1843 : vector<16xi32>
        %add3A_1845 = arith.constant 2 : i32
        %add3A_1846 = vector.broadcast %add3A_1845 : i32 to vector<16xi32>
        %add3A_1847 = arith.addi %add3A_1780, %add3A_1846 : vector<16xi32>
        %ge3A_1848 = arith.cmpi sge, %add3A_1780, %gather3A_1491 : vector<16xi32>
        %add3A_1849 = arith.constant 77 : i32
        %add3A_1850 = arith.constant 8 : i32
        %add3A_1851 = arith.addi %add3A_1849, %add3A_1850 : i32
        %sub3A_1852 = arith.subi %add3A_1780, %gather3A_1491 : vector<16xi32>
        %add3A_1853 = vector.broadcast %add3A_1851 : i32 to vector<16xi32>
        %add3A_1854 = arith.addi %add3A_1853, %sub3A_1852 : vector<16xi32>
        %ge3A_1855 = arith.constant 9 : i32
        %ge3A_1856 = vector.broadcast %ge3A_1855 : i32 to vector<16xi32>
        %ge3A_1857 = arith.cmpi sge, %add3A_1780, %ge3A_1856 : vector<16xi32>
        %ge3A_1858 = arith.constant 1 : i32
        %ge3A_1859 = vector.broadcast %ge3A_1858 : i32 to vector<16xi32>
        %ge3A_1860 = arith.cmpi sge, %add3A_1780, %ge3A_1859 : vector<16xi32>
        %sub3A_1861 = arith.constant 1 : i32
        %sub3A_1862 = vector.broadcast %sub3A_1861 : i32 to vector<16xi32>
        %sub3A_1863 = arith.subi %add3A_1780, %sub3A_1862 : vector<16xi32>
        %add3A_1864 = arith.constant 77 : i32
        %add3A_1865 = vector.broadcast %add3A_1864 : i32 to vector<16xi32>
        %add3A_1866 = arith.addi %add3A_1865, %sub3A_1863 : vector<16xi32>
        %jit3A_1867 = arith.constant 0 : i32
        %broadcast_in_dim3A_1868 = vector.broadcast %jit3A_1867 : i32 to vector<16xi32>
        %select_n3A_1869 = arith.select %ge3A_1860, %add3A_1866, %broadcast_in_dim3A_1868 : vector<16xi1>, vector<16xi32>
        %select_n3A_1870 = arith.select %ge3A_1857, %add3A_1780, %select_n3A_1869 : vector<16xi1>, vector<16xi32>
        %select_n3A_1871 = arith.select %ge3A_1848, %add3A_1854, %select_n3A_1870 : vector<16xi1>, vector<16xi32>
        %select_n3A_1872 = arith.select %ge3A_1844, %add3A_1847, %select_n3A_1871 : vector<16xi1>, vector<16xi32>
        %select_n3A_1873 = arith.select %ge3A_1831, %add3A_1840, %select_n3A_1872 : vector<16xi1>, vector<16xi32>
        %select_n3A_1874 = arith.select %ge3A_1824, %add3A_1827, %select_n3A_1873 : vector<16xi1>, vector<16xi32>
        %select_n3A_1875 = arith.select %ge3A_1814, %add3A_1823, %select_n3A_1874 : vector<16xi1>, vector<16xi32>
        %select_n3A_1876 = arith.select %ge3A_1807, %add3A_1810, %select_n3A_1875 : vector<16xi1>, vector<16xi32>
        %select_n3A_1877 = arith.select %ge3A_1794, %add3A_1803, %select_n3A_1876 : vector<16xi1>, vector<16xi32>
        %select_n3A_1878 = arith.select %ge3A_1787, %add3A_1790, %select_n3A_1877 : vector<16xi1>, vector<16xi32>
        %lt3A_1879 = arith.constant 77 : i32
        %lt3A_1880 = vector.broadcast %lt3A_1879 : i32 to vector<16xi32>
        %lt3A_1881 = arith.cmpi slt, %select_n3A_1878, %lt3A_1880 : vector<16xi32>
        %and3A_1882 = arith.andi %lt3A_1881, %lt3A_1783 : vector<16xi1>
        %not3A_1883 = arith.constant dense<true> : vector<16xi1>
        %not3A_1884 = arith.xori %lt3A_1881, %not3A_1883 : vector<16xi1>
        %and3A_1885 = arith.andi %not3A_1884, %lt3A_1783 : vector<16xi1>
        %convert_element_type3A_1886 = arith.extui %and3A_1882 : vector<16xi1> to vector<16xi32>
        %broadcast_in_dim3A_1887 = arith.constant true
        %broadcast_in_dim3A_1888 = vector.broadcast %broadcast_in_dim3A_1887 : i1 to vector<16xi1>
        %masked_cumsum3A_1889 = tpu.scan <sum>, %convert_element_type3A_1886 masked %broadcast_in_dim3A_1888 : vector<16xi32>, vector<16xi1> -> vector<16xi32>
        %add3A_1890 = vector.broadcast %add3A_1763 : i32 to vector<16xi32>
        %add3A_1891 = arith.addi %masked_cumsum3A_1889, %add3A_1890 : vector<16xi32>
        %sub3A_1892 = arith.constant 1 : i32
        %sub3A_1893 = vector.broadcast %sub3A_1892 : i32 to vector<16xi32>
        %sub3A_1894 = arith.subi %add3A_1891, %sub3A_1893 : vector<16xi32>
        %convert_element_type3A_1895 = arith.extui %and3A_1882 : vector<16xi1> to vector<16xi32>
        %reduce_sum3A_1896 = arith.constant true
        %reduce_sum3A_1897 = vector.broadcast %reduce_sum3A_1896 : i1 to vector<16xi1>
        %reduce_sum3A_1898 = tpu.scan <sum>, %convert_element_type3A_1895 masked %reduce_sum3A_1897 : vector<16xi32>, vector<16xi1> -> vector<16xi32>
        %reduce_sum3A_1899 = vector.extract %reduce_sum3A_1898[15] : i32 from vector<16xi32>
        %add3A_1900 = arith.addi %add3A_1763, %reduce_sum3A_1899 : i32
        %mul3A_1901 = arith.constant 1000 : i32
        %mul3A_1902 = vector.broadcast %mul3A_1901 : i32 to vector<16xi32>
        %mul3A_1903 = arith.muli %add3A_1780, %mul3A_1902 : vector<16xi32>
        %add3A_1904 = vector.broadcast %min3A_1487 : i32 to vector<16xi32>
        %add3A_1905 = arith.addi %mul3A_1903, %add3A_1904 : vector<16xi32>
        %mul3A_1906 = arith.constant 1000 : i32
        %mul3A_1907 = vector.broadcast %mul3A_1906 : i32 to vector<16xi32>
        %mul3A_1908 = arith.muli %select_n3A_1878, %mul3A_1907 : vector<16xi32>
        %add3A_1909 = vector.broadcast %min3A_1487 : i32 to vector<16xi32>
        %add3A_1910 = arith.addi %mul3A_1908, %add3A_1909 : vector<16xi32>
        tpu.vector_store_idx %arg7[%sub3A_1894], %add3A_1910 masked %and3A_1882 : memref<53xi32, #tpu.memory_space<vmem>>[vector<16xi32>], vector<16xi32>, vector<16xi1>
        tpu.vector_store_idx %arg8[%sub3A_1894], %add3A_1905 masked %and3A_1882 : memref<53xi32, #tpu.memory_space<vmem>>[vector<16xi32>], vector<16xi32>, vector<16xi1>
        %sub3A_1911 = arith.constant 77 : i32
        %sub3A_1912 = vector.broadcast %sub3A_1911 : i32 to vector<16xi32>
        %sub3A_1913 = arith.subi %select_n3A_1878, %sub3A_1912 : vector<16xi32>
        tpu.vector_store_idx %arg9[%sub3A_1913], %add3A_1905 masked %and3A_1885 : memref<16xi32, #tpu.memory_space<vmem>>[vector<16xi32>], vector<16xi32>, vector<16xi1>
        %iota3A_1914 = tpu.iota {dimensions = array<i32: 0>} : vector<16xi32>
        %add3A_1915 = arith.constant 48 : i32
        %add3A_1916 = vector.broadcast %add3A_1915 : i32 to vector<16xi32>
        %add3A_1917 = arith.addi %iota3A_1914, %add3A_1916 : vector<16xi32>
        %lt3A_1918 = arith.constant 69 : i32
        %lt3A_1919 = vector.broadcast %lt3A_1918 : i32 to vector<16xi32>
        %lt3A_1920 = arith.cmpi slt, %add3A_1917, %lt3A_1919 : vector<16xi32>
        %sub3A_1921 = arith.constant 4 : i32
        %sub3A_1922 = vector.broadcast %sub3A_1921 : i32 to vector<16xi32>
        %sub3A_1923 = arith.subi %gather3A_1500, %sub3A_1922 : vector<16xi32>
        %ge3A_1924 = arith.cmpi sge, %add3A_1917, %sub3A_1923 : vector<16xi32>
        %add3A_1925 = arith.constant 8 : i32
        %add3A_1926 = vector.broadcast %add3A_1925 : i32 to vector<16xi32>
        %add3A_1927 = arith.addi %add3A_1917, %add3A_1926 : vector<16xi32>
        %sub3A_1928 = arith.constant 6 : i32
        %sub3A_1929 = vector.broadcast %sub3A_1928 : i32 to vector<16xi32>
        %sub3A_1930 = arith.subi %gather3A_1500, %sub3A_1929 : vector<16xi32>
        %ge3A_1931 = arith.cmpi sge, %add3A_1917, %sub3A_1930 : vector<16xi32>
        %add3A_1932 = arith.constant 77 : i32
        %add3A_1933 = arith.constant 14 : i32
        %add3A_1934 = arith.addi %add3A_1932, %add3A_1933 : i32
        %sub3A_1935 = arith.constant 6 : i32
        %sub3A_1936 = vector.broadcast %sub3A_1935 : i32 to vector<16xi32>
        %sub3A_1937 = arith.subi %gather3A_1500, %sub3A_1936 : vector<16xi32>
        %sub3A_1938 = arith.subi %add3A_1917, %sub3A_1937 : vector<16xi32>
        %add3A_1939 = vector.broadcast %add3A_1934 : i32 to vector<16xi32>
        %add3A_1940 = arith.addi %add3A_1939, %sub3A_1938 : vector<16xi32>
        %sub3A_1941 = arith.constant 2 : i32
        %sub3A_1942 = vector.broadcast %sub3A_1941 : i32 to vector<16xi32>
        %sub3A_1943 = arith.subi %gather3A_1497, %sub3A_1942 : vector<16xi32>
        %ge3A_1944 = arith.cmpi sge, %add3A_1917, %sub3A_1943 : vector<16xi32>
        %add3A_1945 = arith.constant 6 : i32
        %add3A_1946 = vector.broadcast %add3A_1945 : i32 to vector<16xi32>
        %add3A_1947 = arith.addi %add3A_1917, %add3A_1946 : vector<16xi32>
        %sub3A_1948 = arith.constant 4 : i32
        %sub3A_1949 = vector.broadcast %sub3A_1948 : i32 to vector<16xi32>
        %sub3A_1950 = arith.subi %gather3A_1497, %sub3A_1949 : vector<16xi32>
        %ge3A_1951 = arith.cmpi sge, %add3A_1917, %sub3A_1950 : vector<16xi32>
        %add3A_1952 = arith.constant 77 : i32
        %add3A_1953 = arith.constant 12 : i32
        %add3A_1954 = arith.addi %add3A_1952, %add3A_1953 : i32
        %sub3A_1955 = arith.constant 4 : i32
        %sub3A_1956 = vector.broadcast %sub3A_1955 : i32 to vector<16xi32>
        %sub3A_1957 = arith.subi %gather3A_1497, %sub3A_1956 : vector<16xi32>
        %sub3A_1958 = arith.subi %add3A_1917, %sub3A_1957 : vector<16xi32>
        %add3A_1959 = vector.broadcast %add3A_1954 : i32 to vector<16xi32>
        %add3A_1960 = arith.addi %add3A_1959, %sub3A_1958 : vector<16xi32>
        %ge3A_1961 = arith.cmpi sge, %add3A_1917, %gather3A_1494 : vector<16xi32>
        %add3A_1962 = arith.constant 4 : i32
        %add3A_1963 = vector.broadcast %add3A_1962 : i32 to vector<16xi32>
        %add3A_1964 = arith.addi %add3A_1917, %add3A_1963 : vector<16xi32>
        %sub3A_1965 = arith.constant 2 : i32
        %sub3A_1966 = vector.broadcast %sub3A_1965 : i32 to vector<16xi32>
        %sub3A_1967 = arith.subi %gather3A_1494, %sub3A_1966 : vector<16xi32>
        %ge3A_1968 = arith.cmpi sge, %add3A_1917, %sub3A_1967 : vector<16xi32>
        %add3A_1969 = arith.constant 77 : i32
        %add3A_1970 = arith.constant 10 : i32
        %add3A_1971 = arith.addi %add3A_1969, %add3A_1970 : i32
        %sub3A_1972 = arith.constant 2 : i32
        %sub3A_1973 = vector.broadcast %sub3A_1972 : i32 to vector<16xi32>
        %sub3A_1974 = arith.subi %gather3A_1494, %sub3A_1973 : vector<16xi32>
        %sub3A_1975 = arith.subi %add3A_1917, %sub3A_1974 : vector<16xi32>
        %add3A_1976 = vector.broadcast %add3A_1971 : i32 to vector<16xi32>
        %add3A_1977 = arith.addi %add3A_1976, %sub3A_1975 : vector<16xi32>
        %add3A_1978 = arith.constant 2 : i32
        %add3A_1979 = vector.broadcast %add3A_1978 : i32 to vector<16xi32>
        %add3A_1980 = arith.addi %gather3A_1491, %add3A_1979 : vector<16xi32>
        %ge3A_1981 = arith.cmpi sge, %add3A_1917, %add3A_1980 : vector<16xi32>
        %add3A_1982 = arith.constant 2 : i32
        %add3A_1983 = vector.broadcast %add3A_1982 : i32 to vector<16xi32>
        %add3A_1984 = arith.addi %add3A_1917, %add3A_1983 : vector<16xi32>
        %ge3A_1985 = arith.cmpi sge, %add3A_1917, %gather3A_1491 : vector<16xi32>
        %add3A_1986 = arith.constant 77 : i32
        %add3A_1987 = arith.constant 8 : i32
        %add3A_1988 = arith.addi %add3A_1986, %add3A_1987 : i32
        %sub3A_1989 = arith.subi %add3A_1917, %gather3A_1491 : vector<16xi32>
        %add3A_1990 = vector.broadcast %add3A_1988 : i32 to vector<16xi32>
        %add3A_1991 = arith.addi %add3A_1990, %sub3A_1989 : vector<16xi32>
        %ge3A_1992 = arith.constant 9 : i32
        %ge3A_1993 = vector.broadcast %ge3A_1992 : i32 to vector<16xi32>
        %ge3A_1994 = arith.cmpi sge, %add3A_1917, %ge3A_1993 : vector<16xi32>
        %ge3A_1995 = arith.constant 1 : i32
        %ge3A_1996 = vector.broadcast %ge3A_1995 : i32 to vector<16xi32>
        %ge3A_1997 = arith.cmpi sge, %add3A_1917, %ge3A_1996 : vector<16xi32>
        %sub3A_1998 = arith.constant 1 : i32
        %sub3A_1999 = vector.broadcast %sub3A_1998 : i32 to vector<16xi32>
        %sub3A_2000 = arith.subi %add3A_1917, %sub3A_1999 : vector<16xi32>
        %add3A_2001 = arith.constant 77 : i32
        %add3A_2002 = vector.broadcast %add3A_2001 : i32 to vector<16xi32>
        %add3A_2003 = arith.addi %add3A_2002, %sub3A_2000 : vector<16xi32>
        %jit3A_2004 = arith.constant 0 : i32
        %broadcast_in_dim3A_2005 = vector.broadcast %jit3A_2004 : i32 to vector<16xi32>
        %select_n3A_2006 = arith.select %ge3A_1997, %add3A_2003, %broadcast_in_dim3A_2005 : vector<16xi1>, vector<16xi32>
        %select_n3A_2007 = arith.select %ge3A_1994, %add3A_1917, %select_n3A_2006 : vector<16xi1>, vector<16xi32>
        %select_n3A_2008 = arith.select %ge3A_1985, %add3A_1991, %select_n3A_2007 : vector<16xi1>, vector<16xi32>
        %select_n3A_2009 = arith.select %ge3A_1981, %add3A_1984, %select_n3A_2008 : vector<16xi1>, vector<16xi32>
        %select_n3A_2010 = arith.select %ge3A_1968, %add3A_1977, %select_n3A_2009 : vector<16xi1>, vector<16xi32>
        %select_n3A_2011 = arith.select %ge3A_1961, %add3A_1964, %select_n3A_2010 : vector<16xi1>, vector<16xi32>
        %select_n3A_2012 = arith.select %ge3A_1951, %add3A_1960, %select_n3A_2011 : vector<16xi1>, vector<16xi32>
        %select_n3A_2013 = arith.select %ge3A_1944, %add3A_1947, %select_n3A_2012 : vector<16xi1>, vector<16xi32>
        %select_n3A_2014 = arith.select %ge3A_1931, %add3A_1940, %select_n3A_2013 : vector<16xi1>, vector<16xi32>
        %select_n3A_2015 = arith.select %ge3A_1924, %add3A_1927, %select_n3A_2014 : vector<16xi1>, vector<16xi32>
        %lt3A_2016 = arith.constant 77 : i32
        %lt3A_2017 = vector.broadcast %lt3A_2016 : i32 to vector<16xi32>
        %lt3A_2018 = arith.cmpi slt, %select_n3A_2015, %lt3A_2017 : vector<16xi32>
        %and3A_2019 = arith.andi %lt3A_2018, %lt3A_1920 : vector<16xi1>
        %not3A_2020 = arith.constant dense<true> : vector<16xi1>
        %not3A_2021 = arith.xori %lt3A_2018, %not3A_2020 : vector<16xi1>
        %and3A_2022 = arith.andi %not3A_2021, %lt3A_1920 : vector<16xi1>
        %convert_element_type3A_2023 = arith.extui %and3A_2019 : vector<16xi1> to vector<16xi32>
        %broadcast_in_dim3A_2024 = arith.constant true
        %broadcast_in_dim3A_2025 = vector.broadcast %broadcast_in_dim3A_2024 : i1 to vector<16xi1>
        %masked_cumsum3A_2026 = tpu.scan <sum>, %convert_element_type3A_2023 masked %broadcast_in_dim3A_2025 : vector<16xi32>, vector<16xi1> -> vector<16xi32>
        %add3A_2027 = vector.broadcast %add3A_1900 : i32 to vector<16xi32>
        %add3A_2028 = arith.addi %masked_cumsum3A_2026, %add3A_2027 : vector<16xi32>
        %sub3A_2029 = arith.constant 1 : i32
        %sub3A_2030 = vector.broadcast %sub3A_2029 : i32 to vector<16xi32>
        %sub3A_2031 = arith.subi %add3A_2028, %sub3A_2030 : vector<16xi32>
        %convert_element_type3A_2032 = arith.extui %and3A_2019 : vector<16xi1> to vector<16xi32>
        %reduce_sum3A_2033 = arith.constant true
        %reduce_sum3A_2034 = vector.broadcast %reduce_sum3A_2033 : i1 to vector<16xi1>
        %reduce_sum3A_2035 = tpu.scan <sum>, %convert_element_type3A_2032 masked %reduce_sum3A_2034 : vector<16xi32>, vector<16xi1> -> vector<16xi32>
        %reduce_sum3A_2036 = vector.extract %reduce_sum3A_2035[15] : i32 from vector<16xi32>
        %add3A_2037 = arith.addi %add3A_1900, %reduce_sum3A_2036 : i32
        %mul3A_2038 = arith.constant 1000 : i32
        %mul3A_2039 = vector.broadcast %mul3A_2038 : i32 to vector<16xi32>
        %mul3A_2040 = arith.muli %add3A_1917, %mul3A_2039 : vector<16xi32>
        %add3A_2041 = vector.broadcast %min3A_1487 : i32 to vector<16xi32>
        %add3A_2042 = arith.addi %mul3A_2040, %add3A_2041 : vector<16xi32>
        %mul3A_2043 = arith.constant 1000 : i32
        %mul3A_2044 = vector.broadcast %mul3A_2043 : i32 to vector<16xi32>
        %mul3A_2045 = arith.muli %select_n3A_2015, %mul3A_2044 : vector<16xi32>
        %add3A_2046 = vector.broadcast %min3A_1487 : i32 to vector<16xi32>
        %add3A_2047 = arith.addi %mul3A_2045, %add3A_2046 : vector<16xi32>
        tpu.vector_store_idx %arg7[%sub3A_2031], %add3A_2047 masked %and3A_2019 : memref<53xi32, #tpu.memory_space<vmem>>[vector<16xi32>], vector<16xi32>, vector<16xi1>
        tpu.vector_store_idx %arg8[%sub3A_2031], %add3A_2042 masked %and3A_2019 : memref<53xi32, #tpu.memory_space<vmem>>[vector<16xi32>], vector<16xi32>, vector<16xi1>
        %sub3A_2048 = arith.constant 77 : i32
        %sub3A_2049 = vector.broadcast %sub3A_2048 : i32 to vector<16xi32>
        %sub3A_2050 = arith.subi %select_n3A_2015, %sub3A_2049 : vector<16xi32>
        tpu.vector_store_idx %arg9[%sub3A_2050], %add3A_2042 masked %and3A_2022 : memref<16xi32, #tpu.memory_space<vmem>>[vector<16xi32>], vector<16xi32>, vector<16xi1>
        %iota3A_2051 = tpu.iota {dimensions = array<i32: 0>} : vector<16xi32>
        %add3A_2052 = arith.constant 64 : i32
        %add3A_2053 = vector.broadcast %add3A_2052 : i32 to vector<16xi32>
        %add3A_2054 = arith.addi %iota3A_2051, %add3A_2053 : vector<16xi32>
        %lt3A_2055 = arith.constant 69 : i32
        %lt3A_2056 = vector.broadcast %lt3A_2055 : i32 to vector<16xi32>
        %lt3A_2057 = arith.cmpi slt, %add3A_2054, %lt3A_2056 : vector<16xi32>
        %sub3A_2058 = arith.constant 4 : i32
        %sub3A_2059 = vector.broadcast %sub3A_2058 : i32 to vector<16xi32>
        %sub3A_2060 = arith.subi %gather3A_1500, %sub3A_2059 : vector<16xi32>
        %ge3A_2061 = arith.cmpi sge, %add3A_2054, %sub3A_2060 : vector<16xi32>
        %add3A_2062 = arith.constant 8 : i32
        %add3A_2063 = vector.broadcast %add3A_2062 : i32 to vector<16xi32>
        %add3A_2064 = arith.addi %add3A_2054, %add3A_2063 : vector<16xi32>
        %sub3A_2065 = arith.constant 6 : i32
        %sub3A_2066 = vector.broadcast %sub3A_2065 : i32 to vector<16xi32>
        %sub3A_2067 = arith.subi %gather3A_1500, %sub3A_2066 : vector<16xi32>
        %ge3A_2068 = arith.cmpi sge, %add3A_2054, %sub3A_2067 : vector<16xi32>
        %add3A_2069 = arith.constant 77 : i32
        %add3A_2070 = arith.constant 14 : i32
        %add3A_2071 = arith.addi %add3A_2069, %add3A_2070 : i32
        %sub3A_2072 = arith.constant 6 : i32
        %sub3A_2073 = vector.broadcast %sub3A_2072 : i32 to vector<16xi32>
        %sub3A_2074 = arith.subi %gather3A_1500, %sub3A_2073 : vector<16xi32>
        %sub3A_2075 = arith.subi %add3A_2054, %sub3A_2074 : vector<16xi32>
        %add3A_2076 = vector.broadcast %add3A_2071 : i32 to vector<16xi32>
        %add3A_2077 = arith.addi %add3A_2076, %sub3A_2075 : vector<16xi32>
        %sub3A_2078 = arith.constant 2 : i32
        %sub3A_2079 = vector.broadcast %sub3A_2078 : i32 to vector<16xi32>
        %sub3A_2080 = arith.subi %gather3A_1497, %sub3A_2079 : vector<16xi32>
        %ge3A_2081 = arith.cmpi sge, %add3A_2054, %sub3A_2080 : vector<16xi32>
        %add3A_2082 = arith.constant 6 : i32
        %add3A_2083 = vector.broadcast %add3A_2082 : i32 to vector<16xi32>
        %add3A_2084 = arith.addi %add3A_2054, %add3A_2083 : vector<16xi32>
        %sub3A_2085 = arith.constant 4 : i32
        %sub3A_2086 = vector.broadcast %sub3A_2085 : i32 to vector<16xi32>
        %sub3A_2087 = arith.subi %gather3A_1497, %sub3A_2086 : vector<16xi32>
        %ge3A_2088 = arith.cmpi sge, %add3A_2054, %sub3A_2087 : vector<16xi32>
        %add3A_2089 = arith.constant 77 : i32
        %add3A_2090 = arith.constant 12 : i32
        %add3A_2091 = arith.addi %add3A_2089, %add3A_2090 : i32
        %sub3A_2092 = arith.constant 4 : i32
        %sub3A_2093 = vector.broadcast %sub3A_2092 : i32 to vector<16xi32>
        %sub3A_2094 = arith.subi %gather3A_1497, %sub3A_2093 : vector<16xi32>
        %sub3A_2095 = arith.subi %add3A_2054, %sub3A_2094 : vector<16xi32>
        %add3A_2096 = vector.broadcast %add3A_2091 : i32 to vector<16xi32>
        %add3A_2097 = arith.addi %add3A_2096, %sub3A_2095 : vector<16xi32>
        %ge3A_2098 = arith.cmpi sge, %add3A_2054, %gather3A_1494 : vector<16xi32>
        %add3A_2099 = arith.constant 4 : i32
        %add3A_2100 = vector.broadcast %add3A_2099 : i32 to vector<16xi32>
        %add3A_2101 = arith.addi %add3A_2054, %add3A_2100 : vector<16xi32>
        %sub3A_2102 = arith.constant 2 : i32
        %sub3A_2103 = vector.broadcast %sub3A_2102 : i32 to vector<16xi32>
        %sub3A_2104 = arith.subi %gather3A_1494, %sub3A_2103 : vector<16xi32>
        %ge3A_2105 = arith.cmpi sge, %add3A_2054, %sub3A_2104 : vector<16xi32>
        %add3A_2106 = arith.constant 77 : i32
        %add3A_2107 = arith.constant 10 : i32
        %add3A_2108 = arith.addi %add3A_2106, %add3A_2107 : i32
        %sub3A_2109 = arith.constant 2 : i32
        %sub3A_2110 = vector.broadcast %sub3A_2109 : i32 to vector<16xi32>
        %sub3A_2111 = arith.subi %gather3A_1494, %sub3A_2110 : vector<16xi32>
        %sub3A_2112 = arith.subi %add3A_2054, %sub3A_2111 : vector<16xi32>
        %add3A_2113 = vector.broadcast %add3A_2108 : i32 to vector<16xi32>
        %add3A_2114 = arith.addi %add3A_2113, %sub3A_2112 : vector<16xi32>
        %add3A_2115 = arith.constant 2 : i32
        %add3A_2116 = vector.broadcast %add3A_2115 : i32 to vector<16xi32>
        %add3A_2117 = arith.addi %gather3A_1491, %add3A_2116 : vector<16xi32>
        %ge3A_2118 = arith.cmpi sge, %add3A_2054, %add3A_2117 : vector<16xi32>
        %add3A_2119 = arith.constant 2 : i32
        %add3A_2120 = vector.broadcast %add3A_2119 : i32 to vector<16xi32>
        %add3A_2121 = arith.addi %add3A_2054, %add3A_2120 : vector<16xi32>
        %ge3A_2122 = arith.cmpi sge, %add3A_2054, %gather3A_1491 : vector<16xi32>
        %add3A_2123 = arith.constant 77 : i32
        %add3A_2124 = arith.constant 8 : i32
        %add3A_2125 = arith.addi %add3A_2123, %add3A_2124 : i32
        %sub3A_2126 = arith.subi %add3A_2054, %gather3A_1491 : vector<16xi32>
        %add3A_2127 = vector.broadcast %add3A_2125 : i32 to vector<16xi32>
        %add3A_2128 = arith.addi %add3A_2127, %sub3A_2126 : vector<16xi32>
        %ge3A_2129 = arith.constant 9 : i32
        %ge3A_2130 = vector.broadcast %ge3A_2129 : i32 to vector<16xi32>
        %ge3A_2131 = arith.cmpi sge, %add3A_2054, %ge3A_2130 : vector<16xi32>
        %ge3A_2132 = arith.constant 1 : i32
        %ge3A_2133 = vector.broadcast %ge3A_2132 : i32 to vector<16xi32>
        %ge3A_2134 = arith.cmpi sge, %add3A_2054, %ge3A_2133 : vector<16xi32>
        %sub3A_2135 = arith.constant 1 : i32
        %sub3A_2136 = vector.broadcast %sub3A_2135 : i32 to vector<16xi32>
        %sub3A_2137 = arith.subi %add3A_2054, %sub3A_2136 : vector<16xi32>
        %add3A_2138 = arith.constant 77 : i32
        %add3A_2139 = vector.broadcast %add3A_2138 : i32 to vector<16xi32>
        %add3A_2140 = arith.addi %add3A_2139, %sub3A_2137 : vector<16xi32>
        %jit3A_2141 = arith.constant 0 : i32
        %broadcast_in_dim3A_2142 = vector.broadcast %jit3A_2141 : i32 to vector<16xi32>
        %select_n3A_2143 = arith.select %ge3A_2134, %add3A_2140, %broadcast_in_dim3A_2142 : vector<16xi1>, vector<16xi32>
        %select_n3A_2144 = arith.select %ge3A_2131, %add3A_2054, %select_n3A_2143 : vector<16xi1>, vector<16xi32>
        %select_n3A_2145 = arith.select %ge3A_2122, %add3A_2128, %select_n3A_2144 : vector<16xi1>, vector<16xi32>
        %select_n3A_2146 = arith.select %ge3A_2118, %add3A_2121, %select_n3A_2145 : vector<16xi1>, vector<16xi32>
        %select_n3A_2147 = arith.select %ge3A_2105, %add3A_2114, %select_n3A_2146 : vector<16xi1>, vector<16xi32>
        %select_n3A_2148 = arith.select %ge3A_2098, %add3A_2101, %select_n3A_2147 : vector<16xi1>, vector<16xi32>
        %select_n3A_2149 = arith.select %ge3A_2088, %add3A_2097, %select_n3A_2148 : vector<16xi1>, vector<16xi32>
        %select_n3A_2150 = arith.select %ge3A_2081, %add3A_2084, %select_n3A_2149 : vector<16xi1>, vector<16xi32>
        %select_n3A_2151 = arith.select %ge3A_2068, %add3A_2077, %select_n3A_2150 : vector<16xi1>, vector<16xi32>
        %select_n3A_2152 = arith.select %ge3A_2061, %add3A_2064, %select_n3A_2151 : vector<16xi1>, vector<16xi32>
        %lt3A_2153 = arith.constant 77 : i32
        %lt3A_2154 = vector.broadcast %lt3A_2153 : i32 to vector<16xi32>
        %lt3A_2155 = arith.cmpi slt, %select_n3A_2152, %lt3A_2154 : vector<16xi32>
        %and3A_2156 = arith.andi %lt3A_2155, %lt3A_2057 : vector<16xi1>
        %not3A_2157 = arith.constant dense<true> : vector<16xi1>
        %not3A_2158 = arith.xori %lt3A_2155, %not3A_2157 : vector<16xi1>
        %and3A_2159 = arith.andi %not3A_2158, %lt3A_2057 : vector<16xi1>
        %convert_element_type3A_2160 = arith.extui %and3A_2156 : vector<16xi1> to vector<16xi32>
        %broadcast_in_dim3A_2161 = arith.constant true
        %broadcast_in_dim3A_2162 = vector.broadcast %broadcast_in_dim3A_2161 : i1 to vector<16xi1>
        %masked_cumsum3A_2163 = tpu.scan <sum>, %convert_element_type3A_2160 masked %broadcast_in_dim3A_2162 : vector<16xi32>, vector<16xi1> -> vector<16xi32>
        %add3A_2164 = vector.broadcast %add3A_2037 : i32 to vector<16xi32>
        %add3A_2165 = arith.addi %masked_cumsum3A_2163, %add3A_2164 : vector<16xi32>
        %sub3A_2166 = arith.constant 1 : i32
        %sub3A_2167 = vector.broadcast %sub3A_2166 : i32 to vector<16xi32>
        %sub3A_2168 = arith.subi %add3A_2165, %sub3A_2167 : vector<16xi32>
        %convert_element_type3A_2169 = arith.extui %and3A_2156 : vector<16xi1> to vector<16xi32>
        %reduce_sum3A_2170 = arith.constant true
        %reduce_sum3A_2171 = vector.broadcast %reduce_sum3A_2170 : i1 to vector<16xi1>
        %reduce_sum3A_2172 = tpu.scan <sum>, %convert_element_type3A_2169 masked %reduce_sum3A_2171 : vector<16xi32>, vector<16xi1> -> vector<16xi32>
        %reduce_sum3A_2173 = vector.extract %reduce_sum3A_2172[15] : i32 from vector<16xi32>
        %add3A_2174 = arith.addi %add3A_2037, %reduce_sum3A_2173 : i32
        %mul3A_2175 = arith.constant 1000 : i32
        %mul3A_2176 = vector.broadcast %mul3A_2175 : i32 to vector<16xi32>
        %mul3A_2177 = arith.muli %add3A_2054, %mul3A_2176 : vector<16xi32>
        %add3A_2178 = vector.broadcast %min3A_1487 : i32 to vector<16xi32>
        %add3A_2179 = arith.addi %mul3A_2177, %add3A_2178 : vector<16xi32>
        %mul3A_2180 = arith.constant 1000 : i32
        %mul3A_2181 = vector.broadcast %mul3A_2180 : i32 to vector<16xi32>
        %mul3A_2182 = arith.muli %select_n3A_2152, %mul3A_2181 : vector<16xi32>
        %add3A_2183 = vector.broadcast %min3A_1487 : i32 to vector<16xi32>
        %add3A_2184 = arith.addi %mul3A_2182, %add3A_2183 : vector<16xi32>
        tpu.vector_store_idx %arg7[%sub3A_2168], %add3A_2184 masked %and3A_2156 : memref<53xi32, #tpu.memory_space<vmem>>[vector<16xi32>], vector<16xi32>, vector<16xi1>
        tpu.vector_store_idx %arg8[%sub3A_2168], %add3A_2179 masked %and3A_2156 : memref<53xi32, #tpu.memory_space<vmem>>[vector<16xi32>], vector<16xi32>, vector<16xi1>
        %sub3A_2185 = arith.constant 77 : i32
        %sub3A_2186 = vector.broadcast %sub3A_2185 : i32 to vector<16xi32>
        %sub3A_2187 = arith.subi %select_n3A_2152, %sub3A_2186 : vector<16xi32>
        tpu.vector_store_idx %arg9[%sub3A_2187], %add3A_2179 masked %and3A_2159 : memref<16xi32, #tpu.memory_space<vmem>>[vector<16xi32>], vector<16xi32>, vector<16xi1>
        %dma_start3A_2188 = arith.constant 0 : i32
        %dma_start3A_2189 = arith.constant 0 : i32
        %dma_start3A_2190 = tpu.memref_slice %arg2[%dma_start3A_2188, %dma_start3A_2189] : memref<77000x512xf32, #tpu.memory_space<hbm>> -> memref<77000x512xf32, #tpu.memory_space<hbm>>
        tpu.enqueue_indirect_dma source(%dma_start3A_2190 : memref<77000x512xf32, #tpu.memory_space<hbm>>) target(%arg10 : memref<53x512xf32, #tpu.memory_space<vmem>>) offsets(%arg7 : memref<53xi32, #tpu.memory_space<vmem>>) semaphore(%arg17 : memref<!tpu.dma_semaphore, #tpu.memory_space<semaphore_mem>>)
        %mul3A_2191 = arith.constant 16 : i32
        %mul3A_2192 = arith.muli %min3A_1487, %mul3A_2191 : i32
        %dma_start3A_2193 = arith.constant 0 : i32
        %dma_start3A_2194 = tpu.memref_slice %arg3[%mul3A_2192, %dma_start3A_2193] : memref<16000x512xf32, #tpu.memory_space<hbm>> -> memref<16x512xf32, #tpu.memory_space<hbm>>
        %dma_start3A_2195 = arith.constant 0 : i32
        %dma_start3A_2196 = tpu.memref_slice %arg3[%mul3A_2192, %dma_start3A_2195] : memref<16000x512xf32, #tpu.memory_space<hbm>> -> memref<16x512xf32, #tpu.memory_space<hbm>>
        tpu.enqueue_dma source(%dma_start3A_2196 : memref<16x512xf32, #tpu.memory_space<hbm>>) target(%arg11 : memref<16x512xf32, #tpu.memory_space<vmem>>) target_semaphore(%arg17 : memref<!tpu.dma_semaphore, #tpu.memory_space<semaphore_mem>>)
      } else {
      }
      %dma_wait3A_1470 = arith.constant 0 : i32
      %dma_wait3A_1471 = arith.constant 0 : i32
      %dma_wait3A_1472 = tpu.memref_slice %arg5[%dma_wait3A_1470, %dma_wait3A_1471] : memref<69000x512xf32, #tpu.memory_space<hbm>> -> memref<69000x512xf32, #tpu.memory_space<hbm>>
      tpu.wait_indirect_dma semaphore(%arg18 : memref<!tpu.dma_semaphore, #tpu.memory_space<semaphore_mem>>) src(%arg15 : memref<53x512xf32, #tpu.memory_space<vmem>>) dst(%dma_wait3A_1472 : memref<69000x512xf32, #tpu.memory_space<hbm>>)
      %dma_wait3A_1473 = arith.constant 0 : i32
      %dma_wait3A_1474 = arith.constant 0 : i32
      %dma_wait3A_1475 = tpu.memref_slice %arg5[%dma_wait3A_1473, %dma_wait3A_1474] : memref<69000x512xf32, #tpu.memory_space<hbm>> -> memref<69000x512xf32, #tpu.memory_space<hbm>>
      tpu.wait_indirect_dma semaphore(%arg18 : memref<!tpu.dma_semaphore, #tpu.memory_space<semaphore_mem>>) src(%arg16 : memref<16x512xf32, #tpu.memory_space<vmem>>) dst(%dma_wait3A_1475 : memref<69000x512xf32, #tpu.memory_space<hbm>>)
      %lt3A_1476 = arith.constant 15 : i32
      %lt3A_1477 = arith.cmpi slt, %scan3A_1418, %lt3A_1476 : i32
      %convert_element_type3A_1478 = arith.extui %lt3A_1477 : i1 to i32
      %cond3A_1479 = arith.constant 0 : i32
      %cond3A_1480 = arith.cmpi ne, %convert_element_type3A_1478, %cond3A_1479 : i32
      scf.if %cond3A_1480 {
        %add3A_1481 = arith.constant 2 : i32
        %add3A_1482 = arith.addi %mul3A_1420, %add3A_1481 : i32
        %add3A_1483 = arith.constant 1 : i32
        %add3A_1484 = arith.addi %add3A_1482, %add3A_1483 : i32
        %add3A_1485 = arith.addi %mul3A_2, %add3A_1484 : i32
        %min3A_1486 = arith.constant 999 : i32
        %min3A_1487 = arith.minsi %add3A_1485, %min3A_1486 : i32
        %broadcast_in_dim3A_1488 = vector.broadcast %min3A_1487 : i32 to vector<16xi32>
        %broadcast_in_dim3A_1489 = arith.constant 0 : i32
        %broadcast_in_dim3A_1490 = vector.broadcast %broadcast_in_dim3A_1489 : i32 to vector<16xi32>
        %gather3A_1491 = tpu.vector_load_idx %arg6[%broadcast_in_dim3A_1490, %broadcast_in_dim3A_1488] : memref<4x1000xi32, #tpu.memory_space<vmem>>[vector<16xi32>, vector<16xi32>], vector<16xi32>,
        %broadcast_in_dim3A_1492 = arith.constant 1 : i32
        %broadcast_in_dim3A_1493 = vector.broadcast %broadcast_in_dim3A_1492 : i32 to vector<16xi32>
        %gather3A_1494 = tpu.vector_load_idx %arg6[%broadcast_in_dim3A_1493, %broadcast_in_dim3A_1488] : memref<4x1000xi32, #tpu.memory_space<vmem>>[vector<16xi32>, vector<16xi32>], vector<16xi32>,
        %broadcast_in_dim3A_1495 = arith.constant 2 : i32
        %broadcast_in_dim3A_1496 = vector.broadcast %broadcast_in_dim3A_1495 : i32 to vector<16xi32>
        %gather3A_1497 = tpu.vector_load_idx %arg6[%broadcast_in_dim3A_1496, %broadcast_in_dim3A_1488] : memref<4x1000xi32, #tpu.memory_space<vmem>>[vector<16xi32>, vector<16xi32>], vector<16xi32>,
        %broadcast_in_dim3A_1498 = arith.constant 3 : i32
        %broadcast_in_dim3A_1499 = vector.broadcast %broadcast_in_dim3A_1498 : i32 to vector<16xi32>
        %gather3A_1500 = tpu.vector_load_idx %arg6[%broadcast_in_dim3A_1499, %broadcast_in_dim3A_1488] : memref<4x1000xi32, #tpu.memory_space<vmem>>[vector<16xi32>, vector<16xi32>], vector<16xi32>,
        %iota3A_1501 = tpu.iota {dimensions = array<i32: 0>} : vector<16xi32>
        %add3A_1502 = arith.constant 0 : i32
        %add3A_1503 = vector.broadcast %add3A_1502 : i32 to vector<16xi32>
        %add3A_1504 = arith.addi %iota3A_1501, %add3A_1503 : vector<16xi32>
        %lt3A_1505 = arith.constant 69 : i32
        %lt3A_1506 = vector.broadcast %lt3A_1505 : i32 to vector<16xi32>
        %lt3A_1507 = arith.cmpi slt, %add3A_1504, %lt3A_1506 : vector<16xi32>
        %sub3A_1508 = arith.constant 4 : i32
        %sub3A_1509 = vector.broadcast %sub3A_1508 : i32 to vector<16xi32>
        %sub3A_1510 = arith.subi %gather3A_1500, %sub3A_1509 : vector<16xi32>
        %ge3A_1511 = arith.cmpi sge, %add3A_1504, %sub3A_1510 : vector<16xi32>
        %add3A_1512 = arith.constant 8 : i32
        %add3A_1513 = vector.broadcast %add3A_1512 : i32 to vector<16xi32>
        %add3A_1514 = arith.addi %add3A_1504, %add3A_1513 : vector<16xi32>
        %sub3A_1515 = arith.constant 6 : i32
        %sub3A_1516 = vector.broadcast %sub3A_1515 : i32 to vector<16xi32>
        %sub3A_1517 = arith.subi %gather3A_1500, %sub3A_1516 : vector<16xi32>
        %ge3A_1518 = arith.cmpi sge, %add3A_1504, %sub3A_1517 : vector<16xi32>
        %add3A_1519 = arith.constant 77 : i32
        %add3A_1520 = arith.constant 14 : i32
        %add3A_1521 = arith.addi %add3A_1519, %add3A_1520 : i32
        %sub3A_1522 = arith.constant 6 : i32
        %sub3A_1523 = vector.broadcast %sub3A_1522 : i32 to vector<16xi32>
        %sub3A_1524 = arith.subi %gather3A_1500, %sub3A_1523 : vector<16xi32>
        %sub3A_1525 = arith.subi %add3A_1504, %sub3A_1524 : vector<16xi32>
        %add3A_1526 = vector.broadcast %add3A_1521 : i32 to vector<16xi32>
        %add3A_1527 = arith.addi %add3A_1526, %sub3A_1525 : vector<16xi32>
        %sub3A_1528 = arith.constant 2 : i32
        %sub3A_1529 = vector.broadcast %sub3A_1528 : i32 to vector<16xi32>
        %sub3A_1530 = arith.subi %gather3A_1497, %sub3A_1529 : vector<16xi32>
        %ge3A_1531 = arith.cmpi sge, %add3A_1504, %sub3A_1530 : vector<16xi32>
        %add3A_1532 = arith.constant 6 : i32
        %add3A_1533 = vector.broadcast %add3A_1532 : i32 to vector<16xi32>
        %add3A_1534 = arith.addi %add3A_1504, %add3A_1533 : vector<16xi32>
        %sub3A_1535 = arith.constant 4 : i32
        %sub3A_1536 = vector.broadcast %sub3A_1535 : i32 to vector<16xi32>
        %sub3A_1537 = arith.subi %gather3A_1497, %sub3A_1536 : vector<16xi32>
        %ge3A_1538 = arith.cmpi sge, %add3A_1504, %sub3A_1537 : vector<16xi32>
        %add3A_1539 = arith.constant 77 : i32
        %add3A_1540 = arith.constant 12 : i32
        %add3A_1541 = arith.addi %add3A_1539, %add3A_1540 : i32
        %sub3A_1542 = arith.constant 4 : i32
        %sub3A_1543 = vector.broadcast %sub3A_1542 : i32 to vector<16xi32>
        %sub3A_1544 = arith.subi %gather3A_1497, %sub3A_1543 : vector<16xi32>
        %sub3A_1545 = arith.subi %add3A_1504, %sub3A_1544 : vector<16xi32>
        %add3A_1546 = vector.broadcast %add3A_1541 : i32 to vector<16xi32>
        %add3A_1547 = arith.addi %add3A_1546, %sub3A_1545 : vector<16xi32>
        %ge3A_1548 = arith.cmpi sge, %add3A_1504, %gather3A_1494 : vector<16xi32>
        %add3A_1549 = arith.constant 4 : i32
        %add3A_1550 = vector.broadcast %add3A_1549 : i32 to vector<16xi32>
        %add3A_1551 = arith.addi %add3A_1504, %add3A_1550 : vector<16xi32>
        %sub3A_1552 = arith.constant 2 : i32
        %sub3A_1553 = vector.broadcast %sub3A_1552 : i32 to vector<16xi32>
        %sub3A_1554 = arith.subi %gather3A_1494, %sub3A_1553 : vector<16xi32>
        %ge3A_1555 = arith.cmpi sge, %add3A_1504, %sub3A_1554 : vector<16xi32>
        %add3A_1556 = arith.constant 77 : i32
        %add3A_1557 = arith.constant 10 : i32
        %add3A_1558 = arith.addi %add3A_1556, %add3A_1557 : i32
        %sub3A_1559 = arith.constant 2 : i32
        %sub3A_1560 = vector.broadcast %sub3A_1559 : i32 to vector<16xi32>
        %sub3A_1561 = arith.subi %gather3A_1494, %sub3A_1560 : vector<16xi32>
        %sub3A_1562 = arith.subi %add3A_1504, %sub3A_1561 : vector<16xi32>
        %add3A_1563 = vector.broadcast %add3A_1558 : i32 to vector<16xi32>
        %add3A_1564 = arith.addi %add3A_1563, %sub3A_1562 : vector<16xi32>
        %add3A_1565 = arith.constant 2 : i32
        %add3A_1566 = vector.broadcast %add3A_1565 : i32 to vector<16xi32>
        %add3A_1567 = arith.addi %gather3A_1491, %add3A_1566 : vector<16xi32>
        %ge3A_1568 = arith.cmpi sge, %add3A_1504, %add3A_1567 : vector<16xi32>
        %add3A_1569 = arith.constant 2 : i32
        %add3A_1570 = vector.broadcast %add3A_1569 : i32 to vector<16xi32>
        %add3A_1571 = arith.addi %add3A_1504, %add3A_1570 : vector<16xi32>
        %ge3A_1572 = arith.cmpi sge, %add3A_1504, %gather3A_1491 : vector<16xi32>
        %add3A_1573 = arith.constant 77 : i32
        %add3A_1574 = arith.constant 8 : i32
        %add3A_1575 = arith.addi %add3A_1573, %add3A_1574 : i32
        %sub3A_1576 = arith.subi %add3A_1504, %gather3A_1491 : vector<16xi32>
        %add3A_1577 = vector.broadcast %add3A_1575 : i32 to vector<16xi32>
        %add3A_1578 = arith.addi %add3A_1577, %sub3A_1576 : vector<16xi32>
        %ge3A_1579 = arith.constant 9 : i32
        %ge3A_1580 = vector.broadcast %ge3A_1579 : i32 to vector<16xi32>
        %ge3A_1581 = arith.cmpi sge, %add3A_1504, %ge3A_1580 : vector<16xi32>
        %ge3A_1582 = arith.constant 1 : i32
        %ge3A_1583 = vector.broadcast %ge3A_1582 : i32 to vector<16xi32>
        %ge3A_1584 = arith.cmpi sge, %add3A_1504, %ge3A_1583 : vector<16xi32>
        %sub3A_1585 = arith.constant 1 : i32
        %sub3A_1586 = vector.broadcast %sub3A_1585 : i32 to vector<16xi32>
        %sub3A_1587 = arith.subi %add3A_1504, %sub3A_1586 : vector<16xi32>
        %add3A_1588 = arith.constant 77 : i32
        %add3A_1589 = vector.broadcast %add3A_1588 : i32 to vector<16xi32>
        %add3A_1590 = arith.addi %add3A_1589, %sub3A_1587 : vector<16xi32>
        %jit3A_1591 = arith.constant 0 : i32
        %broadcast_in_dim3A_1592 = vector.broadcast %jit3A_1591 : i32 to vector<16xi32>
        %select_n3A_1593 = arith.select %ge3A_1584, %add3A_1590, %broadcast_in_dim3A_1592 : vector<16xi1>, vector<16xi32>
        %select_n3A_1594 = arith.select %ge3A_1581, %add3A_1504, %select_n3A_1593 : vector<16xi1>, vector<16xi32>
        %select_n3A_1595 = arith.select %ge3A_1572, %add3A_1578, %select_n3A_1594 : vector<16xi1>, vector<16xi32>
        %select_n3A_1596 = arith.select %ge3A_1568, %add3A_1571, %select_n3A_1595 : vector<16xi1>, vector<16xi32>
        %select_n3A_1597 = arith.select %ge3A_1555, %add3A_1564, %select_n3A_1596 : vector<16xi1>, vector<16xi32>
        %select_n3A_1598 = arith.select %ge3A_1548, %add3A_1551, %select_n3A_1597 : vector<16xi1>, vector<16xi32>
        %select_n3A_1599 = arith.select %ge3A_1538, %add3A_1547, %select_n3A_1598 : vector<16xi1>, vector<16xi32>
        %select_n3A_1600 = arith.select %ge3A_1531, %add3A_1534, %select_n3A_1599 : vector<16xi1>, vector<16xi32>
        %select_n3A_1601 = arith.select %ge3A_1518, %add3A_1527, %select_n3A_1600 : vector<16xi1>, vector<16xi32>
        %select_n3A_1602 = arith.select %ge3A_1511, %add3A_1514, %select_n3A_1601 : vector<16xi1>, vector<16xi32>
        %lt3A_1603 = arith.constant 77 : i32
        %lt3A_1604 = vector.broadcast %lt3A_1603 : i32 to vector<16xi32>
        %lt3A_1605 = arith.cmpi slt, %select_n3A_1602, %lt3A_1604 : vector<16xi32>
        %and3A_1606 = arith.andi %lt3A_1605, %lt3A_1507 : vector<16xi1>
        %not3A_1607 = arith.constant dense<true> : vector<16xi1>
        %not3A_1608 = arith.xori %lt3A_1605, %not3A_1607 : vector<16xi1>
        %and3A_1609 = arith.andi %not3A_1608, %lt3A_1507 : vector<16xi1>
        %convert_element_type3A_1610 = arith.extui %and3A_1606 : vector<16xi1> to vector<16xi32>
        %broadcast_in_dim3A_1611 = arith.constant true
        %broadcast_in_dim3A_1612 = vector.broadcast %broadcast_in_dim3A_1611 : i1 to vector<16xi1>
        %masked_cumsum3A_1613 = tpu.scan <sum>, %convert_element_type3A_1610 masked %broadcast_in_dim3A_1612 : vector<16xi32>, vector<16xi1> -> vector<16xi32>
        %add3A_1614 = arith.constant 0 : i32
        %add3A_1615 = vector.broadcast %add3A_1614 : i32 to vector<16xi32>
        %add3A_1616 = arith.addi %masked_cumsum3A_1613, %add3A_1615 : vector<16xi32>
        %sub3A_1617 = arith.constant 1 : i32
        %sub3A_1618 = vector.broadcast %sub3A_1617 : i32 to vector<16xi32>
        %sub3A_1619 = arith.subi %add3A_1616, %sub3A_1618 : vector<16xi32>
        %convert_element_type3A_1620 = arith.extui %and3A_1606 : vector<16xi1> to vector<16xi32>
        %reduce_sum3A_1621 = arith.constant true
        %reduce_sum3A_1622 = vector.broadcast %reduce_sum3A_1621 : i1 to vector<16xi1>
        %reduce_sum3A_1623 = tpu.scan <sum>, %convert_element_type3A_1620 masked %reduce_sum3A_1622 : vector<16xi32>, vector<16xi1> -> vector<16xi32>
        %reduce_sum3A_1624 = vector.extract %reduce_sum3A_1623[15] : i32 from vector<16xi32>
        %add3A_1625 = arith.constant 0 : i32
        %add3A_1626 = arith.addi %add3A_1625, %reduce_sum3A_1624 : i32
        %mul3A_1627 = arith.constant 1000 : i32
        %mul3A_1628 = vector.broadcast %mul3A_1627 : i32 to vector<16xi32>
        %mul3A_1629 = arith.muli %add3A_1504, %mul3A_1628 : vector<16xi32>
        %add3A_1630 = vector.broadcast %min3A_1487 : i32 to vector<16xi32>
        %add3A_1631 = arith.addi %mul3A_1629, %add3A_1630 : vector<16xi32>
        %mul3A_1632 = arith.constant 1000 : i32
        %mul3A_1633 = vector.broadcast %mul3A_1632 : i32 to vector<16xi32>
        %mul3A_1634 = arith.muli %select_n3A_1602, %mul3A_1633 : vector<16xi32>
        %add3A_1635 = vector.broadcast %min3A_1487 : i32 to vector<16xi32>
        %add3A_1636 = arith.addi %mul3A_1634, %add3A_1635 : vector<16xi32>
        tpu.vector_store_idx %arg12[%sub3A_1619], %add3A_1636 masked %and3A_1606 : memref<53xi32, #tpu.memory_space<vmem>>[vector<16xi32>], vector<16xi32>, vector<16xi1>
        tpu.vector_store_idx %arg13[%sub3A_1619], %add3A_1631 masked %and3A_1606 : memref<53xi32, #tpu.memory_space<vmem>>[vector<16xi32>], vector<16xi32>, vector<16xi1>
        %sub3A_1637 = arith.constant 77 : i32
        %sub3A_1638 = vector.broadcast %sub3A_1637 : i32 to vector<16xi32>
        %sub3A_1639 = arith.subi %select_n3A_1602, %sub3A_1638 : vector<16xi32>
        tpu.vector_store_idx %arg14[%sub3A_1639], %add3A_1631 masked %and3A_1609 : memref<16xi32, #tpu.memory_space<vmem>>[vector<16xi32>], vector<16xi32>, vector<16xi1>
        %iota3A_1640 = tpu.iota {dimensions = array<i32: 0>} : vector<16xi32>
        %add3A_1641 = arith.constant 16 : i32
        %add3A_1642 = vector.broadcast %add3A_1641 : i32 to vector<16xi32>
        %add3A_1643 = arith.addi %iota3A_1640, %add3A_1642 : vector<16xi32>
        %lt3A_1644 = arith.constant 69 : i32
        %lt3A_1645 = vector.broadcast %lt3A_1644 : i32 to vector<16xi32>
        %lt3A_1646 = arith.cmpi slt, %add3A_1643, %lt3A_1645 : vector<16xi32>
        %sub3A_1647 = arith.constant 4 : i32
        %sub3A_1648 = vector.broadcast %sub3A_1647 : i32 to vector<16xi32>
        %sub3A_1649 = arith.subi %gather3A_1500, %sub3A_1648 : vector<16xi32>
        %ge3A_1650 = arith.cmpi sge, %add3A_1643, %sub3A_1649 : vector<16xi32>
        %add3A_1651 = arith.constant 8 : i32
        %add3A_1652 = vector.broadcast %add3A_1651 : i32 to vector<16xi32>
        %add3A_1653 = arith.addi %add3A_1643, %add3A_1652 : vector<16xi32>
        %sub3A_1654 = arith.constant 6 : i32
        %sub3A_1655 = vector.broadcast %sub3A_1654 : i32 to vector<16xi32>
        %sub3A_1656 = arith.subi %gather3A_1500, %sub3A_1655 : vector<16xi32>
        %ge3A_1657 = arith.cmpi sge, %add3A_1643, %sub3A_1656 : vector<16xi32>
        %add3A_1658 = arith.constant 77 : i32
        %add3A_1659 = arith.constant 14 : i32
        %add3A_1660 = arith.addi %add3A_1658, %add3A_1659 : i32
        %sub3A_1661 = arith.constant 6 : i32
        %sub3A_1662 = vector.broadcast %sub3A_1661 : i32 to vector<16xi32>
        %sub3A_1663 = arith.subi %gather3A_1500, %sub3A_1662 : vector<16xi32>
        %sub3A_1664 = arith.subi %add3A_1643, %sub3A_1663 : vector<16xi32>
        %add3A_1665 = vector.broadcast %add3A_1660 : i32 to vector<16xi32>
        %add3A_1666 = arith.addi %add3A_1665, %sub3A_1664 : vector<16xi32>
        %sub3A_1667 = arith.constant 2 : i32
        %sub3A_1668 = vector.broadcast %sub3A_1667 : i32 to vector<16xi32>
        %sub3A_1669 = arith.subi %gather3A_1497, %sub3A_1668 : vector<16xi32>
        %ge3A_1670 = arith.cmpi sge, %add3A_1643, %sub3A_1669 : vector<16xi32>
        %add3A_1671 = arith.constant 6 : i32
        %add3A_1672 = vector.broadcast %add3A_1671 : i32 to vector<16xi32>
        %add3A_1673 = arith.addi %add3A_1643, %add3A_1672 : vector<16xi32>
        %sub3A_1674 = arith.constant 4 : i32
        %sub3A_1675 = vector.broadcast %sub3A_1674 : i32 to vector<16xi32>
        %sub3A_1676 = arith.subi %gather3A_1497, %sub3A_1675 : vector<16xi32>
        %ge3A_1677 = arith.cmpi sge, %add3A_1643, %sub3A_1676 : vector<16xi32>
        %add3A_1678 = arith.constant 77 : i32
        %add3A_1679 = arith.constant 12 : i32
        %add3A_1680 = arith.addi %add3A_1678, %add3A_1679 : i32
        %sub3A_1681 = arith.constant 4 : i32
        %sub3A_1682 = vector.broadcast %sub3A_1681 : i32 to vector<16xi32>
        %sub3A_1683 = arith.subi %gather3A_1497, %sub3A_1682 : vector<16xi32>
        %sub3A_1684 = arith.subi %add3A_1643, %sub3A_1683 : vector<16xi32>
        %add3A_1685 = vector.broadcast %add3A_1680 : i32 to vector<16xi32>
        %add3A_1686 = arith.addi %add3A_1685, %sub3A_1684 : vector<16xi32>
        %ge3A_1687 = arith.cmpi sge, %add3A_1643, %gather3A_1494 : vector<16xi32>
        %add3A_1688 = arith.constant 4 : i32
        %add3A_1689 = vector.broadcast %add3A_1688 : i32 to vector<16xi32>
        %add3A_1690 = arith.addi %add3A_1643, %add3A_1689 : vector<16xi32>
        %sub3A_1691 = arith.constant 2 : i32
        %sub3A_1692 = vector.broadcast %sub3A_1691 : i32 to vector<16xi32>
        %sub3A_1693 = arith.subi %gather3A_1494, %sub3A_1692 : vector<16xi32>
        %ge3A_1694 = arith.cmpi sge, %add3A_1643, %sub3A_1693 : vector<16xi32>
        %add3A_1695 = arith.constant 77 : i32
        %add3A_1696 = arith.constant 10 : i32
        %add3A_1697 = arith.addi %add3A_1695, %add3A_1696 : i32
        %sub3A_1698 = arith.constant 2 : i32
        %sub3A_1699 = vector.broadcast %sub3A_1698 : i32 to vector<16xi32>
        %sub3A_1700 = arith.subi %gather3A_1494, %sub3A_1699 : vector<16xi32>
        %sub3A_1701 = arith.subi %add3A_1643, %sub3A_1700 : vector<16xi32>
        %add3A_1702 = vector.broadcast %add3A_1697 : i32 to vector<16xi32>
        %add3A_1703 = arith.addi %add3A_1702, %sub3A_1701 : vector<16xi32>
        %add3A_1704 = arith.constant 2 : i32
        %add3A_1705 = vector.broadcast %add3A_1704 : i32 to vector<16xi32>
        %add3A_1706 = arith.addi %gather3A_1491, %add3A_1705 : vector<16xi32>
        %ge3A_1707 = arith.cmpi sge, %add3A_1643, %add3A_1706 : vector<16xi32>
        %add3A_1708 = arith.constant 2 : i32
        %add3A_1709 = vector.broadcast %add3A_1708 : i32 to vector<16xi32>
        %add3A_1710 = arith.addi %add3A_1643, %add3A_1709 : vector<16xi32>
        %ge3A_1711 = arith.cmpi sge, %add3A_1643, %gather3A_1491 : vector<16xi32>
        %add3A_1712 = arith.constant 77 : i32
        %add3A_1713 = arith.constant 8 : i32
        %add3A_1714 = arith.addi %add3A_1712, %add3A_1713 : i32
        %sub3A_1715 = arith.subi %add3A_1643, %gather3A_1491 : vector<16xi32>
        %add3A_1716 = vector.broadcast %add3A_1714 : i32 to vector<16xi32>
        %add3A_1717 = arith.addi %add3A_1716, %sub3A_1715 : vector<16xi32>
        %ge3A_1718 = arith.constant 9 : i32
        %ge3A_1719 = vector.broadcast %ge3A_1718 : i32 to vector<16xi32>
        %ge3A_1720 = arith.cmpi sge, %add3A_1643, %ge3A_1719 : vector<16xi32>
        %ge3A_1721 = arith.constant 1 : i32
        %ge3A_1722 = vector.broadcast %ge3A_1721 : i32 to vector<16xi32>
        %ge3A_1723 = arith.cmpi sge, %add3A_1643, %ge3A_1722 : vector<16xi32>
        %sub3A_1724 = arith.constant 1 : i32
        %sub3A_1725 = vector.broadcast %sub3A_1724 : i32 to vector<16xi32>
        %sub3A_1726 = arith.subi %add3A_1643, %sub3A_1725 : vector<16xi32>
        %add3A_1727 = arith.constant 77 : i32
        %add3A_1728 = vector.broadcast %add3A_1727 : i32 to vector<16xi32>
        %add3A_1729 = arith.addi %add3A_1728, %sub3A_1726 : vector<16xi32>
        %jit3A_1730 = arith.constant 0 : i32
        %broadcast_in_dim3A_1731 = vector.broadcast %jit3A_1730 : i32 to vector<16xi32>
        %select_n3A_1732 = arith.select %ge3A_1723, %add3A_1729, %broadcast_in_dim3A_1731 : vector<16xi1>, vector<16xi32>
        %select_n3A_1733 = arith.select %ge3A_1720, %add3A_1643, %select_n3A_1732 : vector<16xi1>, vector<16xi32>
        %select_n3A_1734 = arith.select %ge3A_1711, %add3A_1717, %select_n3A_1733 : vector<16xi1>, vector<16xi32>
        %select_n3A_1735 = arith.select %ge3A_1707, %add3A_1710, %select_n3A_1734 : vector<16xi1>, vector<16xi32>
        %select_n3A_1736 = arith.select %ge3A_1694, %add3A_1703, %select_n3A_1735 : vector<16xi1>, vector<16xi32>
        %select_n3A_1737 = arith.select %ge3A_1687, %add3A_1690, %select_n3A_1736 : vector<16xi1>, vector<16xi32>
        %select_n3A_1738 = arith.select %ge3A_1677, %add3A_1686, %select_n3A_1737 : vector<16xi1>, vector<16xi32>
        %select_n3A_1739 = arith.select %ge3A_1670, %add3A_1673, %select_n3A_1738 : vector<16xi1>, vector<16xi32>
        %select_n3A_1740 = arith.select %ge3A_1657, %add3A_1666, %select_n3A_1739 : vector<16xi1>, vector<16xi32>
        %select_n3A_1741 = arith.select %ge3A_1650, %add3A_1653, %select_n3A_1740 : vector<16xi1>, vector<16xi32>
        %lt3A_1742 = arith.constant 77 : i32
        %lt3A_1743 = vector.broadcast %lt3A_1742 : i32 to vector<16xi32>
        %lt3A_1744 = arith.cmpi slt, %select_n3A_1741, %lt3A_1743 : vector<16xi32>
        %and3A_1745 = arith.andi %lt3A_1744, %lt3A_1646 : vector<16xi1>
        %not3A_1746 = arith.constant dense<true> : vector<16xi1>
        %not3A_1747 = arith.xori %lt3A_1744, %not3A_1746 : vector<16xi1>
        %and3A_1748 = arith.andi %not3A_1747, %lt3A_1646 : vector<16xi1>
        %convert_element_type3A_1749 = arith.extui %and3A_1745 : vector<16xi1> to vector<16xi32>
        %broadcast_in_dim3A_1750 = arith.constant true
        %broadcast_in_dim3A_1751 = vector.broadcast %broadcast_in_dim3A_1750 : i1 to vector<16xi1>
        %masked_cumsum3A_1752 = tpu.scan <sum>, %convert_element_type3A_1749 masked %broadcast_in_dim3A_1751 : vector<16xi32>, vector<16xi1> -> vector<16xi32>
        %add3A_1753 = vector.broadcast %add3A_1626 : i32 to vector<16xi32>
        %add3A_1754 = arith.addi %masked_cumsum3A_1752, %add3A_1753 : vector<16xi32>
        %sub3A_1755 = arith.constant 1 : i32
        %sub3A_1756 = vector.broadcast %sub3A_1755 : i32 to vector<16xi32>
        %sub3A_1757 = arith.subi %add3A_1754, %sub3A_1756 : vector<16xi32>
        %convert_element_type3A_1758 = arith.extui %and3A_1745 : vector<16xi1> to vector<16xi32>
        %reduce_sum3A_1759 = arith.constant true
        %reduce_sum3A_1760 = vector.broadcast %reduce_sum3A_1759 : i1 to vector<16xi1>
        %reduce_sum3A_1761 = tpu.scan <sum>, %convert_element_type3A_1758 masked %reduce_sum3A_1760 : vector<16xi32>, vector<16xi1> -> vector<16xi32>
        %reduce_sum3A_1762 = vector.extract %reduce_sum3A_1761[15] : i32 from vector<16xi32>
        %add3A_1763 = arith.addi %add3A_1626, %reduce_sum3A_1762 : i32
        %mul3A_1764 = arith.constant 1000 : i32
        %mul3A_1765 = vector.broadcast %mul3A_1764 : i32 to vector<16xi32>
        %mul3A_1766 = arith.muli %add3A_1643, %mul3A_1765 : vector<16xi32>
        %add3A_1767 = vector.broadcast %min3A_1487 : i32 to vector<16xi32>
        %add3A_1768 = arith.addi %mul3A_1766, %add3A_1767 : vector<16xi32>
        %mul3A_1769 = arith.constant 1000 : i32
        %mul3A_1770 = vector.broadcast %mul3A_1769 : i32 to vector<16xi32>
        %mul3A_1771 = arith.muli %select_n3A_1741, %mul3A_1770 : vector<16xi32>
        %add3A_1772 = vector.broadcast %min3A_1487 : i32 to vector<16xi32>
        %add3A_1773 = arith.addi %mul3A_1771, %add3A_1772 : vector<16xi32>
        tpu.vector_store_idx %arg12[%sub3A_1757], %add3A_1773 masked %and3A_1745 : memref<53xi32, #tpu.memory_space<vmem>>[vector<16xi32>], vector<16xi32>, vector<16xi1>
        tpu.vector_store_idx %arg13[%sub3A_1757], %add3A_1768 masked %and3A_1745 : memref<53xi32, #tpu.memory_space<vmem>>[vector<16xi32>], vector<16xi32>, vector<16xi1>
        %sub3A_1774 = arith.constant 77 : i32
        %sub3A_1775 = vector.broadcast %sub3A_1774 : i32 to vector<16xi32>
        %sub3A_1776 = arith.subi %select_n3A_1741, %sub3A_1775 : vector<16xi32>
        tpu.vector_store_idx %arg14[%sub3A_1776], %add3A_1768 masked %and3A_1748 : memref<16xi32, #tpu.memory_space<vmem>>[vector<16xi32>], vector<16xi32>, vector<16xi1>
        %iota3A_1777 = tpu.iota {dimensions = array<i32: 0>} : vector<16xi32>
        %add3A_1778 = arith.constant 32 : i32
        %add3A_1779 = vector.broadcast %add3A_1778 : i32 to vector<16xi32>
        %add3A_1780 = arith.addi %iota3A_1777, %add3A_1779 : vector<16xi32>
        %lt3A_1781 = arith.constant 69 : i32
        %lt3A_1782 = vector.broadcast %lt3A_1781 : i32 to vector<16xi32>
        %lt3A_1783 = arith.cmpi slt, %add3A_1780, %lt3A_1782 : vector<16xi32>
        %sub3A_1784 = arith.constant 4 : i32
        %sub3A_1785 = vector.broadcast %sub3A_1784 : i32 to vector<16xi32>
        %sub3A_1786 = arith.subi %gather3A_1500, %sub3A_1785 : vector<16xi32>
        %ge3A_1787 = arith.cmpi sge, %add3A_1780, %sub3A_1786 : vector<16xi32>
        %add3A_1788 = arith.constant 8 : i32
        %add3A_1789 = vector.broadcast %add3A_1788 : i32 to vector<16xi32>
        %add3A_1790 = arith.addi %add3A_1780, %add3A_1789 : vector<16xi32>
        %sub3A_1791 = arith.constant 6 : i32
        %sub3A_1792 = vector.broadcast %sub3A_1791 : i32 to vector<16xi32>
        %sub3A_1793 = arith.subi %gather3A_1500, %sub3A_1792 : vector<16xi32>
        %ge3A_1794 = arith.cmpi sge, %add3A_1780, %sub3A_1793 : vector<16xi32>
        %add3A_1795 = arith.constant 77 : i32
        %add3A_1796 = arith.constant 14 : i32
        %add3A_1797 = arith.addi %add3A_1795, %add3A_1796 : i32
        %sub3A_1798 = arith.constant 6 : i32
        %sub3A_1799 = vector.broadcast %sub3A_1798 : i32 to vector<16xi32>
        %sub3A_1800 = arith.subi %gather3A_1500, %sub3A_1799 : vector<16xi32>
        %sub3A_1801 = arith.subi %add3A_1780, %sub3A_1800 : vector<16xi32>
        %add3A_1802 = vector.broadcast %add3A_1797 : i32 to vector<16xi32>
        %add3A_1803 = arith.addi %add3A_1802, %sub3A_1801 : vector<16xi32>
        %sub3A_1804 = arith.constant 2 : i32
        %sub3A_1805 = vector.broadcast %sub3A_1804 : i32 to vector<16xi32>
        %sub3A_1806 = arith.subi %gather3A_1497, %sub3A_1805 : vector<16xi32>
        %ge3A_1807 = arith.cmpi sge, %add3A_1780, %sub3A_1806 : vector<16xi32>
        %add3A_1808 = arith.constant 6 : i32
        %add3A_1809 = vector.broadcast %add3A_1808 : i32 to vector<16xi32>
        %add3A_1810 = arith.addi %add3A_1780, %add3A_1809 : vector<16xi32>
        %sub3A_1811 = arith.constant 4 : i32
        %sub3A_1812 = vector.broadcast %sub3A_1811 : i32 to vector<16xi32>
        %sub3A_1813 = arith.subi %gather3A_1497, %sub3A_1812 : vector<16xi32>
        %ge3A_1814 = arith.cmpi sge, %add3A_1780, %sub3A_1813 : vector<16xi32>
        %add3A_1815 = arith.constant 77 : i32
        %add3A_1816 = arith.constant 12 : i32
        %add3A_1817 = arith.addi %add3A_1815, %add3A_1816 : i32
        %sub3A_1818 = arith.constant 4 : i32
        %sub3A_1819 = vector.broadcast %sub3A_1818 : i32 to vector<16xi32>
        %sub3A_1820 = arith.subi %gather3A_1497, %sub3A_1819 : vector<16xi32>
        %sub3A_1821 = arith.subi %add3A_1780, %sub3A_1820 : vector<16xi32>
        %add3A_1822 = vector.broadcast %add3A_1817 : i32 to vector<16xi32>
        %add3A_1823 = arith.addi %add3A_1822, %sub3A_1821 : vector<16xi32>
        %ge3A_1824 = arith.cmpi sge, %add3A_1780, %gather3A_1494 : vector<16xi32>
        %add3A_1825 = arith.constant 4 : i32
        %add3A_1826 = vector.broadcast %add3A_1825 : i32 to vector<16xi32>
        %add3A_1827 = arith.addi %add3A_1780, %add3A_1826 : vector<16xi32>
        %sub3A_1828 = arith.constant 2 : i32
        %sub3A_1829 = vector.broadcast %sub3A_1828 : i32 to vector<16xi32>
        %sub3A_1830 = arith.subi %gather3A_1494, %sub3A_1829 : vector<16xi32>
        %ge3A_1831 = arith.cmpi sge, %add3A_1780, %sub3A_1830 : vector<16xi32>
        %add3A_1832 = arith.constant 77 : i32
        %add3A_1833 = arith.constant 10 : i32
        %add3A_1834 = arith.addi %add3A_1832, %add3A_1833 : i32
        %sub3A_1835 = arith.constant 2 : i32
        %sub3A_1836 = vector.broadcast %sub3A_1835 : i32 to vector<16xi32>
        %sub3A_1837 = arith.subi %gather3A_1494, %sub3A_1836 : vector<16xi32>
        %sub3A_1838 = arith.subi %add3A_1780, %sub3A_1837 : vector<16xi32>
        %add3A_1839 = vector.broadcast %add3A_1834 : i32 to vector<16xi32>
        %add3A_1840 = arith.addi %add3A_1839, %sub3A_1838 : vector<16xi32>
        %add3A_1841 = arith.constant 2 : i32
        %add3A_1842 = vector.broadcast %add3A_1841 : i32 to vector<16xi32>
        %add3A_1843 = arith.addi %gather3A_1491, %add3A_1842 : vector<16xi32>
        %ge3A_1844 = arith.cmpi sge, %add3A_1780, %add3A_1843 : vector<16xi32>
        %add3A_1845 = arith.constant 2 : i32
        %add3A_1846 = vector.broadcast %add3A_1845 : i32 to vector<16xi32>
        %add3A_1847 = arith.addi %add3A_1780, %add3A_1846 : vector<16xi32>
        %ge3A_1848 = arith.cmpi sge, %add3A_1780, %gather3A_1491 : vector<16xi32>
        %add3A_1849 = arith.constant 77 : i32
        %add3A_1850 = arith.constant 8 : i32
        %add3A_1851 = arith.addi %add3A_1849, %add3A_1850 : i32
        %sub3A_1852 = arith.subi %add3A_1780, %gather3A_1491 : vector<16xi32>
        %add3A_1853 = vector.broadcast %add3A_1851 : i32 to vector<16xi32>
        %add3A_1854 = arith.addi %add3A_1853, %sub3A_1852 : vector<16xi32>
        %ge3A_1855 = arith.constant 9 : i32
        %ge3A_1856 = vector.broadcast %ge3A_1855 : i32 to vector<16xi32>
        %ge3A_1857 = arith.cmpi sge, %add3A_1780, %ge3A_1856 : vector<16xi32>
        %ge3A_1858 = arith.constant 1 : i32
        %ge3A_1859 = vector.broadcast %ge3A_1858 : i32 to vector<16xi32>
        %ge3A_1860 = arith.cmpi sge, %add3A_1780, %ge3A_1859 : vector<16xi32>
        %sub3A_1861 = arith.constant 1 : i32
        %sub3A_1862 = vector.broadcast %sub3A_1861 : i32 to vector<16xi32>
        %sub3A_1863 = arith.subi %add3A_1780, %sub3A_1862 : vector<16xi32>
        %add3A_1864 = arith.constant 77 : i32
        %add3A_1865 = vector.broadcast %add3A_1864 : i32 to vector<16xi32>
        %add3A_1866 = arith.addi %add3A_1865, %sub3A_1863 : vector<16xi32>
        %jit3A_1867 = arith.constant 0 : i32
        %broadcast_in_dim3A_1868 = vector.broadcast %jit3A_1867 : i32 to vector<16xi32>
        %select_n3A_1869 = arith.select %ge3A_1860, %add3A_1866, %broadcast_in_dim3A_1868 : vector<16xi1>, vector<16xi32>
        %select_n3A_1870 = arith.select %ge3A_1857, %add3A_1780, %select_n3A_1869 : vector<16xi1>, vector<16xi32>
        %select_n3A_1871 = arith.select %ge3A_1848, %add3A_1854, %select_n3A_1870 : vector<16xi1>, vector<16xi32>
        %select_n3A_1872 = arith.select %ge3A_1844, %add3A_1847, %select_n3A_1871 : vector<16xi1>, vector<16xi32>
        %select_n3A_1873 = arith.select %ge3A_1831, %add3A_1840, %select_n3A_1872 : vector<16xi1>, vector<16xi32>
        %select_n3A_1874 = arith.select %ge3A_1824, %add3A_1827, %select_n3A_1873 : vector<16xi1>, vector<16xi32>
        %select_n3A_1875 = arith.select %ge3A_1814, %add3A_1823, %select_n3A_1874 : vector<16xi1>, vector<16xi32>
        %select_n3A_1876 = arith.select %ge3A_1807, %add3A_1810, %select_n3A_1875 : vector<16xi1>, vector<16xi32>
        %select_n3A_1877 = arith.select %ge3A_1794, %add3A_1803, %select_n3A_1876 : vector<16xi1>, vector<16xi32>
        %select_n3A_1878 = arith.select %ge3A_1787, %add3A_1790, %select_n3A_1877 : vector<16xi1>, vector<16xi32>
        %lt3A_1879 = arith.constant 77 : i32
        %lt3A_1880 = vector.broadcast %lt3A_1879 : i32 to vector<16xi32>
        %lt3A_1881 = arith.cmpi slt, %select_n3A_1878, %lt3A_1880 : vector<16xi32>
        %and3A_1882 = arith.andi %lt3A_1881, %lt3A_1783 : vector<16xi1>
        %not3A_1883 = arith.constant dense<true> : vector<16xi1>
        %not3A_1884 = arith.xori %lt3A_1881, %not3A_1883 : vector<16xi1>
        %and3A_1885 = arith.andi %not3A_1884, %lt3A_1783 : vector<16xi1>
        %convert_element_type3A_1886 = arith.extui %and3A_1882 : vector<16xi1> to vector<16xi32>
        %broadcast_in_dim3A_1887 = arith.constant true
        %broadcast_in_dim3A_1888 = vector.broadcast %broadcast_in_dim3A_1887 : i1 to vector<16xi1>
        %masked_cumsum3A_1889 = tpu.scan <sum>, %convert_element_type3A_1886 masked %broadcast_in_dim3A_1888 : vector<16xi32>, vector<16xi1> -> vector<16xi32>
        %add3A_1890 = vector.broadcast %add3A_1763 : i32 to vector<16xi32>
        %add3A_1891 = arith.addi %masked_cumsum3A_1889, %add3A_1890 : vector<16xi32>
        %sub3A_1892 = arith.constant 1 : i32
        %sub3A_1893 = vector.broadcast %sub3A_1892 : i32 to vector<16xi32>
        %sub3A_1894 = arith.subi %add3A_1891, %sub3A_1893 : vector<16xi32>
        %convert_element_type3A_1895 = arith.extui %and3A_1882 : vector<16xi1> to vector<16xi32>
        %reduce_sum3A_1896 = arith.constant true
        %reduce_sum3A_1897 = vector.broadcast %reduce_sum3A_1896 : i1 to vector<16xi1>
        %reduce_sum3A_1898 = tpu.scan <sum>, %convert_element_type3A_1895 masked %reduce_sum3A_1897 : vector<16xi32>, vector<16xi1> -> vector<16xi32>
        %reduce_sum3A_1899 = vector.extract %reduce_sum3A_1898[15] : i32 from vector<16xi32>
        %add3A_1900 = arith.addi %add3A_1763, %reduce_sum3A_1899 : i32
        %mul3A_1901 = arith.constant 1000 : i32
        %mul3A_1902 = vector.broadcast %mul3A_1901 : i32 to vector<16xi32>
        %mul3A_1903 = arith.muli %add3A_1780, %mul3A_1902 : vector<16xi32>
        %add3A_1904 = vector.broadcast %min3A_1487 : i32 to vector<16xi32>
        %add3A_1905 = arith.addi %mul3A_1903, %add3A_1904 : vector<16xi32>
        %mul3A_1906 = arith.constant 1000 : i32
        %mul3A_1907 = vector.broadcast %mul3A_1906 : i32 to vector<16xi32>
        %mul3A_1908 = arith.muli %select_n3A_1878, %mul3A_1907 : vector<16xi32>
        %add3A_1909 = vector.broadcast %min3A_1487 : i32 to vector<16xi32>
        %add3A_1910 = arith.addi %mul3A_1908, %add3A_1909 : vector<16xi32>
        tpu.vector_store_idx %arg12[%sub3A_1894], %add3A_1910 masked %and3A_1882 : memref<53xi32, #tpu.memory_space<vmem>>[vector<16xi32>], vector<16xi32>, vector<16xi1>
        tpu.vector_store_idx %arg13[%sub3A_1894], %add3A_1905 masked %and3A_1882 : memref<53xi32, #tpu.memory_space<vmem>>[vector<16xi32>], vector<16xi32>, vector<16xi1>
        %sub3A_1911 = arith.constant 77 : i32
        %sub3A_1912 = vector.broadcast %sub3A_1911 : i32 to vector<16xi32>
        %sub3A_1913 = arith.subi %select_n3A_1878, %sub3A_1912 : vector<16xi32>
        tpu.vector_store_idx %arg14[%sub3A_1913], %add3A_1905 masked %and3A_1885 : memref<16xi32, #tpu.memory_space<vmem>>[vector<16xi32>], vector<16xi32>, vector<16xi1>
        %iota3A_1914 = tpu.iota {dimensions = array<i32: 0>} : vector<16xi32>
        %add3A_1915 = arith.constant 48 : i32
        %add3A_1916 = vector.broadcast %add3A_1915 : i32 to vector<16xi32>
        %add3A_1917 = arith.addi %iota3A_1914, %add3A_1916 : vector<16xi32>
        %lt3A_1918 = arith.constant 69 : i32
        %lt3A_1919 = vector.broadcast %lt3A_1918 : i32 to vector<16xi32>
        %lt3A_1920 = arith.cmpi slt, %add3A_1917, %lt3A_1919 : vector<16xi32>
        %sub3A_1921 = arith.constant 4 : i32
        %sub3A_1922 = vector.broadcast %sub3A_1921 : i32 to vector<16xi32>
        %sub3A_1923 = arith.subi %gather3A_1500, %sub3A_1922 : vector<16xi32>
        %ge3A_1924 = arith.cmpi sge, %add3A_1917, %sub3A_1923 : vector<16xi32>
        %add3A_1925 = arith.constant 8 : i32
        %add3A_1926 = vector.broadcast %add3A_1925 : i32 to vector<16xi32>
        %add3A_1927 = arith.addi %add3A_1917, %add3A_1926 : vector<16xi32>
        %sub3A_1928 = arith.constant 6 : i32
        %sub3A_1929 = vector.broadcast %sub3A_1928 : i32 to vector<16xi32>
        %sub3A_1930 = arith.subi %gather3A_1500, %sub3A_1929 : vector<16xi32>
        %ge3A_1931 = arith.cmpi sge, %add3A_1917, %sub3A_1930 : vector<16xi32>
        %add3A_1932 = arith.constant 77 : i32
        %add3A_1933 = arith.constant 14 : i32
        %add3A_1934 = arith.addi %add3A_1932, %add3A_1933 : i32
        %sub3A_1935 = arith.constant 6 : i32
        %sub3A_1936 = vector.broadcast %sub3A_1935 : i32 to vector<16xi32>
        %sub3A_1937 = arith.subi %gather3A_1500, %sub3A_1936 : vector<16xi32>
        %sub3A_1938 = arith.subi %add3A_1917, %sub3A_1937 : vector<16xi32>
        %add3A_1939 = vector.broadcast %add3A_1934 : i32 to vector<16xi32>
        %add3A_1940 = arith.addi %add3A_1939, %sub3A_1938 : vector<16xi32>
        %sub3A_1941 = arith.constant 2 : i32
        %sub3A_1942 = vector.broadcast %sub3A_1941 : i32 to vector<16xi32>
        %sub3A_1943 = arith.subi %gather3A_1497, %sub3A_1942 : vector<16xi32>
        %ge3A_1944 = arith.cmpi sge, %add3A_1917, %sub3A_1943 : vector<16xi32>
        %add3A_1945 = arith.constant 6 : i32
        %add3A_1946 = vector.broadcast %add3A_1945 : i32 to vector<16xi32>
        %add3A_1947 = arith.addi %add3A_1917, %add3A_1946 : vector<16xi32>
        %sub3A_1948 = arith.constant 4 : i32
        %sub3A_1949 = vector.broadcast %sub3A_1948 : i32 to vector<16xi32>
        %sub3A_1950 = arith.subi %gather3A_1497, %sub3A_1949 : vector<16xi32>
        %ge3A_1951 = arith.cmpi sge, %add3A_1917, %sub3A_1950 : vector<16xi32>
        %add3A_1952 = arith.constant 77 : i32
        %add3A_1953 = arith.constant 12 : i32
        %add3A_1954 = arith.addi %add3A_1952, %add3A_1953 : i32
        %sub3A_1955 = arith.constant 4 : i32
        %sub3A_1956 = vector.broadcast %sub3A_1955 : i32 to vector<16xi32>
        %sub3A_1957 = arith.subi %gather3A_1497, %sub3A_1956 : vector<16xi32>
        %sub3A_1958 = arith.subi %add3A_1917, %sub3A_1957 : vector<16xi32>
        %add3A_1959 = vector.broadcast %add3A_1954 : i32 to vector<16xi32>
        %add3A_1960 = arith.addi %add3A_1959, %sub3A_1958 : vector<16xi32>
        %ge3A_1961 = arith.cmpi sge, %add3A_1917, %gather3A_1494 : vector<16xi32>
        %add3A_1962 = arith.constant 4 : i32
        %add3A_1963 = vector.broadcast %add3A_1962 : i32 to vector<16xi32>
        %add3A_1964 = arith.addi %add3A_1917, %add3A_1963 : vector<16xi32>
        %sub3A_1965 = arith.constant 2 : i32
        %sub3A_1966 = vector.broadcast %sub3A_1965 : i32 to vector<16xi32>
        %sub3A_1967 = arith.subi %gather3A_1494, %sub3A_1966 : vector<16xi32>
        %ge3A_1968 = arith.cmpi sge, %add3A_1917, %sub3A_1967 : vector<16xi32>
        %add3A_1969 = arith.constant 77 : i32
        %add3A_1970 = arith.constant 10 : i32
        %add3A_1971 = arith.addi %add3A_1969, %add3A_1970 : i32
        %sub3A_1972 = arith.constant 2 : i32
        %sub3A_1973 = vector.broadcast %sub3A_1972 : i32 to vector<16xi32>
        %sub3A_1974 = arith.subi %gather3A_1494, %sub3A_1973 : vector<16xi32>
        %sub3A_1975 = arith.subi %add3A_1917, %sub3A_1974 : vector<16xi32>
        %add3A_1976 = vector.broadcast %add3A_1971 : i32 to vector<16xi32>
        %add3A_1977 = arith.addi %add3A_1976, %sub3A_1975 : vector<16xi32>
        %add3A_1978 = arith.constant 2 : i32
        %add3A_1979 = vector.broadcast %add3A_1978 : i32 to vector<16xi32>
        %add3A_1980 = arith.addi %gather3A_1491, %add3A_1979 : vector<16xi32>
        %ge3A_1981 = arith.cmpi sge, %add3A_1917, %add3A_1980 : vector<16xi32>
        %add3A_1982 = arith.constant 2 : i32
        %add3A_1983 = vector.broadcast %add3A_1982 : i32 to vector<16xi32>
        %add3A_1984 = arith.addi %add3A_1917, %add3A_1983 : vector<16xi32>
        %ge3A_1985 = arith.cmpi sge, %add3A_1917, %gather3A_1491 : vector<16xi32>
        %add3A_1986 = arith.constant 77 : i32
        %add3A_1987 = arith.constant 8 : i32
        %add3A_1988 = arith.addi %add3A_1986, %add3A_1987 : i32
        %sub3A_1989 = arith.subi %add3A_1917, %gather3A_1491 : vector<16xi32>
        %add3A_1990 = vector.broadcast %add3A_1988 : i32 to vector<16xi32>
        %add3A_1991 = arith.addi %add3A_1990, %sub3A_1989 : vector<16xi32>
        %ge3A_1992 = arith.constant 9 : i32
        %ge3A_1993 = vector.broadcast %ge3A_1992 : i32 to vector<16xi32>
        %ge3A_1994 = arith.cmpi sge, %add3A_1917, %ge3A_1993 : vector<16xi32>
        %ge3A_1995 = arith.constant 1 : i32
        %ge3A_1996 = vector.broadcast %ge3A_1995 : i32 to vector<16xi32>
        %ge3A_1997 = arith.cmpi sge, %add3A_1917, %ge3A_1996 : vector<16xi32>
        %sub3A_1998 = arith.constant 1 : i32
        %sub3A_1999 = vector.broadcast %sub3A_1998 : i32 to vector<16xi32>
        %sub3A_2000 = arith.subi %add3A_1917, %sub3A_1999 : vector<16xi32>
        %add3A_2001 = arith.constant 77 : i32
        %add3A_2002 = vector.broadcast %add3A_2001 : i32 to vector<16xi32>
        %add3A_2003 = arith.addi %add3A_2002, %sub3A_2000 : vector<16xi32>
        %jit3A_2004 = arith.constant 0 : i32
        %broadcast_in_dim3A_2005 = vector.broadcast %jit3A_2004 : i32 to vector<16xi32>
        %select_n3A_2006 = arith.select %ge3A_1997, %add3A_2003, %broadcast_in_dim3A_2005 : vector<16xi1>, vector<16xi32>
        %select_n3A_2007 = arith.select %ge3A_1994, %add3A_1917, %select_n3A_2006 : vector<16xi1>, vector<16xi32>
        %select_n3A_2008 = arith.select %ge3A_1985, %add3A_1991, %select_n3A_2007 : vector<16xi1>, vector<16xi32>
        %select_n3A_2009 = arith.select %ge3A_1981, %add3A_1984, %select_n3A_2008 : vector<16xi1>, vector<16xi32>
        %select_n3A_2010 = arith.select %ge3A_1968, %add3A_1977, %select_n3A_2009 : vector<16xi1>, vector<16xi32>
        %select_n3A_2011 = arith.select %ge3A_1961, %add3A_1964, %select_n3A_2010 : vector<16xi1>, vector<16xi32>
        %select_n3A_2012 = arith.select %ge3A_1951, %add3A_1960, %select_n3A_2011 : vector<16xi1>, vector<16xi32>
        %select_n3A_2013 = arith.select %ge3A_1944, %add3A_1947, %select_n3A_2012 : vector<16xi1>, vector<16xi32>
        %select_n3A_2014 = arith.select %ge3A_1931, %add3A_1940, %select_n3A_2013 : vector<16xi1>, vector<16xi32>
        %select_n3A_2015 = arith.select %ge3A_1924, %add3A_1927, %select_n3A_2014 : vector<16xi1>, vector<16xi32>
        %lt3A_2016 = arith.constant 77 : i32
        %lt3A_2017 = vector.broadcast %lt3A_2016 : i32 to vector<16xi32>
        %lt3A_2018 = arith.cmpi slt, %select_n3A_2015, %lt3A_2017 : vector<16xi32>
        %and3A_2019 = arith.andi %lt3A_2018, %lt3A_1920 : vector<16xi1>
        %not3A_2020 = arith.constant dense<true> : vector<16xi1>
        %not3A_2021 = arith.xori %lt3A_2018, %not3A_2020 : vector<16xi1>
        %and3A_2022 = arith.andi %not3A_2021, %lt3A_1920 : vector<16xi1>
        %convert_element_type3A_2023 = arith.extui %and3A_2019 : vector<16xi1> to vector<16xi32>
        %broadcast_in_dim3A_2024 = arith.constant true
        %broadcast_in_dim3A_2025 = vector.broadcast %broadcast_in_dim3A_2024 : i1 to vector<16xi1>
        %masked_cumsum3A_2026 = tpu.scan <sum>, %convert_element_type3A_2023 masked %broadcast_in_dim3A_2025 : vector<16xi32>, vector<16xi1> -> vector<16xi32>
        %add3A_2027 = vector.broadcast %add3A_1900 : i32 to vector<16xi32>
        %add3A_2028 = arith.addi %masked_cumsum3A_2026, %add3A_2027 : vector<16xi32>
        %sub3A_2029 = arith.constant 1 : i32
        %sub3A_2030 = vector.broadcast %sub3A_2029 : i32 to vector<16xi32>
        %sub3A_2031 = arith.subi %add3A_2028, %sub3A_2030 : vector<16xi32>
        %convert_element_type3A_2032 = arith.extui %and3A_2019 : vector<16xi1> to vector<16xi32>
        %reduce_sum3A_2033 = arith.constant true
        %reduce_sum3A_2034 = vector.broadcast %reduce_sum3A_2033 : i1 to vector<16xi1>
        %reduce_sum3A_2035 = tpu.scan <sum>, %convert_element_type3A_2032 masked %reduce_sum3A_2034 : vector<16xi32>, vector<16xi1> -> vector<16xi32>
        %reduce_sum3A_2036 = vector.extract %reduce_sum3A_2035[15] : i32 from vector<16xi32>
        %add3A_2037 = arith.addi %add3A_1900, %reduce_sum3A_2036 : i32
        %mul3A_2038 = arith.constant 1000 : i32
        %mul3A_2039 = vector.broadcast %mul3A_2038 : i32 to vector<16xi32>
        %mul3A_2040 = arith.muli %add3A_1917, %mul3A_2039 : vector<16xi32>
        %add3A_2041 = vector.broadcast %min3A_1487 : i32 to vector<16xi32>
        %add3A_2042 = arith.addi %mul3A_2040, %add3A_2041 : vector<16xi32>
        %mul3A_2043 = arith.constant 1000 : i32
        %mul3A_2044 = vector.broadcast %mul3A_2043 : i32 to vector<16xi32>
        %mul3A_2045 = arith.muli %select_n3A_2015, %mul3A_2044 : vector<16xi32>
        %add3A_2046 = vector.broadcast %min3A_1487 : i32 to vector<16xi32>
        %add3A_2047 = arith.addi %mul3A_2045, %add3A_2046 : vector<16xi32>
        tpu.vector_store_idx %arg12[%sub3A_2031], %add3A_2047 masked %and3A_2019 : memref<53xi32, #tpu.memory_space<vmem>>[vector<16xi32>], vector<16xi32>, vector<16xi1>
        tpu.vector_store_idx %arg13[%sub3A_2031], %add3A_2042 masked %and3A_2019 : memref<53xi32, #tpu.memory_space<vmem>>[vector<16xi32>], vector<16xi32>, vector<16xi1>
        %sub3A_2048 = arith.constant 77 : i32
        %sub3A_2049 = vector.broadcast %sub3A_2048 : i32 to vector<16xi32>
        %sub3A_2050 = arith.subi %select_n3A_2015, %sub3A_2049 : vector<16xi32>
        tpu.vector_store_idx %arg14[%sub3A_2050], %add3A_2042 masked %and3A_2022 : memref<16xi32, #tpu.memory_space<vmem>>[vector<16xi32>], vector<16xi32>, vector<16xi1>
        %iota3A_2051 = tpu.iota {dimensions = array<i32: 0>} : vector<16xi32>
        %add3A_2052 = arith.constant 64 : i32
        %add3A_2053 = vector.broadcast %add3A_2052 : i32 to vector<16xi32>
        %add3A_2054 = arith.addi %iota3A_2051, %add3A_2053 : vector<16xi32>
        %lt3A_2055 = arith.constant 69 : i32
        %lt3A_2056 = vector.broadcast %lt3A_2055 : i32 to vector<16xi32>
        %lt3A_2057 = arith.cmpi slt, %add3A_2054, %lt3A_2056 : vector<16xi32>
        %sub3A_2058 = arith.constant 4 : i32
        %sub3A_2059 = vector.broadcast %sub3A_2058 : i32 to vector<16xi32>
        %sub3A_2060 = arith.subi %gather3A_1500, %sub3A_2059 : vector<16xi32>
        %ge3A_2061 = arith.cmpi sge, %add3A_2054, %sub3A_2060 : vector<16xi32>
        %add3A_2062 = arith.constant 8 : i32
        %add3A_2063 = vector.broadcast %add3A_2062 : i32 to vector<16xi32>
        %add3A_2064 = arith.addi %add3A_2054, %add3A_2063 : vector<16xi32>
        %sub3A_2065 = arith.constant 6 : i32
        %sub3A_2066 = vector.broadcast %sub3A_2065 : i32 to vector<16xi32>
        %sub3A_2067 = arith.subi %gather3A_1500, %sub3A_2066 : vector<16xi32>
        %ge3A_2068 = arith.cmpi sge, %add3A_2054, %sub3A_2067 : vector<16xi32>
        %add3A_2069 = arith.constant 77 : i32
        %add3A_2070 = arith.constant 14 : i32
        %add3A_2071 = arith.addi %add3A_2069, %add3A_2070 : i32
        %sub3A_2072 = arith.constant 6 : i32
        %sub3A_2073 = vector.broadcast %sub3A_2072 : i32 to vector<16xi32>
        %sub3A_2074 = arith.subi %gather3A_1500, %sub3A_2073 : vector<16xi32>
        %sub3A_2075 = arith.subi %add3A_2054, %sub3A_2074 : vector<16xi32>
        %add3A_2076 = vector.broadcast %add3A_2071 : i32 to vector<16xi32>
        %add3A_2077 = arith.addi %add3A_2076, %sub3A_2075 : vector<16xi32>
        %sub3A_2078 = arith.constant 2 : i32
        %sub3A_2079 = vector.broadcast %sub3A_2078 : i32 to vector<16xi32>
        %sub3A_2080 = arith.subi %gather3A_1497, %sub3A_2079 : vector<16xi32>
        %ge3A_2081 = arith.cmpi sge, %add3A_2054, %sub3A_2080 : vector<16xi32>
        %add3A_2082 = arith.constant 6 : i32
        %add3A_2083 = vector.broadcast %add3A_2082 : i32 to vector<16xi32>
        %add3A_2084 = arith.addi %add3A_2054, %add3A_2083 : vector<16xi32>
        %sub3A_2085 = arith.constant 4 : i32
        %sub3A_2086 = vector.broadcast %sub3A_2085 : i32 to vector<16xi32>
        %sub3A_2087 = arith.subi %gather3A_1497, %sub3A_2086 : vector<16xi32>
        %ge3A_2088 = arith.cmpi sge, %add3A_2054, %sub3A_2087 : vector<16xi32>
        %add3A_2089 = arith.constant 77 : i32
        %add3A_2090 = arith.constant 12 : i32
        %add3A_2091 = arith.addi %add3A_2089, %add3A_2090 : i32
        %sub3A_2092 = arith.constant 4 : i32
        %sub3A_2093 = vector.broadcast %sub3A_2092 : i32 to vector<16xi32>
        %sub3A_2094 = arith.subi %gather3A_1497, %sub3A_2093 : vector<16xi32>
        %sub3A_2095 = arith.subi %add3A_2054, %sub3A_2094 : vector<16xi32>
        %add3A_2096 = vector.broadcast %add3A_2091 : i32 to vector<16xi32>
        %add3A_2097 = arith.addi %add3A_2096, %sub3A_2095 : vector<16xi32>
        %ge3A_2098 = arith.cmpi sge, %add3A_2054, %gather3A_1494 : vector<16xi32>
        %add3A_2099 = arith.constant 4 : i32
        %add3A_2100 = vector.broadcast %add3A_2099 : i32 to vector<16xi32>
        %add3A_2101 = arith.addi %add3A_2054, %add3A_2100 : vector<16xi32>
        %sub3A_2102 = arith.constant 2 : i32
        %sub3A_2103 = vector.broadcast %sub3A_2102 : i32 to vector<16xi32>
        %sub3A_2104 = arith.subi %gather3A_1494, %sub3A_2103 : vector<16xi32>
        %ge3A_2105 = arith.cmpi sge, %add3A_2054, %sub3A_2104 : vector<16xi32>
        %add3A_2106 = arith.constant 77 : i32
        %add3A_2107 = arith.constant 10 : i32
        %add3A_2108 = arith.addi %add3A_2106, %add3A_2107 : i32
        %sub3A_2109 = arith.constant 2 : i32
        %sub3A_2110 = vector.broadcast %sub3A_2109 : i32 to vector<16xi32>
        %sub3A_2111 = arith.subi %gather3A_1494, %sub3A_2110 : vector<16xi32>
        %sub3A_2112 = arith.subi %add3A_2054, %sub3A_2111 : vector<16xi32>
        %add3A_2113 = vector.broadcast %add3A_2108 : i32 to vector<16xi32>
        %add3A_2114 = arith.addi %add3A_2113, %sub3A_2112 : vector<16xi32>
        %add3A_2115 = arith.constant 2 : i32
        %add3A_2116 = vector.broadcast %add3A_2115 : i32 to vector<16xi32>
        %add3A_2117 = arith.addi %gather3A_1491, %add3A_2116 : vector<16xi32>
        %ge3A_2118 = arith.cmpi sge, %add3A_2054, %add3A_2117 : vector<16xi32>
        %add3A_2119 = arith.constant 2 : i32
        %add3A_2120 = vector.broadcast %add3A_2119 : i32 to vector<16xi32>
        %add3A_2121 = arith.addi %add3A_2054, %add3A_2120 : vector<16xi32>
        %ge3A_2122 = arith.cmpi sge, %add3A_2054, %gather3A_1491 : vector<16xi32>
        %add3A_2123 = arith.constant 77 : i32
        %add3A_2124 = arith.constant 8 : i32
        %add3A_2125 = arith.addi %add3A_2123, %add3A_2124 : i32
        %sub3A_2126 = arith.subi %add3A_2054, %gather3A_1491 : vector<16xi32>
        %add3A_2127 = vector.broadcast %add3A_2125 : i32 to vector<16xi32>
        %add3A_2128 = arith.addi %add3A_2127, %sub3A_2126 : vector<16xi32>
        %ge3A_2129 = arith.constant 9 : i32
        %ge3A_2130 = vector.broadcast %ge3A_2129 : i32 to vector<16xi32>
        %ge3A_2131 = arith.cmpi sge, %add3A_2054, %ge3A_2130 : vector<16xi32>
        %ge3A_2132 = arith.constant 1 : i32
        %ge3A_2133 = vector.broadcast %ge3A_2132 : i32 to vector<16xi32>
        %ge3A_2134 = arith.cmpi sge, %add3A_2054, %ge3A_2133 : vector<16xi32>
        %sub3A_2135 = arith.constant 1 : i32
        %sub3A_2136 = vector.broadcast %sub3A_2135 : i32 to vector<16xi32>
        %sub3A_2137 = arith.subi %add3A_2054, %sub3A_2136 : vector<16xi32>
        %add3A_2138 = arith.constant 77 : i32
        %add3A_2139 = vector.broadcast %add3A_2138 : i32 to vector<16xi32>
        %add3A_2140 = arith.addi %add3A_2139, %sub3A_2137 : vector<16xi32>
        %jit3A_2141 = arith.constant 0 : i32
        %broadcast_in_dim3A_2142 = vector.broadcast %jit3A_2141 : i32 to vector<16xi32>
        %select_n3A_2143 = arith.select %ge3A_2134, %add3A_2140, %broadcast_in_dim3A_2142 : vector<16xi1>, vector<16xi32>
        %select_n3A_2144 = arith.select %ge3A_2131, %add3A_2054, %select_n3A_2143 : vector<16xi1>, vector<16xi32>
        %select_n3A_2145 = arith.select %ge3A_2122, %add3A_2128, %select_n3A_2144 : vector<16xi1>, vector<16xi32>
        %select_n3A_2146 = arith.select %ge3A_2118, %add3A_2121, %select_n3A_2145 : vector<16xi1>, vector<16xi32>
        %select_n3A_2147 = arith.select %ge3A_2105, %add3A_2114, %select_n3A_2146 : vector<16xi1>, vector<16xi32>
        %select_n3A_2148 = arith.select %ge3A_2098, %add3A_2101, %select_n3A_2147 : vector<16xi1>, vector<16xi32>
        %select_n3A_2149 = arith.select %ge3A_2088, %add3A_2097, %select_n3A_2148 : vector<16xi1>, vector<16xi32>
        %select_n3A_2150 = arith.select %ge3A_2081, %add3A_2084, %select_n3A_2149 : vector<16xi1>, vector<16xi32>
        %select_n3A_2151 = arith.select %ge3A_2068, %add3A_2077, %select_n3A_2150 : vector<16xi1>, vector<16xi32>
        %select_n3A_2152 = arith.select %ge3A_2061, %add3A_2064, %select_n3A_2151 : vector<16xi1>, vector<16xi32>
        %lt3A_2153 = arith.constant 77 : i32
        %lt3A_2154 = vector.broadcast %lt3A_2153 : i32 to vector<16xi32>
        %lt3A_2155 = arith.cmpi slt, %select_n3A_2152, %lt3A_2154 : vector<16xi32>
        %and3A_2156 = arith.andi %lt3A_2155, %lt3A_2057 : vector<16xi1>
        %not3A_2157 = arith.constant dense<true> : vector<16xi1>
        %not3A_2158 = arith.xori %lt3A_2155, %not3A_2157 : vector<16xi1>
        %and3A_2159 = arith.andi %not3A_2158, %lt3A_2057 : vector<16xi1>
        %convert_element_type3A_2160 = arith.extui %and3A_2156 : vector<16xi1> to vector<16xi32>
        %broadcast_in_dim3A_2161 = arith.constant true
        %broadcast_in_dim3A_2162 = vector.broadcast %broadcast_in_dim3A_2161 : i1 to vector<16xi1>
        %masked_cumsum3A_2163 = tpu.scan <sum>, %convert_element_type3A_2160 masked %broadcast_in_dim3A_2162 : vector<16xi32>, vector<16xi1> -> vector<16xi32>
        %add3A_2164 = vector.broadcast %add3A_2037 : i32 to vector<16xi32>
        %add3A_2165 = arith.addi %masked_cumsum3A_2163, %add3A_2164 : vector<16xi32>
        %sub3A_2166 = arith.constant 1 : i32
        %sub3A_2167 = vector.broadcast %sub3A_2166 : i32 to vector<16xi32>
        %sub3A_2168 = arith.subi %add3A_2165, %sub3A_2167 : vector<16xi32>
        %convert_element_type3A_2169 = arith.extui %and3A_2156 : vector<16xi1> to vector<16xi32>
        %reduce_sum3A_2170 = arith.constant true
        %reduce_sum3A_2171 = vector.broadcast %reduce_sum3A_2170 : i1 to vector<16xi1>
        %reduce_sum3A_2172 = tpu.scan <sum>, %convert_element_type3A_2169 masked %reduce_sum3A_2171 : vector<16xi32>, vector<16xi1> -> vector<16xi32>
        %reduce_sum3A_2173 = vector.extract %reduce_sum3A_2172[15] : i32 from vector<16xi32>
        %add3A_2174 = arith.addi %add3A_2037, %reduce_sum3A_2173 : i32
        %mul3A_2175 = arith.constant 1000 : i32
        %mul3A_2176 = vector.broadcast %mul3A_2175 : i32 to vector<16xi32>
        %mul3A_2177 = arith.muli %add3A_2054, %mul3A_2176 : vector<16xi32>
        %add3A_2178 = vector.broadcast %min3A_1487 : i32 to vector<16xi32>
        %add3A_2179 = arith.addi %mul3A_2177, %add3A_2178 : vector<16xi32>
        %mul3A_2180 = arith.constant 1000 : i32
        %mul3A_2181 = vector.broadcast %mul3A_2180 : i32 to vector<16xi32>
        %mul3A_2182 = arith.muli %select_n3A_2152, %mul3A_2181 : vector<16xi32>
        %add3A_2183 = vector.broadcast %min3A_1487 : i32 to vector<16xi32>
        %add3A_2184 = arith.addi %mul3A_2182, %add3A_2183 : vector<16xi32>
        tpu.vector_store_idx %arg12[%sub3A_2168], %add3A_2184 masked %and3A_2156 : memref<53xi32, #tpu.memory_space<vmem>>[vector<16xi32>], vector<16xi32>, vector<16xi1>
        tpu.vector_store_idx %arg13[%sub3A_2168], %add3A_2179 masked %and3A_2156 : memref<53xi32, #tpu.memory_space<vmem>>[vector<16xi32>], vector<16xi32>, vector<16xi1>
        %sub3A_2185 = arith.constant 77 : i32
        %sub3A_2186 = vector.broadcast %sub3A_2185 : i32 to vector<16xi32>
        %sub3A_2187 = arith.subi %select_n3A_2152, %sub3A_2186 : vector<16xi32>
        tpu.vector_store_idx %arg14[%sub3A_2187], %add3A_2179 masked %and3A_2159 : memref<16xi32, #tpu.memory_space<vmem>>[vector<16xi32>], vector<16xi32>, vector<16xi1>
        %dma_start3A_2188 = arith.constant 0 : i32
        %dma_start3A_2189 = arith.constant 0 : i32
        %dma_start3A_2190 = tpu.memref_slice %arg2[%dma_start3A_2188, %dma_start3A_2189] : memref<77000x512xf32, #tpu.memory_space<hbm>> -> memref<77000x512xf32, #tpu.memory_space<hbm>>
        tpu.enqueue_indirect_dma source(%dma_start3A_2190 : memref<77000x512xf32, #tpu.memory_space<hbm>>) target(%arg15 : memref<53x512xf32, #tpu.memory_space<vmem>>) offsets(%arg12 : memref<53xi32, #tpu.memory_space<vmem>>) semaphore(%arg18 : memref<!tpu.dma_semaphore, #tpu.memory_space<semaphore_mem>>)
        %mul3A_2191 = arith.constant 16 : i32
        %mul3A_2192 = arith.muli %min3A_1487, %mul3A_2191 : i32
        %dma_start3A_2193 = arith.constant 0 : i32
        %dma_start3A_2194 = tpu.memref_slice %arg3[%mul3A_2192, %dma_start3A_2193] : memref<16000x512xf32, #tpu.memory_space<hbm>> -> memref<16x512xf32, #tpu.memory_space<hbm>>
        %dma_start3A_2195 = arith.constant 0 : i32
        %dma_start3A_2196 = tpu.memref_slice %arg3[%mul3A_2192, %dma_start3A_2195] : memref<16000x512xf32, #tpu.memory_space<hbm>> -> memref<16x512xf32, #tpu.memory_space<hbm>>
        tpu.enqueue_dma source(%dma_start3A_2196 : memref<16x512xf32, #tpu.memory_space<hbm>>) target(%arg16 : memref<16x512xf32, #tpu.memory_space<vmem>>) target_semaphore(%arg18 : memref<!tpu.dma_semaphore, #tpu.memory_space<semaphore_mem>>)
      } else {
      }
    }
    %scan3A_1417 = arith.constant 16 : i32
    return
  }
}

</mosaic_0001>

<sc_bundles>
// kernel: _splice.3.cloned.1.call-start
scs
__scs_entry_jumppad:
0x0: {  	(pc) =	sbr.rel $0x88, $3  }
0x1: {  	(tag) =	ssettag $0x0;
	lr =	simm.s32 $0x1  }
0x2: {  	[smem:$0x3F9E] =	sst lr;
	_ =	strace $0xD0000000  }
0x3: {  	_ = 	snop  }
0x4: {  	_ = 	snop  }
0x5: {  	_ = 	snop  }
0x6: {  	_ = 	snop  }
0x7: {  	_ = 	snop  }
__scs_overlays_trampoline_lowered:
0x8: {  	[smem:$0x3FAD] =	sst s0  }
0x9: {  	[smem:$0x3FAE] =	sst s1  }
0xa: {  	[smem:$0x3FAF] =	sst s2  }
0xb: {  	[smem:$0x3FB0] =	sst s3  }
0xc: {  	[smem:$0x3FB1] =	sst s4  }
0xd: {  	[smem:$0x3FB2] =	sst s5  }
0xe: {  	[smem:$0x3FB3] =	sst s6  }
0xf: {  	[smem:$0x3FB4] =	sst s7  }
0x10: {  	[smem:$0x3FB5] =	sst s8  }
0x11: {  	[smem:$0x3FB6] =	sst s9;
	s0 =	simm.s32 @!p0 $0x0  }
0x12: {  	s1 =	sld [smem:$0x3F9C];
	s0 =	simm.s32 @p0 $0x1  }
0x13: {  	[smem:$0x3FB7] =	sst s0;
	s0 =	simm.s32 @!p1 $0x0  }
0x14: {  	s2 =	sld [smem:$0x3F9B];
	s0 =	simm.s32 @p1 $0x1  }
0x15: {  	[smem:$0x3FB8] =	sst s0;
	s0 =	simm.s32 @!p2 $0x0  }
0x16: {  	s3 =	sld [smem:$0x3FDB];
	s0 =	simm.s32 @p2 $0x1  }
0x17: {  	s4 =	simm.s32 $0x1BF5;
	[smem:$0x3FBA] =	sst s0  }
0x18: {  	s0 =	sld [smem:$0x3F9D];
	_ =	swait.ge [sflag:s4], $0x0  }
0x19: {  	s7 =	sld [smem:$0x3F9E]  }
0x1a: {  	s8 =	sadd.s32 $0xFFFFE003, lr  }
0x1b: {  	s9 =	sadd.s32 $0xFFFFFEF7, lr;
	s5 =	simm.s32 $0xFFFFFFFF;
	p2 =	slt.u32 s8, $0xFFFFF086  }
0x1c: {  	p1 =	slt.u32 s9, $0xF7A;
	s5 =	simm.s32 @!p2 $0x0  }
0x1d: {  	s5 =	simm.s32 @p1 $0x1;
	p0 =	seq.s32 s7, s2  }
0x1e: {  	s7 =	smul.u32 @!p0 $0xF7A, s2;
	p2 =	seq.s32 @!p0 s5, $0x0  }
0x1f: {  	s9 =	smul.u32 $0xF7A, s1;
	s8 =	simm.s32 @!p0 $0x1BF5;
	p2 =	por !p2, p0  }
0x20: {  	[sflag:s8] =	ssyncset.s32 @!p0 $0xFFFFF086;
	s6 =	sadd.s32 @!p0 s3, s7;
	s7 =	simm.s32 @!p0 $0x108  }
0x21: {  	s3 =	sadd.s32 s3, s9;
	s6 =	sadd.s32 @!p0 $0x88, s6;
	s7 =	simm.s32 @p2 $0x1082  }
0x22: {  	[simem:s7], [sflag:s8] =	dma.local @!p0 [hbm:s6], $0xF7A  }
0x23: {  	s9 =	sor.u32 $0xD0000000, s2;
	s6 =	simm.s32 $0x108;
	_ =	swait.ge @!p0 [sflag:s8], $0x0  }
0x24: {  	s3 =	sadd.s32 $0x88, s3;
	s6 =	simm.s32 @!p1 $0x1082;
	[sflag:s4] =	ssyncset.s32 $0xFFFFF086  }
0x25: {  	[simem:s6], [sflag:s4] =	dma.local [hbm:s3], $0xF7A  }
0x26: {  	[smem:$0x3F9E] =	sst s1;
	(tag) =	ssettag s2;
	_ =	strace s9  }
0x27: {  	s1 =	sld [smem:$0x3FAE]  }
0x28: {  	s2 =	sld [smem:$0x3FAF]  }
0x29: {  	s4 =	sld [smem:$0x3FB1]  }
0x2a: {  	p0 =	seq.s32 s5, $0x0;
	s5 =	sld [smem:$0x3FB2]  }
0x2b: {  	s6 =	sld [smem:$0x3FB3]  }
0x2c: {  	s7 =	sld [smem:$0x3FB4]  }
0x2d: {  	s3 =	simm.s32 $0x108;
	s8 =	sld [smem:$0x3FB5]  }
0x2e: {  	s3 =	simm.s32 @!p0 $0x1082;
	s9 =	sld [smem:$0x3FB6]  }
0x2f: {  	lr =	sadd.s32 s0, s3;
	s0 =	sld [smem:$0x3FAD]  }
0x30: {  	s3 =	sld [smem:$0x3FB0]  }
0x31: {  	[smem:$0x3FB9] =	sst s10  }
0x32: {  	s10 =	sld [smem:$0x3FB7];
	_ =	sdelay $0x3  }
0x33: {  	p0 =	seq.s32 s10, $0x1;
	s10 =	sld [smem:$0x3FB9];
	_ =	sdelay $0x3  }
0x34: {  	[smem:$0x3FB9] =	sst s10  }
0x35: {  	s10 =	sld [smem:$0x3FB8];
	_ =	sdelay $0x3  }
0x36: {  	p1 =	seq.s32 s10, $0x1;
	s10 =	sld [smem:$0x3FB9];
	_ =	sdelay $0x3  }
0x37: {  	[smem:$0x3FB9] =	sst s10  }
0x38: {  	s10 =	sld [smem:$0x3FBA]  }
0x39: {  	_ = 	snop;
	(pc) =	sbr.ind lr, $3  }
0x3a: {  	_ = 	snop  }
0x3b: {  	_ = 	snop  }
0x3c: {  	p2 =	seq.s32 s10, $0x1;
	s10 =	sld [smem:$0x3FB9]  }
0x3d: {  	_ =	shalt  }
0x3e: {  	_ =	shalt  }
0x3f: {  	_ =	shalt  }
0x40: {  	_ =	shalt  }
0x41: {  	_ =	shalt  }
0x42: {  	_ =	shalt  }
0x43: {  	_ =	shalt  }
0x44: {  	_ =	shalt  }
0x45: {  	_ =	shalt  }
0x46: {  	_ =	shalt  }
0x47: {  	_ =	shalt  }
0x48: {  	_ =	shalt  }
0x49: {  	_ =	shalt  }
0x4a: {  	_ =	shalt  }
0x4b: {  	_ =	shalt  }
0x4c: {  	_ =	shalt  }
0x4d: {  	_ =	shalt  }
0x4e: {  	_ =	shalt  }
0x4f: {  	_ =	shalt  }
0x50: {  	_ =	shalt  }
0x51: {  	_ =	shalt  }
0x52: {  	_ =	shalt  }
0x53: {  	_ =	shalt  }
0x54: {  	_ =	shalt  }
0x55: {  	_ =	shalt  }
0x56: {  	_ =	shalt  }
0x57: {  	_ =	shalt  }
0x58: {  	_ =	shalt  }
0x59: {  	_ =	shalt  }
0x5a: {  	_ =	shalt  }
0x5b: {  	_ =	shalt  }
0x5c: {  	_ =	shalt  }
0x5d: {  	_ =	shalt  }
0x5e: {  	_ =	shalt  }
0x5f: {  	_ =	shalt  }
0x60: {  	_ =	shalt  }
0x61: {  	_ =	shalt  }
0x62: {  	_ =	shalt  }
0x63: {  	_ =	shalt  }
0x64: {  	_ =	shalt  }
0x65: {  	_ =	shalt  }
0x66: {  	_ =	shalt  }
0x67: {  	_ =	shalt  }
0x68: {  	_ =	shalt  }
0x69: {  	_ =	shalt  }
0x6a: {  	_ =	shalt  }
0x6b: {  	_ =	shalt  }
0x6c: {  	_ =	shalt  }
0x6d: {  	_ =	shalt  }
0x6e: {  	_ =	shalt  }
0x6f: {  	_ =	shalt  }
0x70: {  	_ =	shalt  }
0x71: {  	_ =	shalt  }
0x72: {  	_ =	shalt  }
0x73: {  	_ =	shalt  }
0x74: {  	_ =	shalt  }
0x75: {  	_ =	shalt  }
0x76: {  	_ =	shalt  }
0x77: {  	_ =	shalt  }
0x78: {  	_ =	shalt  }
0x79: {  	_ =	shalt  }
0x7a: {  	_ =	shalt  }
0x7b: {  	_ =	shalt  }
0x7c: {  	_ =	shalt  }
0x7d: {  	_ =	shalt  }
0x7e: {  	_ =	shalt  }
0x7f: {  	_ =	shalt  }
0x80: {  	_ =	shalt  }
0x81: {  	_ =	shalt  }
0x82: {  	_ =	shalt  }
0x83: {  	_ =	shalt  }
0x84: {  	_ =	shalt  }
0x85: {  	_ =	shalt  }
0x86: {  	_ =	shalt  }
0x87: {  	_ =	shalt  }
.Lfunc_end0:
.L_simem_size_0:
called_computation_lowered:
.L_overlay_start_0:
0x88: {  	s2 =	sld [smem:$0x3FD9]  }
0x89: {  	s3 =	sld [smem:$0x3FFE];
	_ =	sdelay $0x1  }
0x8a: {  	s1 =	srdreg.scid  }
0x8b: {  	s0 =	sand.u32 $0x1, s1  }
0x8c: {  	s18 =	sshll.u32 s0, $0xA;
	s2 =	sadd.s32 s3, s2  }
0x8d: {  	s2 =	sadd.s32 s2, s18  }
0x8e: {  	[smem:$0x3FC5] =	sst s2  }
0x8f: {  	_ = 	snop  }
0x90: {  	s2 =	sld [smem:$0x3FC9]  }
0x91: {  	s19 =	sld [smem:$0x3FC8]  }
0x92: {  	s4 =	sld [smem:$0x3FC7]  }
0x93: {  	s5 =	sld [smem:$0x3FD0];
	(tm) =	ssettm $0x1  }
0x94: {  	s6 =	sld [smem:$0x3FFB];
	_ =	sdelay $0x3  }
0x95: {  	_ =	strace s6  }
0x96: {  	s6 =	sld [smem:$0x3FFC];
	_ =	sdelay $0x3  }
0x97: {  	_ =	strace s6  }
0x98: {  	s6 =	sld [smem:$0x3FFD];
	_ =	sdelay $0x3  }
0x99: {  	_ =	strace s6  }
0x9a: {  	_ =	strace $0x8FFFFFFF  }
0x9b: {  	s20 =	sld [smem:$0x3FDB];
	_ =	sdelay $0x1  }
0x9c: {  	s7 =	simm.s32 $_scs_section_size  }
0x9d: {  	s8 =	simm.s32 $_size__tile_overlayer_lowered;
	s9 =	simm.s32 $_tile_overlayer_lowered  }
0x9e: {  	s23 =	simm.s32 $0x1BFF;
	s22 =	sshll.u32 s9, $0x1;
	s6 =	sadd.s32 s7, s20  }
0x9f: {  	s10 =	simm.s32 $0x0;
	s21 =	sshll.u32 s8, $0x1;
	s8 =	sadd.s32 s22, s6  }
0xa0: {  	[timem:s10], [sflag:s23] =	dma.local [hbm:s8], s21  }
0xa1: {  	_ =	swait.ge [sflag:s23], s21  }
0xa2: {  	s7 =	ssub.s32 $0x0, s21;
	[sflag:s23] =	ssyncset.done $0x0  }
0xa3: {  	[sflag:s23] =	ssyncadd.s32 s7;
	_ =	sdelay $0x1  }
0xa4: {  	s24 =	simm.s32 $0x1B8B  }
0xa5: {  	_ =	swait.ge [sflag:s24], $0x1  }
0xa6: {  	[sflag:s24] =	ssyncset.done $0x0  }
0xa7: {  	s25 =	simm.s32 $0x1B8E;
	[sflag:s24] =	ssyncadd.s32 $0xFFFFFFFF  }
0xa8: {  	s26 =	simm.s32 $execute0_lowered;
	[smem:$0x3FD2] =	sst s25  }
0xa9: {  	s7 =	sshll.u32 s26, $0x1;
	_ =	strace $0x80000046;
	[dreg:$0x1] =	wrdreg $0xFFFFFFFF  }
0xaa: {  	s28 =	simm.s32 $_size_execute0_lowered;
	s6 =	sadd.s32 s6, s7;
	[dreg:$0x0] =	wrdreg $0x0  }
0xab: {  	s7 =	sshll.u32 s28, $0x1;
	[dreg:$0x2] =	wrdreg s6  }
0xac: {  	[dreg:$0x3] =	wrdreg s7  }
0xad: {  	[dreg:$0x4] =	wrdreg $0xC0  }
0xae: {  	_ =	task [dreg:s10], $0x5FFFF  }
0xaf: {  	[dreg:$0x1] =	wrdreg $0xFFFFFFFF  }
0xb0: {  	[dreg:$0x0] =	wrdreg $0x60  }
0xb1: {  	[dreg:$0x2] =	wrdreg s2  }
0xb2: {  	[dreg:$0x3] =	wrdreg s19  }
0xb3: {  	[dreg:$0x4] =	wrdreg s4  }
0xb4: {  	[dreg:$0x5] =	wrdreg s5  }
0xb5: {  	[dreg:$0x6] =	wrdreg $0x9  }
0xb6: {  	_ =	task.clear_ibuf [dreg:s10], $0x7FFFF;
	_ =	strace $0x90000046  }
0xb7: {  	s29 =	simm.s32 $0x9;
	_ =	strace $0x80000048  }
0xb8: {  	_ =	swait.ge [sflag:s29], $0x1  }
0xb9: {  	[sflag:s29] =	ssyncadd.s32 $0xFFFFFFFF  }
0xba: {  	_ =	strace $0x90000048  }
0xbb: {  	_ =	sfence  }
0xbc: {  	s30 =	sld [smem:$0x0];
	_ =	sdelay $0x2  }
0xbd: {  	s31 =	sshll.u32 s1, $0xD;
	s1 =	sshrl.u32 s1, $0x2  }
0xbe: {  	s3 =	sand.u32 $0x4000, s31;
	s1 =	sadd.s32 s1, s30  }
0xbf: {  	s0 =	sor.u32 s3, s0;
	s1 =	sshll.u32 s1, $0x11  }
0xc0: {  	s0 =	sor.u32 s1, s0  }
0xc1: {  	s0 =	sadd.s32 $0x8F2B, s0  }
0xc2: {  	[sflag:s0] =	ssyncadd.remote.s32 $0x1  }
0xc3: {  	_ =	sfence.sel $0xFFFF  }
0xc4: {  	[dreg:$0x0] =	wrdreg $0xFFFFFFFF;
	(pc) =	sbr.abs _section_cstart, $3  }
0xc5: {  	[dreg:$0x1] =	wrdreg $0xFFFFFFFF  }
0xc6: {  	_ =	task.clear_ibuf [dreg:s10], $0x2FFFF;
	_ =	strace $0x9FFFFFFF  }
0xc7: {  	(tm) =	ssettm $0x7FFFFFFF  }
tec
execute0_lowered:
.L_overlay_start_1:
0x0: {  	(tag) =	ssettag $0x1  }
0x1: {  	s0 =	srdreg.scid  }
0x2: {  	s1 =	stileid.u32;
	s0 =	sand.u32 $0x1, s0  }
0x3: {  	s1 =	sshll.u32 s1, $0x6;
	s2 =	sshll.u32 s0, $0x5  }
0x4: {  	s4 =	sor.u32 s2, s1  }
0x5: {  	v0 =	vmov s4  }
0x6: {  	s1 =	sor.u32 $0x1, s4;
	v1 =	vshll.u32 v0, $0x2;
	v2 =	vand.u32 $0x60, v0  }
0x7: {  	[tilespmem:$0x1FC50] =	vst v0;
	v0 =	vlaneseq.u32;
	v4 =	vmov s1;
	v3 =	vand.u32 $0xE00, v1  }
0x8: {  	v60 =	vmul.u32 $0x3E8, v0;
	[tilespmem:$0x1FCD0] =	vst v4;
	v1 =	vor.u32 v2, v3  }
0x9: {  	[tilespmem:$0x1FC80] =	vst v1  }
0xa: {  	v2 =	vor.u32 $0x80, v1;
	[tilespmem:$0x1FD40] =	vst v60  }
0xb: {  	v61 =	vor.u32 $0x100, v1;
	[tilespmem:$0x1FC60] =	vst v2  }
0xc: {  	v1 =	vor.u32 $0x180, v1;
	[tilespmem:$0x1FC70] =	vst v61  }
0xd: {  	v62 =	vadd.s32 s4, v60;
	[tilespmem:$0x1FC90] =	vst v1  }
0xe: {  	v17 =	vadd.s32 s1, v60;
	[tilespmem:$0x1FCA0] =	vst v62  }
0xf: {  	v63 =	vadd.s32 $0x3E80, v60;
	[tilespmem:$0x1FD50] =	vst v17  }
0x10: {  	v5 =	vadd.s32 $0x7D00, v60;
	[tilespmem:$0x1FD60] =	vst v63  }
0x11: {  	v12 =	vadd.s32 s4, v63;
	[tilespmem:$0x1FD80] =	vst v5  }
0x12: {  	v6 =	vadd.s32 $0xBB80, v60;
	v13 =	vadd.s32 s4, v5;
	[tilespmem:$0x1FCB0] =	vst v12  }
0x13: {  	v7 =	vadd.s32 $0xFA00, v60;
	v8 =	vadd.s32 s4, v6;
	[tilespmem:$0x1FCC0] =	vst v13  }
0x14: {  	v15 =	vadd.s32 s4, v7;
	[tilespmem:$0x1FCE0] =	vst v8  }
0x15: {  	v14 =	vshll.u32 v4, $0x2;
	v1 =	vadd.s32 s1, v63;
	[tilespmem:$0x1FCF0] =	vst v15  }
0x16: {  	v4 =	vand.u32 $0x61, v4;
	v2 =	vand.u32 $0x7FFFFE00, v14;
	v18 =	vadd.s32 s1, v5;
	[tilespmem:$0x1FD70] =	vst v1  }
0x17: {  	v2 =	vor.u32 v4, v2;
	[tilespmem:$0x1FD90] =	vst v18  }
0x18: {  	v4 =	vor.u32 $0x80, v2;
	[tilespmem:$0x1FD20] =	vst v2  }
0x19: {  	s5 =	rddreg [dreg:$0x1];
	v16 =	vor.u32 $0x100, v2;
	[tilespmem:$0x1FD00] =	vst v4  }
0x1a: {  	s6 =	rddreg [dreg:$0x3];
	s7 =	simm.s32 $0x0;
	v2 =	vor.u32 $0x180, v2;
	[tilespmem:$0x1FD10] =	vst v16  }
0x1b: {  	[smem:$0x7FF] =	sst s7;
	[tilespmem:$0x1FD30] =	vst v2  }
0x1c: {  	s2 =	rddreg [dreg:$0x0];
	v19 =	vadd.s32 s1, v6;
	_ =	strace $0x80000047;
	[tilespmem:$0x1FDA0] =	vst v6  }
0x1d: {  	[tilespmem:$0x1FDB0] =	vst v19  }
0x1e: {  	v20 =	vadd.s32 s1, v7;
	[tilespmem:$0x1FDC0] =	vst v7  }
0x1f: {  	v29 =	vadd.s32 $0x61, v0;
	[tilespmem:$0x1FDD0] =	vst v20  }
0x20: {  	v30 =	vadd.s32 $0x5D, v0;
	[tilespmem:$0x1FDE0] =	vst v29  }
0x21: {  	v31 =	vadd.s32 $0x59, v0;
	[tilespmem:$0x1FDF0] =	vst v30  }
0x22: {  	v33 =	vadd.s32 $0x55, v0;
	[tilespmem:$0x1FE00] =	vst v31  }
0x23: {  	v35 =	vadd.s32 $0x2, v0;
	[tilespmem:$0x1FE10] =	vst v33  }
0x24: {  	v36 =	vadd.s32 $0x4, v0;
	[tilespmem:$0x1FE30] =	vst v35  }
0x25: {  	v37 =	vadd.s32 $0x6, v0;
	[tilespmem:$0x1FE40] =	vst v36  }
0x26: {  	v38 =	vadd.s32 $0x8, v0;
	[tilespmem:$0x1FE50] =	vst v37  }
0x27: {  	v39 =	vadd.s32 $0x71, v0;
	[tilespmem:$0x1FE60] =	vst v38  }
0x28: {  	v40 =	vadd.s32 $0x6D, v0;
	[tilespmem:$0x1FE70] =	vst v39  }
0x29: {  	v41 =	vadd.s32 $0x69, v0;
	[tilespmem:$0x1FE80] =	vst v40  }
0x2a: {  	v42 =	vadd.s32 $0x65, v0;
	[tilespmem:$0x1FE90] =	vst v41  }
0x2b: {  	v43 =	vor.u32 $0x10, v0;
	[tilespmem:$0x1FEA0] =	vst v42  }
0x2c: {  	v44 =	vadd.s32 $0x12, v0;
	[tilespmem:$0x1FEB0] =	vst v43  }
0x2d: {  	v46 =	vadd.s32 $0x14, v0;
	[tilespmem:$0x1FEC0] =	vst v44  }
0x2e: {  	v47 =	vadd.s32 $0x16, v0;
	[tilespmem:$0x1FED0] =	vst v46  }
0x2f: {  	v48 =	vadd.s32 $0x18, v0;
	[tilespmem:$0x1FEE0] =	vst v47  }
0x30: {  	v49 =	vadd.s32 $0x81, v0;
	[tilespmem:$0x1FEF0] =	vst v48  }
0x31: {  	v50 =	vadd.s32 $0x7D, v0;
	[tilespmem:$0x1FF00] =	vst v49  }
0x32: {  	v51 =	vadd.s32 $0x79, v0;
	[tilespmem:$0x1FF10] =	vst v50  }
0x33: {  	v52 =	vadd.s32 $0x75, v0;
	[tilespmem:$0x1FF20] =	vst v51  }
0x34: {  	v21 =	vimm.s32 $0xB0A0954;
	v53 =	vor.u32 $0x20, v0;
	[tilespmem:$0x1FF30] =	vst v52  }
0x35: {  	v22 =	vimm.s32 $0xF0E0D0C;
	s14 =	simm.s32 $0x1000;
	s15 =	simm.s32 $0x1080;
	v54 =	vadd.s32 $0x22, v0;
	[tilespmem:$0x1FF40] =	vst v53  }
0x36: {  	s16 =	simm.s32 $0x1100;
	s10 =	simm.s32 $0x1180;
	s13 =	simm.s32 $0x1980;
	v55 =	vadd.s32 $0x24, v0;
	[tilespmem:$0x1FF50] =	vst v54  }
0x37: {  	s12 =	simm.s32 $0x2180;
	s31 =	simm.s32 $0x3180;
	s9 =	simm.s32 $0xA280;
	v56 =	vadd.s32 $0x26, v0;
	[tilespmem:$0x1FF60] =	vst v55  }
0x38: {  	v23 =	vimm.s32 $0x4F4E4D00;
	v28 =	vimm.s32 $0x53525150;
	s28 =	simm.s32 $0x1;
	s29 =	simm.s32 $0x2;
	s17 =	simm.s32 $0x0;
	v57 =	vadd.s32 $0x28, v0;
	[tilespmem:$0x1FF70] =	vst v56  }
0x39: {  	s21 =	simm.s32 $0xCB00;
	s22 =	simm.s32 $0xD300;
	s23 =	simm.s32 $0xDB00;
	v58 =	vadd.s32 $0x91, v0;
	[tilespmem:$0x1FF80] =	vst v57  }
0x3a: {  	vm1 =	vcmask $0x1F10;
	s24 =	simm.s32 $0xE300;
	s25 =	simm.s32 $0xEB00;
	s0 =	ssub.s32 $0x2, s0;
	v26 =	vadd.s32 $0x1, v0;
	v59 =	vadd.s32 $0x8D, v0;
	[tilespmem:$0x1FF90] =	vst v58  }
0x3b: {  	s26 =	simm.s32 $0xF300;
	s3 =	sshrl.u32 s0, $0x1;
	s30 =	sshll.u32 s4, $0xA;
	v60 =	vadd.s32 $0x89, v0;
	v5 =	vunpack.c.0.s8.s32 v23;
	v61 =	vadd.s32 $0x85, v0;
	[tilespmem:$0x1FFA0] =	vst v59  }
0x3c: {  	s18 =	simm.s32 $0x10300;
	s0 =	ssub.s32 s0, s3;
	s3 =	sadd.s32 s5, s30;
	v2 =	vunpack.c.0.s8.s32 v21;
	v4 =	vunpack.c.0.s8.s32 v22;
	v6 =	vunpack.c.0.s8.s32 v28;
	[tilespmem:$0x1FFB0] =	vst v60  }
.Ltmp0:
0x3d: {  	v45 =	vadd.s32 $0x11, v0;
	s1 =	sshll.u32 s1, $0xA;
	v62 =	vor.u32 $0x30, v0;
	v63 =	vadd.s32 $0x32, v0;
	[dreg:$0x5] =	wrdreg s4;
	[tilespmem:$0x1FFC0] =	vst v61;
	(pc) =	sbr.rel .LBB2_1-.Ltmp0, $4  }
0x3e: {  	s19 =	simm.s32 $0x10B00;
	s1 =	sadd.s32 s5, s1;
	[dreg:$0x6] =	wrdreg s3;
	v47 =	vadd.s32 $0x21, v0;
	[tilespmem:$0x1FFD0] =	vst v62;
	v2 =	vsel vm1, v4, v2;
	v32 =	vsel vm1, v6, v5  }
0x3f: {  	s11 =	sadd.s32 $0x100, s6;
	s0 =	smax.u32 s0, $0x1;
	[dreg:$0x7] =	wrdreg s1;
	v57 =	vadd.s32 $0x31, v0;
	[tilespmem:$0x1FFE0] =	vst v63;
	v0 =	vadd.s32 $0x34, v0;
	v34 =	vcombine.low v32, v2  }
0x40: {  	vm2 =	vcmask $0x3320;
	vm3 =	vcmask $0x1300;
	s8 =	sadd.s32 $0x100, s2;
	[dreg:$0x8] =	wrdreg s0;
	s1 =	simm.s32 $0x2980;
	[tilespmem:$0x1FFF0] =	vst v0  }
0x41: {  	vm0 =	vmmov $0xffff;
	vm2 =	vmor vm3, vm2;
	s3 =	simm.s32 $0x3980;
	s0 =	simm.s32 $0xA180;
	s4 =	simm.s32 $0xA200;
	vm1 =	vmmov $0x1f;
	[tilespmem:$0x1FE20] =	vst v34  }
.LBB2_4:
0x42: {  	_ =	swait.ge [sflag:s29], $0x6A00  }
0x43: {  	[sflag:s29] =	ssyncset.done $0x0  }
0x44: {  	[sflag:s29] =	ssyncadd.s32 $0xFFFF9600  }
0x45: {  	_ =	swait.ge [sflag:s29], $0x2000  }
0x46: {  	s17 =	rddreg [dreg:$0x9]  }
0x47: {  	s5 =	rddreg [dreg:$0x8];
	s17 =	sadd.s32 $0x1, s17  }
0x48: {  	p0 =	sne.s32 s17, s5  }
.Ltmp1:
0x49: {  	_ = 	snop;
	(pc) =	sbr.rel @!p0 .LBB2_5-.Ltmp1, $3  }
0x4a: {  	_ =	sdelay $0x1  }
0x4b: {  	[sflag:s29] =	ssyncset.done $0x0  }
0x4c: {  	[sflag:s29] =	ssyncadd.s32 $0xFFFFE000  }
.LBB2_1:
0x4d: {  	[dreg:$0x9] =	wrdreg s17  }
0x4e: {  	s5 =	rddreg [dreg:$0x2];
	s17 =	simm.s32 $0x3  }
0x4f: {  	[tilespmem:s7], [sflag:$0x3] =	stream.linear.gather [hbm4b:s5+s7], $0x1000, $0x38;
	[tilespmem:$0x13300] =	vst v63  }
0x50: {  	_ =	swait.ge [sflag:s17], $0x1000  }
0x51: {  	v0 =	vld [tilespmem:$0x1FC70]  }
0x52: {  	v40 =	vld [tilespmem:$0x1FC90]  }
0x53: {  	v41 =	vld [tilespmem:$0x1FC80]  }
0x54: {  	v42 =	vld [tilespmem:$0x1FC60]  }
0x55: {  	v32 =	vld [tilespmem:$0x1FE10]  }
0x56: {  	v29 =	vld [tilespmem:$0x1FE20]  }
0x57: {  	v33 =	vld [tilespmem:$0x1FE00]  }
0x58: {  	v43 =	vld [tilespmem:$0x1FE30]  }
0x59: {  	v14 =	vld [tilespmem:$0x1FDF0]  }
0x5a: {  	[sflag:s17] =	ssyncset.done $0x0;
	v13 =	vld [tilespmem:$0x1FDE0]  }
0x5b: {  	v39 =	vld [tilespmem:$0x1FEA0];
	[sflag:s17] =	ssyncadd.s32 $0xFFFFF000  }
0x5c: {  	v15 =	vld.idx.msk [tilespmem:v0+s7+$0x0], $0xffff  }
0x5d: {  	v16 =	vld.idx.msk [tilespmem:v40+s7+$0x0], $0xffff  }
0x5e: {  	v9 =	vld.idx.msk [tilespmem:v41+s7+$0x0], $0xffff  }
0x5f: {  	v12 =	vld.idx.msk [tilespmem:v42+s7+$0x0], $0xffff  }
0x60: {  	v52 =	vld [tilespmem:$0x1FEB0]  }
0x61: {  	v38 =	vld [tilespmem:$0x1FE90]  }
0x62: {  	v35 =	vld [tilespmem:$0x1FE80];
	v1 =	vadd.s32 $0xFFFFFFFC, v16  }
0x63: {  	v34 =	vld [tilespmem:$0x1FE70];
	v10 =	vadd.s32 $0xFFFFFFFE, v15;
	v23 =	vadd.s32 $0x2, v9;
	vm3 =	vlt.s32 v9, v26  }
0x64: {  	v27 =	vld [tilespmem:$0x1FF30];
	v2 =	vsub.s32 v32, v9;
	v24 =	vadd.s32 $0xFFFFFFFE, v12;
	v5 =	vsub.s32 v33, v12  }
0x65: {  	v28 =	vld [tilespmem:$0x1FF10];
	v25 =	vadd.s32 $0xFFFFFFFC, v15;
	vm9 =	vlt.s32 v12, v26;
	v44 =	vsub.s32 v14, v15  }
0x66: {  	v31 =	vld [tilespmem:$0x1FE40];
	v21 =	vadd.s32 $0xFFFFFFFA, v16;
	v46 =	vsub.s32 v13, v16;
	v50 =	vsub.s32 v39, v9  }
0x67: {  	v48 =	vld [tilespmem:$0x1FE50];
	vm12 =	vgt.s32 v9, v52;
	v6 =	vsub.s32 v38, v12;
	vm7 =	vlt.s32 v12, v45  }
0x68: {  	v49 =	vld [tilespmem:$0x1FE60];
	v55 =	vsub.s32 v35, v15;
	vm4 =	vlt.s32 v23, v26;
	v2 =	vsel vm3, v2, v29  }
0x69: {  	v40 =	vld [tilespmem:$0x1FEC0];
	v7 =	vsub.s32 v34, v16;
	vm3 =	vlt.s32 v24, v26;
	v2 =	vsel vm4, v43, v2  }
0x6a: {  	v54 =	vld [tilespmem:$0x1FF40];
	v58 =	vsub.s32 v27, v9;
	v61 =	vsub.s32 v28, v15;
	v2 =	vsel vm3, v5, v2  }
0x6b: {  	v41 =	vld [tilespmem:$0x1FED0];
	vm10 =	vlt.s32 v10, v26;
	vm3 =	vlt.s32 v25, v26;
	v2 =	vsel vm9, v31, v2  }
0x6c: {  	v30 =	vld [tilespmem:$0x1FF50];
	vm11 =	vlt.s32 v1, v26;
	vm6 =	vlt.s32 v23, v45;
	v2 =	vsel vm3, v44, v2  }
0x6d: {  	v43 =	vld [tilespmem:$0x1FEE0];
	v5 =	vsel vm12, v52, v50;
	vm3 =	vlt.s32 v21, v26;
	v2 =	vsel vm10, v48, v2  }
0x6e: {  	vm13 =	vlt.s32 v24, v45;
	v5 =	vsel vm6, v40, v5;
	v2 =	vsel vm3, v46, v2;
	v46 =	vld [tilespmem:$0x1FF20]  }
0x6f: {  	vm5 =	vlt.s32 v1, v45;
	vm14 =	vlt.s32 v21, v45;
	v5 =	vsel vm13, v6, v5;
	v44 =	vld [tilespmem:$0x1FEF0]  }
0x70: {  	vm15 =	vlt.s32 v25, v45;
	vm12 =	vlt.s32 v24, v47;
	v5 =	vsel vm7, v41, v5;
	v48 =	vld [tilespmem:$0x1FF60]  }
0x71: {  	v37 =	vld [tilespmem:$0x1FF00];
	vm9 =	vlt.s32 v10, v45;
	vm10 =	vgt.s32 v9, v54;
	v5 =	vsel vm15, v55, v5  }
0x72: {  	v6 =	vsel vm10, v54, v58;
	v11 =	vsel vm11, v49, v2;
	vm11 =	vlt.s32 v23, v47;
	v49 =	vld [tilespmem:$0x1FF70]  }
0x73: {  	v5 =	vsel vm9, v43, v5;
	v6 =	vsel vm11, v30, v6;
	v59 =	vsub.s32 v46, v12  }
0x74: {  	v50 =	vld [tilespmem:$0x1FF80];
	vm13 =	vlt.s32 v12, v47;
	v5 =	vsel vm14, v7, v5;
	v60 =	vsel vm12, v59, v6  }
0x75: {  	v42 =	vld [tilespmem:$0x1FFC0];
	vm14 =	vlt.s32 v25, v47;
	v4 =	vsel vm5, v44, v5;
	v5 =	vsel vm13, v48, v60  }
0x76: {  	v56 =	vimm.s32 $0x0;
	vm15 =	vlt.s32 v10, v47;
	v55 =	vld [tilespmem:$0x1FFD0];
	v5 =	vsel vm14, v61, v5  }
0x77: {  	v53 =	vld [tilespmem:$0x1FFB0];
	v62 =	vsub.s32 v37, v16;
	vm9 =	vlt.s32 v21, v47;
	v5 =	vsel vm15, v49, v5  }
0x78: {  	v36 =	vld [tilespmem:$0x1FFE0];
	vm10 =	vlt.s32 v1, v47;
	vm3 =	vlt.s32 v11, $0x4D;
	v5 =	vsel vm9, v62, v5  }
0x79: {  	v2 =	vsel vm3, $0x1, v56;
	vm4 =	vlt.s32 v4, $0x4D;
	v62 =	vsel vm10, v50, v5  }
0x7a: {  	v58 =	vld [tilespmem:$0x1FFF0];
	(xrf0) =	vadd.scan.msk.s32 $0xffff, v2;
	v7 =	vsel vm4, $0x1, v56;
	vm5 =	vlt.s32 v62, $0x4D  }
0x7b: {  	v63 =	vsub.s32 v42, v9;
	vm11 =	vgt.s32 v9, v55;
	(xrf0) =	vadd.scan.msk.s32 $0xffff, v7;
	v17 =	vsel vm5, $0x1, v56  }
0x7c: {  	v51 =	vld [tilespmem:$0x1FFA0];
	vm12 =	vlt.s32 v23, v57;
	v5 =	vsel vm11, v55, v63;
	(xrf0) =	vadd.scan.msk.s32 $0xffff, v17  }
0x7d: {  	v0 =	vsub.s32 v53, v12;
	vm13 =	vlt.s32 v24, v57;
	v5 =	vsel vm12, v36, v5  }
0x7e: {  	vm14 =	vlt.s32 v12, v57;
	v5 =	vsel vm13, v0, v5  }
0x7f: {  	v20 =	vld [tilespmem:$0x1FF90];
	v5 =	vsel vm14, v58, v5  }
0x80: {  	v61, _, _ =	vpop (xrf0)  }
0x81: {  	v8 =	vsub.s32 v51, v15;
	vm15 =	vlt.s32 v25, v57;
	(v2sf) =	vpush v61, $0xF;
	v22, _, _ =	vpop (xrf0)  }
0x82: {  	(v2sf) =	vpush v22, $0xF;
	v2 =	vsel vm15, v8, v5;
	v8 =	vlaneseq.u32;
	v5, _, _ =	vpop (xrf0)  }
0x83: {  	vm9 =	vlt.s32 v10, v57;
	v59 =	vadd.s32 $0x36, v8;
	(v2sf) =	vpush v5, $0xF  }
0x84: {  	v60 =	vsub.s32 v20, v16;
	vm10 =	vlt.s32 v21, v57;
	v2 =	vsel vm9, v59, v2  }
0x85: {  	vm11 =	vlt.s32 v1, v57;
	v6 =	vadd.s32 $0x38, v8;
	v2 =	vsel vm10, v60, v2  }
0x86: {  	v0 =	vmul.u32 $0x3E8, v11;
	v63 =	vsel vm11, v6, v2  }
0x87: {  	vm6 =	vlt.s32 v63, $0x4D  }
0x88: {  	[tilespmem:$0x1FB80] =	vst v0;
	v0 =	vadd.s32 $0xFFFFFFFF, v61;
	v18 =	vadd.s32 $0x41, v8;
	v3 =	vsel vm6, $0x1, v56  }
0x89: {  	v17 =	vadd.s32 $0x95, v8;
	v61 =	vadd.s32 $0x99, v8;
	v60 =	vor.u32 $0x40, v8;
	(xrf0) =	vadd.scan.msk.s32 $0xffff, v3  }
0x8a: {  	vm9 =	vlt.s32 v23, v18;
	vm8 =	vgt.s32 v9, v60;
	v3 =	vsub.s32 v17, v9  }
0x8b: {  	vm12 =	vlt.s32 v24, v18;
	v9 =	vadd.s32 $0x42, v8;
	v3 =	vsel vm8, v60, v3  }
0x8c: {  	v23 =	vsub.s32 v61, v12;
	vm13 =	vlt.s32 v12, v18;
	v3 =	vsel vm9, v9, v3  }
0x8d: {  	v12 =	vadd.s32 $0x44, v8;
	vm15 =	vlt.s32 v10, v18;
	v10 =	vld [tilespmem:$0x1FB80];
	v3 =	vsel vm12, v23, v3  }
0x8e: {  	v7 =	vadd.s32 $0x9D, v8;
	v3 =	vsel vm13, v12, v3;
	vm13 =	vlt.s32 v1, v18;
	v1 =	vld [tilespmem:$0x1FC50]  }
0x8f: {  	vm14 =	vlt.s32 v25, v18;
	v15 =	vsub.s32 v7, v15;
	v2, _, _ =	vpop (xrf0)  }
0x90: {  	v24 =	vadd.s32 $0xFFFFFFB3, v4;
	v23 =	vbroadcast v0, $0xF;
	s20 =	spop (v2sf);
	(v2sf) =	vpush v2, $0xF  }
0x91: {  	vm12 =	vlt.s32 v21, v18;
	v3 =	vsel vm14, v15, v3;
	v15 =	vadd.s32 $0x46, v8;
	s30 =	spop (v2sf)  }
0x92: {  	v22 =	vadd.s32 v22, v23;
	v3 =	vsel vm15, v15, v3;
	vm15 =	vge.s32 v4, $0x4D;
	s5 =	sadd.s32 s30, s20;
	s30 =	spop (v2sf)  }
0x93: {  	v25 =	vmov s5;
	v21 =	vadd.s32 v1, v10;
	v10 =	vadd.s32 $0xFFFFFFB3, v11;
	s5 =	sadd.s32 s30, s5  }
0x94: {  	v23 =	vadd.s32 $0xFFFFFFFF, v25;
	v25 =	vmul.u32 $0x3E8, v4;
	[tilespmem:$0x1FB90] =	vst v10;
	v4 =	vmov s5  }
0x95: {  	vm7 =	vge.s32 v11, $0x4D;
	v11 =	vadd.s32 $0xFFFFFFFF, v4;
	v4 =	vld [tilespmem:$0x1FB90]  }
0x96: {  	v19 =	vadd.s32 $0xA1, v8;
	v10 =	vld [tilespmem:$0x1FCA0]  }
0x97: {  	v16 =	vsub.s32 v19, v16  }
0x98: {  	v3 =	vsel vm12, v16, v3;
	v16 =	vadd.s32 $0x48, v8  }
0x99: {  	v3 =	vsel vm13, v16, v3;
	[tilespmem:v0+s14+$0x0] =	vst.idx.msk vm3, v21;
	v21 =	vbroadcast v23, $0x0  }
0x9a: {  	vm14 =	vlt.s32 v3, $0x4D  }
0x9b: {  	vm8 =	vmand vm14, vm1;
	[tilespmem:v0+s15+$0x0] =	vst.idx.msk vm3, v10;
	v0 =	vadd.s32 v5, v21;
	v5 =	vld [tilespmem:$0x1FCB0]  }
0x9c: {  	v23 =	vsel vm8, $0x1, v56  }
0x9d: {  	(xrf0) =	vadd.scan.msk.s32 $0xffff, v23;
	v23 =	vadd.s32 $0xFFFFFFB3, v62;
	v21 =	vadd.s32 v1, v25;
	[tilespmem:v4+s16+$0x0] =	vst.idx.msk vm7, v10  }
0x9e: {  	vm3 =	vge.s32 v62, $0x4D;
	v11 =	vbroadcast v11, $0x0;
	[tilespmem:v22+s14+$0x0] =	vst.idx.msk vm4, v21;
	v21 =	vmul.u32 $0x3E8, v62;
	v62 =	vld [tilespmem:$0x1FCC0]  }
0x9f: {  	s30 =	spop (v2sf)  }
0xa0: {  	v11 =	vadd.s32 v2, v11;
	s5 =	sadd.s32 s30, s5;
	[tilespmem:v22+s15+$0x0] =	vst.idx.msk vm4, v5  }
0xa1: {  	v25 =	vmov s5;
	v4 =	vld [tilespmem:$0x1FCE0];
	[tilespmem:v24+s16+$0x0] =	vst.idx.msk vm15, v5;
	v21 =	vadd.s32 v1, v21  }
0xa2: {  	v22 =	vadd.s32 $0xFFFFFFFF, v25;
	[tilespmem:v0+s14+$0x0] =	vst.idx.msk vm5, v21;
	v21 =	vmul.u32 $0x3E8, v63  }
0xa3: {  	vm10 =	vge.s32 v63, $0x4D;
	v22 =	vbroadcast v22, $0x0;
	[tilespmem:v0+s15+$0x0] =	vst.idx.msk vm5, v62  }
0xa4: {  	v25, _, _ =	vpop (xrf0);
	v24 =	vadd.s32 $0xFFFFFFB3, v63;
	v21 =	vadd.s32 v1, v21;
	[tilespmem:v23+s16+$0x0] =	vst.idx.msk vm3, v62  }
0xa5: {  	vm11 =	vge.s32 v3, $0x4D;
	v63 =	vadd.s32 v25, v22;
	[tilespmem:v11+s14+$0x0] =	vst.idx.msk vm6, v21  }
0xa6: {  	vm3 =	vmand vm11, vm1;
	[tilespmem:v11+s15+$0x0] =	vst.idx.msk vm6, v4;
	v11 =	vld [tilespmem:$0x1FCF0]  }
0xa7: {  	v21 =	vmul.u32 $0x3E8, v3;
	v3 =	vadd.s32 $0xFFFFFFB3, v3;
	_ =	sdelay $0x1  }
0xa8: {  	[tilespmem:v24+s16+$0x0] =	vst.idx.msk vm10, v4;
	v5 =	vadd.s32 v1, v21  }
0xa9: {  	[tilespmem:v63+s14+$0x0] =	vst.idx.msk vm8, v5  }
0xaa: {  	[tilespmem:v63+s15+$0x0] =	vst.idx.msk vm8, v11  }
0xab: {  	[tilespmem:v3+s16+$0x0] =	vst.idx.msk vm3, v11  }
0xac: {  	v0 =	vld [tilespmem:$0x1000];
	_ =	sdelay $0x4  }
0xad: {  	v62 =	vshll.u32 v0, $0x2  }
0xae: {  	v0 =	vand.u32 $0x7, v0;
	v3 =	vand.u32 $0xFFFFFFE0, v62  }
0xaf: {  	v21 =	vand.u32 $0x7, v8;
	v63 =	vshrl.u32 v8, $0x3;
	v0 =	vor.u32 v0, v3  }
0xb0: {  	v22 =	vmul.u32 $0x8, v63;
	v5 =	vperm.xlane v0, v21;
	_ =	sdelay $0x1  }
0xb1: {  	v3 =	vadd.s32 v22, v5  }
0xb2: {  	v23 =	vor.u32 $0x8, v8  }
0xb3: {  	v0 =	vperm.xlane v0, v23;
	_ =	sdelay $0x1  }
0xb4: {  	v0 =	vadd.s32 v22, v0  }
0xb5: {  	[tilespmem:s10], [sflag:$0x1] =	stream.indirect_vreg.gather [hbm4b:s2+s7], $0x80, v3, vm0, $0xb8;
	[tilespmem:$0x13300] =	vst v63  }
0xb6: {  	_ = 	snop  }
0xb7: {  	[tilespmem:s13], [sflag:$0x1] =	stream.indirect_vreg.gather [hbm4b:s8+s7], $0x80, v3, vm0, $0xb8;
	[tilespmem:$0x13300] =	vst v63  }
0xb8: {  	_ = 	snop  }
0xb9: {  	[tilespmem:s12], [sflag:$0x1] =	stream.indirect_vreg.gather [hbm4b:s2+s7], $0x80, v0, vm0, $0xb8;
	[tilespmem:$0x13300] =	vst v63  }
0xba: {  	_ = 	snop  }
0xbb: {  	[tilespmem:s1], [sflag:$0x1] =	stream.indirect_vreg.gather [hbm4b:s8+s7], $0x80, v0, vm0, $0xb8;
	[tilespmem:$0x13300] =	vst v63  }
0xbc: {  	v0 =	vld [tilespmem:$0x1010];
	_ =	sdelay $0x4  }
0xbd: {  	v11 =	vshll.u32 v0, $0x2  }
0xbe: {  	v0 =	vand.u32 $0x7, v0;
	v3 =	vand.u32 $0xFFFFFFE0, v11  }
0xbf: {  	v0 =	vor.u32 v0, v3  }
0xc0: {  	v3 =	vperm.xlane v0, v21;
	_ =	sdelay $0x1  }
0xc1: {  	v3 =	vadd.s32 v22, v3;
	_ =	sdelay $0x1  }
0xc2: {  	v0 =	vperm.xlane v0, v23;
	_ =	sdelay $0x1  }
0xc3: {  	v0 =	vadd.s32 v22, v0  }
0xc4: {  	[tilespmem:s31], [sflag:$0x1] =	stream.indirect_vreg.gather [hbm4b:s2+s7], $0x80, v3, vm0, $0xb8;
	[tilespmem:$0x13300] =	vst v63  }
0xc5: {  	_ = 	snop  }
0xc6: {  	[tilespmem:s3], [sflag:$0x1] =	stream.indirect_vreg.gather [hbm4b:s8+s7], $0x80, v3, vm0, $0xb8;
	[tilespmem:$0x13300] =	vst v63  }
0xc7: {  	s17 =	simm.s32 $0x4180  }
0xc8: {  	[tilespmem:s17], [sflag:$0x1] =	stream.indirect_vreg.gather [hbm4b:s2+s7], $0x80, v0, vm0, $0xb8;
	[tilespmem:$0x13300] =	vst v63  }
0xc9: {  	s20 =	simm.s32 $0x4980  }
0xca: {  	[tilespmem:s20], [sflag:$0x1] =	stream.indirect_vreg.gather [hbm4b:s8+s7], $0x80, v0, vm0, $0xb8;
	[tilespmem:$0x13300] =	vst v63  }
0xcb: {  	v0 =	vld [tilespmem:$0x1020];
	_ =	sdelay $0x4  }
0xcc: {  	v62 =	vshll.u32 v0, $0x2  }
0xcd: {  	v0 =	vand.u32 $0x7, v0;
	v3 =	vand.u32 $0xFFFFFFE0, v62  }
0xce: {  	v0 =	vor.u32 v0, v3  }
0xcf: {  	v3 =	vperm.xlane v0, v21;
	_ =	sdelay $0x1  }
0xd0: {  	v3 =	vadd.s32 v22, v3;
	_ =	sdelay $0x1  }
0xd1: {  	v0 =	vperm.xlane v0, v23;
	_ =	sdelay $0x1  }
0xd2: {  	s17 =	simm.s32 $0x5180;
	v0 =	vadd.s32 v22, v0  }
0xd3: {  	[tilespmem:s17], [sflag:$0x1] =	stream.indirect_vreg.gather [hbm4b:s2+s7], $0x80, v3, vm0, $0xb8;
	[tilespmem:$0x13300] =	vst v63  }
0xd4: {  	s20 =	simm.s32 $0x5980  }
0xd5: {  	[tilespmem:s20], [sflag:$0x1] =	stream.indirect_vreg.gather [hbm4b:s8+s7], $0x80, v3, vm0, $0xb8;
	[tilespmem:$0x13300] =	vst v63  }
0xd6: {  	s17 =	simm.s32 $0x6180  }
0xd7: {  	[tilespmem:s17], [sflag:$0x1] =	stream.indirect_vreg.gather [hbm4b:s2+s7], $0x80, v0, vm0, $0xb8;
	[tilespmem:$0x13300] =	vst v63  }
0xd8: {  	s20 =	simm.s32 $0x6980  }
0xd9: {  	[tilespmem:s20], [sflag:$0x1] =	stream.indirect_vreg.gather [hbm4b:s8+s7], $0x80, v0, vm0, $0xb8;
	[tilespmem:$0x13300] =	vst v63  }
0xda: {  	v0 =	vld.msk [tilespmem:$0x1030], $0x1f;
	_ =	sdelay $0x4  }
0xdb: {  	v63 =	vshll.u32 v0, $0x2  }
0xdc: {  	v0 =	vand.u32 $0x7, v0;
	v3 =	vand.u32 $0xFFFFFFE0, v63  }
0xdd: {  	v0 =	vor.u32 v0, v3  }
0xde: {  	v0 =	vperm.xlane v0, v21;
	_ =	sdelay $0x1  }
0xdf: {  	v0 =	vadd.s32 v22, v0;
	_ =	sdelay $0x1  }
0xe0: {  	v4 =	vld [tilespmem:$0x1FD30]  }
0xe1: {  	v5 =	vld [tilespmem:$0x1FD10]  }
0xe2: {  	v8 =	vld [tilespmem:$0x1FD20];
	s17 =	simm.s32 $0x7180  }
0xe3: {  	v10 =	vld [tilespmem:$0x1FD00];
	[tilespmem:s17], [sflag:$0x1] =	stream.indirect_vreg.gather [hbm4b:s2+s7], $0x80, v0, vm2, $0xb8  }
0xe4: {  	s20 =	simm.s32 $0x7980  }
0xe5: {  	[tilespmem:s20], [sflag:$0x1] =	stream.indirect_vreg.gather [hbm4b:s8+s7], $0x80, v0, vm2, $0xb8;
	[tilespmem:$0x13300] =	vst v63  }
0xe6: {  	s17 =	rddreg [dreg:$0x6];
	s20 =	simm.s32 $0x8180  }
0xe7: {  	[tilespmem:s20], [sflag:$0x1] =	stream.linear.gather [hbm4b:s17+s7], $0x2000, $0x38;
	[tilespmem:$0x13300] =	vst v63  }
0xe8: {  	v0 =	vld.idx.msk [tilespmem:v4+s7+$0x0], $0xffff  }
0xe9: {  	v3 =	vld.idx.msk [tilespmem:v5+s7+$0x0], $0xffff  }
0xea: {  	v11 =	vld.idx.msk [tilespmem:v8+s7+$0x0], $0xffff  }
0xeb: {  	v24 =	vld.idx.msk [tilespmem:v10+s7+$0x0], $0xffff;
	_ =	sdelay $0x1  }
0xec: {  	v62 =	vadd.s32 $0xFFFFFFFC, v0;
	v4 =	vadd.s32 $0xFFFFFFFA, v0  }
0xed: {  	v63 =	vadd.s32 $0xFFFFFFFE, v3;
	v2 =	vadd.s32 $0xFFFFFFFC, v3;
	v5 =	vsub.s32 v13, v0  }
0xee: {  	v1 =	vadd.s32 $0x2, v11;
	vm12 =	vlt.s32 v11, v26;
	v13 =	vsub.s32 v32, v11  }
0xef: {  	v25 =	vadd.s32 $0xFFFFFFFE, v24;
	v33 =	vsub.s32 v33, v24;
	v14 =	vsub.s32 v14, v3  }
0xf0: {  	vm15 =	vlt.s32 v24, v26;
	vm11 =	vgt.s32 v11, v52;
	v27 =	vsub.s32 v27, v11  }
0xf1: {  	v10 =	vld [tilespmem:$0x1FE30];
	vm10 =	vgt.s32 v11, v54;
	v46 =	vsub.s32 v46, v24;
	vm3 =	vlt.s32 v62, v26  }
0xf2: {  	vm4 =	vlt.s32 v4, v26;
	vm5 =	vlt.s32 v63, v26;
	vm6 =	vlt.s32 v2, v26  }
0xf3: {  	vm13 =	vlt.s32 v1, v26;
	v8 =	vsel vm12, v13, v29;
	vm14 =	vlt.s32 v25, v26  }
0xf4: {  	v29 =	vsub.s32 v39, v11;
	vm8 =	vlt.s32 v63, v45;
	vm9 =	vlt.s32 v4, v45  }
0xf5: {  	v32 =	vmovc v1;
	v39 =	vsub.s32 v34, v0;
	v27 =	vsel vm10, v54, v27;
	vm7 =	vlt.s32 v4, v47  }
0xf6: {  	vm10 =	vlt.s32 v63, v57;
	v8 =	vsel vm13, v10, v8;
	vm12 =	vlt.s32 v32, v45  }
0xf7: {  	v13 =	vsel vm11, v52, v29;
	vm13 =	vlt.s32 v25, v45;
	vm11 =	vlt.s32 v32, v47  }
0xf8: {  	v52 =	vsub.s32 v37, v0;
	v8 =	vsel vm14, v33, v8;
	v13 =	vsel vm12, v40, v13  }
0xf9: {  	vm14 =	vlt.s32 v24, v45;
	vm12 =	vlt.s32 v25, v47;
	v27 =	vsel vm11, v30, v27  }
0xfa: {  	vm11 =	vlt.s32 v4, v57;
	v8 =	vsel vm15, v31, v8;
	v31 =	vsub.s32 v38, v24  }
0xfb: {  	vm15 =	vlt.s32 v2, v45;
	v38 =	vsub.s32 v35, v3;
	v1 =	vsel vm12, v46, v27  }
0xfc: {  	v33 =	vld [tilespmem:$0x1FE50];
	v27 =	vsub.s32 v28, v3;
	vm12 =	vgt.s32 v11, v55;
	v28 =	vsub.s32 v51, v3  }
0xfd: {  	v8 =	vsel vm6, v14, v8;
	v13 =	vsel vm13, v31, v13;
	vm13 =	vlt.s32 v24, v47  }
0xfe: {  	v13 =	vsel vm14, v41, v13;
	vm14 =	vlt.s32 v2, v47;
	v1 =	vsel vm13, v48, v1  }
0xff: {  	v40 =	vld [tilespmem:$0x1FE60];
	vm13 =	vlt.s32 v32, v57;
	v13 =	vsel vm15, v38, v13;
	vm15 =	vlt.s32 v63, v47  }
0x100: {  	v1 =	vsel vm14, v27, v1;
	v27 =	vsub.s32 v42, v11;
	vm14 =	vlt.s32 v25, v57  }
0x101: {  	v8 =	vsel vm5, v33, v8;
	v13 =	vsel vm8, v43, v13;
	v1 =	vsel vm15, v49, v1  }
0x102: {  	v54 =	vsel vm12, v55, v27;
	v27 =	vsub.s32 v53, v24;
	vm15 =	vlt.s32 v24, v57  }
0x103: {  	v8 =	vsel vm4, v5, v8;
	v13 =	vsel vm9, v39, v13;
	v10 =	vsel vm13, v36, v54  }
0x104: {  	vm9 =	vlt.s32 v2, v57;
	v41 =	vsel vm3, v40, v8;
	vm3 =	vlt.s32 v62, v45  }
0x105: {  	v10 =	vsel vm14, v27, v10;
	vm4 =	vlt.s32 v41, $0x4D;
	v13 =	vsel vm3, v44, v13  }
0x106: {  	v10 =	vsel vm15, v58, v10;
	v43 =	vsel vm4, $0x1, v56;
	vm3 =	vlt.s32 v13, $0x4D  }
0x107: {  	v30 =	vsub.s32 v20, v0;
	v10 =	vsel vm9, v28, v10;
	v44 =	vsel vm3, $0x1, v56;
	(xrf0) =	vadd.scan.msk.s32 $0xffff, v43  }
0x108: {  	vm6 =	vlt.s32 v62, v47;
	v1 =	vsel vm7, v52, v1;
	v10 =	vsel vm10, v59, v10;
	(xrf0) =	vadd.scan.msk.s32 $0xffff, v44  }
0x109: {  	vm12 =	vlt.s32 v62, v57;
	v55 =	vsel vm6, v50, v1;
	v10 =	vsel vm11, v30, v10  }
0x10a: {  	vm5 =	vlt.s32 v55, $0x4D;
	v10 =	vsel vm12, v6, v10  }
0x10b: {  	v27 =	vsel vm5, $0x1, v56;
	vm6 =	vlt.s32 v10, $0x4D  }
0x10c: {  	(xrf0) =	vadd.scan.msk.s32 $0xffff, v27;
	v27 =	vsel vm6, $0x1, v56  }
0x10d: {  	v31, _, _ =	vpop (xrf0);
	(xrf0) =	vadd.scan.msk.s32 $0xffff, v27  }
0x10e: {  	(v2sf) =	vpush v31, $0xF;
	v33, _, _ =	vpop (xrf0)  }
0x10f: {  	(v2sf) =	vpush v33, $0xF;
	_ =	sdelay $0x2  }
0x110: {  	v27, _, _ =	vpop (xrf0)  }
0x111: {  	(v2sf) =	vpush v27, $0xF;
	v34, _, _ =	vpop (xrf0)  }
0x112: {  	(v2sf) =	vpush v34, $0xF;
	_ =	sdelay $0x3  }
0x113: {  	v0 =	vsub.s32 v19, v0;
	vm13 =	vgt.s32 v11, v60;
	v11 =	vsub.s32 v17, v11  }
0x114: {  	v3 =	vsub.s32 v7, v3;
	vm14 =	vlt.s32 v32, v18;
	v11 =	vsel vm13, v60, v11  }
0x115: {  	v36 =	vld [tilespmem:$0x1FCD0];
	vm15 =	vlt.s32 v25, v18;
	v11 =	vsel vm14, v9, v11;
	v25 =	vsub.s32 v61, v24  }
0x116: {  	vm8 =	vlt.s32 v4, v18;
	v11 =	vsel vm15, v25, v11;
	vm12 =	vlt.s32 v24, v18  }
0x117: {  	vm13 =	vlt.s32 v2, v18;
	vm14 =	vlt.s32 v63, v18;
	v11 =	vsel vm12, v12, v11  }
0x118: {  	v35 =	vmul.u32 $0x3E8, v41;
	vm15 =	vge.s32 v41, $0x4D;
	v3 =	vsel vm13, v3, v11;
	s17 =	spop (v2sf)  }
0x119: {  	vm11 =	vlt.s32 v62, v18;
	v3 =	vsel vm14, v15, v3;
	v14 =	vadd.s32 $0xFFFFFFFF, v31;
	s30 =	spop (v2sf)  }
0x11a: {  	v43 =	vld [tilespmem:$0x1FD50];
	v37 =	vadd.s32 v36, v35;
	v24 =	vadd.s32 $0xFFFFFFB3, v41;
	v0 =	vsel vm8, v0, v3;
	s5 =	sadd.s32 s30, s17  }
0x11b: {  	v0 =	vsel vm11, v16, v0;
	v38 =	vbroadcast v14, $0xF;
	v25 =	vmov s5  }
0x11c: {  	vm7 =	vlt.s32 v0, $0x4D;
	v39 =	vadd.s32 $0xFFFFFFFF, v25;
	v25 =	vmul.u32 $0x3E8, v13  }
0x11d: {  	vm12 =	vge.s32 v13, $0x4D;
	vm7 =	vmand vm7, vm1;
	v1 =	vadd.s32 v33, v38;
	s30 =	spop (v2sf)  }
0x11e: {  	v41 =	vsel vm7, $0x1, v56;
	[tilespmem:v14+s0+$0x0] =	vst.idx.msk vm4, v37;
	s5 =	sadd.s32 s30, s5;
	v40 =	vbroadcast v39, $0x0;
	s30 =	spop (v2sf);
	v44 =	vadd.s32 v36, v25;
	v25 =	vld [tilespmem:$0x1FD70]  }
0x11f: {  	(xrf0) =	vadd.scan.msk.s32 $0xffff, v41;
	[tilespmem:v14+s4+$0x0] =	vst.idx.msk vm4, v43;
	v13 =	vadd.s32 $0xFFFFFFB3, v13;
	v42 =	vmov s5;
	s5 =	sadd.s32 s30, s5  }
0x120: {  	[tilespmem:v24+s9+$0x0] =	vst.idx.msk vm15, v43;
	v11 =	vadd.s32 $0xFFFFFFFF, v42;
	v3 =	vadd.s32 v27, v40;
	v24 =	vmov s5  }
0x121: {  	[tilespmem:$0x1FBA0] =	vst v59;
	vm13 =	vge.s32 v55, $0x4D;
	v11 =	vbroadcast v11, $0x0;
	v49 =	vadd.s32 $0xFFFFFFFF, v24;
	v24 =	vld [tilespmem:$0x1FD90]  }
0x122: {  	v46 =	vmul.u32 $0x3E8, v55;
	v8 =	vadd.s32 $0xFFFFFFB3, v55;
	[tilespmem:v1+s0+$0x0] =	vst.idx.msk vm3, v44  }
0x123: {  	v48 =	vadd.s32 v34, v11;
	[tilespmem:v1+s4+$0x0] =	vst.idx.msk vm3, v25  }
0x124: {  	v50 =	vadd.s32 v36, v46;
	v56 =	vld [tilespmem:$0x1FDB0];
	v11 =	vbroadcast v49, $0x0;
	vm3 =	vge.s32 v10, $0x4D;
	[tilespmem:v13+s9+$0x0] =	vst.idx.msk vm12, v25  }
0x125: {  	v51 =	vmul.u32 $0x3E8, v10;
	v52, _, _ =	vpop (xrf0);
	v10 =	vadd.s32 $0xFFFFFFB3, v10;
	[tilespmem:v3+s0+$0x0] =	vst.idx.msk vm5, v50  }
0x126: {  	vm14 =	vge.s32 v0, $0x4D;
	v53 =	vadd.s32 v52, v11;
	[tilespmem:v3+s4+$0x0] =	vst.idx.msk vm5, v24  }
0x127: {  	v59 =	vld [tilespmem:$0x1FDD0];
	v54 =	vadd.s32 v36, v51;
	vm15 =	vmand vm14, vm1;
	[tilespmem:v8+s9+$0x0] =	vst.idx.msk vm13, v24  }
0x128: {  	v55 =	vmul.u32 $0x3E8, v0;
	v0 =	vadd.s32 $0xFFFFFFB3, v0;
	[tilespmem:v48+s0+$0x0] =	vst.idx.msk vm6, v54  }
0x129: {  	[tilespmem:v48+s4+$0x0] =	vst.idx.msk vm6, v56  }
0x12a: {  	v58 =	vadd.s32 v36, v55;
	[tilespmem:v10+s9+$0x0] =	vst.idx.msk vm3, v56  }
0x12b: {  	[tilespmem:v53+s0+$0x0] =	vst.idx.msk vm7, v58  }
0x12c: {  	[tilespmem:v53+s4+$0x0] =	vst.idx.msk vm7, v59  }
0x12d: {  	[tilespmem:v0+s9+$0x0] =	vst.idx.msk vm15, v59  }
0x12e: {  	v0 =	vld [tilespmem:$0xA180];
	_ =	sdelay $0x4  }
0x12f: {  	[tilespmem:$0x1FBD0] =	vst v60;
	v60 =	vshll.u32 v0, $0x2  }
0x130: {  	v0 =	vand.u32 $0x7, v0;
	v1 =	vand.u32 $0xFFFFFFE0, v60  }
0x131: {  	v0 =	vor.u32 v0, v1  }
0x132: {  	v1 =	vperm.xlane v0, v21;
	_ =	sdelay $0x1  }
0x133: {  	v1 =	vadd.s32 v22, v1;
	_ =	sdelay $0x1  }
0x134: {  	v0 =	vperm.xlane v0, v23;
	_ =	sdelay $0x1  }
0x135: {  	s20 =	simm.s32 $0xA300;
	v0 =	vadd.s32 v22, v0  }
0x136: {  	[tilespmem:s20], [sflag:$0x2] =	stream.indirect_vreg.gather [hbm4b:s2+s7], $0x80, v1, vm0, $0xb8;
	[tilespmem:$0x13300] =	vst v63  }
0x137: {  	s17 =	simm.s32 $0xAB00  }
0x138: {  	[tilespmem:s17], [sflag:$0x2] =	stream.indirect_vreg.gather [hbm4b:s8+s7], $0x80, v1, vm0, $0xb8;
	[tilespmem:$0x13300] =	vst v63  }
0x139: {  	s20 =	simm.s32 $0xB300  }
0x13a: {  	[tilespmem:s20], [sflag:$0x2] =	stream.indirect_vreg.gather [hbm4b:s2+s7], $0x80, v0, vm0, $0xb8;
	[tilespmem:$0x13300] =	vst v63  }
0x13b: {  	s17 =	simm.s32 $0xBB00  }
0x13c: {  	[tilespmem:s17], [sflag:$0x2] =	stream.indirect_vreg.gather [hbm4b:s8+s7], $0x80, v0, vm0, $0xb8;
	[tilespmem:$0x13300] =	vst v63  }
0x13d: {  	v0 =	vld [tilespmem:$0xA190];
	_ =	sdelay $0x4  }
0x13e: {  	[tilespmem:$0x1FBF0] =	vst v61;
	v61 =	vshll.u32 v0, $0x2  }
0x13f: {  	v0 =	vand.u32 $0x7, v0;
	v1 =	vand.u32 $0xFFFFFFE0, v61  }
0x140: {  	v0 =	vor.u32 v0, v1  }
0x141: {  	v1 =	vperm.xlane v0, v21;
	_ =	sdelay $0x1  }
0x142: {  	v1 =	vadd.s32 v22, v1;
	_ =	sdelay $0x1  }
0x143: {  	v0 =	vperm.xlane v0, v23;
	_ =	sdelay $0x1  }
0x144: {  	s20 =	simm.s32 $0xC300;
	v0 =	vadd.s32 v22, v0  }
0x145: {  	[tilespmem:s20], [sflag:$0x2] =	stream.indirect_vreg.gather [hbm4b:s2+s7], $0x80, v1, vm0, $0xb8;
	[tilespmem:$0x13300] =	vst v63  }
0x146: {  	_ = 	snop  }
0x147: {  	[tilespmem:s21], [sflag:$0x2] =	stream.indirect_vreg.gather [hbm4b:s8+s7], $0x80, v1, vm0, $0xb8;
	[tilespmem:$0x13300] =	vst v63  }
0x148: {  	_ = 	snop  }
0x149: {  	[tilespmem:s22], [sflag:$0x2] =	stream.indirect_vreg.gather [hbm4b:s2+s7], $0x80, v0, vm0, $0xb8;
	[tilespmem:$0x13300] =	vst v63  }
0x14a: {  	_ = 	snop  }
0x14b: {  	[tilespmem:s23], [sflag:$0x2] =	stream.indirect_vreg.gather [hbm4b:s8+s7], $0x80, v0, vm0, $0xb8;
	[tilespmem:$0x13300] =	vst v63  }
0x14c: {  	v0 =	vld [tilespmem:$0xA1A0];
	_ =	sdelay $0x4  }
0x14d: {  	v62 =	vshll.u32 v0, $0x2  }
0x14e: {  	v0 =	vand.u32 $0x7, v0;
	v1 =	vand.u32 $0xFFFFFFE0, v62  }
0x14f: {  	v0 =	vor.u32 v0, v1  }
0x150: {  	v1 =	vperm.xlane v0, v21;
	_ =	sdelay $0x1  }
0x151: {  	v1 =	vadd.s32 v22, v1;
	_ =	sdelay $0x1  }
0x152: {  	v0 =	vperm.xlane v0, v23;
	_ =	sdelay $0x1  }
0x153: {  	v0 =	vadd.s32 v22, v0  }
0x154: {  	[tilespmem:s24], [sflag:$0x2] =	stream.indirect_vreg.gather [hbm4b:s2+s7], $0x80, v1, vm0, $0xb8;
	[tilespmem:$0x13300] =	vst v63  }
0x155: {  	_ = 	snop  }
0x156: {  	[tilespmem:s25], [sflag:$0x2] =	stream.indirect_vreg.gather [hbm4b:s8+s7], $0x80, v1, vm0, $0xb8;
	[tilespmem:$0x13300] =	vst v63  }
0x157: {  	_ = 	snop  }
0x158: {  	[tilespmem:s26], [sflag:$0x2] =	stream.indirect_vreg.gather [hbm4b:s2+s7], $0x80, v0, vm0, $0xb8;
	[tilespmem:$0x13300] =	vst v63  }
0x159: {  	s17 =	simm.s32 $0xFB00  }
0x15a: {  	[tilespmem:s17], [sflag:$0x2] =	stream.indirect_vreg.gather [hbm4b:s8+s7], $0x80, v0, vm0, $0xb8;
	[tilespmem:$0x13300] =	vst v63  }
0x15b: {  	v0 =	vld.msk [tilespmem:$0xA1B0], $0x1f;
	_ =	sdelay $0x4  }
0x15c: {  	v63 =	vshll.u32 v0, $0x2  }
0x15d: {  	v0 =	vand.u32 $0x7, v0;
	v1 =	vand.u32 $0xFFFFFFE0, v63  }
0x15e: {  	v0 =	vor.u32 v0, v1  }
0x15f: {  	v0 =	vperm.xlane v0, v21;
	_ =	sdelay $0x1  }
0x160: {  	[tilespmem:$0x1FBB0] =	vst v6;
	v0 =	vadd.s32 v22, v0  }
0x161: {  	[tilespmem:$0x1FBC0] =	vst v17  }
0x162: {  	[tilespmem:$0x1FC10] =	vst v7  }
0x163: {  	[tilespmem:$0x1FC20] =	vst v19  }
0x164: {  	[tilespmem:$0x1FC00] =	vst v12  }
0x165: {  	[tilespmem:s18], [sflag:$0x2] =	stream.indirect_vreg.gather [hbm4b:s2+s7], $0x80, v0, vm2, $0xb8;
	[tilespmem:$0x13300] =	vst v63  }
0x166: {  	[tilespmem:$0x1FBE0] =	vst v9  }
0x167: {  	[tilespmem:s19], [sflag:$0x2] =	stream.indirect_vreg.gather [hbm4b:s8+s7], $0x80, v0, vm2, $0xb8;
	[tilespmem:$0x13300] =	vst v63  }
0x168: {  	[tilespmem:$0x1FC30] =	vst v15;
	s5 =	rddreg [dreg:$0x7];
	s20 =	simm.s32 $0x11300  }
0x169: {  	[tilespmem:s20], [sflag:$0x2] =	stream.linear.gather [hbm4b:s5+s7], $0x2000, $0x38;
	[tilespmem:$0x13300] =	vst v63  }
0x16a: {  	[tilespmem:$0x1FC40] =	vst v16;
	s30 =	simm.s32 $0xFFFFFFE2;
	s5 =	simm.s32 $0x11300  }
.LBB2_2:
0x16b: {  	_ =	swait.ge [sflag:s28], $0x6A00  }
0x16c: {  	[sflag:s28] =	ssyncset.done $0x0  }
0x16d: {  	[sflag:s28] =	ssyncadd.s32 $0xFFFF9600  }
0x16e: {  	_ =	swait.ge [sflag:s28], $0x2000  }
0x16f: {  	[sflag:s28] =	ssyncset.done $0x0  }
0x170: {  	[sflag:s28] =	ssyncadd.s32 $0xFFFFE000  }
0x171: {  	v0 =	vld [tilespmem:$0x1080];
	_ =	sdelay $0x4  }
0x172: {  	v1 =	vshll.u32 v0, $0x2  }
0x173: {  	v0 =	vand.u32 $0x7, v0;
	v1 =	vand.u32 $0xFFFFFFE0, v1  }
0x174: {  	v0 =	vor.u32 v0, v1  }
0x175: {  	v1 =	vperm.xlane v0, v21;
	_ =	sdelay $0x1  }
0x176: {  	v1 =	vadd.s32 v22, v1;
	_ =	sdelay $0x1  }
0x177: {  	v0 =	vperm.xlane v0, v23;
	_ =	sdelay $0x1  }
0x178: {  	v0 =	vadd.s32 v22, v0  }
0x179: {  	[hbm4b:s6+s7] =	stream.indirect_vreg.scatter [tilespmem:s10], [sflag:$0x1], $0x80, v1, vm0, $0xb8;
	[tilespmem:$0x13300] =	vst v63  }
0x17a: {  	_ = 	snop  }
0x17b: {  	[hbm4b:s11+s7] =	stream.indirect_vreg.scatter [tilespmem:s13], [sflag:$0x1], $0x80, v1, vm0, $0xb8;
	[tilespmem:$0x13300] =	vst v63  }
0x17c: {  	_ = 	snop  }
0x17d: {  	[hbm4b:s6+s7] =	stream.indirect_vreg.scatter [tilespmem:s12], [sflag:$0x1], $0x80, v0, vm0, $0xb8;
	[tilespmem:$0x13300] =	vst v63  }
0x17e: {  	_ = 	snop  }
0x17f: {  	[hbm4b:s11+s7] =	stream.indirect_vreg.scatter [tilespmem:s1], [sflag:$0x1], $0x80, v0, vm0, $0xb8;
	[tilespmem:$0x13300] =	vst v63  }
0x180: {  	v0 =	vld [tilespmem:$0x1090];
	_ =	sdelay $0x4  }
0x181: {  	v53 =	vshll.u32 v0, $0x2  }
0x182: {  	v0 =	vand.u32 $0x7, v0;
	v1 =	vand.u32 $0xFFFFFFE0, v53  }
0x183: {  	v0 =	vor.u32 v0, v1  }
0x184: {  	v1 =	vperm.xlane v0, v21;
	_ =	sdelay $0x1  }
0x185: {  	v1 =	vadd.s32 v22, v1;
	_ =	sdelay $0x1  }
0x186: {  	v0 =	vperm.xlane v0, v23;
	_ =	sdelay $0x1  }
0x187: {  	v0 =	vadd.s32 v22, v0  }
0x188: {  	[hbm4b:s6+s7] =	stream.indirect_vreg.scatter [tilespmem:s31], [sflag:$0x1], $0x80, v1, vm0, $0xb8;
	[tilespmem:$0x13300] =	vst v63  }
0x189: {  	_ = 	snop  }
0x18a: {  	[hbm4b:s11+s7] =	stream.indirect_vreg.scatter [tilespmem:s3], [sflag:$0x1], $0x80, v1, vm0, $0xb8;
	[tilespmem:$0x13300] =	vst v63  }
0x18b: {  	s20 =	simm.s32 $0x4180  }
0x18c: {  	[hbm4b:s6+s7] =	stream.indirect_vreg.scatter [tilespmem:s20], [sflag:$0x1], $0x80, v0, vm0, $0xb8;
	[tilespmem:$0x13300] =	vst v63  }
0x18d: {  	s20 =	simm.s32 $0x4980  }
0x18e: {  	[hbm4b:s11+s7] =	stream.indirect_vreg.scatter [tilespmem:s20], [sflag:$0x1], $0x80, v0, vm0, $0xb8;
	[tilespmem:$0x13300] =	vst v63  }
0x18f: {  	v0 =	vld [tilespmem:$0x10A0];
	_ =	sdelay $0x4  }
0x190: {  	v54 =	vshll.u32 v0, $0x2  }
0x191: {  	v0 =	vand.u32 $0x7, v0;
	v1 =	vand.u32 $0xFFFFFFE0, v54  }
0x192: {  	v0 =	vor.u32 v0, v1  }
0x193: {  	v1 =	vperm.xlane v0, v21;
	_ =	sdelay $0x1  }
0x194: {  	v1 =	vadd.s32 v22, v1;
	_ =	sdelay $0x1  }
0x195: {  	v0 =	vperm.xlane v0, v23;
	_ =	sdelay $0x1  }
0x196: {  	s20 =	simm.s32 $0x5180;
	v0 =	vadd.s32 v22, v0  }
0x197: {  	[hbm4b:s6+s7] =	stream.indirect_vreg.scatter [tilespmem:s20], [sflag:$0x1], $0x80, v1, vm0, $0xb8;
	[tilespmem:$0x13300] =	vst v63  }
0x198: {  	s20 =	simm.s32 $0x5980  }
0x199: {  	[hbm4b:s11+s7] =	stream.indirect_vreg.scatter [tilespmem:s20], [sflag:$0x1], $0x80, v1, vm0, $0xb8;
	[tilespmem:$0x13300] =	vst v63  }
0x19a: {  	s20 =	simm.s32 $0x6180  }
0x19b: {  	[hbm4b:s6+s7] =	stream.indirect_vreg.scatter [tilespmem:s20], [sflag:$0x1], $0x80, v0, vm0, $0xb8;
	[tilespmem:$0x13300] =	vst v63  }
0x19c: {  	s20 =	simm.s32 $0x6980  }
0x19d: {  	[hbm4b:s11+s7] =	stream.indirect_vreg.scatter [tilespmem:s20], [sflag:$0x1], $0x80, v0, vm0, $0xb8;
	[tilespmem:$0x13300] =	vst v63  }
0x19e: {  	v0 =	vld.msk [tilespmem:$0x10B0], $0x1f;
	_ =	sdelay $0x4  }
0x19f: {  	v55 =	vshll.u32 v0, $0x2  }
0x1a0: {  	v0 =	vand.u32 $0x7, v0;
	v1 =	vand.u32 $0xFFFFFFE0, v55  }
0x1a1: {  	v0 =	vor.u32 v0, v1  }
0x1a2: {  	v0 =	vperm.xlane v0, v21;
	_ =	sdelay $0x1  }
0x1a3: {  	v0 =	vadd.s32 v22, v0;
	_ =	sdelay $0x3  }
0x1a4: {  	s20 =	simm.s32 $0x7180  }
0x1a5: {  	[hbm4b:s6+s7] =	stream.indirect_vreg.scatter [tilespmem:s20], [sflag:$0x1], $0x80, v0, vm2, $0xb8;
	[tilespmem:$0x13300] =	vst v63  }
0x1a6: {  	s20 =	simm.s32 $0x7980  }
0x1a7: {  	[hbm4b:s11+s7] =	stream.indirect_vreg.scatter [tilespmem:s20], [sflag:$0x1], $0x80, v0, vm2, $0xb8;
	[tilespmem:$0x13300] =	vst v63  }
0x1a8: {  	v0 =	vld [tilespmem:$0x1100];
	_ =	sdelay $0x4  }
0x1a9: {  	v56 =	vshll.u32 v0, $0x2  }
0x1aa: {  	v0 =	vand.u32 $0x7, v0;
	v1 =	vand.u32 $0xFFFFFFE0, v56  }
0x1ab: {  	v0 =	vor.u32 v0, v1  }
0x1ac: {  	v1 =	vperm.xlane v0, v21;
	_ =	sdelay $0x1  }
0x1ad: {  	v1 =	vadd.s32 v22, v1;
	_ =	sdelay $0x1  }
0x1ae: {  	v0 =	vperm.xlane v0, v23;
	_ =	sdelay $0x1  }
0x1af: {  	s20 =	simm.s32 $0x8180;
	v0 =	vadd.s32 v22, v0  }
0x1b0: {  	[hbm4b:s6+s7] =	stream.indirect_vreg.scatter [tilespmem:s20], [sflag:$0x1], $0x80, v1, vm0, $0xb8;
	[tilespmem:$0x13300] =	vst v63  }
0x1b1: {  	s20 =	simm.s32 $0x8980  }
0x1b2: {  	[hbm4b:s11+s7] =	stream.indirect_vreg.scatter [tilespmem:s20], [sflag:$0x1], $0x80, v1, vm0, $0xb8;
	[tilespmem:$0x13300] =	vst v63  }
0x1b3: {  	s20 =	simm.s32 $0x9180  }
0x1b4: {  	[hbm4b:s6+s7] =	stream.indirect_vreg.scatter [tilespmem:s20], [sflag:$0x1], $0x80, v0, vm0, $0xb8;
	[tilespmem:$0x13300] =	vst v63  }
0x1b5: {  	s20 =	simm.s32 $0x9980  }
0x1b6: {  	[hbm4b:s11+s7] =	stream.indirect_vreg.scatter [tilespmem:s20], [sflag:$0x1], $0x80, v0, vm0, $0xb8;
	[tilespmem:$0x13300] =	vst v63  }
0x1b7: {  	_ =	swait.ge [sflag:s29], $0x6A00  }
0x1b8: {  	[sflag:s29] =	ssyncset.done $0x0  }
0x1b9: {  	[sflag:s29] =	ssyncadd.s32 $0xFFFF9600  }
0x1ba: {  	_ =	swait.ge [sflag:s29], $0x2000  }
0x1bb: {  	[sflag:s29] =	ssyncset.done $0x0  }
0x1bc: {  	[sflag:s29] =	ssyncadd.s32 $0xFFFFE000  }
0x1bd: {  	v58 =	vld [tilespmem:$0xA200];
	_ =	sdelay $0x4  }
0x1be: {  	v59 =	vshll.u32 v58, $0x2  }
0x1bf: {  	v0 =	vand.u32 $0x7, v58;
	v1 =	vand.u32 $0xFFFFFFE0, v59  }
0x1c0: {  	v0 =	vor.u32 v0, v1  }
0x1c1: {  	v1 =	vperm.xlane v0, v21;
	_ =	sdelay $0x1  }
0x1c2: {  	v1 =	vadd.s32 v22, v1;
	_ =	sdelay $0x1  }
0x1c3: {  	v0 =	vperm.xlane v0, v23;
	_ =	sdelay $0x1  }
0x1c4: {  	s20 =	simm.s32 $0xA300;
	v0 =	vadd.s32 v22, v0  }
0x1c5: {  	[hbm4b:s6+s7] =	stream.indirect_vreg.scatter [tilespmem:s20], [sflag:$0x2], $0x80, v1, vm0, $0xb8;
	[tilespmem:$0x13300] =	vst v63  }
0x1c6: {  	s20 =	simm.s32 $0xAB00  }
0x1c7: {  	[hbm4b:s11+s7] =	stream.indirect_vreg.scatter [tilespmem:s20], [sflag:$0x2], $0x80, v1, vm0, $0xb8;
	[tilespmem:$0x13300] =	vst v63  }
0x1c8: {  	s20 =	simm.s32 $0xB300  }
0x1c9: {  	[hbm4b:s6+s7] =	stream.indirect_vreg.scatter [tilespmem:s20], [sflag:$0x2], $0x80, v0, vm0, $0xb8;
	[tilespmem:$0x13300] =	vst v63  }
0x1ca: {  	s20 =	simm.s32 $0xBB00  }
0x1cb: {  	[hbm4b:s11+s7] =	stream.indirect_vreg.scatter [tilespmem:s20], [sflag:$0x2], $0x80, v0, vm0, $0xb8;
	[tilespmem:$0x13300] =	vst v63  }
0x1cc: {  	v0 =	vld [tilespmem:$0xA210];
	_ =	sdelay $0x4  }
0x1cd: {  	v60 =	vshll.u32 v0, $0x2  }
0x1ce: {  	v0 =	vand.u32 $0x7, v0;
	v1 =	vand.u32 $0xFFFFFFE0, v60  }
0x1cf: {  	v0 =	vor.u32 v0, v1  }
0x1d0: {  	v1 =	vperm.xlane v0, v21;
	_ =	sdelay $0x1  }
0x1d1: {  	v1 =	vadd.s32 v22, v1;
	_ =	sdelay $0x1  }
0x1d2: {  	v0 =	vperm.xlane v0, v23;
	_ =	sdelay $0x1  }
0x1d3: {  	s20 =	simm.s32 $0xC300;
	v0 =	vadd.s32 v22, v0  }
0x1d4: {  	[hbm4b:s6+s7] =	stream.indirect_vreg.scatter [tilespmem:s20], [sflag:$0x2], $0x80, v1, vm0, $0xb8;
	[tilespmem:$0x13300] =	vst v63  }
0x1d5: {  	_ = 	snop  }
0x1d6: {  	[hbm4b:s11+s7] =	stream.indirect_vreg.scatter [tilespmem:s21], [sflag:$0x2], $0x80, v1, vm0, $0xb8;
	[tilespmem:$0x13300] =	vst v63  }
0x1d7: {  	_ = 	snop  }
0x1d8: {  	[hbm4b:s6+s7] =	stream.indirect_vreg.scatter [tilespmem:s22], [sflag:$0x2], $0x80, v0, vm0, $0xb8;
	[tilespmem:$0x13300] =	vst v63  }
0x1d9: {  	_ = 	snop  }
0x1da: {  	[hbm4b:s11+s7] =	stream.indirect_vreg.scatter [tilespmem:s23], [sflag:$0x2], $0x80, v0, vm0, $0xb8;
	[tilespmem:$0x13300] =	vst v63  }
0x1db: {  	v0 =	vld [tilespmem:$0xA220];
	_ =	sdelay $0x4  }
0x1dc: {  	v61 =	vshll.u32 v0, $0x2  }
0x1dd: {  	v0 =	vand.u32 $0x7, v0;
	v1 =	vand.u32 $0xFFFFFFE0, v61  }
0x1de: {  	v0 =	vor.u32 v0, v1  }
0x1df: {  	v1 =	vperm.xlane v0, v21;
	_ =	sdelay $0x1  }
0x1e0: {  	v1 =	vadd.s32 v22, v1;
	_ =	sdelay $0x1  }
0x1e1: {  	v0 =	vperm.xlane v0, v23;
	_ =	sdelay $0x1  }
0x1e2: {  	v0 =	vadd.s32 v22, v0  }
0x1e3: {  	[hbm4b:s6+s7] =	stream.indirect_vreg.scatter [tilespmem:s24], [sflag:$0x2], $0x80, v1, vm0, $0xb8;
	[tilespmem:$0x13300] =	vst v63  }
0x1e4: {  	_ = 	snop  }
0x1e5: {  	[hbm4b:s11+s7] =	stream.indirect_vreg.scatter [tilespmem:s25], [sflag:$0x2], $0x80, v1, vm0, $0xb8;
	[tilespmem:$0x13300] =	vst v63  }
0x1e6: {  	_ = 	snop  }
0x1e7: {  	[hbm4b:s6+s7] =	stream.indirect_vreg.scatter [tilespmem:s26], [sflag:$0x2], $0x80, v0, vm0, $0xb8;
	[tilespmem:$0x13300] =	vst v63  }
0x1e8: {  	_ = 	snop  }
0x1e9: {  	[hbm4b:s11+s7] =	stream.indirect_vreg.scatter [tilespmem:s17], [sflag:$0x2], $0x80, v0, vm0, $0xb8;
	[tilespmem:$0x13300] =	vst v63  }
0x1ea: {  	v0 =	vld.msk [tilespmem:$0xA230], $0x1f;
	_ =	sdelay $0x4  }
0x1eb: {  	v62 =	vshll.u32 v0, $0x2  }
0x1ec: {  	v0 =	vand.u32 $0x7, v0;
	v1 =	vand.u32 $0xFFFFFFE0, v62  }
0x1ed: {  	v0 =	vor.u32 v0, v1  }
0x1ee: {  	v0 =	vperm.xlane v0, v21;
	_ =	sdelay $0x1  }
0x1ef: {  	v0 =	vadd.s32 v22, v0;
	_ =	sdelay $0x4  }
0x1f0: {  	[hbm4b:s6+s7] =	stream.indirect_vreg.scatter [tilespmem:s18], [sflag:$0x2], $0x80, v0, vm2, $0xb8;
	[tilespmem:$0x13300] =	vst v63  }
0x1f1: {  	_ = 	snop  }
0x1f2: {  	[hbm4b:s11+s7] =	stream.indirect_vreg.scatter [tilespmem:s19], [sflag:$0x2], $0x80, v0, vm2, $0xb8;
	[tilespmem:$0x13300] =	vst v63  }
0x1f3: {  	v0 =	vld [tilespmem:$0xA280];
	_ =	sdelay $0x4  }
0x1f4: {  	v63 =	vshll.u32 v0, $0x2  }
0x1f5: {  	v0 =	vand.u32 $0x7, v0;
	v1 =	vand.u32 $0xFFFFFFE0, v63  }
0x1f6: {  	v0 =	vor.u32 v0, v1  }
0x1f7: {  	v1 =	vperm.xlane v0, v21;
	_ =	sdelay $0x1  }
0x1f8: {  	v1 =	vadd.s32 v22, v1;
	_ =	sdelay $0x1  }
0x1f9: {  	v0 =	vperm.xlane v0, v23;
	_ =	sdelay $0x1  }
0x1fa: {  	v0 =	vadd.s32 v22, v0  }
0x1fb: {  	[hbm4b:s6+s7] =	stream.indirect_vreg.scatter [tilespmem:s5], [sflag:$0x2], $0x80, v1, vm0, $0xb8;
	[tilespmem:$0x13300] =	vst v63  }
0x1fc: {  	s20 =	simm.s32 $0x11B00  }
0x1fd: {  	[hbm4b:s11+s7] =	stream.indirect_vreg.scatter [tilespmem:s20], [sflag:$0x2], $0x80, v1, vm0, $0xb8;
	[tilespmem:$0x13300] =	vst v63  }
0x1fe: {  	s20 =	simm.s32 $0x12300  }
0x1ff: {  	[hbm4b:s6+s7] =	stream.indirect_vreg.scatter [tilespmem:s20], [sflag:$0x2], $0x80, v0, vm0, $0xb8;
	[tilespmem:$0x13300] =	vst v63  }
0x200: {  	s20 =	simm.s32 $0x12B00  }
0x201: {  	[hbm4b:s11+s7] =	stream.indirect_vreg.scatter [tilespmem:s20], [sflag:$0x2], $0x80, v0, vm0, $0xb8;
	[tilespmem:$0x13300] =	vst v63  }
0x202: {  	p0 =	seq.s32 s30, $0x0;
	_ =	swait.ge [sflag:s28], $0x6A00  }
.Ltmp2:
0x203: {  	[sflag:s28] =	ssyncset.done $0x0;
	(pc) =	sbr.rel @p0 .LBB2_4-.Ltmp2, $4  }
0x204: {  	[sflag:s28] =	ssyncadd.s32 $0xFFFF9600  }
0x205: {  	_ =	swait.ge [sflag:s28], $0x2000  }
0x206: {  	[sflag:s28] =	ssyncset.done $0x0  }
0x207: {  	s20 =	simm.s32 $0x11300;
	[sflag:s28] =	ssyncadd.s32 $0xFFFFE000  }
0x208: {  	s5 =	rddreg [dreg:$0x5]  }
0x209: {  	s31 =	sadd.s32 s30, s5  }
0x20a: {  	s5 =	sadd.s32 $0x20, s31  }
0x20b: {  	p0 =	slt.s32 s5, $0x3E7  }
0x20c: {  	v43 =	vld [tilespmem:$0x1FDE0];
	s5 =	simm.s32 @!p0 $0x3E7  }
0x20d: {  	v2 =	vld [tilespmem:$0x1FE10];
	v0 =	vmov s5  }
0x20e: {  	v36 =	vld [tilespmem:$0x1FE20];
	v1 =	vshll.u32 v0, $0x2  }
0x20f: {  	v37 =	vld [tilespmem:$0x1FE00];
	v0 =	vand.u32 $0x7F, v0;
	v1 =	vand.u32 $0x7FFFFE00, v1  }
0x210: {  	v44 =	vld [tilespmem:$0x1FDF0];
	v0 =	vor.u32 v0, v1  }
0x211: {  	v58 =	vld [tilespmem:$0x1FEA0]  }
0x212: {  	v52 =	vld [tilespmem:$0x1FEB0];
	v1 =	vor.u32 $0x180, v0  }
0x213: {  	v56 =	vld [tilespmem:$0x1FE90];
	v3 =	vor.u32 $0x100, v0  }
0x214: {  	v55 =	vld [tilespmem:$0x1FE80];
	v8 =	vor.u32 $0x80, v0  }
0x215: {  	v0 =	vld.idx.msk [tilespmem:v0+s7+$0x0], $0xffff  }
0x216: {  	v4 =	vld [tilespmem:$0x1FF30]  }
0x217: {  	v24 =	vld.idx.msk [tilespmem:v1+s7+$0x0], $0xffff  }
0x218: {  	v1 =	vld.idx.msk [tilespmem:v3+s7+$0x0], $0xffff  }
0x219: {  	v3 =	vld.idx.msk [tilespmem:v8+s7+$0x0], $0xffff  }
0x21a: {  	v54 =	vld [tilespmem:$0x1FE70];
	v14 =	vadd.s32 $0x2, v0;
	vm7 =	vlt.s32 v0, v26  }
0x21b: {  	v51 =	vld [tilespmem:$0x1FF20];
	v27 =	vsub.s32 v2, v0;
	v40 =	vsub.s32 v58, v0;
	vm13 =	vgt.s32 v0, v52  }
0x21c: {  	v50 =	vld [tilespmem:$0x1FF10];
	v2 =	vimm.s32 $0x0;
	v31 =	vsub.s32 v4, v0;
	v25 =	vadd.s32 $0xFFFFFFFC, v24  }
0x21d: {  	v16 =	vld [tilespmem:$0x1FFB0];
	v8 =	vadd.s32 $0xFFFFFFFA, v24;
	v10 =	vadd.s32 $0xFFFFFFFE, v1;
	v11 =	vadd.s32 $0xFFFFFFFC, v1  }
0x21e: {  	v38 =	vld [tilespmem:$0x1FE30];
	v13 =	vsub.s32 v43, v24;
	v28 =	vadd.s32 $0xFFFFFFFE, v3;
	vm8 =	vlt.s32 v14, v26  }
0x21f: {  	v39 =	vld [tilespmem:$0x1FE40];
	v27 =	vsel vm7, v27, v36;
	v29 =	vsub.s32 v37, v3;
	v30 =	vsub.s32 v44, v1  }
0x220: {  	v59 =	vld [tilespmem:$0x1FEC0];
	vm12 =	vlt.s32 v3, v26;
	vm14 =	vlt.s32 v14, v45;
	v41 =	vsub.s32 v56, v3  }
0x221: {  	v42 =	vld [tilespmem:$0x1FE50];
	vm9 =	vlt.s32 v3, v45;
	v46 =	vsub.s32 v55, v1;
	v48 =	vsub.s32 v54, v24  }
0x222: {  	v60 =	vld [tilespmem:$0x1FED0];
	v32 =	vsub.s32 v51, v3;
	v9 =	vsub.s32 v50, v1;
	v15 =	vsub.s32 v16, v3  }
0x223: {  	v62 =	vld [tilespmem:$0x1FF40];
	vm3 =	vlt.s32 v25, v26;
	vm4 =	vlt.s32 v8, v26;
	vm5 =	vlt.s32 v10, v26  }
0x224: {  	v61 =	vld [tilespmem:$0x1FEE0];
	vm6 =	vlt.s32 v11, v26;
	vm15 =	vlt.s32 v28, v26;
	v27 =	vsel vm8, v38, v27  }
0x225: {  	v53 =	vld [tilespmem:$0x1FE60];
	vm10 =	vlt.s32 v11, v45;
	v27 =	vsel vm15, v29, v27;
	v29 =	vsel vm13, v52, v40  }
0x226: {  	v49 =	vld [tilespmem:$0x1FF50];
	vm15 =	vlt.s32 v28, v45;
	v27 =	vsel vm12, v39, v27;
	v29 =	vsel vm14, v59, v29  }
0x227: {  	v4 =	vld [tilespmem:$0x1FF00];
	vm11 =	vlt.s32 v10, v45;
	v27 =	vsel vm6, v30, v27;
	v29 =	vsel vm15, v41, v29  }
0x228: {  	v17 =	vld [tilespmem:$0x1FFD0];
	vm13 =	vgt.s32 v0, v62;
	v27 =	vsel vm5, v42, v27;
	v29 =	vsel vm9, v60, v29  }
0x229: {  	vm12 =	vlt.s32 v8, v45;
	v13 =	vsel vm4, v13, v27;
	v27 =	vsel vm10, v46, v29;
	v46 =	vld [tilespmem:$0x1FF60]  }
0x22a: {  	v5 =	vld [tilespmem:$0x1FF70];
	vm14 =	vlt.s32 v14, v47;
	v31 =	vsel vm13, v62, v31;
	vm13 =	vlt.s32 v3, v47  }
0x22b: {  	vm6 =	vlt.s32 v25, v47;
	vm15 =	vlt.s32 v28, v47;
	v31 =	vsel vm14, v49, v31;
	v42 =	vld [tilespmem:$0x1FFC0]  }
0x22c: {  	v63 =	vld [tilespmem:$0x1FEF0];
	vm14 =	vlt.s32 v11, v47;
	v33 =	vsub.s32 v4, v24;
	v31 =	vsel vm15, v32, v31  }
0x22d: {  	v36 =	vld [tilespmem:$0x1FFE0];
	vm15 =	vlt.s32 v10, v47;
	v27 =	vsel vm11, v61, v27;
	v13 =	vsel vm3, v53, v13  }
0x22e: {  	vm3 =	vlt.s32 v25, v45;
	vm11 =	vgt.s32 v0, v17;
	v31 =	vsel vm13, v46, v31  }
0x22f: {  	v37 =	vld [tilespmem:$0x1FF80];
	v27 =	vsel vm12, v48, v27;
	vm4 =	vlt.s32 v13, $0x4D;
	v31 =	vsel vm14, v9, v31  }
0x230: {  	vm12 =	vlt.s32 v8, v47;
	v12 =	vsub.s32 v42, v0;
	v31 =	vsel vm15, v5, v31  }
0x231: {  	v32 =	vsel vm11, v17, v12;
	v31 =	vsel vm12, v33, v31;
	vm12 =	vlt.s32 v14, v57  }
0x232: {  	v27 =	vsel vm3, v63, v27;
	vm13 =	vlt.s32 v28, v57;
	v5 =	vld [tilespmem:$0x1FFF0];
	v32 =	vsel vm12, v36, v32  }
0x233: {  	v29 =	vsel vm4, $0x1, v2;
	vm3 =	vlt.s32 v27, $0x4D;
	v32 =	vsel vm13, v15, v32;
	v15 =	vld [tilespmem:$0x1FFA0]  }
0x234: {  	v6 =	vld [tilespmem:$0x1FBA0];
	(xrf0) =	vadd.scan.msk.s32 $0xffff, v29;
	v30 =	vsel vm3, $0x1, v2;
	v31 =	vsel vm6, v37, v31  }
0x235: {  	v12 =	vld [tilespmem:$0x1FF90];
	(xrf0) =	vadd.scan.msk.s32 $0xffff, v30;
	vm5 =	vlt.s32 v31, $0x4D  }
0x236: {  	v40 =	vsel vm5, $0x1, v2  }
0x237: {  	v7 =	vld [tilespmem:$0x1FBB0];
	vm14 =	vlt.s32 v3, v57;
	(xrf0) =	vadd.scan.msk.s32 $0xffff, v40  }
0x238: {  	vm15 =	vlt.s32 v11, v57;
	v32 =	vsel vm14, v5, v32;
	v38 =	vsub.s32 v15, v1  }
0x239: {  	vm9 =	vlt.s32 v10, v57;
	v29 =	vsel vm15, v38, v32  }
0x23a: {  	vm10 =	vlt.s32 v8, v57;
	v39 =	vsub.s32 v12, v24;
	v41, _, _ =	vpop (xrf0);
	v29 =	vsel vm9, v6, v29  }
0x23b: {  	vm11 =	vlt.s32 v25, v57;
	(v2sf) =	vpush v41, $0xF;
	v33, _, _ =	vpop (xrf0);
	v29 =	vsel vm10, v39, v29  }
0x23c: {  	(v2sf) =	vpush v33, $0xF;
	v29 =	vsel vm11, v7, v29  }
0x23d: {  	v32, _, _ =	vpop (xrf0);
	vm6 =	vlt.s32 v29, $0x4D  }
0x23e: {  	v37 =	vld [tilespmem:$0x1FBD0];
	(v2sf) =	vpush v32, $0xF;
	v38 =	vsel vm6, $0x1, v2  }
0x23f: {  	(xrf0) =	vadd.scan.msk.s32 $0xffff, v38;
	v38 =	vld [tilespmem:$0x1FBC0];
	_ =	sdelay $0x1  }
0x240: {  	v9 =	vld [tilespmem:$0x1FBE0];
	_ =	sdelay $0x2  }
0x241: {  	v20 =	vld [tilespmem:$0x1FC10];
	vm12 =	vgt.s32 v0, v37;
	v0 =	vsub.s32 v38, v0  }
0x242: {  	vm13 =	vlt.s32 v14, v18;
	v0 =	vsel vm12, v37, v0  }
0x243: {  	v0 =	vsel vm13, v9, v0;
	v9 =	vld [tilespmem:$0x1FBF0]  }
0x244: {  	v35 =	vld [tilespmem:$0x1FD40]  }
0x245: {  	v19 =	vld [tilespmem:$0x1FC20];
	vm8 =	vge.s32 v13, $0x4D;
	v40 =	vmul.u32 $0x3E8, v13;
	vm14 =	vlt.s32 v3, v18;
	v34, _, _ =	vpop (xrf0)  }
0x246: {  	v48 =	vld [tilespmem:$0x1FC00];
	v1 =	vsub.s32 v20, v1;
	vm15 =	vlt.s32 v11, v18;
	(v2sf) =	vpush v34, $0xF  }
0x247: {  	v11 =	vadd.s32 $0xFFFFFFB3, v13;
	vm9 =	vlt.s32 v28, v18;
	v28 =	vadd.s32 s5, v40;
	s10 =	spop (v2sf)  }
0x248: {  	vm12 =	vlt.s32 v10, v18;
	s12 =	spop (v2sf);
	v39 =	vsub.s32 v9, v3;
	v3 =	vadd.s32 $0xFFFFFFFF, v41  }
0x249: {  	v49 =	vld [tilespmem:$0x1FC30];
	vm13 =	vlt.s32 v8, v18;
	v8 =	vadd.s32 s5, v35;
	s10 =	sadd.s32 s12, s10;
	v30 =	vbroadcast v3, $0xF  }
0x24a: {  	v50 =	vld [tilespmem:$0x1FC40];
	v41 =	vsub.s32 v19, v24;
	s12 =	spop (v2sf);
	v0 =	vsel vm9, v39, v0;
	v39 =	vmov s10  }
0x24b: {  	s10 =	sadd.s32 s12, s10;
	v0 =	vsel vm14, v48, v0;
	v13 =	vadd.s32 $0xFFFFFFFF, v39;
	v10 =	vadd.s32 v33, v30;
	v30 =	vld [tilespmem:$0x1FD60]  }
0x24c: {  	vm14 =	vlt.s32 v25, v18;
	v25 =	vmov s10;
	v40 =	vbroadcast v13, $0x0  }
0x24d: {  	v0 =	vsel vm15, v1, v0;
	vm15 =	vge.s32 v27, $0x4D;
	[tilespmem:v3+s14+$0x0] =	vst.idx.msk vm4, v28;
	v28 =	vmul.u32 $0x3E8, v27  }
0x24e: {  	v0 =	vsel vm12, v49, v0;
	v1 =	vadd.s32 v32, v40;
	v32 =	vadd.s32 $0xFFFFFFFF, v25;
	[tilespmem:v3+s15+$0x0] =	vst.idx.msk vm4, v8  }
0x24f: {  	v0 =	vsel vm13, v41, v0;
	v39 =	vbroadcast v32, $0x0;
	[tilespmem:v11+s16+$0x0] =	vst.idx.msk vm8, v8;
	v33 =	vadd.s32 s5, v28  }
0x250: {  	v24 =	vadd.s32 $0xFFFFFFB3, v27;
	v0 =	vsel vm14, v50, v0;
	v3 =	vadd.s32 s5, v30;
	[tilespmem:v10+s14+$0x0] =	vst.idx.msk vm3, v33  }
0x251: {  	vm7 =	vlt.s32 v0, $0x4D;
	[tilespmem:v10+s15+$0x0] =	vst.idx.msk vm3, v3;
	v10 =	vadd.s32 v34, v39;
	v39 =	vld [tilespmem:$0x1FD80]  }
0x252: {  	vm11 =	vge.s32 v31, $0x4D;
	v40 =	vmul.u32 $0x3E8, v31;
	vm7 =	vmand vm7, vm1  }
0x253: {  	v13 =	vadd.s32 $0xFFFFFFB3, v31;
	v41 =	vsel vm7, $0x1, v2  }
0x254: {  	v28 =	vadd.s32 s5, v40;
	v40 =	vld [tilespmem:$0x1FDA0];
	(xrf0) =	vadd.scan.msk.s32 $0xffff, v41  }
0x255: {  	vm3 =	vge.s32 v29, $0x4D;
	s12 =	spop (v2sf);
	[tilespmem:v24+s16+$0x0] =	vst.idx.msk vm15, v3  }
0x256: {  	v32 =	vmul.u32 $0x3E8, v29;
	v33 =	vadd.s32 $0xFFFFFFB3, v29;
	s10 =	sadd.s32 s12, s10;
	[tilespmem:v1+s14+$0x0] =	vst.idx.msk vm5, v28;
	v31 =	vadd.s32 s5, v39  }
0x257: {  	v41 =	vmov s10;
	[tilespmem:v1+s15+$0x0] =	vst.idx.msk vm5, v31  }
0x258: {  	v3 =	vadd.s32 s5, v32;
	v14 =	vadd.s32 $0xFFFFFFFF, v41;
	[tilespmem:v13+s16+$0x0] =	vst.idx.msk vm11, v31  }
0x259: {  	v41 =	vadd.s32 s5, v40;
	v30 =	vbroadcast v14, $0x0;
	[tilespmem:v10+s14+$0x0] =	vst.idx.msk vm6, v3  }
0x25a: {  	v24, _, _ =	vpop (xrf0);
	[tilespmem:v10+s15+$0x0] =	vst.idx.msk vm6, v41  }
0x25b: {  	vm12 =	vge.s32 v0, $0x4D;
	v34 =	vadd.s32 v24, v30;
	[tilespmem:v33+s16+$0x0] =	vst.idx.msk vm3, v41;
	v41 =	vld [tilespmem:$0x1FDC0]  }
0x25c: {  	vm13 =	vmand vm12, vm1  }
0x25d: {  	v11 =	vmul.u32 $0x3E8, v0;
	v0 =	vadd.s32 $0xFFFFFFB3, v0;
	_ =	sdelay $0x1  }
0x25e: {  	v3 =	vadd.s32 s5, v11  }
0x25f: {  	[tilespmem:v34+s14+$0x0] =	vst.idx.msk vm7, v3;
	v13 =	vadd.s32 s5, v41  }
0x260: {  	[tilespmem:v34+s15+$0x0] =	vst.idx.msk vm7, v13  }
0x261: {  	[tilespmem:v0+s16+$0x0] =	vst.idx.msk vm13, v13  }
0x262: {  	v0 =	vld [tilespmem:$0x1000];
	_ =	sdelay $0x4  }
0x263: {  	v14 =	vshll.u32 v0, $0x2  }
0x264: {  	v0 =	vand.u32 $0x7, v0;
	v1 =	vand.u32 $0xFFFFFFE0, v14  }
0x265: {  	v0 =	vor.u32 v0, v1  }
0x266: {  	v1 =	vperm.xlane v0, v21;
	_ =	sdelay $0x1  }
0x267: {  	v1 =	vadd.s32 v22, v1;
	_ =	sdelay $0x1  }
0x268: {  	v0 =	vperm.xlane v0, v23;
	_ =	sdelay $0x1  }
0x269: {  	s13 =	simm.s32 $0x1180;
	v0 =	vadd.s32 v22, v0  }
0x26a: {  	[tilespmem:s13], [sflag:$0x1] =	stream.indirect_vreg.gather [hbm4b:s2+s7], $0x80, v1, vm0, $0xb8;
	[tilespmem:$0x13300] =	vst v63  }
0x26b: {  	s13 =	simm.s32 $0x1980  }
0x26c: {  	[tilespmem:s13], [sflag:$0x1] =	stream.indirect_vreg.gather [hbm4b:s8+s7], $0x80, v1, vm0, $0xb8;
	[tilespmem:$0x13300] =	vst v63  }
0x26d: {  	s1 =	simm.s32 $0x2180  }
0x26e: {  	[tilespmem:s1], [sflag:$0x1] =	stream.indirect_vreg.gather [hbm4b:s2+s7], $0x80, v0, vm0, $0xb8;
	[tilespmem:$0x13300] =	vst v63  }
0x26f: {  	s1 =	simm.s32 $0x2980  }
0x270: {  	[tilespmem:s1], [sflag:$0x1] =	stream.indirect_vreg.gather [hbm4b:s8+s7], $0x80, v0, vm0, $0xb8;
	[tilespmem:$0x13300] =	vst v63  }
0x271: {  	v0 =	vld [tilespmem:$0x1010];
	_ =	sdelay $0x4  }
0x272: {  	v28 =	vshll.u32 v0, $0x2  }
0x273: {  	v0 =	vand.u32 $0x7, v0;
	v1 =	vand.u32 $0xFFFFFFE0, v28  }
0x274: {  	v0 =	vor.u32 v0, v1  }
0x275: {  	v1 =	vperm.xlane v0, v21;
	_ =	sdelay $0x1  }
0x276: {  	v1 =	vadd.s32 v22, v1;
	_ =	sdelay $0x1  }
0x277: {  	v0 =	vperm.xlane v0, v23;
	_ =	sdelay $0x1  }
0x278: {  	s3 =	simm.s32 $0x3180;
	v0 =	vadd.s32 v22, v0  }
0x279: {  	[tilespmem:s3], [sflag:$0x1] =	stream.indirect_vreg.gather [hbm4b:s2+s7], $0x80, v1, vm0, $0xb8;
	[tilespmem:$0x13300] =	vst v63  }
0x27a: {  	s3 =	simm.s32 $0x3980  }
0x27b: {  	[tilespmem:s3], [sflag:$0x1] =	stream.indirect_vreg.gather [hbm4b:s8+s7], $0x80, v1, vm0, $0xb8;
	[tilespmem:$0x13300] =	vst v63  }
0x27c: {  	s12 =	simm.s32 $0x4180  }
0x27d: {  	[tilespmem:s12], [sflag:$0x1] =	stream.indirect_vreg.gather [hbm4b:s2+s7], $0x80, v0, vm0, $0xb8;
	[tilespmem:$0x13300] =	vst v63  }
0x27e: {  	s12 =	simm.s32 $0x4980  }
0x27f: {  	[tilespmem:s12], [sflag:$0x1] =	stream.indirect_vreg.gather [hbm4b:s8+s7], $0x80, v0, vm0, $0xb8;
	[tilespmem:$0x13300] =	vst v63  }
0x280: {  	v0 =	vld [tilespmem:$0x1020];
	_ =	sdelay $0x4  }
0x281: {  	v29 =	vshll.u32 v0, $0x2  }
0x282: {  	v0 =	vand.u32 $0x7, v0;
	v1 =	vand.u32 $0xFFFFFFE0, v29  }
0x283: {  	v0 =	vor.u32 v0, v1  }
0x284: {  	v1 =	vperm.xlane v0, v21;
	_ =	sdelay $0x1  }
0x285: {  	v1 =	vadd.s32 v22, v1;
	_ =	sdelay $0x1  }
0x286: {  	v0 =	vperm.xlane v0, v23;
	_ =	sdelay $0x1  }
0x287: {  	s12 =	simm.s32 $0x5180;
	v0 =	vadd.s32 v22, v0  }
0x288: {  	[tilespmem:s12], [sflag:$0x1] =	stream.indirect_vreg.gather [hbm4b:s2+s7], $0x80, v1, vm0, $0xb8;
	[tilespmem:$0x13300] =	vst v63  }
0x289: {  	s12 =	simm.s32 $0x5980  }
0x28a: {  	[tilespmem:s12], [sflag:$0x1] =	stream.indirect_vreg.gather [hbm4b:s8+s7], $0x80, v1, vm0, $0xb8;
	[tilespmem:$0x13300] =	vst v63  }
0x28b: {  	s12 =	simm.s32 $0x6180  }
0x28c: {  	[tilespmem:s12], [sflag:$0x1] =	stream.indirect_vreg.gather [hbm4b:s2+s7], $0x80, v0, vm0, $0xb8;
	[tilespmem:$0x13300] =	vst v63  }
0x28d: {  	s12 =	simm.s32 $0x6980  }
0x28e: {  	[tilespmem:s12], [sflag:$0x1] =	stream.indirect_vreg.gather [hbm4b:s8+s7], $0x80, v0, vm0, $0xb8;
	[tilespmem:$0x13300] =	vst v63  }
0x28f: {  	v0 =	vld.msk [tilespmem:$0x1030], $0x1f;
	_ =	sdelay $0x4  }
0x290: {  	v30 =	vshll.u32 v0, $0x2  }
0x291: {  	v0 =	vand.u32 $0x7, v0;
	v1 =	vand.u32 $0xFFFFFFE0, v30  }
0x292: {  	v0 =	vor.u32 v0, v1  }
0x293: {  	v0 =	vperm.xlane v0, v21;
	_ =	sdelay $0x1  }
0x294: {  	v0 =	vadd.s32 v22, v0;
	_ =	sdelay $0x2  }
0x295: {  	s31 =	sadd.s32 $0x21, s31  }
0x296: {  	p0 =	slt.s32 s31, $0x3E7;
	s12 =	simm.s32 $0x7180  }
0x297: {  	[tilespmem:s12], [sflag:$0x1] =	stream.indirect_vreg.gather [hbm4b:s2+s7], $0x80, v0, vm2, $0xb8;
	[tilespmem:$0x13300] =	vst v63  }
0x298: {  	s31 =	simm.s32 @!p0 $0x3E7;
	s12 =	simm.s32 $0x7980  }
0x299: {  	[tilespmem:s12], [sflag:$0x1] =	stream.indirect_vreg.gather [hbm4b:s8+s7], $0x80, v0, vm2, $0xb8;
	[tilespmem:$0x13300] =	vst v63  }
0x29a: {  	v31 =	vmov s31;
	s5 =	sshll.u32 s5, $0xA;
	s12 =	rddreg [dreg:$0x1]  }
0x29b: {  	s10 =	simm.s32 $0x8180;
	v32 =	vshll.u32 v31, $0x2;
	s5 =	sadd.s32 s12, s5  }
0x29c: {  	v1 =	vand.u32 $0x7FFFFE00, v32;
	v0 =	vand.u32 $0x7F, v31;
	[tilespmem:s10], [sflag:$0x1] =	stream.linear.gather [hbm4b:s5+s7], $0x2000, $0x38;
	[tilespmem:$0x13300] =	vst v63  }
0x29d: {  	v0 =	vor.u32 v0, v1;
	_ =	swait.ge [sflag:s29], $0x6A00  }
0x29e: {  	v1 =	vor.u32 $0x180, v0;
	[sflag:s29] =	ssyncset.done $0x0  }
0x29f: {  	v33 =	vor.u32 $0x100, v0;
	[sflag:s29] =	ssyncadd.s32 $0xFFFF9600  }
0x2a0: {  	v34 =	vor.u32 $0x80, v0;
	_ =	swait.ge [sflag:s29], $0x2000  }
0x2a1: {  	[sflag:s29] =	ssyncset.done $0x0  }
0x2a2: {  	[sflag:s29] =	ssyncadd.s32 $0xFFFFE000  }
0x2a3: {  	v24 =	vld.idx.msk [tilespmem:v1+s7+$0x0], $0xffff  }
0x2a4: {  	v1 =	vld.idx.msk [tilespmem:v33+s7+$0x0], $0xffff  }
0x2a5: {  	v3 =	vld.idx.msk [tilespmem:v34+s7+$0x0], $0xffff  }
0x2a6: {  	v0 =	vld.idx.msk [tilespmem:v0+s7+$0x0], $0xffff  }
0x2a7: {  	v33 =	vld [tilespmem:$0x1FE00]  }
0x2a8: {  	v25 =	vadd.s32 $0xFFFFFFFC, v24  }
0x2a9: {  	v8 =	vadd.s32 $0xFFFFFFFA, v24;
	v10 =	vadd.s32 $0xFFFFFFFE, v1;
	v11 =	vsub.s32 v43, v24  }
0x2aa: {  	v13 =	vadd.s32 $0xFFFFFFFC, v1;
	v14 =	vsub.s32 v44, v1;
	vm7 =	vlt.s32 v3, v26;
	v43 =	vld [tilespmem:$0x1FE10]  }
0x2ab: {  	v27 =	vadd.s32 $0x2, v0;
	vm14 =	vlt.s32 v0, v26;
	v29 =	vadd.s32 $0xFFFFFFFE, v3;
	v44 =	vld [tilespmem:$0x1FE20]  }
0x2ac: {  	v34 =	vld [tilespmem:$0x1FE30];
	v30 =	vsub.s32 v33, v3;
	vm13 =	vgt.s32 v0, v52;
	vm10 =	vlt.s32 v3, v45  }
0x2ad: {  	vm9 =	vlt.s32 v3, v57;
	vm3 =	vlt.s32 v25, v26;
	vm4 =	vlt.s32 v8, v26  }
0x2ae: {  	vm5 =	vlt.s32 v10, v26;
	vm6 =	vlt.s32 v13, v26;
	vm15 =	vlt.s32 v27, v26  }
0x2af: {  	vm12 =	vlt.s32 v29, v26;
	vm11 =	vlt.s32 v13, v45;
	v28 =	vsub.s32 v43, v0  }
0x2b0: {  	v43 =	vsub.s32 v58, v0;
	v58 =	vsub.s32 v56, v3;
	v56 =	vld [tilespmem:$0x1FF30];
	v28 =	vsel vm14, v28, v44  }
0x2b1: {  	v44 =	vld [tilespmem:$0x1FE40];
	vm14 =	vlt.s32 v27, v45;
	v28 =	vsel vm15, v34, v28;
	vm15 =	vlt.s32 v29, v45  }
0x2b2: {  	v34 =	vsub.s32 v55, v1;
	v28 =	vsel vm12, v30, v28;
	v30 =	vsel vm13, v52, v43  }
0x2b3: {  	vm12 =	vlt.s32 v10, v45;
	vm13 =	vlt.s32 v8, v45;
	v30 =	vsel vm14, v59, v30  }
0x2b4: {  	v43 =	vld [tilespmem:$0x1FE50];
	vm14 =	vlt.s32 v25, v45;
	v59 =	vsub.s32 v51, v3;
	v33 =	vsel vm15, v58, v30  }
0x2b5: {  	v31 =	vsub.s32 v56, v0;
	vm15 =	vgt.s32 v0, v62;
	v58 =	vsub.s32 v4, v24  }
0x2b6: {  	v28 =	vsel vm7, v44, v28;
	v44 =	vsub.s32 v54, v24;
	v31 =	vsel vm15, v62, v31  }
0x2b7: {  	vm15 =	vlt.s32 v3, v47;
	v14 =	vsel vm6, v14, v28;
	v28 =	vsel vm10, v60, v33;
	v60 =	vld [tilespmem:$0x1FF50]  }
0x2b8: {  	vm6 =	vlt.s32 v8, v47;
	vm10 =	vlt.s32 v13, v57;
	v28 =	vsel vm11, v34, v28  }
0x2b9: {  	v14 =	vsel vm5, v43, v14;
	vm5 =	vlt.s32 v25, v47;
	v28 =	vsel vm12, v61, v28;
	v61 =	vld [tilespmem:$0x1FF10]  }
0x2ba: {  	v43 =	vsub.s32 v16, v3;
	v11 =	vsel vm4, v11, v14;
	v52 =	vsel vm13, v44, v28  }
0x2bb: {  	vm12 =	vlt.s32 v27, v47;
	v14 =	vsel vm14, v63, v52;
	v63 =	vsub.s32 v42, v0;
	v42 =	vld [tilespmem:$0x1FF70]  }
0x2bc: {  	v11 =	vsel vm3, v53, v11;
	vm13 =	vlt.s32 v29, v47;
	v31 =	vsel vm12, v60, v31  }
0x2bd: {  	vm11 =	vlt.s32 v10, v57;
	vm4 =	vlt.s32 v11, $0x4D;
	v31 =	vsel vm13, v59, v31  }
0x2be: {  	vm12 =	vlt.s32 v13, v47;
	v31 =	vsel vm15, v46, v31;
	v62 =	vsub.s32 v61, v1  }
0x2bf: {  	v51 =	vld [tilespmem:$0x1FF80];
	vm14 =	vlt.s32 v10, v47;
	vm13 =	vgt.s32 v0, v17;
	v31 =	vsel vm12, v62, v31  }
0x2c0: {  	v33 =	vsel vm13, v17, v63;
	v31 =	vsel vm14, v42, v31;
	vm14 =	vlt.s32 v27, v57  }
0x2c1: {  	vm3 =	vlt.s32 v14, $0x4D;
	vm15 =	vlt.s32 v29, v57;
	v33 =	vsel vm14, v36, v33  }
0x2c2: {  	v54 =	vsel vm4, $0x1, v2;
	v55 =	vsel vm3, $0x1, v2;
	v44 =	vsel vm15, v43, v33  }
0x2c3: {  	(xrf0) =	vadd.scan.msk.s32 $0xffff, v54;
	v46 =	vsub.s32 v15, v1;
	v31 =	vsel vm6, v58, v31;
	v32 =	vsel vm9, v5, v44  }
0x2c4: {  	v52 =	vsub.s32 v12, v24;
	(xrf0) =	vadd.scan.msk.s32 $0xffff, v55;
	v31 =	vsel vm5, v51, v31;
	v32 =	vsel vm10, v46, v32  }
0x2c5: {  	vm12 =	vlt.s32 v8, v57;
	vm6 =	vlt.s32 v31, $0x4D;
	v32 =	vsel vm11, v6, v32  }
0x2c6: {  	vm13 =	vlt.s32 v25, v57;
	v53 =	vsel vm6, $0x1, v2;
	v28 =	vsel vm12, v52, v32  }
0x2c7: {  	(xrf0) =	vadd.scan.msk.s32 $0xffff, v53;
	v28 =	vsel vm13, v7, v28  }
0x2c8: {  	vm5 =	vlt.s32 v28, $0x4D  }
0x2c9: {  	v55, _, _ =	vpop (xrf0);
	v54 =	vsel vm5, $0x1, v2  }
0x2ca: {  	v56, _, _ =	vpop (xrf0);
	(v2sf) =	vpush v55, $0xF;
	(xrf0) =	vadd.scan.msk.s32 $0xffff, v54  }
0x2cb: {  	(v2sf) =	vpush v56, $0xF;
	_ =	sdelay $0x1  }
0x2cc: {  	v58, _, _ =	vpop (xrf0)  }
0x2cd: {  	(v2sf) =	vpush v58, $0xF;
	_ =	sdelay $0x1  }
0x2ce: {  	v61 =	vld [tilespmem:$0x1FBE0];
	v59, _, _ =	vpop (xrf0)  }
0x2cf: {  	(v2sf) =	vpush v59, $0xF;
	_ =	sdelay $0x1  }
0x2d0: {  	vm7 =	vlt.s32 v10, v18;
	vm14 =	vgt.s32 v0, v37;
	v0 =	vsub.s32 v38, v0  }
0x2d1: {  	v30 =	vadd.s32 $0xFFFFFFB3, v11;
	v0 =	vsel vm14, v37, v0;
	vm10 =	vlt.s32 v27, v18  }
0x2d2: {  	v60 =	vsub.s32 v9, v3;
	v0 =	vsel vm10, v61, v0;
	vm12 =	vlt.s32 v29, v18  }
0x2d3: {  	v1 =	vsub.s32 v20, v1;
	vm13 =	vlt.s32 v3, v18;
	v0 =	vsel vm12, v60, v0  }
0x2d4: {  	v63 =	vadd.s32 s31, v35;
	vm15 =	vlt.s32 v13, v18;
	v0 =	vsel vm13, v48, v0  }
0x2d5: {  	v15 =	vsub.s32 v19, v24;
	v62 =	vmul.u32 $0x3E8, v11;
	v0 =	vsel vm15, v1, v0  }
0x2d6: {  	vm14 =	vge.s32 v11, $0x4D;
	vm15 =	vlt.s32 v8, v18;
	v0 =	vsel vm7, v49, v0;
	s5 =	spop (v2sf)  }
0x2d7: {  	vm11 =	vlt.s32 v25, v18;
	v29 =	vadd.s32 $0xFFFFFFFF, v55;
	v0 =	vsel vm15, v15, v0;
	s10 =	spop (v2sf)  }
0x2d8: {  	v37 =	vmul.u32 $0x3E8, v14;
	v35 =	vbroadcast v29, $0xF;
	v0 =	vsel vm11, v50, v0;
	s5 =	sadd.s32 s10, s5  }
0x2d9: {  	v46 =	vld [tilespmem:$0x1FD60];
	v3 =	vadd.s32 s31, v62;
	vm7 =	vlt.s32 v0, $0x4D;
	v36 =	vmov s5  }
0x2da: {  	v11 =	vadd.s32 v56, v35;
	vm7 =	vmand vm7, vm1;
	v13 =	vadd.s32 $0xFFFFFFFF, v36;
	s10 =	spop (v2sf)  }
0x2db: {  	vm12 =	vge.s32 v14, $0x4D;
	v25 =	vsel vm7, $0x1, v2;
	v13 =	vbroadcast v13, $0x0;
	s5 =	sadd.s32 s10, s5  }
0x2dc: {  	v14 =	vadd.s32 $0xFFFFFFB3, v14;
	[tilespmem:v29+s0+$0x0] =	vst.idx.msk vm4, v3;
	(xrf0) =	vadd.scan.msk.s32 $0xffff, v25;
	v24 =	vmov s5  }
0x2dd: {  	v43 =	vadd.s32 s31, v37;
	[tilespmem:v29+s4+$0x0] =	vst.idx.msk vm4, v63;
	v38 =	vadd.s32 v58, v13;
	v42 =	vadd.s32 $0xFFFFFFFF, v24;
	s10 =	spop (v2sf)  }
0x2de: {  	vm13 =	vge.s32 v31, $0x4D;
	v48 =	vadd.s32 s31, v46;
	[tilespmem:v30+s9+$0x0] =	vst.idx.msk vm14, v63;
	v44 =	vbroadcast v42, $0x0;
	s5 =	sadd.s32 s10, s5  }
0x2df: {  	v49 =	vmul.u32 $0x3E8, v31;
	v50 =	vadd.s32 $0xFFFFFFB3, v31;
	[tilespmem:v11+s0+$0x0] =	vst.idx.msk vm3, v43;
	v25 =	vmov s5  }
0x2e0: {  	[tilespmem:v11+s4+$0x0] =	vst.idx.msk vm3, v48;
	v3 =	vadd.s32 v59, v44;
	v51 =	vadd.s32 $0xFFFFFFFF, v25  }
0x2e1: {  	v1 =	vadd.s32 s31, v49;
	vm3 =	vge.s32 v28, $0x4D;
	[tilespmem:v14+s9+$0x0] =	vst.idx.msk vm12, v48;
	v52 =	vbroadcast v51, $0x0  }
0x2e2: {  	v53 =	vadd.s32 s31, v39;
	v55 =	vadd.s32 $0xFFFFFFB3, v28;
	v54 =	vmul.u32 $0x3E8, v28;
	[tilespmem:v38+s0+$0x0] =	vst.idx.msk vm6, v1;
	v24, _, _ =	vpop (xrf0)  }
0x2e3: {  	vm14 =	vge.s32 v0, $0x4D;
	[tilespmem:v38+s4+$0x0] =	vst.idx.msk vm6, v53;
	v8 =	vadd.s32 v24, v52  }
0x2e4: {  	vm15 =	vmand vm14, vm1;
	v1 =	vadd.s32 s31, v54;
	[tilespmem:v50+s9+$0x0] =	vst.idx.msk vm13, v53  }
0x2e5: {  	v56 =	vadd.s32 s31, v40;
	v58 =	vmul.u32 $0x3E8, v0;
	v0 =	vadd.s32 $0xFFFFFFB3, v0;
	[tilespmem:v3+s0+$0x0] =	vst.idx.msk vm5, v1  }
0x2e6: {  	[tilespmem:v3+s4+$0x0] =	vst.idx.msk vm5, v56  }
0x2e7: {  	v1 =	vadd.s32 s31, v58;
	[tilespmem:v55+s9+$0x0] =	vst.idx.msk vm3, v56  }
0x2e8: {  	v59 =	vadd.s32 s31, v41;
	[tilespmem:v8+s0+$0x0] =	vst.idx.msk vm7, v1  }
0x2e9: {  	[tilespmem:v8+s4+$0x0] =	vst.idx.msk vm7, v59  }
0x2ea: {  	[tilespmem:v0+s9+$0x0] =	vst.idx.msk vm15, v59  }
0x2eb: {  	v0 =	vld [tilespmem:$0xA180];
	_ =	sdelay $0x4  }
0x2ec: {  	v60 =	vshll.u32 v0, $0x2  }
0x2ed: {  	v0 =	vand.u32 $0x7, v0;
	v1 =	vand.u32 $0xFFFFFFE0, v60  }
0x2ee: {  	v0 =	vor.u32 v0, v1  }
0x2ef: {  	v1 =	vperm.xlane v0, v21;
	_ =	sdelay $0x1  }
0x2f0: {  	v1 =	vadd.s32 v22, v1;
	_ =	sdelay $0x1  }
0x2f1: {  	v0 =	vperm.xlane v0, v23;
	_ =	sdelay $0x1  }
0x2f2: {  	s5 =	simm.s32 $0xA300;
	v0 =	vadd.s32 v22, v0  }
0x2f3: {  	[tilespmem:s5], [sflag:$0x2] =	stream.indirect_vreg.gather [hbm4b:s2+s7], $0x80, v1, vm0, $0xb8;
	[tilespmem:$0x13300] =	vst v63  }
0x2f4: {  	s5 =	simm.s32 $0xAB00  }
0x2f5: {  	[tilespmem:s5], [sflag:$0x2] =	stream.indirect_vreg.gather [hbm4b:s8+s7], $0x80, v1, vm0, $0xb8;
	[tilespmem:$0x13300] =	vst v63  }
0x2f6: {  	s5 =	simm.s32 $0xB300  }
0x2f7: {  	[tilespmem:s5], [sflag:$0x2] =	stream.indirect_vreg.gather [hbm4b:s2+s7], $0x80, v0, vm0, $0xb8;
	[tilespmem:$0x13300] =	vst v63  }
0x2f8: {  	s5 =	simm.s32 $0xBB00  }
0x2f9: {  	[tilespmem:s5], [sflag:$0x2] =	stream.indirect_vreg.gather [hbm4b:s8+s7], $0x80, v0, vm0, $0xb8;
	[tilespmem:$0x13300] =	vst v63  }
0x2fa: {  	v0 =	vld [tilespmem:$0xA190];
	_ =	sdelay $0x4  }
0x2fb: {  	v61 =	vshll.u32 v0, $0x2  }
0x2fc: {  	v0 =	vand.u32 $0x7, v0;
	v1 =	vand.u32 $0xFFFFFFE0, v61  }
0x2fd: {  	v0 =	vor.u32 v0, v1  }
0x2fe: {  	v1 =	vperm.xlane v0, v21;
	_ =	sdelay $0x1  }
0x2ff: {  	v1 =	vadd.s32 v22, v1;
	_ =	sdelay $0x1  }
0x300: {  	v0 =	vperm.xlane v0, v23;
	_ =	sdelay $0x1  }
0x301: {  	s5 =	simm.s32 $0xC300;
	v0 =	vadd.s32 v22, v0  }
0x302: {  	[tilespmem:s5], [sflag:$0x2] =	stream.indirect_vreg.gather [hbm4b:s2+s7], $0x80, v1, vm0, $0xb8;
	[tilespmem:$0x13300] =	vst v63  }
0x303: {  	_ = 	snop  }
0x304: {  	[tilespmem:s21], [sflag:$0x2] =	stream.indirect_vreg.gather [hbm4b:s8+s7], $0x80, v1, vm0, $0xb8;
	[tilespmem:$0x13300] =	vst v63  }
0x305: {  	_ = 	snop  }
0x306: {  	[tilespmem:s22], [sflag:$0x2] =	stream.indirect_vreg.gather [hbm4b:s2+s7], $0x80, v0, vm0, $0xb8;
	[tilespmem:$0x13300] =	vst v63  }
0x307: {  	_ = 	snop  }
0x308: {  	[tilespmem:s23], [sflag:$0x2] =	stream.indirect_vreg.gather [hbm4b:s8+s7], $0x80, v0, vm0, $0xb8;
	[tilespmem:$0x13300] =	vst v63  }
0x309: {  	v0 =	vld [tilespmem:$0xA1A0];
	_ =	sdelay $0x4  }
0x30a: {  	v62 =	vshll.u32 v0, $0x2  }
0x30b: {  	v0 =	vand.u32 $0x7, v0;
	v1 =	vand.u32 $0xFFFFFFE0, v62  }
0x30c: {  	v0 =	vor.u32 v0, v1  }
0x30d: {  	v1 =	vperm.xlane v0, v21;
	_ =	sdelay $0x1  }
0x30e: {  	v1 =	vadd.s32 v22, v1;
	_ =	sdelay $0x1  }
0x30f: {  	v0 =	vperm.xlane v0, v23;
	_ =	sdelay $0x1  }
0x310: {  	v0 =	vadd.s32 v22, v0  }
0x311: {  	[tilespmem:s24], [sflag:$0x2] =	stream.indirect_vreg.gather [hbm4b:s2+s7], $0x80, v1, vm0, $0xb8;
	[tilespmem:$0x13300] =	vst v63  }
0x312: {  	_ = 	snop  }
0x313: {  	[tilespmem:s25], [sflag:$0x2] =	stream.indirect_vreg.gather [hbm4b:s8+s7], $0x80, v1, vm0, $0xb8;
	[tilespmem:$0x13300] =	vst v63  }
0x314: {  	_ = 	snop  }
0x315: {  	[tilespmem:s26], [sflag:$0x2] =	stream.indirect_vreg.gather [hbm4b:s2+s7], $0x80, v0, vm0, $0xb8;
	[tilespmem:$0x13300] =	vst v63  }
0x316: {  	_ = 	snop  }
0x317: {  	[tilespmem:s17], [sflag:$0x2] =	stream.indirect_vreg.gather [hbm4b:s8+s7], $0x80, v0, vm0, $0xb8;
	[tilespmem:$0x13300] =	vst v63  }
0x318: {  	v0 =	vld.msk [tilespmem:$0xA1B0], $0x1f;
	_ =	sdelay $0x4  }
0x319: {  	v63 =	vshll.u32 v0, $0x2  }
0x31a: {  	v0 =	vand.u32 $0x7, v0;
	v1 =	vand.u32 $0xFFFFFFE0, v63  }
0x31b: {  	v0 =	vor.u32 v0, v1  }
0x31c: {  	v0 =	vperm.xlane v0, v21;
	_ =	sdelay $0x1  }
0x31d: {  	v0 =	vadd.s32 v22, v0;
	_ =	sdelay $0x4  }
0x31e: {  	[tilespmem:s18], [sflag:$0x2] =	stream.indirect_vreg.gather [hbm4b:s2+s7], $0x80, v0, vm2, $0xb8;
	[tilespmem:$0x13300] =	vst v63  }
.Ltmp3:
0x31f: {  	s5 =	sshll.u32 s31, $0xA;
	(pc) =	sbr.rel .LBB2_2-.Ltmp3, $4  }
0x320: {  	[tilespmem:s19], [sflag:$0x2] =	stream.indirect_vreg.gather [hbm4b:s8+s7], $0x80, v0, vm2, $0xb8;
	[tilespmem:$0x13300] =	vst v63  }
0x321: {  	s30 =	sadd.s32 $0x2, s30;
	s10 =	simm.s32 $0x1180;
	s5 =	sadd.s32 s12, s5  }
0x322: {  	[tilespmem:s20], [sflag:$0x2] =	stream.linear.gather [hbm4b:s5+s7], $0x2000, $0x38;
	[tilespmem:$0x13300] =	vst v63  }
0x323: {  	s31 =	simm.s32 $0x3180;
	s12 =	simm.s32 $0x2180;
	s5 =	simm.s32 $0x11300  }
.LBB2_5:
0x324: {  	_ =	sfence.sel $0x180000  }
0x325: {  	[bflag:$0x0] =	sbarrier.arrive $0xFFFF  }
0x326: {  	_ =	strace $0x90000047  }
0x327: {  	s0 =	stileid.u32;
	[bflag:$0x2] =	sbarrier.arrive $0xFFFF  }
0x328: {  	p0 =	sne.s32 s0, $0x0;
	s0 =	rddreg [dreg:$0x4]  }
0x329: {  	s0 =	sadd.s32 @!p0 $0x100000, s0  }
0x32a: {  	[sflag:s0] =	ssyncadd.tile.s32 @!p0 $0x1;
	_ =	shalt  }
.Lfunc_end2:
_tile_overlayer_lowered:
.L_overlay_start_2:
0x32b: {  	(tag) =	ssettag $0x2  }
0x32c: {  	s0 =	rddreg [dreg:$0x0];
	s2 =	stileid.u32  }
0x32d: {  	s1 =	rddreg [dreg:$0x1];
	p0 =	sne.s32 s2, $0x0  }
0x32e: {  	s3 =	rddreg [dreg:$0x2];
	[bflag:$0x3] =	sbarrier.arrive $0xFFFF;
	s2 =	simm.s32 @!p0 $0x1C03  }
0x32f: {  	[timem:s3], [sflag:s2] =	dma.local @!p0 [hbm:s0], s1  }
0x330: {  	s0 =	simm.s32 @!p0 $0x3  }
0x331: {  	_ =	swait.ge @!p0 [sflag:s0], s1  }
0x332: {  	s1 =	ssub.s32 @!p0 $0x0, s1;
	[sflag:s0] =	ssyncset.done @!p0 $0x0  }
0x333: {  	[sflag:s0] =	ssyncadd.s32 @!p0 s1  }
0x334: {  	[bflag:$0x3] =	sbarrier.arrive $0xFFFF  }
0x335: {  	_ =	shalt  }

</sc_bundles>
